<compile_context>
chip_gen: v7x
topology: tpu7x:2x2x1
jax: 0.10.2.dev20260603
libtpu: 0.0.44.dev20260713+nightly
codegen_flags: <defaults>
</compile_context>

<pallas_src>
import functools

import jax
import jax.numpy as jnp
from jax import lax
from jax.experimental import pallas as pl
from jax.experimental.pallas import tpu as pltpu
from jax.experimental.pallas import tpu_sc as plsc

ROWS = 12
COLS = 31
LANES = 16
NBUF = 3


@functools.lru_cache(maxsize=None)
def _build_sc_kernel(n_tokens, d, t_chunk):
    info = plsc.get_sparse_core_info()
    nc, ns = info.num_cores, info.num_subcores
    nw = nc * ns
    per_w = n_tokens // nw
    n_chunks = per_w // t_chunk
    n_groups = n_chunks // NBUF
    n_tail = n_chunks - n_groups * NBUF
    n_ivec = per_w // LANES
    mesh = plsc.VectorSubcoreMesh(core_axis_name="c", subcore_axis_name="s")

    scratch = [
        pltpu.VMEM((per_w,), jnp.int32),
        pltpu.VMEM((per_w,), jnp.int32),
        pltpu.VMEM((per_w,), jnp.int32),
    ]
    scratch += [pltpu.VMEM((t_chunk, d), jnp.float32) for _ in range(NBUF)]
    scratch += [pltpu.VMEM((t_chunk, d // 2), jnp.int32) for _ in range(NBUF)]
    scratch += [pltpu.SemaphoreType.DMA for _ in range(3 * NBUF)]

    @functools.partial(
        pl.kernel,
        mesh=mesh,
        out_type=jax.ShapeDtypeStruct((n_tokens, d), jnp.float32),
        scratch_types=scratch,
        compiler_params=pltpu.CompilerParams(needs_layout_passes=False),
    )
    def k(src_hbm, r_hbm, c_hbm, table_hbm, out_hbm, r_v, c_v, idx_v, *bufs):
        srcs = bufs[0:NBUF]
        encs = bufs[NBUF:2 * NBUF]
        sems_s = bufs[2 * NBUF:3 * NBUF]
        sems_g = bufs[3 * NBUF:4 * NBUF]
        sems_o = bufs[4 * NBUF:5 * NBUF]
        wid = lax.axis_index("s") * nc + lax.axis_index("c")
        base = wid * per_w

        pltpu.sync_copy(r_hbm.at[pl.ds(base, per_w)], r_v)
        pltpu.sync_copy(c_hbm.at[pl.ds(base, per_w)], c_v)

        def idx_body(u, carry):
            sl = pl.ds(u * LANES, LANES)
            rv = r_v[sl] - 1
            rv = jnp.where(rv < 0, rv + ROWS, rv)
            cv = c_v[sl] - 1
            cv = jnp.where(cv < 0, cv + COLS, cv)
            idx_v[sl] = rv * COLS + cv
            return carry

        lax.fori_loop(0, n_ivec, idx_body, 0)

        def in_copies(ci, m):
            off = base + ci * t_chunk
            cs = pltpu.make_async_copy(
                src_hbm.at[pl.ds(off, t_chunk)], srcs[m], sems_s[m])
            cg = pltpu.make_async_copy(
                table_hbm.at[idx_v.at[pl.ds(ci * t_chunk, t_chunk)]],
                encs[m], sems_g[m])
            return cs, cg

        def issue_in(ci, m):
            cs, cg = in_copies(ci, m)
            cs.start()
            cg.start()

        def wait_in(ci, m):
            cs, cg = in_copies(ci, m)
            cs.wait()
            cg.wait()

        def out_copy(ci, m):
            return pltpu.make_async_copy(
                srcs[m], out_hbm.at[pl.ds(base + ci * t_chunk, t_chunk)],
                sems_o[m])

        def add_chunk(m):
            def body(t, carry):
                for j in range(d // (2 * LANES)):
                    w16 = encs[m][t, pl.ds(j * LANES, LANES)]
                    e32 = plsc.bitcast(w16, jnp.bfloat16)
                    a, b = plsc.unpack(e32, format=plsc.PackFormat.INTERLEAVED)
                    plsc.addupdate(
                        srcs[m].at[t, pl.ds(j * 2 * LANES, LANES)], a)
                    plsc.addupdate(
                        srcs[m].at[t, pl.ds(j * 2 * LANES + LANES, LANES)], b)
                return carry

            lax.fori_loop(0, t_chunk, body, 0)

        def step(ci, m):
            wait_in(ci, m)
            add_chunk(m)
            out_copy(ci, m).start()
            if isinstance(ci, int):
                if ci >= 1:
                    out_copy(ci - 1, (m - 1) % NBUF).wait()
                if ci + 2 < n_chunks:
                    issue_in(ci + 2, (m + 2) % NBUF)
                return

            @pl.when(ci >= 1)
            def _():
                out_copy(ci - 1, (m - 1) % NBUF).wait()

            @pl.when(ci + 2 < n_chunks)
            def _():
                issue_in(ci + 2, (m + 2) % NBUF)

        issue_in(0, 0)
        issue_in(1, 1)

        def group_body(g, carry):
            for m in range(NBUF):
                step(g * NBUF + m, m)
            return carry

        lax.fori_loop(0, n_groups, group_body, 0)
        for e in range(n_tail):
            step(n_groups * NBUF + e, e)
        last = n_chunks - 1
        out_copy(last, last % NBUF).wait()

    return k


def kernel(src, dates, encoding):
    b, s, d = src.shape
    n = b * s
    src2 = src.reshape(n, d)
    r = dates[..., 0].astype(jnp.int32).reshape(n)
    c = dates[..., 1].astype(jnp.int32).reshape(n)
    table = encoding.reshape(-1, d).astype(jnp.bfloat16)
    table = (table.reshape(-1, d // 32, 2, LANES)
             .transpose(0, 1, 3, 2).reshape(-1, d // 2, 2))
    table = jax.lax.bitcast_convert_type(table, jnp.int32)
    out = _build_sc_kernel(n, d, 16)(src2, r, c, table)
    return out.reshape(b, s, d)

# --- scband reference (transcript-rebuilt; emitter-appended) ---
"""Pipeline reference for scband-date-encoding-13271448944779 (READ-ONLY COPY).

The authoritative reference and input builder live on the scoring server;
editing this copy changes nothing except your own understanding.
"""

import jax, jax.numpy as jnp
import numpy as np

D_MODEL = 1024
BATCH = 4
SEQ = 8192


def make_encoding(d_model):
    dtype = jnp.float32
    months = jnp.tile(jnp.arange(1, 13, dtype=dtype)[:, None], (1, d_model))
    days = jnp.tile(jnp.arange(1, 32, dtype=dtype)[:, None], (1, d_model))
    _2i = jnp.arange(0, d_model, 2, dtype=dtype)
    div = 10000.0 ** (_2i / d_model)
    months = months.at[:, ::2].set(jnp.sin(months[:, ::2] / div))
    months = months.at[:, 1::2].set(jnp.cos(months[:, 1::2] / div))
    days = days.at[:, ::2].set(jnp.sin(days[:, ::2] / div))
    days = days.at[:, 1::2].set(jnp.cos(days[:, 1::2] / div))
    months = jnp.transpose(jnp.tile(months, (31, 1, 1)), (1, 0, 2))  # [12, 31, d]
    days = jnp.tile(days, (12, 1, 1))  # [12, 31, d]
    return months + days


def setup_inputs(seed: int = 0) -> dict:
    key = jax.random.key(seed)
    k1, k2 = jax.random.split(key)
    src = jax.random.normal(k1, (BATCH, SEQ, D_MODEL), dtype=jnp.float32)
    dates = jax.random.randint(k2, (BATCH, SEQ, 2), 0, 12)
    encoding = make_encoding(D_MODEL)
    return {"src": src, "dates": dates, "encoding": encoding}


def reference(src, dates, encoding):
    # encoded = self.encoding[dates[..., 0] - 1, dates[..., 1] - 1]
    enc = encoding[dates[..., 0] - 1, dates[..., 1] - 1]
    return src + enc

if __name__ == "__main__":
    import jax
    _d = setup_inputs()
    print(jax.jit(kernel)(*tuple(_d.values())))

</pallas_src>

<mosaic_0001>
#map = affine_map<(d0, d1) -> (0, 0)>
#map1 = affine_map<(d0, d1) -> (0)>
module attributes {stable_mosaic.version = 14 : i64} {
  func.func @k(%arg0: i32, %arg1: i32, %arg2: memref<32768x1024xf32, #tpu.memory_space<hbm>>, %arg3: memref<32768xi32, #tpu.memory_space<hbm>>, %arg4: memref<32768xi32, #tpu.memory_space<hbm>>, %arg5: memref<372x512xi32, #tpu.memory_space<hbm>>, %arg6: memref<32768x1024xf32, #tpu.memory_space<hbm>>, %arg7: memref<1024xi32, #tpu.memory_space<vmem>>, %arg8: memref<1024xi32, #tpu.memory_space<vmem>>, %arg9: memref<1024xi32, #tpu.memory_space<vmem>>, %arg10: memref<16x1024xf32, #tpu.memory_space<vmem>>, %arg11: memref<16x1024xf32, #tpu.memory_space<vmem>>, %arg12: memref<16x1024xf32, #tpu.memory_space<vmem>>, %arg13: memref<16x512xi32, #tpu.memory_space<vmem>>, %arg14: memref<16x512xi32, #tpu.memory_space<vmem>>, %arg15: memref<16x512xi32, #tpu.memory_space<vmem>>, %arg16: memref<!tpu.dma_semaphore, #tpu.memory_space<semaphore_mem>>, %arg17: memref<!tpu.dma_semaphore, #tpu.memory_space<semaphore_mem>>, %arg18: memref<!tpu.dma_semaphore, #tpu.memory_space<semaphore_mem>>, %arg19: memref<!tpu.dma_semaphore, #tpu.memory_space<semaphore_mem>>, %arg20: memref<!tpu.dma_semaphore, #tpu.memory_space<semaphore_mem>>, %arg21: memref<!tpu.dma_semaphore, #tpu.memory_space<semaphore_mem>>, %arg22: memref<!tpu.dma_semaphore, #tpu.memory_space<semaphore_mem>>, %arg23: memref<!tpu.dma_semaphore, #tpu.memory_space<semaphore_mem>>, %arg24: memref<!tpu.dma_semaphore, #tpu.memory_space<semaphore_mem>>) attributes {dimension_semantics = [#tpu.dimension_semantics<core_parallel>, #tpu.dimension_semantics<subcore_parallel>], iteration_bounds = array<i64: 2, 16>, scalar_prefetch = 0 : i64, scratch_operands = 18 : i64, tpu.core_type = #tpu.core_type<sc_vector_subcore>, window_params = [{transform_indices = #map}, {transform_indices = #map1}, {transform_indices = #map1}, {transform_indices = #map}, {transform_indices = #map}]} {
    %mul3A = arith.constant 2 : i32
    %mul3A_0 = arith.muli %arg1, %mul3A : i32
    %add3A = arith.addi %mul3A_0, %arg0 : i32
    %mul3A_1 = arith.constant 1024 : i32
    %mul3A_2 = arith.muli %add3A, %mul3A_1 : i32
    "tpu.region"() ({
      %run_scoped3A = tpu.sem_alloc : memref<!tpu.dma_semaphore, #tpu.memory_space<semaphore_mem>>
      %dma_start3A_69 = tpu.memref_slice %arg3[%mul3A_2] : memref<32768xi32, #tpu.memory_space<hbm>> -> memref<1024xi32, #tpu.memory_space<hbm>>
      %dma_start3A_70 = tpu.memref_slice %arg3[%mul3A_2] : memref<32768xi32, #tpu.memory_space<hbm>> -> memref<1024xi32, #tpu.memory_space<hbm>>
      tpu.enqueue_dma source(%dma_start3A_70 : memref<1024xi32, #tpu.memory_space<hbm>>) target(%arg7 : memref<1024xi32, #tpu.memory_space<vmem>>) target_semaphore(%run_scoped3A : memref<!tpu.dma_semaphore, #tpu.memory_space<semaphore_mem>>)
      %dma_wait3A_71 = tpu.memref_slice %arg3[%mul3A_2] : memref<32768xi32, #tpu.memory_space<hbm>> -> memref<1024xi32, #tpu.memory_space<hbm>>
      %dma_wait3A_72 = tpu.memref_slice %arg3[%mul3A_2] : memref<32768xi32, #tpu.memory_space<hbm>> -> memref<1024xi32, #tpu.memory_space<hbm>>
      tpu.wait_dma2 semaphore(%run_scoped3A : memref<!tpu.dma_semaphore, #tpu.memory_space<semaphore_mem>>) src(%dma_wait3A_72 : memref<1024xi32, #tpu.memory_space<hbm>>) dst(%arg7 : memref<1024xi32, #tpu.memory_space<vmem>>)
      tpu.yield
    }) : () -> ()
    "tpu.region"() ({
      %run_scoped3A = tpu.sem_alloc : memref<!tpu.dma_semaphore, #tpu.memory_space<semaphore_mem>>
      %dma_start3A_69 = tpu.memref_slice %arg4[%mul3A_2] : memref<32768xi32, #tpu.memory_space<hbm>> -> memref<1024xi32, #tpu.memory_space<hbm>>
      %dma_start3A_70 = tpu.memref_slice %arg4[%mul3A_2] : memref<32768xi32, #tpu.memory_space<hbm>> -> memref<1024xi32, #tpu.memory_space<hbm>>
      tpu.enqueue_dma source(%dma_start3A_70 : memref<1024xi32, #tpu.memory_space<hbm>>) target(%arg8 : memref<1024xi32, #tpu.memory_space<vmem>>) target_semaphore(%run_scoped3A : memref<!tpu.dma_semaphore, #tpu.memory_space<semaphore_mem>>)
      %dma_wait3A_71 = tpu.memref_slice %arg4[%mul3A_2] : memref<32768xi32, #tpu.memory_space<hbm>> -> memref<1024xi32, #tpu.memory_space<hbm>>
      %dma_wait3A_72 = tpu.memref_slice %arg4[%mul3A_2] : memref<32768xi32, #tpu.memory_space<hbm>> -> memref<1024xi32, #tpu.memory_space<hbm>>
      tpu.wait_dma2 semaphore(%run_scoped3A : memref<!tpu.dma_semaphore, #tpu.memory_space<semaphore_mem>>) src(%dma_wait3A_72 : memref<1024xi32, #tpu.memory_space<hbm>>) dst(%arg8 : memref<1024xi32, #tpu.memory_space<vmem>>)
      tpu.yield
    }) : () -> ()
    %scan3A = arith.constant 0 : i32
    %scan3A_3 = arith.constant 0 : i32
    %scan3A_4 = arith.constant 64 : i32
    %scan3A_5 = arith.addi %scan3A_3, %scan3A_4 : i32
    %scan3A_6 = arith.constant 1 : i32
    scf.for %scan3A_69 = %scan3A_3 to %scan3A_5 step %scan3A_6  : i32 {
      %mul3A_70 = arith.constant 16 : i32
      %mul3A_71 = arith.muli %scan3A_69, %mul3A_70 : i32
      %get3A = arith.index_cast %mul3A_71 : i32 to index
      %get3A_72 = tpu.vector_load %arg7[%get3A] {strides = array<i32>} : memref<1024xi32, #tpu.memory_space<vmem>>, vector<16xi32>,
      %sub3A = arith.constant 1 : i32
      %sub3A_73 = vector.broadcast %sub3A : i32 to vector<16xi32>
      %sub3A_74 = arith.subi %get3A_72, %sub3A_73 : vector<16xi32>
      %lt3A = arith.constant 0 : i32
      %lt3A_75 = vector.broadcast %lt3A : i32 to vector<16xi32>
      %lt3A_76 = arith.cmpi slt, %sub3A_74, %lt3A_75 : vector<16xi32>
      %add3A_77 = arith.constant 12 : i32
      %add3A_78 = vector.broadcast %add3A_77 : i32 to vector<16xi32>
      %add3A_79 = arith.addi %sub3A_74, %add3A_78 : vector<16xi32>
      %select_n3A = arith.select %lt3A_76, %add3A_79, %sub3A_74 : vector<16xi1>, vector<16xi32>
      %get3A_80 = arith.index_cast %mul3A_71 : i32 to index
      %get3A_81 = tpu.vector_load %arg8[%get3A_80] {strides = array<i32>} : memref<1024xi32, #tpu.memory_space<vmem>>, vector<16xi32>,
      %sub3A_82 = arith.constant 1 : i32
      %sub3A_83 = vector.broadcast %sub3A_82 : i32 to vector<16xi32>
      %sub3A_84 = arith.subi %get3A_81, %sub3A_83 : vector<16xi32>
      %lt3A_85 = arith.constant 0 : i32
      %lt3A_86 = vector.broadcast %lt3A_85 : i32 to vector<16xi32>
      %lt3A_87 = arith.cmpi slt, %sub3A_84, %lt3A_86 : vector<16xi32>
      %add3A_88 = arith.constant 31 : i32
      %add3A_89 = vector.broadcast %add3A_88 : i32 to vector<16xi32>
      %add3A_90 = arith.addi %sub3A_84, %add3A_89 : vector<16xi32>
      %select_n3A_91 = arith.select %lt3A_87, %add3A_90, %sub3A_84 : vector<16xi1>, vector<16xi32>
      %mul3A_92 = arith.constant 31 : i32
      %mul3A_93 = vector.broadcast %mul3A_92 : i32 to vector<16xi32>
      %mul3A_94 = arith.muli %select_n3A, %mul3A_93 : vector<16xi32>
      %add3A_95 = arith.addi %mul3A_94, %select_n3A_91 : vector<16xi32>
      %swap3A = arith.index_cast %mul3A_71 : i32 to index
      %swap3A_96 = tpu.vector_load %arg9[%swap3A] {strides = array<i32>} : memref<1024xi32, #tpu.memory_space<vmem>>, vector<16xi32>,
      tpu.vector_store %arg9[%swap3A], %add3A_95 {strides = array<i32>} : memref<1024xi32, #tpu.memory_space<vmem>>, vector<16xi32>,
    }
    %scan3A_7 = arith.constant 64 : i32
    %add3A_8 = arith.constant 0 : i32
    %add3A_9 = arith.addi %mul3A_2, %add3A_8 : i32
    %dma_start3A = arith.constant 0 : i32
    %dma_start3A_10 = tpu.memref_slice %arg2[%add3A_9, %dma_start3A] : memref<32768x1024xf32, #tpu.memory_space<hbm>> -> memref<16x1024xf32, #tpu.memory_space<hbm>>
    %dma_start3A_11 = arith.constant 0 : i32
    %dma_start3A_12 = tpu.memref_slice %arg2[%add3A_9, %dma_start3A_11] : memref<32768x1024xf32, #tpu.memory_space<hbm>> -> memref<16x1024xf32, #tpu.memory_space<hbm>>
    tpu.enqueue_dma source(%dma_start3A_12 : memref<16x1024xf32, #tpu.memory_space<hbm>>) target(%arg10 : memref<16x1024xf32, #tpu.memory_space<vmem>>) target_semaphore(%arg16 : memref<!tpu.dma_semaphore, #tpu.memory_space<semaphore_mem>>)
    %dma_start3A_13 = arith.constant 0 : i32
    %dma_start3A_14 = tpu.memref_slice %arg9[%dma_start3A_13] : memref<1024xi32, #tpu.memory_space<vmem>> -> memref<16xi32, #tpu.memory_space<vmem>>
    %dma_start3A_15 = arith.constant 0 : i32
    %dma_start3A_16 = arith.constant 0 : i32
    %dma_start3A_17 = tpu.memref_slice %arg5[%dma_start3A_15, %dma_start3A_16] : memref<372x512xi32, #tpu.memory_space<hbm>> -> memref<372x512xi32, #tpu.memory_space<hbm>>
    tpu.enqueue_indirect_dma source(%dma_start3A_17 : memref<372x512xi32, #tpu.memory_space<hbm>>) target(%arg13 : memref<16x512xi32, #tpu.memory_space<vmem>>) offsets(%dma_start3A_14 : memref<16xi32, #tpu.memory_space<vmem>>) semaphore(%arg19 : memref<!tpu.dma_semaphore, #tpu.memory_space<semaphore_mem>>)
    %add3A_18 = arith.constant 16 : i32
    %add3A_19 = arith.addi %mul3A_2, %add3A_18 : i32
    %dma_start3A_20 = arith.constant 0 : i32
    %dma_start3A_21 = tpu.memref_slice %arg2[%add3A_19, %dma_start3A_20] : memref<32768x1024xf32, #tpu.memory_space<hbm>> -> memref<16x1024xf32, #tpu.memory_space<hbm>>
    %dma_start3A_22 = arith.constant 0 : i32
    %dma_start3A_23 = tpu.memref_slice %arg2[%add3A_19, %dma_start3A_22] : memref<32768x1024xf32, #tpu.memory_space<hbm>> -> memref<16x1024xf32, #tpu.memory_space<hbm>>
    tpu.enqueue_dma source(%dma_start3A_23 : memref<16x1024xf32, #tpu.memory_space<hbm>>) target(%arg11 : memref<16x1024xf32, #tpu.memory_space<vmem>>) target_semaphore(%arg17 : memref<!tpu.dma_semaphore, #tpu.memory_space<semaphore_mem>>)
    %dma_start3A_24 = arith.constant 16 : i32
    %dma_start3A_25 = tpu.memref_slice %arg9[%dma_start3A_24] : memref<1024xi32, #tpu.memory_space<vmem>> -> memref<16xi32, #tpu.memory_space<vmem>>
    %dma_start3A_26 = arith.constant 0 : i32
    %dma_start3A_27 = arith.constant 0 : i32
    %dma_start3A_28 = tpu.memref_slice %arg5[%dma_start3A_26, %dma_start3A_27] : memref<372x512xi32, #tpu.memory_space<hbm>> -> memref<372x512xi32, #tpu.memory_space<hbm>>
    tpu.enqueue_indirect_dma source(%dma_start3A_28 : memref<372x512xi32, #tpu.memory_space<hbm>>) target(%arg14 : memref<16x512xi32, #tpu.memory_space<vmem>>) offsets(%dma_start3A_25 : memref<16xi32, #tpu.memory_space<vmem>>) semaphore(%arg20 : memref<!tpu.dma_semaphore, #tpu.memory_space<semaphore_mem>>)
    %scan3A_29 = arith.constant 0 : i32
    %scan3A_30 = arith.constant 0 : i32
    %scan3A_31 = arith.constant 21 : i32
    %scan3A_32 = arith.addi %scan3A_30, %scan3A_31 : i32
    %scan3A_33 = arith.constant 1 : i32
    scf.for %scan3A_69 = %scan3A_30 to %scan3A_32 step %scan3A_33  : i32 {
      %mul3A_70 = arith.constant 3 : i32
      %mul3A_71 = arith.muli %scan3A_69, %mul3A_70 : i32
      %add3A_72 = arith.constant 0 : i32
      %add3A_73 = arith.addi %mul3A_71, %add3A_72 : i32
      %mul3A_74 = arith.constant 16 : i32
      %mul3A_75 = arith.muli %add3A_73, %mul3A_74 : i32
      %add3A_76 = arith.addi %mul3A_2, %mul3A_75 : i32
      %mul3A_77 = arith.constant 16 : i32
      %mul3A_78 = arith.muli %add3A_73, %mul3A_77 : i32
      %dma_wait3A_79 = arith.constant 0 : i32
      %dma_wait3A_80 = tpu.memref_slice %arg2[%add3A_76, %dma_wait3A_79] : memref<32768x1024xf32, #tpu.memory_space<hbm>> -> memref<16x1024xf32, #tpu.memory_space<hbm>>
      %dma_wait3A_81 = arith.constant 0 : i32
      %dma_wait3A_82 = tpu.memref_slice %arg2[%add3A_76, %dma_wait3A_81] : memref<32768x1024xf32, #tpu.memory_space<hbm>> -> memref<16x1024xf32, #tpu.memory_space<hbm>>
      tpu.wait_dma2 semaphore(%arg16 : memref<!tpu.dma_semaphore, #tpu.memory_space<semaphore_mem>>) src(%dma_wait3A_82 : memref<16x1024xf32, #tpu.memory_space<hbm>>) dst(%arg10 : memref<16x1024xf32, #tpu.memory_space<vmem>>)
      %dma_wait3A_83 = tpu.memref_slice %arg9[%mul3A_78] : memref<1024xi32, #tpu.memory_space<vmem>> -> memref<16xi32, #tpu.memory_space<vmem>>
      %dma_wait3A_84 = arith.constant 0 : i32
      %dma_wait3A_85 = arith.constant 0 : i32
      %dma_wait3A_86 = tpu.memref_slice %arg5[%dma_wait3A_84, %dma_wait3A_85] : memref<372x512xi32, #tpu.memory_space<hbm>> -> memref<372x512xi32, #tpu.memory_space<hbm>>
      tpu.wait_indirect_dma semaphore(%arg19 : memref<!tpu.dma_semaphore, #tpu.memory_space<semaphore_mem>>) src(%dma_wait3A_86 : memref<372x512xi32, #tpu.memory_space<hbm>>) dst(%arg13 : memref<16x512xi32, #tpu.memory_space<vmem>>)
      %scan3A_87 = arith.constant 0 : i32
      %scan3A_88 = arith.constant 0 : i32
      %scan3A_89 = arith.constant 16 : i32
      %scan3A_90 = arith.addi %scan3A_88, %scan3A_89 : i32
      %scan3A_91 = arith.constant 1 : i32
      scf.for %scan3A_192 = %scan3A_88 to %scan3A_90 step %scan3A_91  : i32 {
        %get3A = arith.index_cast %scan3A_192 : i32 to index
        %get3A_193 = arith.constant 0 : index
        %get3A_194 = tpu.vector_load %arg13[%get3A, %get3A_193] {strides = array<i32>} : memref<16x512xi32, #tpu.memory_space<vmem>>, vector<16xi32>,
        %bitcast3A = vector.bitcast %get3A_194 : vector<16xi32> to vector<32xbf16>
        %unpack3A = tpu.unpack_subelements %bitcast3A, 0 {pack_format = #tpu.pack_format<interleaved>} : vector<32xbf16> -> vector<16xf32>
        %unpack3A_195 = tpu.unpack_subelements %bitcast3A, 1 {pack_format = #tpu.pack_format<interleaved>} : vector<32xbf16> -> vector<16xf32>
        %swap3A = arith.index_cast %scan3A_192 : i32 to index
        %swap3A_196 = arith.constant 0 : index
        %swap3A_197 = tpu.vector_load %arg10[%swap3A, %swap3A_196] {strides = array<i32>} : memref<16x1024xf32, #tpu.memory_space<vmem>>, vector<16xf32>,
        tpu.vector_store %arg10[%swap3A, %swap3A_196], %unpack3A {add = true, strides = array<i32>} : memref<16x1024xf32, #tpu.memory_space<vmem>>, vector<16xf32>,
        %swap3A_198 = arith.index_cast %scan3A_192 : i32 to index
        %swap3A_199 = arith.constant 16 : index
        %swap3A_200 = tpu.vector_load %arg10[%swap3A_198, %swap3A_199] {strides = array<i32>} : memref<16x1024xf32, #tpu.memory_space<vmem>>, vector<16xf32>,
        tpu.vector_store %arg10[%swap3A_198, %swap3A_199], %unpack3A_195 {add = true, strides = array<i32>} : memref<16x1024xf32, #tpu.memory_space<vmem>>, vector<16xf32>,
        %get3A_201 = arith.index_cast %scan3A_192 : i32 to index
        %get3A_202 = arith.constant 16 : index
        %get3A_203 = tpu.vector_load %arg13[%get3A_201, %get3A_202] {strides = array<i32>} : memref<16x512xi32, #tpu.memory_space<vmem>>, vector<16xi32>,
        %bitcast3A_204 = vector.bitcast %get3A_203 : vector<16xi32> to vector<32xbf16>
        %unpack3A_205 = tpu.unpack_subelements %bitcast3A_204, 0 {pack_format = #tpu.pack_format<interleaved>} : vector<32xbf16> -> vector<16xf32>
        %unpack3A_206 = tpu.unpack_subelements %bitcast3A_204, 1 {pack_format = #tpu.pack_format<interleaved>} : vector<32xbf16> -> vector<16xf32>
        %swap3A_207 = arith.index_cast %scan3A_192 : i32 to index
        %swap3A_208 = arith.constant 32 : index
        %swap3A_209 = tpu.vector_load %arg10[%swap3A_207, %swap3A_208] {strides = array<i32>} : memref<16x1024xf32, #tpu.memory_space<vmem>>, vector<16xf32>,
        tpu.vector_store %arg10[%swap3A_207, %swap3A_208], %unpack3A_205 {add = true, strides = array<i32>} : memref<16x1024xf32, #tpu.memory_space<vmem>>, vector<16xf32>,
        %swap3A_210 = arith.index_cast %scan3A_192 : i32 to index
        %swap3A_211 = arith.constant 48 : index
        %swap3A_212 = tpu.vector_load %arg10[%swap3A_210, %swap3A_211] {strides = array<i32>} : memref<16x1024xf32, #tpu.memory_space<vmem>>, vector<16xf32>,
        tpu.vector_store %arg10[%swap3A_210, %swap3A_211], %unpack3A_206 {add = true, strides = array<i32>} : memref<16x1024xf32, #tpu.memory_space<vmem>>, vector<16xf32>,
        %get3A_213 = arith.index_cast %scan3A_192 : i32 to index
        %get3A_214 = arith.constant 32 : index
        %get3A_215 = tpu.vector_load %arg13[%get3A_213, %get3A_214] {strides = array<i32>} : memref<16x512xi32, #tpu.memory_space<vmem>>, vector<16xi32>,
        %bitcast3A_216 = vector.bitcast %get3A_215 : vector<16xi32> to vector<32xbf16>
        %unpack3A_217 = tpu.unpack_subelements %bitcast3A_216, 0 {pack_format = #tpu.pack_format<interleaved>} : vector<32xbf16> -> vector<16xf32>
        %unpack3A_218 = tpu.unpack_subelements %bitcast3A_216, 1 {pack_format = #tpu.pack_format<interleaved>} : vector<32xbf16> -> vector<16xf32>
        %swap3A_219 = arith.index_cast %scan3A_192 : i32 to index
        %swap3A_220 = arith.constant 64 : index
        %swap3A_221 = tpu.vector_load %arg10[%swap3A_219, %swap3A_220] {strides = array<i32>} : memref<16x1024xf32, #tpu.memory_space<vmem>>, vector<16xf32>,
        tpu.vector_store %arg10[%swap3A_219, %swap3A_220], %unpack3A_217 {add = true, strides = array<i32>} : memref<16x1024xf32, #tpu.memory_space<vmem>>, vector<16xf32>,
        %swap3A_222 = arith.index_cast %scan3A_192 : i32 to index
        %swap3A_223 = arith.constant 80 : index
        %swap3A_224 = tpu.vector_load %arg10[%swap3A_222, %swap3A_223] {strides = array<i32>} : memref<16x1024xf32, #tpu.memory_space<vmem>>, vector<16xf32>,
        tpu.vector_store %arg10[%swap3A_222, %swap3A_223], %unpack3A_218 {add = true, strides = array<i32>} : memref<16x1024xf32, #tpu.memory_space<vmem>>, vector<16xf32>,
        %get3A_225 = arith.index_cast %scan3A_192 : i32 to index
        %get3A_226 = arith.constant 48 : index
        %get3A_227 = tpu.vector_load %arg13[%get3A_225, %get3A_226] {strides = array<i32>} : memref<16x512xi32, #tpu.memory_space<vmem>>, vector<16xi32>,
        %bitcast3A_228 = vector.bitcast %get3A_227 : vector<16xi32> to vector<32xbf16>
        %unpack3A_229 = tpu.unpack_subelements %bitcast3A_228, 0 {pack_format = #tpu.pack_format<interleaved>} : vector<32xbf16> -> vector<16xf32>
        %unpack3A_230 = tpu.unpack_subelements %bitcast3A_228, 1 {pack_format = #tpu.pack_format<interleaved>} : vector<32xbf16> -> vector<16xf32>
        %swap3A_231 = arith.index_cast %scan3A_192 : i32 to index
        %swap3A_232 = arith.constant 96 : index
        %swap3A_233 = tpu.vector_load %arg10[%swap3A_231, %swap3A_232] {strides = array<i32>} : memref<16x1024xf32, #tpu.memory_space<vmem>>, vector<16xf32>,
        tpu.vector_store %arg10[%swap3A_231, %swap3A_232], %unpack3A_229 {add = true, strides = array<i32>} : memref<16x1024xf32, #tpu.memory_space<vmem>>, vector<16xf32>,
        %swap3A_234 = arith.index_cast %scan3A_192 : i32 to index
        %swap3A_235 = arith.constant 112 : index
        %swap3A_236 = tpu.vector_load %arg10[%swap3A_234, %swap3A_235] {strides = array<i32>} : memref<16x1024xf32, #tpu.memory_space<vmem>>, vector<16xf32>,
        tpu.vector_store %arg10[%swap3A_234, %swap3A_235], %unpack3A_230 {add = true, strides = array<i32>} : memref<16x1024xf32, #tpu.memory_space<vmem>>, vector<16xf32>,
        %get3A_237 = arith.index_cast %scan3A_192 : i32 to index
        %get3A_238 = arith.constant 64 : index
        %get3A_239 = tpu.vector_load %arg13[%get3A_237, %get3A_238] {strides = array<i32>} : memref<16x512xi32, #tpu.memory_space<vmem>>, vector<16xi32>,
        %bitcast3A_240 = vector.bitcast %get3A_239 : vector<16xi32> to vector<32xbf16>
        %unpack3A_241 = tpu.unpack_subelements %bitcast3A_240, 0 {pack_format = #tpu.pack_format<interleaved>} : vector<32xbf16> -> vector<16xf32>
        %unpack3A_242 = tpu.unpack_subelements %bitcast3A_240, 1 {pack_format = #tpu.pack_format<interleaved>} : vector<32xbf16> -> vector<16xf32>
        %swap3A_243 = arith.index_cast %scan3A_192 : i32 to index
        %swap3A_244 = arith.constant 128 : index
        %swap3A_245 = tpu.vector_load %arg10[%swap3A_243, %swap3A_244] {strides = array<i32>} : memref<16x1024xf32, #tpu.memory_space<vmem>>, vector<16xf32>,
        tpu.vector_store %arg10[%swap3A_243, %swap3A_244], %unpack3A_241 {add = true, strides = array<i32>} : memref<16x1024xf32, #tpu.memory_space<vmem>>, vector<16xf32>,
        %swap3A_246 = arith.index_cast %scan3A_192 : i32 to index
        %swap3A_247 = arith.constant 144 : index
        %swap3A_248 = tpu.vector_load %arg10[%swap3A_246, %swap3A_247] {strides = array<i32>} : memref<16x1024xf32, #tpu.memory_space<vmem>>, vector<16xf32>,
        tpu.vector_store %arg10[%swap3A_246, %swap3A_247], %unpack3A_242 {add = true, strides = array<i32>} : memref<16x1024xf32, #tpu.memory_space<vmem>>, vector<16xf32>,
        %get3A_249 = arith.index_cast %scan3A_192 : i32 to index
        %get3A_250 = arith.constant 80 : index
        %get3A_251 = tpu.vector_load %arg13[%get3A_249, %get3A_250] {strides = array<i32>} : memref<16x512xi32, #tpu.memory_space<vmem>>, vector<16xi32>,
        %bitcast3A_252 = vector.bitcast %get3A_251 : vector<16xi32> to vector<32xbf16>
        %unpack3A_253 = tpu.unpack_subelements %bitcast3A_252, 0 {pack_format = #tpu.pack_format<interleaved>} : vector<32xbf16> -> vector<16xf32>
        %unpack3A_254 = tpu.unpack_subelements %bitcast3A_252, 1 {pack_format = #tpu.pack_format<interleaved>} : vector<32xbf16> -> vector<16xf32>
        %swap3A_255 = arith.index_cast %scan3A_192 : i32 to index
        %swap3A_256 = arith.constant 160 : index
        %swap3A_257 = tpu.vector_load %arg10[%swap3A_255, %swap3A_256] {strides = array<i32>} : memref<16x1024xf32, #tpu.memory_space<vmem>>, vector<16xf32>,
        tpu.vector_store %arg10[%swap3A_255, %swap3A_256], %unpack3A_253 {add = true, strides = array<i32>} : memref<16x1024xf32, #tpu.memory_space<vmem>>, vector<16xf32>,
        %swap3A_258 = arith.index_cast %scan3A_192 : i32 to index
        %swap3A_259 = arith.constant 176 : index
        %swap3A_260 = tpu.vector_load %arg10[%swap3A_258, %swap3A_259] {strides = array<i32>} : memref<16x1024xf32, #tpu.memory_space<vmem>>, vector<16xf32>,
        tpu.vector_store %arg10[%swap3A_258, %swap3A_259], %unpack3A_254 {add = true, strides = array<i32>} : memref<16x1024xf32, #tpu.memory_space<vmem>>, vector<16xf32>,
        %get3A_261 = arith.index_cast %scan3A_192 : i32 to index
        %get3A_262 = arith.constant 96 : index
        %get3A_263 = tpu.vector_load %arg13[%get3A_261, %get3A_262] {strides = array<i32>} : memref<16x512xi32, #tpu.memory_space<vmem>>, vector<16xi32>,
        %bitcast3A_264 = vector.bitcast %get3A_263 : vector<16xi32> to vector<32xbf16>
        %unpack3A_265 = tpu.unpack_subelements %bitcast3A_264, 0 {pack_format = #tpu.pack_format<interleaved>} : vector<32xbf16> -> vector<16xf32>
        %unpack3A_266 = tpu.unpack_subelements %bitcast3A_264, 1 {pack_format = #tpu.pack_format<interleaved>} : vector<32xbf16> -> vector<16xf32>
        %swap3A_267 = arith.index_cast %scan3A_192 : i32 to index
        %swap3A_268 = arith.constant 192 : index
        %swap3A_269 = tpu.vector_load %arg10[%swap3A_267, %swap3A_268] {strides = array<i32>} : memref<16x1024xf32, #tpu.memory_space<vmem>>, vector<16xf32>,
        tpu.vector_store %arg10[%swap3A_267, %swap3A_268], %unpack3A_265 {add = true, strides = array<i32>} : memref<16x1024xf32, #tpu.memory_space<vmem>>, vector<16xf32>,
        %swap3A_270 = arith.index_cast %scan3A_192 : i32 to index
        %swap3A_271 = arith.constant 208 : index
        %swap3A_272 = tpu.vector_load %arg10[%swap3A_270, %swap3A_271] {strides = array<i32>} : memref<16x1024xf32, #tpu.memory_space<vmem>>, vector<16xf32>,
        tpu.vector_store %arg10[%swap3A_270, %swap3A_271], %unpack3A_266 {add = true, strides = array<i32>} : memref<16x1024xf32, #tpu.memory_space<vmem>>, vector<16xf32>,
        %get3A_273 = arith.index_cast %scan3A_192 : i32 to index
        %get3A_274 = arith.constant 112 : index
        %get3A_275 = tpu.vector_load %arg13[%get3A_273, %get3A_274] {strides = array<i32>} : memref<16x512xi32, #tpu.memory_space<vmem>>, vector<16xi32>,
        %bitcast3A_276 = vector.bitcast %get3A_275 : vector<16xi32> to vector<32xbf16>
        %unpack3A_277 = tpu.unpack_subelements %bitcast3A_276, 0 {pack_format = #tpu.pack_format<interleaved>} : vector<32xbf16> -> vector<16xf32>
        %unpack3A_278 = tpu.unpack_subelements %bitcast3A_276, 1 {pack_format = #tpu.pack_format<interleaved>} : vector<32xbf16> -> vector<16xf32>
        %swap3A_279 = arith.index_cast %scan3A_192 : i32 to index
        %swap3A_280 = arith.constant 224 : index
        %swap3A_281 = tpu.vector_load %arg10[%swap3A_279, %swap3A_280] {strides = array<i32>} : memref<16x1024xf32, #tpu.memory_space<vmem>>, vector<16xf32>,
        tpu.vector_store %arg10[%swap3A_279, %swap3A_280], %unpack3A_277 {add = true, strides = array<i32>} : memref<16x1024xf32, #tpu.memory_space<vmem>>, vector<16xf32>,
        %swap3A_282 = arith.index_cast %scan3A_192 : i32 to index
        %swap3A_283 = arith.constant 240 : index
        %swap3A_284 = tpu.vector_load %arg10[%swap3A_282, %swap3A_283] {strides = array<i32>} : memref<16x1024xf32, #tpu.memory_space<vmem>>, vector<16xf32>,
        tpu.vector_store %arg10[%swap3A_282, %swap3A_283], %unpack3A_278 {add = true, strides = array<i32>} : memref<16x1024xf32, #tpu.memory_space<vmem>>, vector<16xf32>,
        %get3A_285 = arith.index_cast %scan3A_192 : i32 to index
        %get3A_286 = arith.constant 128 : index
        %get3A_287 = tpu.vector_load %arg13[%get3A_285, %get3A_286] {strides = array<i32>} : memref<16x512xi32, #tpu.memory_space<vmem>>, vector<16xi32>,
        %bitcast3A_288 = vector.bitcast %get3A_287 : vector<16xi32> to vector<32xbf16>
        %unpack3A_289 = tpu.unpack_subelements %bitcast3A_288, 0 {pack_format = #tpu.pack_format<interleaved>} : vector<32xbf16> -> vector<16xf32>
        %unpack3A_290 = tpu.unpack_subelements %bitcast3A_288, 1 {pack_format = #tpu.pack_format<interleaved>} : vector<32xbf16> -> vector<16xf32>
        %swap3A_291 = arith.index_cast %scan3A_192 : i32 to index
        %swap3A_292 = arith.constant 256 : index
        %swap3A_293 = tpu.vector_load %arg10[%swap3A_291, %swap3A_292] {strides = array<i32>} : memref<16x1024xf32, #tpu.memory_space<vmem>>, vector<16xf32>,
        tpu.vector_store %arg10[%swap3A_291, %swap3A_292], %unpack3A_289 {add = true, strides = array<i32>} : memref<16x1024xf32, #tpu.memory_space<vmem>>, vector<16xf32>,
        %swap3A_294 = arith.index_cast %scan3A_192 : i32 to index
        %swap3A_295 = arith.constant 272 : index
        %swap3A_296 = tpu.vector_load %arg10[%swap3A_294, %swap3A_295] {strides = array<i32>} : memref<16x1024xf32, #tpu.memory_space<vmem>>, vector<16xf32>,
        tpu.vector_store %arg10[%swap3A_294, %swap3A_295], %unpack3A_290 {add = true, strides = array<i32>} : memref<16x1024xf32, #tpu.memory_space<vmem>>, vector<16xf32>,
        %get3A_297 = arith.index_cast %scan3A_192 : i32 to index
        %get3A_298 = arith.constant 144 : index
        %get3A_299 = tpu.vector_load %arg13[%get3A_297, %get3A_298] {strides = array<i32>} : memref<16x512xi32, #tpu.memory_space<vmem>>, vector<16xi32>,
        %bitcast3A_300 = vector.bitcast %get3A_299 : vector<16xi32> to vector<32xbf16>
        %unpack3A_301 = tpu.unpack_subelements %bitcast3A_300, 0 {pack_format = #tpu.pack_format<interleaved>} : vector<32xbf16> -> vector<16xf32>
        %unpack3A_302 = tpu.unpack_subelements %bitcast3A_300, 1 {pack_format = #tpu.pack_format<interleaved>} : vector<32xbf16> -> vector<16xf32>
        %swap3A_303 = arith.index_cast %scan3A_192 : i32 to index
        %swap3A_304 = arith.constant 288 : index
        %swap3A_305 = tpu.vector_load %arg10[%swap3A_303, %swap3A_304] {strides = array<i32>} : memref<16x1024xf32, #tpu.memory_space<vmem>>, vector<16xf32>,
        tpu.vector_store %arg10[%swap3A_303, %swap3A_304], %unpack3A_301 {add = true, strides = array<i32>} : memref<16x1024xf32, #tpu.memory_space<vmem>>, vector<16xf32>,
        %swap3A_306 = arith.index_cast %scan3A_192 : i32 to index
        %swap3A_307 = arith.constant 304 : index
        %swap3A_308 = tpu.vector_load %arg10[%swap3A_306, %swap3A_307] {strides = array<i32>} : memref<16x1024xf32, #tpu.memory_space<vmem>>, vector<16xf32>,
        tpu.vector_store %arg10[%swap3A_306, %swap3A_307], %unpack3A_302 {add = true, strides = array<i32>} : memref<16x1024xf32, #tpu.memory_space<vmem>>, vector<16xf32>,
        %get3A_309 = arith.index_cast %scan3A_192 : i32 to index
        %get3A_310 = arith.constant 160 : index
        %get3A_311 = tpu.vector_load %arg13[%get3A_309, %get3A_310] {strides = array<i32>} : memref<16x512xi32, #tpu.memory_space<vmem>>, vector<16xi32>,
        %bitcast3A_312 = vector.bitcast %get3A_311 : vector<16xi32> to vector<32xbf16>
        %unpack3A_313 = tpu.unpack_subelements %bitcast3A_312, 0 {pack_format = #tpu.pack_format<interleaved>} : vector<32xbf16> -> vector<16xf32>
        %unpack3A_314 = tpu.unpack_subelements %bitcast3A_312, 1 {pack_format = #tpu.pack_format<interleaved>} : vector<32xbf16> -> vector<16xf32>
        %swap3A_315 = arith.index_cast %scan3A_192 : i32 to index
        %swap3A_316 = arith.constant 320 : index
        %swap3A_317 = tpu.vector_load %arg10[%swap3A_315, %swap3A_316] {strides = array<i32>} : memref<16x1024xf32, #tpu.memory_space<vmem>>, vector<16xf32>,
        tpu.vector_store %arg10[%swap3A_315, %swap3A_316], %unpack3A_313 {add = true, strides = array<i32>} : memref<16x1024xf32, #tpu.memory_space<vmem>>, vector<16xf32>,
        %swap3A_318 = arith.index_cast %scan3A_192 : i32 to index
        %swap3A_319 = arith.constant 336 : index
        %swap3A_320 = tpu.vector_load %arg10[%swap3A_318, %swap3A_319] {strides = array<i32>} : memref<16x1024xf32, #tpu.memory_space<vmem>>, vector<16xf32>,
        tpu.vector_store %arg10[%swap3A_318, %swap3A_319], %unpack3A_314 {add = true, strides = array<i32>} : memref<16x1024xf32, #tpu.memory_space<vmem>>, vector<16xf32>,
        %get3A_321 = arith.index_cast %scan3A_192 : i32 to index
        %get3A_322 = arith.constant 176 : index
        %get3A_323 = tpu.vector_load %arg13[%get3A_321, %get3A_322] {strides = array<i32>} : memref<16x512xi32, #tpu.memory_space<vmem>>, vector<16xi32>,
        %bitcast3A_324 = vector.bitcast %get3A_323 : vector<16xi32> to vector<32xbf16>
        %unpack3A_325 = tpu.unpack_subelements %bitcast3A_324, 0 {pack_format = #tpu.pack_format<interleaved>} : vector<32xbf16> -> vector<16xf32>
        %unpack3A_326 = tpu.unpack_subelements %bitcast3A_324, 1 {pack_format = #tpu.pack_format<interleaved>} : vector<32xbf16> -> vector<16xf32>
        %swap3A_327 = arith.index_cast %scan3A_192 : i32 to index
        %swap3A_328 = arith.constant 352 : index
        %swap3A_329 = tpu.vector_load %arg10[%swap3A_327, %swap3A_328] {strides = array<i32>} : memref<16x1024xf32, #tpu.memory_space<vmem>>, vector<16xf32>,
        tpu.vector_store %arg10[%swap3A_327, %swap3A_328], %unpack3A_325 {add = true, strides = array<i32>} : memref<16x1024xf32, #tpu.memory_space<vmem>>, vector<16xf32>,
        %swap3A_330 = arith.index_cast %scan3A_192 : i32 to index
        %swap3A_331 = arith.constant 368 : index
        %swap3A_332 = tpu.vector_load %arg10[%swap3A_330, %swap3A_331] {strides = array<i32>} : memref<16x1024xf32, #tpu.memory_space<vmem>>, vector<16xf32>,
        tpu.vector_store %arg10[%swap3A_330, %swap3A_331], %unpack3A_326 {add = true, strides = array<i32>} : memref<16x1024xf32, #tpu.memory_space<vmem>>, vector<16xf32>,
        %get3A_333 = arith.index_cast %scan3A_192 : i32 to index
        %get3A_334 = arith.constant 192 : index
        %get3A_335 = tpu.vector_load %arg13[%get3A_333, %get3A_334] {strides = array<i32>} : memref<16x512xi32, #tpu.memory_space<vmem>>, vector<16xi32>,
        %bitcast3A_336 = vector.bitcast %get3A_335 : vector<16xi32> to vector<32xbf16>
        %unpack3A_337 = tpu.unpack_subelements %bitcast3A_336, 0 {pack_format = #tpu.pack_format<interleaved>} : vector<32xbf16> -> vector<16xf32>
        %unpack3A_338 = tpu.unpack_subelements %bitcast3A_336, 1 {pack_format = #tpu.pack_format<interleaved>} : vector<32xbf16> -> vector<16xf32>
        %swap3A_339 = arith.index_cast %scan3A_192 : i32 to index
        %swap3A_340 = arith.constant 384 : index
        %swap3A_341 = tpu.vector_load %arg10[%swap3A_339, %swap3A_340] {strides = array<i32>} : memref<16x1024xf32, #tpu.memory_space<vmem>>, vector<16xf32>,
        tpu.vector_store %arg10[%swap3A_339, %swap3A_340], %unpack3A_337 {add = true, strides = array<i32>} : memref<16x1024xf32, #tpu.memory_space<vmem>>, vector<16xf32>,
        %swap3A_342 = arith.index_cast %scan3A_192 : i32 to index
        %swap3A_343 = arith.constant 400 : index
        %swap3A_344 = tpu.vector_load %arg10[%swap3A_342, %swap3A_343] {strides = array<i32>} : memref<16x1024xf32, #tpu.memory_space<vmem>>, vector<16xf32>,
        tpu.vector_store %arg10[%swap3A_342, %swap3A_343], %unpack3A_338 {add = true, strides = array<i32>} : memref<16x1024xf32, #tpu.memory_space<vmem>>, vector<16xf32>,
        %get3A_345 = arith.index_cast %scan3A_192 : i32 to index
        %get3A_346 = arith.constant 208 : index
        %get3A_347 = tpu.vector_load %arg13[%get3A_345, %get3A_346] {strides = array<i32>} : memref<16x512xi32, #tpu.memory_space<vmem>>, vector<16xi32>,
        %bitcast3A_348 = vector.bitcast %get3A_347 : vector<16xi32> to vector<32xbf16>
        %unpack3A_349 = tpu.unpack_subelements %bitcast3A_348, 0 {pack_format = #tpu.pack_format<interleaved>} : vector<32xbf16> -> vector<16xf32>
        %unpack3A_350 = tpu.unpack_subelements %bitcast3A_348, 1 {pack_format = #tpu.pack_format<interleaved>} : vector<32xbf16> -> vector<16xf32>
        %swap3A_351 = arith.index_cast %scan3A_192 : i32 to index
        %swap3A_352 = arith.constant 416 : index
        %swap3A_353 = tpu.vector_load %arg10[%swap3A_351, %swap3A_352] {strides = array<i32>} : memref<16x1024xf32, #tpu.memory_space<vmem>>, vector<16xf32>,
        tpu.vector_store %arg10[%swap3A_351, %swap3A_352], %unpack3A_349 {add = true, strides = array<i32>} : memref<16x1024xf32, #tpu.memory_space<vmem>>, vector<16xf32>,
        %swap3A_354 = arith.index_cast %scan3A_192 : i32 to index
        %swap3A_355 = arith.constant 432 : index
        %swap3A_356 = tpu.vector_load %arg10[%swap3A_354, %swap3A_355] {strides = array<i32>} : memref<16x1024xf32, #tpu.memory_space<vmem>>, vector<16xf32>,
        tpu.vector_store %arg10[%swap3A_354, %swap3A_355], %unpack3A_350 {add = true, strides = array<i32>} : memref<16x1024xf32, #tpu.memory_space<vmem>>, vector<16xf32>,
        %get3A_357 = arith.index_cast %scan3A_192 : i32 to index
        %get3A_358 = arith.constant 224 : index
        %get3A_359 = tpu.vector_load %arg13[%get3A_357, %get3A_358] {strides = array<i32>} : memref<16x512xi32, #tpu.memory_space<vmem>>, vector<16xi32>,
        %bitcast3A_360 = vector.bitcast %get3A_359 : vector<16xi32> to vector<32xbf16>
        %unpack3A_361 = tpu.unpack_subelements %bitcast3A_360, 0 {pack_format = #tpu.pack_format<interleaved>} : vector<32xbf16> -> vector<16xf32>
        %unpack3A_362 = tpu.unpack_subelements %bitcast3A_360, 1 {pack_format = #tpu.pack_format<interleaved>} : vector<32xbf16> -> vector<16xf32>
        %swap3A_363 = arith.index_cast %scan3A_192 : i32 to index
        %swap3A_364 = arith.constant 448 : index
        %swap3A_365 = tpu.vector_load %arg10[%swap3A_363, %swap3A_364] {strides = array<i32>} : memref<16x1024xf32, #tpu.memory_space<vmem>>, vector<16xf32>,
        tpu.vector_store %arg10[%swap3A_363, %swap3A_364], %unpack3A_361 {add = true, strides = array<i32>} : memref<16x1024xf32, #tpu.memory_space<vmem>>, vector<16xf32>,
        %swap3A_366 = arith.index_cast %scan3A_192 : i32 to index
        %swap3A_367 = arith.constant 464 : index
        %swap3A_368 = tpu.vector_load %arg10[%swap3A_366, %swap3A_367] {strides = array<i32>} : memref<16x1024xf32, #tpu.memory_space<vmem>>, vector<16xf32>,
        tpu.vector_store %arg10[%swap3A_366, %swap3A_367], %unpack3A_362 {add = true, strides = array<i32>} : memref<16x1024xf32, #tpu.memory_space<vmem>>, vector<16xf32>,
        %get3A_369 = arith.index_cast %scan3A_192 : i32 to index
        %get3A_370 = arith.constant 240 : index
        %get3A_371 = tpu.vector_load %arg13[%get3A_369, %get3A_370] {strides = array<i32>} : memref<16x512xi32, #tpu.memory_space<vmem>>, vector<16xi32>,
        %bitcast3A_372 = vector.bitcast %get3A_371 : vector<16xi32> to vector<32xbf16>
        %unpack3A_373 = tpu.unpack_subelements %bitcast3A_372, 0 {pack_format = #tpu.pack_format<interleaved>} : vector<32xbf16> -> vector<16xf32>
        %unpack3A_374 = tpu.unpack_subelements %bitcast3A_372, 1 {pack_format = #tpu.pack_format<interleaved>} : vector<32xbf16> -> vector<16xf32>
        %swap3A_375 = arith.index_cast %scan3A_192 : i32 to index
        %swap3A_376 = arith.constant 480 : index
        %swap3A_377 = tpu.vector_load %arg10[%swap3A_375, %swap3A_376] {strides = array<i32>} : memref<16x1024xf32, #tpu.memory_space<vmem>>, vector<16xf32>,
        tpu.vector_store %arg10[%swap3A_375, %swap3A_376], %unpack3A_373 {add = true, strides = array<i32>} : memref<16x1024xf32, #tpu.memory_space<vmem>>, vector<16xf32>,
        %swap3A_378 = arith.index_cast %scan3A_192 : i32 to index
        %swap3A_379 = arith.constant 496 : index
        %swap3A_380 = tpu.vector_load %arg10[%swap3A_378, %swap3A_379] {strides = array<i32>} : memref<16x1024xf32, #tpu.memory_space<vmem>>, vector<16xf32>,
        tpu.vector_store %arg10[%swap3A_378, %swap3A_379], %unpack3A_374 {add = true, strides = array<i32>} : memref<16x1024xf32, #tpu.memory_space<vmem>>, vector<16xf32>,
        %get3A_381 = arith.index_cast %scan3A_192 : i32 to index
        %get3A_382 = arith.constant 256 : index
        %get3A_383 = tpu.vector_load %arg13[%get3A_381, %get3A_382] {strides = array<i32>} : memref<16x512xi32, #tpu.memory_space<vmem>>, vector<16xi32>,
        %bitcast3A_384 = vector.bitcast %get3A_383 : vector<16xi32> to vector<32xbf16>
        %unpack3A_385 = tpu.unpack_subelements %bitcast3A_384, 0 {pack_format = #tpu.pack_format<interleaved>} : vector<32xbf16> -> vector<16xf32>
        %unpack3A_386 = tpu.unpack_subelements %bitcast3A_384, 1 {pack_format = #tpu.pack_format<interleaved>} : vector<32xbf16> -> vector<16xf32>
        %swap3A_387 = arith.index_cast %scan3A_192 : i32 to index
        %swap3A_388 = arith.constant 512 : index
        %swap3A_389 = tpu.vector_load %arg10[%swap3A_387, %swap3A_388] {strides = array<i32>} : memref<16x1024xf32, #tpu.memory_space<vmem>>, vector<16xf32>,
        tpu.vector_store %arg10[%swap3A_387, %swap3A_388], %unpack3A_385 {add = true, strides = array<i32>} : memref<16x1024xf32, #tpu.memory_space<vmem>>, vector<16xf32>,
        %swap3A_390 = arith.index_cast %scan3A_192 : i32 to index
        %swap3A_391 = arith.constant 528 : index
        %swap3A_392 = tpu.vector_load %arg10[%swap3A_390, %swap3A_391] {strides = array<i32>} : memref<16x1024xf32, #tpu.memory_space<vmem>>, vector<16xf32>,
        tpu.vector_store %arg10[%swap3A_390, %swap3A_391], %unpack3A_386 {add = true, strides = array<i32>} : memref<16x1024xf32, #tpu.memory_space<vmem>>, vector<16xf32>,
        %get3A_393 = arith.index_cast %scan3A_192 : i32 to index
        %get3A_394 = arith.constant 272 : index
        %get3A_395 = tpu.vector_load %arg13[%get3A_393, %get3A_394] {strides = array<i32>} : memref<16x512xi32, #tpu.memory_space<vmem>>, vector<16xi32>,
        %bitcast3A_396 = vector.bitcast %get3A_395 : vector<16xi32> to vector<32xbf16>
        %unpack3A_397 = tpu.unpack_subelements %bitcast3A_396, 0 {pack_format = #tpu.pack_format<interleaved>} : vector<32xbf16> -> vector<16xf32>
        %unpack3A_398 = tpu.unpack_subelements %bitcast3A_396, 1 {pack_format = #tpu.pack_format<interleaved>} : vector<32xbf16> -> vector<16xf32>
        %swap3A_399 = arith.index_cast %scan3A_192 : i32 to index
        %swap3A_400 = arith.constant 544 : index
        %swap3A_401 = tpu.vector_load %arg10[%swap3A_399, %swap3A_400] {strides = array<i32>} : memref<16x1024xf32, #tpu.memory_space<vmem>>, vector<16xf32>,
        tpu.vector_store %arg10[%swap3A_399, %swap3A_400], %unpack3A_397 {add = true, strides = array<i32>} : memref<16x1024xf32, #tpu.memory_space<vmem>>, vector<16xf32>,
        %swap3A_402 = arith.index_cast %scan3A_192 : i32 to index
        %swap3A_403 = arith.constant 560 : index
        %swap3A_404 = tpu.vector_load %arg10[%swap3A_402, %swap3A_403] {strides = array<i32>} : memref<16x1024xf32, #tpu.memory_space<vmem>>, vector<16xf32>,
        tpu.vector_store %arg10[%swap3A_402, %swap3A_403], %unpack3A_398 {add = true, strides = array<i32>} : memref<16x1024xf32, #tpu.memory_space<vmem>>, vector<16xf32>,
        %get3A_405 = arith.index_cast %scan3A_192 : i32 to index
        %get3A_406 = arith.constant 288 : index
        %get3A_407 = tpu.vector_load %arg13[%get3A_405, %get3A_406] {strides = array<i32>} : memref<16x512xi32, #tpu.memory_space<vmem>>, vector<16xi32>,
        %bitcast3A_408 = vector.bitcast %get3A_407 : vector<16xi32> to vector<32xbf16>
        %unpack3A_409 = tpu.unpack_subelements %bitcast3A_408, 0 {pack_format = #tpu.pack_format<interleaved>} : vector<32xbf16> -> vector<16xf32>
        %unpack3A_410 = tpu.unpack_subelements %bitcast3A_408, 1 {pack_format = #tpu.pack_format<interleaved>} : vector<32xbf16> -> vector<16xf32>
        %swap3A_411 = arith.index_cast %scan3A_192 : i32 to index
        %swap3A_412 = arith.constant 576 : index
        %swap3A_413 = tpu.vector_load %arg10[%swap3A_411, %swap3A_412] {strides = array<i32>} : memref<16x1024xf32, #tpu.memory_space<vmem>>, vector<16xf32>,
        tpu.vector_store %arg10[%swap3A_411, %swap3A_412], %unpack3A_409 {add = true, strides = array<i32>} : memref<16x1024xf32, #tpu.memory_space<vmem>>, vector<16xf32>,
        %swap3A_414 = arith.index_cast %scan3A_192 : i32 to index
        %swap3A_415 = arith.constant 592 : index
        %swap3A_416 = tpu.vector_load %arg10[%swap3A_414, %swap3A_415] {strides = array<i32>} : memref<16x1024xf32, #tpu.memory_space<vmem>>, vector<16xf32>,
        tpu.vector_store %arg10[%swap3A_414, %swap3A_415], %unpack3A_410 {add = true, strides = array<i32>} : memref<16x1024xf32, #tpu.memory_space<vmem>>, vector<16xf32>,
        %get3A_417 = arith.index_cast %scan3A_192 : i32 to index
        %get3A_418 = arith.constant 304 : index
        %get3A_419 = tpu.vector_load %arg13[%get3A_417, %get3A_418] {strides = array<i32>} : memref<16x512xi32, #tpu.memory_space<vmem>>, vector<16xi32>,
        %bitcast3A_420 = vector.bitcast %get3A_419 : vector<16xi32> to vector<32xbf16>
        %unpack3A_421 = tpu.unpack_subelements %bitcast3A_420, 0 {pack_format = #tpu.pack_format<interleaved>} : vector<32xbf16> -> vector<16xf32>
        %unpack3A_422 = tpu.unpack_subelements %bitcast3A_420, 1 {pack_format = #tpu.pack_format<interleaved>} : vector<32xbf16> -> vector<16xf32>
        %swap3A_423 = arith.index_cast %scan3A_192 : i32 to index
        %swap3A_424 = arith.constant 608 : index
        %swap3A_425 = tpu.vector_load %arg10[%swap3A_423, %swap3A_424] {strides = array<i32>} : memref<16x1024xf32, #tpu.memory_space<vmem>>, vector<16xf32>,
        tpu.vector_store %arg10[%swap3A_423, %swap3A_424], %unpack3A_421 {add = true, strides = array<i32>} : memref<16x1024xf32, #tpu.memory_space<vmem>>, vector<16xf32>,
        %swap3A_426 = arith.index_cast %scan3A_192 : i32 to index
        %swap3A_427 = arith.constant 624 : index
        %swap3A_428 = tpu.vector_load %arg10[%swap3A_426, %swap3A_427] {strides = array<i32>} : memref<16x1024xf32, #tpu.memory_space<vmem>>, vector<16xf32>,
        tpu.vector_store %arg10[%swap3A_426, %swap3A_427], %unpack3A_422 {add = true, strides = array<i32>} : memref<16x1024xf32, #tpu.memory_space<vmem>>, vector<16xf32>,
        %get3A_429 = arith.index_cast %scan3A_192 : i32 to index
        %get3A_430 = arith.constant 320 : index
        %get3A_431 = tpu.vector_load %arg13[%get3A_429, %get3A_430] {strides = array<i32>} : memref<16x512xi32, #tpu.memory_space<vmem>>, vector<16xi32>,
        %bitcast3A_432 = vector.bitcast %get3A_431 : vector<16xi32> to vector<32xbf16>
        %unpack3A_433 = tpu.unpack_subelements %bitcast3A_432, 0 {pack_format = #tpu.pack_format<interleaved>} : vector<32xbf16> -> vector<16xf32>
        %unpack3A_434 = tpu.unpack_subelements %bitcast3A_432, 1 {pack_format = #tpu.pack_format<interleaved>} : vector<32xbf16> -> vector<16xf32>
        %swap3A_435 = arith.index_cast %scan3A_192 : i32 to index
        %swap3A_436 = arith.constant 640 : index
        %swap3A_437 = tpu.vector_load %arg10[%swap3A_435, %swap3A_436] {strides = array<i32>} : memref<16x1024xf32, #tpu.memory_space<vmem>>, vector<16xf32>,
        tpu.vector_store %arg10[%swap3A_435, %swap3A_436], %unpack3A_433 {add = true, strides = array<i32>} : memref<16x1024xf32, #tpu.memory_space<vmem>>, vector<16xf32>,
        %swap3A_438 = arith.index_cast %scan3A_192 : i32 to index
        %swap3A_439 = arith.constant 656 : index
        %swap3A_440 = tpu.vector_load %arg10[%swap3A_438, %swap3A_439] {strides = array<i32>} : memref<16x1024xf32, #tpu.memory_space<vmem>>, vector<16xf32>,
        tpu.vector_store %arg10[%swap3A_438, %swap3A_439], %unpack3A_434 {add = true, strides = array<i32>} : memref<16x1024xf32, #tpu.memory_space<vmem>>, vector<16xf32>,
        %get3A_441 = arith.index_cast %scan3A_192 : i32 to index
        %get3A_442 = arith.constant 336 : index
        %get3A_443 = tpu.vector_load %arg13[%get3A_441, %get3A_442] {strides = array<i32>} : memref<16x512xi32, #tpu.memory_space<vmem>>, vector<16xi32>,
        %bitcast3A_444 = vector.bitcast %get3A_443 : vector<16xi32> to vector<32xbf16>
        %unpack3A_445 = tpu.unpack_subelements %bitcast3A_444, 0 {pack_format = #tpu.pack_format<interleaved>} : vector<32xbf16> -> vector<16xf32>
        %unpack3A_446 = tpu.unpack_subelements %bitcast3A_444, 1 {pack_format = #tpu.pack_format<interleaved>} : vector<32xbf16> -> vector<16xf32>
        %swap3A_447 = arith.index_cast %scan3A_192 : i32 to index
        %swap3A_448 = arith.constant 672 : index
        %swap3A_449 = tpu.vector_load %arg10[%swap3A_447, %swap3A_448] {strides = array<i32>} : memref<16x1024xf32, #tpu.memory_space<vmem>>, vector<16xf32>,
        tpu.vector_store %arg10[%swap3A_447, %swap3A_448], %unpack3A_445 {add = true, strides = array<i32>} : memref<16x1024xf32, #tpu.memory_space<vmem>>, vector<16xf32>,
        %swap3A_450 = arith.index_cast %scan3A_192 : i32 to index
        %swap3A_451 = arith.constant 688 : index
        %swap3A_452 = tpu.vector_load %arg10[%swap3A_450, %swap3A_451] {strides = array<i32>} : memref<16x1024xf32, #tpu.memory_space<vmem>>, vector<16xf32>,
        tpu.vector_store %arg10[%swap3A_450, %swap3A_451], %unpack3A_446 {add = true, strides = array<i32>} : memref<16x1024xf32, #tpu.memory_space<vmem>>, vector<16xf32>,
        %get3A_453 = arith.index_cast %scan3A_192 : i32 to index
        %get3A_454 = arith.constant 352 : index
        %get3A_455 = tpu.vector_load %arg13[%get3A_453, %get3A_454] {strides = array<i32>} : memref<16x512xi32, #tpu.memory_space<vmem>>, vector<16xi32>,
        %bitcast3A_456 = vector.bitcast %get3A_455 : vector<16xi32> to vector<32xbf16>
        %unpack3A_457 = tpu.unpack_subelements %bitcast3A_456, 0 {pack_format = #tpu.pack_format<interleaved>} : vector<32xbf16> -> vector<16xf32>
        %unpack3A_458 = tpu.unpack_subelements %bitcast3A_456, 1 {pack_format = #tpu.pack_format<interleaved>} : vector<32xbf16> -> vector<16xf32>
        %swap3A_459 = arith.index_cast %scan3A_192 : i32 to index
        %swap3A_460 = arith.constant 704 : index
        %swap3A_461 = tpu.vector_load %arg10[%swap3A_459, %swap3A_460] {strides = array<i32>} : memref<16x1024xf32, #tpu.memory_space<vmem>>, vector<16xf32>,
        tpu.vector_store %arg10[%swap3A_459, %swap3A_460], %unpack3A_457 {add = true, strides = array<i32>} : memref<16x1024xf32, #tpu.memory_space<vmem>>, vector<16xf32>,
        %swap3A_462 = arith.index_cast %scan3A_192 : i32 to index
        %swap3A_463 = arith.constant 720 : index
        %swap3A_464 = tpu.vector_load %arg10[%swap3A_462, %swap3A_463] {strides = array<i32>} : memref<16x1024xf32, #tpu.memory_space<vmem>>, vector<16xf32>,
        tpu.vector_store %arg10[%swap3A_462, %swap3A_463], %unpack3A_458 {add = true, strides = array<i32>} : memref<16x1024xf32, #tpu.memory_space<vmem>>, vector<16xf32>,
        %get3A_465 = arith.index_cast %scan3A_192 : i32 to index
        %get3A_466 = arith.constant 368 : index
        %get3A_467 = tpu.vector_load %arg13[%get3A_465, %get3A_466] {strides = array<i32>} : memref<16x512xi32, #tpu.memory_space<vmem>>, vector<16xi32>,
        %bitcast3A_468 = vector.bitcast %get3A_467 : vector<16xi32> to vector<32xbf16>
        %unpack3A_469 = tpu.unpack_subelements %bitcast3A_468, 0 {pack_format = #tpu.pack_format<interleaved>} : vector<32xbf16> -> vector<16xf32>
        %unpack3A_470 = tpu.unpack_subelements %bitcast3A_468, 1 {pack_format = #tpu.pack_format<interleaved>} : vector<32xbf16> -> vector<16xf32>
        %swap3A_471 = arith.index_cast %scan3A_192 : i32 to index
        %swap3A_472 = arith.constant 736 : index
        %swap3A_473 = tpu.vector_load %arg10[%swap3A_471, %swap3A_472] {strides = array<i32>} : memref<16x1024xf32, #tpu.memory_space<vmem>>, vector<16xf32>,
        tpu.vector_store %arg10[%swap3A_471, %swap3A_472], %unpack3A_469 {add = true, strides = array<i32>} : memref<16x1024xf32, #tpu.memory_space<vmem>>, vector<16xf32>,
        %swap3A_474 = arith.index_cast %scan3A_192 : i32 to index
        %swap3A_475 = arith.constant 752 : index
        %swap3A_476 = tpu.vector_load %arg10[%swap3A_474, %swap3A_475] {strides = array<i32>} : memref<16x1024xf32, #tpu.memory_space<vmem>>, vector<16xf32>,
        tpu.vector_store %arg10[%swap3A_474, %swap3A_475], %unpack3A_470 {add = true, strides = array<i32>} : memref<16x1024xf32, #tpu.memory_space<vmem>>, vector<16xf32>,
        %get3A_477 = arith.index_cast %scan3A_192 : i32 to index
        %get3A_478 = arith.constant 384 : index
        %get3A_479 = tpu.vector_load %arg13[%get3A_477, %get3A_478] {strides = array<i32>} : memref<16x512xi32, #tpu.memory_space<vmem>>, vector<16xi32>,
        %bitcast3A_480 = vector.bitcast %get3A_479 : vector<16xi32> to vector<32xbf16>
        %unpack3A_481 = tpu.unpack_subelements %bitcast3A_480, 0 {pack_format = #tpu.pack_format<interleaved>} : vector<32xbf16> -> vector<16xf32>
        %unpack3A_482 = tpu.unpack_subelements %bitcast3A_480, 1 {pack_format = #tpu.pack_format<interleaved>} : vector<32xbf16> -> vector<16xf32>
        %swap3A_483 = arith.index_cast %scan3A_192 : i32 to index
        %swap3A_484 = arith.constant 768 : index
        %swap3A_485 = tpu.vector_load %arg10[%swap3A_483, %swap3A_484] {strides = array<i32>} : memref<16x1024xf32, #tpu.memory_space<vmem>>, vector<16xf32>,
        tpu.vector_store %arg10[%swap3A_483, %swap3A_484], %unpack3A_481 {add = true, strides = array<i32>} : memref<16x1024xf32, #tpu.memory_space<vmem>>, vector<16xf32>,
        %swap3A_486 = arith.index_cast %scan3A_192 : i32 to index
        %swap3A_487 = arith.constant 784 : index
        %swap3A_488 = tpu.vector_load %arg10[%swap3A_486, %swap3A_487] {strides = array<i32>} : memref<16x1024xf32, #tpu.memory_space<vmem>>, vector<16xf32>,
        tpu.vector_store %arg10[%swap3A_486, %swap3A_487], %unpack3A_482 {add = true, strides = array<i32>} : memref<16x1024xf32, #tpu.memory_space<vmem>>, vector<16xf32>,
        %get3A_489 = arith.index_cast %scan3A_192 : i32 to index
        %get3A_490 = arith.constant 400 : index
        %get3A_491 = tpu.vector_load %arg13[%get3A_489, %get3A_490] {strides = array<i32>} : memref<16x512xi32, #tpu.memory_space<vmem>>, vector<16xi32>,
        %bitcast3A_492 = vector.bitcast %get3A_491 : vector<16xi32> to vector<32xbf16>
        %unpack3A_493 = tpu.unpack_subelements %bitcast3A_492, 0 {pack_format = #tpu.pack_format<interleaved>} : vector<32xbf16> -> vector<16xf32>
        %unpack3A_494 = tpu.unpack_subelements %bitcast3A_492, 1 {pack_format = #tpu.pack_format<interleaved>} : vector<32xbf16> -> vector<16xf32>
        %swap3A_495 = arith.index_cast %scan3A_192 : i32 to index
        %swap3A_496 = arith.constant 800 : index
        %swap3A_497 = tpu.vector_load %arg10[%swap3A_495, %swap3A_496] {strides = array<i32>} : memref<16x1024xf32, #tpu.memory_space<vmem>>, vector<16xf32>,
        tpu.vector_store %arg10[%swap3A_495, %swap3A_496], %unpack3A_493 {add = true, strides = array<i32>} : memref<16x1024xf32, #tpu.memory_space<vmem>>, vector<16xf32>,
        %swap3A_498 = arith.index_cast %scan3A_192 : i32 to index
        %swap3A_499 = arith.constant 816 : index
        %swap3A_500 = tpu.vector_load %arg10[%swap3A_498, %swap3A_499] {strides = array<i32>} : memref<16x1024xf32, #tpu.memory_space<vmem>>, vector<16xf32>,
        tpu.vector_store %arg10[%swap3A_498, %swap3A_499], %unpack3A_494 {add = true, strides = array<i32>} : memref<16x1024xf32, #tpu.memory_space<vmem>>, vector<16xf32>,
        %get3A_501 = arith.index_cast %scan3A_192 : i32 to index
        %get3A_502 = arith.constant 416 : index
        %get3A_503 = tpu.vector_load %arg13[%get3A_501, %get3A_502] {strides = array<i32>} : memref<16x512xi32, #tpu.memory_space<vmem>>, vector<16xi32>,
        %bitcast3A_504 = vector.bitcast %get3A_503 : vector<16xi32> to vector<32xbf16>
        %unpack3A_505 = tpu.unpack_subelements %bitcast3A_504, 0 {pack_format = #tpu.pack_format<interleaved>} : vector<32xbf16> -> vector<16xf32>
        %unpack3A_506 = tpu.unpack_subelements %bitcast3A_504, 1 {pack_format = #tpu.pack_format<interleaved>} : vector<32xbf16> -> vector<16xf32>
        %swap3A_507 = arith.index_cast %scan3A_192 : i32 to index
        %swap3A_508 = arith.constant 832 : index
        %swap3A_509 = tpu.vector_load %arg10[%swap3A_507, %swap3A_508] {strides = array<i32>} : memref<16x1024xf32, #tpu.memory_space<vmem>>, vector<16xf32>,
        tpu.vector_store %arg10[%swap3A_507, %swap3A_508], %unpack3A_505 {add = true, strides = array<i32>} : memref<16x1024xf32, #tpu.memory_space<vmem>>, vector<16xf32>,
        %swap3A_510 = arith.index_cast %scan3A_192 : i32 to index
        %swap3A_511 = arith.constant 848 : index
        %swap3A_512 = tpu.vector_load %arg10[%swap3A_510, %swap3A_511] {strides = array<i32>} : memref<16x1024xf32, #tpu.memory_space<vmem>>, vector<16xf32>,
        tpu.vector_store %arg10[%swap3A_510, %swap3A_511], %unpack3A_506 {add = true, strides = array<i32>} : memref<16x1024xf32, #tpu.memory_space<vmem>>, vector<16xf32>,
        %get3A_513 = arith.index_cast %scan3A_192 : i32 to index
        %get3A_514 = arith.constant 432 : index
        %get3A_515 = tpu.vector_load %arg13[%get3A_513, %get3A_514] {strides = array<i32>} : memref<16x512xi32, #tpu.memory_space<vmem>>, vector<16xi32>,
        %bitcast3A_516 = vector.bitcast %get3A_515 : vector<16xi32> to vector<32xbf16>
        %unpack3A_517 = tpu.unpack_subelements %bitcast3A_516, 0 {pack_format = #tpu.pack_format<interleaved>} : vector<32xbf16> -> vector<16xf32>
        %unpack3A_518 = tpu.unpack_subelements %bitcast3A_516, 1 {pack_format = #tpu.pack_format<interleaved>} : vector<32xbf16> -> vector<16xf32>
        %swap3A_519 = arith.index_cast %scan3A_192 : i32 to index
        %swap3A_520 = arith.constant 864 : index
        %swap3A_521 = tpu.vector_load %arg10[%swap3A_519, %swap3A_520] {strides = array<i32>} : memref<16x1024xf32, #tpu.memory_space<vmem>>, vector<16xf32>,
        tpu.vector_store %arg10[%swap3A_519, %swap3A_520], %unpack3A_517 {add = true, strides = array<i32>} : memref<16x1024xf32, #tpu.memory_space<vmem>>, vector<16xf32>,
        %swap3A_522 = arith.index_cast %scan3A_192 : i32 to index
        %swap3A_523 = arith.constant 880 : index
        %swap3A_524 = tpu.vector_load %arg10[%swap3A_522, %swap3A_523] {strides = array<i32>} : memref<16x1024xf32, #tpu.memory_space<vmem>>, vector<16xf32>,
        tpu.vector_store %arg10[%swap3A_522, %swap3A_523], %unpack3A_518 {add = true, strides = array<i32>} : memref<16x1024xf32, #tpu.memory_space<vmem>>, vector<16xf32>,
        %get3A_525 = arith.index_cast %scan3A_192 : i32 to index
        %get3A_526 = arith.constant 448 : index
        %get3A_527 = tpu.vector_load %arg13[%get3A_525, %get3A_526] {strides = array<i32>} : memref<16x512xi32, #tpu.memory_space<vmem>>, vector<16xi32>,
        %bitcast3A_528 = vector.bitcast %get3A_527 : vector<16xi32> to vector<32xbf16>
        %unpack3A_529 = tpu.unpack_subelements %bitcast3A_528, 0 {pack_format = #tpu.pack_format<interleaved>} : vector<32xbf16> -> vector<16xf32>
        %unpack3A_530 = tpu.unpack_subelements %bitcast3A_528, 1 {pack_format = #tpu.pack_format<interleaved>} : vector<32xbf16> -> vector<16xf32>
        %swap3A_531 = arith.index_cast %scan3A_192 : i32 to index
        %swap3A_532 = arith.constant 896 : index
        %swap3A_533 = tpu.vector_load %arg10[%swap3A_531, %swap3A_532] {strides = array<i32>} : memref<16x1024xf32, #tpu.memory_space<vmem>>, vector<16xf32>,
        tpu.vector_store %arg10[%swap3A_531, %swap3A_532], %unpack3A_529 {add = true, strides = array<i32>} : memref<16x1024xf32, #tpu.memory_space<vmem>>, vector<16xf32>,
        %swap3A_534 = arith.index_cast %scan3A_192 : i32 to index
        %swap3A_535 = arith.constant 912 : index
        %swap3A_536 = tpu.vector_load %arg10[%swap3A_534, %swap3A_535] {strides = array<i32>} : memref<16x1024xf32, #tpu.memory_space<vmem>>, vector<16xf32>,
        tpu.vector_store %arg10[%swap3A_534, %swap3A_535], %unpack3A_530 {add = true, strides = array<i32>} : memref<16x1024xf32, #tpu.memory_space<vmem>>, vector<16xf32>,
        %get3A_537 = arith.index_cast %scan3A_192 : i32 to index
        %get3A_538 = arith.constant 464 : index
        %get3A_539 = tpu.vector_load %arg13[%get3A_537, %get3A_538] {strides = array<i32>} : memref<16x512xi32, #tpu.memory_space<vmem>>, vector<16xi32>,
        %bitcast3A_540 = vector.bitcast %get3A_539 : vector<16xi32> to vector<32xbf16>
        %unpack3A_541 = tpu.unpack_subelements %bitcast3A_540, 0 {pack_format = #tpu.pack_format<interleaved>} : vector<32xbf16> -> vector<16xf32>
        %unpack3A_542 = tpu.unpack_subelements %bitcast3A_540, 1 {pack_format = #tpu.pack_format<interleaved>} : vector<32xbf16> -> vector<16xf32>
        %swap3A_543 = arith.index_cast %scan3A_192 : i32 to index
        %swap3A_544 = arith.constant 928 : index
        %swap3A_545 = tpu.vector_load %arg10[%swap3A_543, %swap3A_544] {strides = array<i32>} : memref<16x1024xf32, #tpu.memory_space<vmem>>, vector<16xf32>,
        tpu.vector_store %arg10[%swap3A_543, %swap3A_544], %unpack3A_541 {add = true, strides = array<i32>} : memref<16x1024xf32, #tpu.memory_space<vmem>>, vector<16xf32>,
        %swap3A_546 = arith.index_cast %scan3A_192 : i32 to index
        %swap3A_547 = arith.constant 944 : index
        %swap3A_548 = tpu.vector_load %arg10[%swap3A_546, %swap3A_547] {strides = array<i32>} : memref<16x1024xf32, #tpu.memory_space<vmem>>, vector<16xf32>,
        tpu.vector_store %arg10[%swap3A_546, %swap3A_547], %unpack3A_542 {add = true, strides = array<i32>} : memref<16x1024xf32, #tpu.memory_space<vmem>>, vector<16xf32>,
        %get3A_549 = arith.index_cast %scan3A_192 : i32 to index
        %get3A_550 = arith.constant 480 : index
        %get3A_551 = tpu.vector_load %arg13[%get3A_549, %get3A_550] {strides = array<i32>} : memref<16x512xi32, #tpu.memory_space<vmem>>, vector<16xi32>,
        %bitcast3A_552 = vector.bitcast %get3A_551 : vector<16xi32> to vector<32xbf16>
        %unpack3A_553 = tpu.unpack_subelements %bitcast3A_552, 0 {pack_format = #tpu.pack_format<interleaved>} : vector<32xbf16> -> vector<16xf32>
        %unpack3A_554 = tpu.unpack_subelements %bitcast3A_552, 1 {pack_format = #tpu.pack_format<interleaved>} : vector<32xbf16> -> vector<16xf32>
        %swap3A_555 = arith.index_cast %scan3A_192 : i32 to index
        %swap3A_556 = arith.constant 960 : index
        %swap3A_557 = tpu.vector_load %arg10[%swap3A_555, %swap3A_556] {strides = array<i32>} : memref<16x1024xf32, #tpu.memory_space<vmem>>, vector<16xf32>,
        tpu.vector_store %arg10[%swap3A_555, %swap3A_556], %unpack3A_553 {add = true, strides = array<i32>} : memref<16x1024xf32, #tpu.memory_space<vmem>>, vector<16xf32>,
        %swap3A_558 = arith.index_cast %scan3A_192 : i32 to index
        %swap3A_559 = arith.constant 976 : index
        %swap3A_560 = tpu.vector_load %arg10[%swap3A_558, %swap3A_559] {strides = array<i32>} : memref<16x1024xf32, #tpu.memory_space<vmem>>, vector<16xf32>,
        tpu.vector_store %arg10[%swap3A_558, %swap3A_559], %unpack3A_554 {add = true, strides = array<i32>} : memref<16x1024xf32, #tpu.memory_space<vmem>>, vector<16xf32>,
        %get3A_561 = arith.index_cast %scan3A_192 : i32 to index
        %get3A_562 = arith.constant 496 : index
        %get3A_563 = tpu.vector_load %arg13[%get3A_561, %get3A_562] {strides = array<i32>} : memref<16x512xi32, #tpu.memory_space<vmem>>, vector<16xi32>,
        %bitcast3A_564 = vector.bitcast %get3A_563 : vector<16xi32> to vector<32xbf16>
        %unpack3A_565 = tpu.unpack_subelements %bitcast3A_564, 0 {pack_format = #tpu.pack_format<interleaved>} : vector<32xbf16> -> vector<16xf32>
        %unpack3A_566 = tpu.unpack_subelements %bitcast3A_564, 1 {pack_format = #tpu.pack_format<interleaved>} : vector<32xbf16> -> vector<16xf32>
        %swap3A_567 = arith.index_cast %scan3A_192 : i32 to index
        %swap3A_568 = arith.constant 992 : index
        %swap3A_569 = tpu.vector_load %arg10[%swap3A_567, %swap3A_568] {strides = array<i32>} : memref<16x1024xf32, #tpu.memory_space<vmem>>, vector<16xf32>,
        tpu.vector_store %arg10[%swap3A_567, %swap3A_568], %unpack3A_565 {add = true, strides = array<i32>} : memref<16x1024xf32, #tpu.memory_space<vmem>>, vector<16xf32>,
        %swap3A_570 = arith.index_cast %scan3A_192 : i32 to index
        %swap3A_571 = arith.constant 1008 : index
        %swap3A_572 = tpu.vector_load %arg10[%swap3A_570, %swap3A_571] {strides = array<i32>} : memref<16x1024xf32, #tpu.memory_space<vmem>>, vector<16xf32>,
        tpu.vector_store %arg10[%swap3A_570, %swap3A_571], %unpack3A_566 {add = true, strides = array<i32>} : memref<16x1024xf32, #tpu.memory_space<vmem>>, vector<16xf32>,
      }
      %scan3A_92 = arith.constant 16 : i32
      %mul3A_93 = arith.constant 16 : i32
      %mul3A_94 = arith.muli %add3A_73, %mul3A_93 : i32
      %add3A_95 = arith.addi %mul3A_2, %mul3A_94 : i32
      %dma_start3A_96 = arith.constant 0 : i32
      %dma_start3A_97 = tpu.memref_slice %arg6[%add3A_95, %dma_start3A_96] : memref<32768x1024xf32, #tpu.memory_space<hbm>> -> memref<16x1024xf32, #tpu.memory_space<hbm>>
      %dma_start3A_98 = arith.constant 0 : i32
      %dma_start3A_99 = tpu.memref_slice %arg6[%add3A_95, %dma_start3A_98] : memref<32768x1024xf32, #tpu.memory_space<hbm>> -> memref<16x1024xf32, #tpu.memory_space<hbm>>
      tpu.enqueue_dma source(%arg10 : memref<16x1024xf32, #tpu.memory_space<vmem>>) target(%dma_start3A_99 : memref<16x1024xf32, #tpu.memory_space<hbm>>) target_semaphore(%arg22 : memref<!tpu.dma_semaphore, #tpu.memory_space<semaphore_mem>>)
      %ge3A = arith.constant 1 : i32
      %ge3A_100 = arith.cmpi sge, %add3A_73, %ge3A : i32
      %convert_element_type3A = arith.extui %ge3A_100 : i1 to i32
      %cond3A = arith.constant 0 : i32
      %cond3A_101 = arith.cmpi ne, %convert_element_type3A, %cond3A : i32
      scf.if %cond3A_101 {
        %sub3A = arith.constant 1 : i32
        %sub3A_192 = arith.subi %add3A_73, %sub3A : i32
        %mul3A_193 = arith.constant 16 : i32
        %mul3A_194 = arith.muli %sub3A_192, %mul3A_193 : i32
        %add3A_195 = arith.addi %mul3A_2, %mul3A_194 : i32
        %dma_wait3A_196 = arith.constant 0 : i32
        %dma_wait3A_197 = tpu.memref_slice %arg6[%add3A_195, %dma_wait3A_196] : memref<32768x1024xf32, #tpu.memory_space<hbm>> -> memref<16x1024xf32, #tpu.memory_space<hbm>>
        %dma_wait3A_198 = arith.constant 0 : i32
        %dma_wait3A_199 = tpu.memref_slice %arg6[%add3A_195, %dma_wait3A_198] : memref<32768x1024xf32, #tpu.memory_space<hbm>> -> memref<16x1024xf32, #tpu.memory_space<hbm>>
        tpu.wait_dma2 semaphore(%arg24 : memref<!tpu.dma_semaphore, #tpu.memory_space<semaphore_mem>>) src(%arg12 : memref<16x1024xf32, #tpu.memory_space<vmem>>) dst(%dma_wait3A_199 : memref<16x1024xf32, #tpu.memory_space<hbm>>)
      } else {
      }
      %add3A_102 = arith.constant 2 : i32
      %add3A_103 = arith.addi %add3A_73, %add3A_102 : i32
      %lt3A = arith.constant 64 : i32
      %lt3A_104 = arith.cmpi slt, %add3A_103, %lt3A : i32
      %convert_element_type3A_105 = arith.extui %lt3A_104 : i1 to i32
      %cond3A_106 = arith.constant 0 : i32
      %cond3A_107 = arith.cmpi ne, %convert_element_type3A_105, %cond3A_106 : i32
      scf.if %cond3A_107 {
        %add3A_192 = arith.constant 2 : i32
        %add3A_193 = arith.addi %add3A_73, %add3A_192 : i32
        %mul3A_194 = arith.constant 16 : i32
        %mul3A_195 = arith.muli %add3A_193, %mul3A_194 : i32
        %add3A_196 = arith.addi %mul3A_2, %mul3A_195 : i32
        %mul3A_197 = arith.constant 16 : i32
        %mul3A_198 = arith.muli %add3A_193, %mul3A_197 : i32
        %dma_start3A_199 = arith.constant 0 : i32
        %dma_start3A_200 = tpu.memref_slice %arg2[%add3A_196, %dma_start3A_199] : memref<32768x1024xf32, #tpu.memory_space<hbm>> -> memref<16x1024xf32, #tpu.memory_space<hbm>>
        %dma_start3A_201 = arith.constant 0 : i32
        %dma_start3A_202 = tpu.memref_slice %arg2[%add3A_196, %dma_start3A_201] : memref<32768x1024xf32, #tpu.memory_space<hbm>> -> memref<16x1024xf32, #tpu.memory_space<hbm>>
        tpu.enqueue_dma source(%dma_start3A_202 : memref<16x1024xf32, #tpu.memory_space<hbm>>) target(%arg12 : memref<16x1024xf32, #tpu.memory_space<vmem>>) target_semaphore(%arg18 : memref<!tpu.dma_semaphore, #tpu.memory_space<semaphore_mem>>)
        %dma_start3A_203 = tpu.memref_slice %arg9[%mul3A_198] : memref<1024xi32, #tpu.memory_space<vmem>> -> memref<16xi32, #tpu.memory_space<vmem>>
        %dma_start3A_204 = arith.constant 0 : i32
        %dma_start3A_205 = arith.constant 0 : i32
        %dma_start3A_206 = tpu.memref_slice %arg5[%dma_start3A_204, %dma_start3A_205] : memref<372x512xi32, #tpu.memory_space<hbm>> -> memref<372x512xi32, #tpu.memory_space<hbm>>
        tpu.enqueue_indirect_dma source(%dma_start3A_206 : memref<372x512xi32, #tpu.memory_space<hbm>>) target(%arg15 : memref<16x512xi32, #tpu.memory_space<vmem>>) offsets(%dma_start3A_203 : memref<16xi32, #tpu.memory_space<vmem>>) semaphore(%arg21 : memref<!tpu.dma_semaphore, #tpu.memory_space<semaphore_mem>>)
      } else {
      }
      %mul3A_108 = arith.constant 3 : i32
      %mul3A_109 = arith.muli %scan3A_69, %mul3A_108 : i32
      %add3A_110 = arith.constant 1 : i32
      %add3A_111 = arith.addi %mul3A_109, %add3A_110 : i32
      %mul3A_112 = arith.constant 16 : i32
      %mul3A_113 = arith.muli %add3A_111, %mul3A_112 : i32
      %add3A_114 = arith.addi %mul3A_2, %mul3A_113 : i32
      %mul3A_115 = arith.constant 16 : i32
      %mul3A_116 = arith.muli %add3A_111, %mul3A_115 : i32
      %dma_wait3A_117 = arith.constant 0 : i32
      %dma_wait3A_118 = tpu.memref_slice %arg2[%add3A_114, %dma_wait3A_117] : memref<32768x1024xf32, #tpu.memory_space<hbm>> -> memref<16x1024xf32, #tpu.memory_space<hbm>>
      %dma_wait3A_119 = arith.constant 0 : i32
      %dma_wait3A_120 = tpu.memref_slice %arg2[%add3A_114, %dma_wait3A_119] : memref<32768x1024xf32, #tpu.memory_space<hbm>> -> memref<16x1024xf32, #tpu.memory_space<hbm>>
      tpu.wait_dma2 semaphore(%arg17 : memref<!tpu.dma_semaphore, #tpu.memory_space<semaphore_mem>>) src(%dma_wait3A_120 : memref<16x1024xf32, #tpu.memory_space<hbm>>) dst(%arg11 : memref<16x1024xf32, #tpu.memory_space<vmem>>)
      %dma_wait3A_121 = tpu.memref_slice %arg9[%mul3A_116] : memref<1024xi32, #tpu.memory_space<vmem>> -> memref<16xi32, #tpu.memory_space<vmem>>
      %dma_wait3A_122 = arith.constant 0 : i32
      %dma_wait3A_123 = arith.constant 0 : i32
      %dma_wait3A_124 = tpu.memref_slice %arg5[%dma_wait3A_122, %dma_wait3A_123] : memref<372x512xi32, #tpu.memory_space<hbm>> -> memref<372x512xi32, #tpu.memory_space<hbm>>
      tpu.wait_indirect_dma semaphore(%arg20 : memref<!tpu.dma_semaphore, #tpu.memory_space<semaphore_mem>>) src(%dma_wait3A_124 : memref<372x512xi32, #tpu.memory_space<hbm>>) dst(%arg14 : memref<16x512xi32, #tpu.memory_space<vmem>>)
      %scan3A_125 = arith.constant 0 : i32
      %scan3A_126 = arith.constant 0 : i32
      %scan3A_127 = arith.constant 16 : i32
      %scan3A_128 = arith.addi %scan3A_126, %scan3A_127 : i32
      %scan3A_129 = arith.constant 1 : i32
      scf.for %scan3A_192 = %scan3A_126 to %scan3A_128 step %scan3A_129  : i32 {
        %get3A = arith.index_cast %scan3A_192 : i32 to index
        %get3A_193 = arith.constant 0 : index
        %get3A_194 = tpu.vector_load %arg14[%get3A, %get3A_193] {strides = array<i32>} : memref<16x512xi32, #tpu.memory_space<vmem>>, vector<16xi32>,
        %bitcast3A = vector.bitcast %get3A_194 : vector<16xi32> to vector<32xbf16>
        %unpack3A = tpu.unpack_subelements %bitcast3A, 0 {pack_format = #tpu.pack_format<interleaved>} : vector<32xbf16> -> vector<16xf32>
        %unpack3A_195 = tpu.unpack_subelements %bitcast3A, 1 {pack_format = #tpu.pack_format<interleaved>} : vector<32xbf16> -> vector<16xf32>
        %swap3A = arith.index_cast %scan3A_192 : i32 to index
        %swap3A_196 = arith.constant 0 : index
        %swap3A_197 = tpu.vector_load %arg11[%swap3A, %swap3A_196] {strides = array<i32>} : memref<16x1024xf32, #tpu.memory_space<vmem>>, vector<16xf32>,
        tpu.vector_store %arg11[%swap3A, %swap3A_196], %unpack3A {add = true, strides = array<i32>} : memref<16x1024xf32, #tpu.memory_space<vmem>>, vector<16xf32>,
        %swap3A_198 = arith.index_cast %scan3A_192 : i32 to index
        %swap3A_199 = arith.constant 16 : index
        %swap3A_200 = tpu.vector_load %arg11[%swap3A_198, %swap3A_199] {strides = array<i32>} : memref<16x1024xf32, #tpu.memory_space<vmem>>, vector<16xf32>,
        tpu.vector_store %arg11[%swap3A_198, %swap3A_199], %unpack3A_195 {add = true, strides = array<i32>} : memref<16x1024xf32, #tpu.memory_space<vmem>>, vector<16xf32>,
        %get3A_201 = arith.index_cast %scan3A_192 : i32 to index
        %get3A_202 = arith.constant 16 : index
        %get3A_203 = tpu.vector_load %arg14[%get3A_201, %get3A_202] {strides = array<i32>} : memref<16x512xi32, #tpu.memory_space<vmem>>, vector<16xi32>,
        %bitcast3A_204 = vector.bitcast %get3A_203 : vector<16xi32> to vector<32xbf16>
        %unpack3A_205 = tpu.unpack_subelements %bitcast3A_204, 0 {pack_format = #tpu.pack_format<interleaved>} : vector<32xbf16> -> vector<16xf32>
        %unpack3A_206 = tpu.unpack_subelements %bitcast3A_204, 1 {pack_format = #tpu.pack_format<interleaved>} : vector<32xbf16> -> vector<16xf32>
        %swap3A_207 = arith.index_cast %scan3A_192 : i32 to index
        %swap3A_208 = arith.constant 32 : index
        %swap3A_209 = tpu.vector_load %arg11[%swap3A_207, %swap3A_208] {strides = array<i32>} : memref<16x1024xf32, #tpu.memory_space<vmem>>, vector<16xf32>,
        tpu.vector_store %arg11[%swap3A_207, %swap3A_208], %unpack3A_205 {add = true, strides = array<i32>} : memref<16x1024xf32, #tpu.memory_space<vmem>>, vector<16xf32>,
        %swap3A_210 = arith.index_cast %scan3A_192 : i32 to index
        %swap3A_211 = arith.constant 48 : index
        %swap3A_212 = tpu.vector_load %arg11[%swap3A_210, %swap3A_211] {strides = array<i32>} : memref<16x1024xf32, #tpu.memory_space<vmem>>, vector<16xf32>,
        tpu.vector_store %arg11[%swap3A_210, %swap3A_211], %unpack3A_206 {add = true, strides = array<i32>} : memref<16x1024xf32, #tpu.memory_space<vmem>>, vector<16xf32>,
        %get3A_213 = arith.index_cast %scan3A_192 : i32 to index
        %get3A_214 = arith.constant 32 : index
        %get3A_215 = tpu.vector_load %arg14[%get3A_213, %get3A_214] {strides = array<i32>} : memref<16x512xi32, #tpu.memory_space<vmem>>, vector<16xi32>,
        %bitcast3A_216 = vector.bitcast %get3A_215 : vector<16xi32> to vector<32xbf16>
        %unpack3A_217 = tpu.unpack_subelements %bitcast3A_216, 0 {pack_format = #tpu.pack_format<interleaved>} : vector<32xbf16> -> vector<16xf32>
        %unpack3A_218 = tpu.unpack_subelements %bitcast3A_216, 1 {pack_format = #tpu.pack_format<interleaved>} : vector<32xbf16> -> vector<16xf32>
        %swap3A_219 = arith.index_cast %scan3A_192 : i32 to index
        %swap3A_220 = arith.constant 64 : index
        %swap3A_221 = tpu.vector_load %arg11[%swap3A_219, %swap3A_220] {strides = array<i32>} : memref<16x1024xf32, #tpu.memory_space<vmem>>, vector<16xf32>,
        tpu.vector_store %arg11[%swap3A_219, %swap3A_220], %unpack3A_217 {add = true, strides = array<i32>} : memref<16x1024xf32, #tpu.memory_space<vmem>>, vector<16xf32>,
        %swap3A_222 = arith.index_cast %scan3A_192 : i32 to index
        %swap3A_223 = arith.constant 80 : index
        %swap3A_224 = tpu.vector_load %arg11[%swap3A_222, %swap3A_223] {strides = array<i32>} : memref<16x1024xf32, #tpu.memory_space<vmem>>, vector<16xf32>,
        tpu.vector_store %arg11[%swap3A_222, %swap3A_223], %unpack3A_218 {add = true, strides = array<i32>} : memref<16x1024xf32, #tpu.memory_space<vmem>>, vector<16xf32>,
        %get3A_225 = arith.index_cast %scan3A_192 : i32 to index
        %get3A_226 = arith.constant 48 : index
        %get3A_227 = tpu.vector_load %arg14[%get3A_225, %get3A_226] {strides = array<i32>} : memref<16x512xi32, #tpu.memory_space<vmem>>, vector<16xi32>,
        %bitcast3A_228 = vector.bitcast %get3A_227 : vector<16xi32> to vector<32xbf16>
        %unpack3A_229 = tpu.unpack_subelements %bitcast3A_228, 0 {pack_format = #tpu.pack_format<interleaved>} : vector<32xbf16> -> vector<16xf32>
        %unpack3A_230 = tpu.unpack_subelements %bitcast3A_228, 1 {pack_format = #tpu.pack_format<interleaved>} : vector<32xbf16> -> vector<16xf32>
        %swap3A_231 = arith.index_cast %scan3A_192 : i32 to index
        %swap3A_232 = arith.constant 96 : index
        %swap3A_233 = tpu.vector_load %arg11[%swap3A_231, %swap3A_232] {strides = array<i32>} : memref<16x1024xf32, #tpu.memory_space<vmem>>, vector<16xf32>,
        tpu.vector_store %arg11[%swap3A_231, %swap3A_232], %unpack3A_229 {add = true, strides = array<i32>} : memref<16x1024xf32, #tpu.memory_space<vmem>>, vector<16xf32>,
        %swap3A_234 = arith.index_cast %scan3A_192 : i32 to index
        %swap3A_235 = arith.constant 112 : index
        %swap3A_236 = tpu.vector_load %arg11[%swap3A_234, %swap3A_235] {strides = array<i32>} : memref<16x1024xf32, #tpu.memory_space<vmem>>, vector<16xf32>,
        tpu.vector_store %arg11[%swap3A_234, %swap3A_235], %unpack3A_230 {add = true, strides = array<i32>} : memref<16x1024xf32, #tpu.memory_space<vmem>>, vector<16xf32>,
        %get3A_237 = arith.index_cast %scan3A_192 : i32 to index
        %get3A_238 = arith.constant 64 : index
        %get3A_239 = tpu.vector_load %arg14[%get3A_237, %get3A_238] {strides = array<i32>} : memref<16x512xi32, #tpu.memory_space<vmem>>, vector<16xi32>,
        %bitcast3A_240 = vector.bitcast %get3A_239 : vector<16xi32> to vector<32xbf16>
        %unpack3A_241 = tpu.unpack_subelements %bitcast3A_240, 0 {pack_format = #tpu.pack_format<interleaved>} : vector<32xbf16> -> vector<16xf32>
        %unpack3A_242 = tpu.unpack_subelements %bitcast3A_240, 1 {pack_format = #tpu.pack_format<interleaved>} : vector<32xbf16> -> vector<16xf32>
        %swap3A_243 = arith.index_cast %scan3A_192 : i32 to index
        %swap3A_244 = arith.constant 128 : index
        %swap3A_245 = tpu.vector_load %arg11[%swap3A_243, %swap3A_244] {strides = array<i32>} : memref<16x1024xf32, #tpu.memory_space<vmem>>, vector<16xf32>,
        tpu.vector_store %arg11[%swap3A_243, %swap3A_244], %unpack3A_241 {add = true, strides = array<i32>} : memref<16x1024xf32, #tpu.memory_space<vmem>>, vector<16xf32>,
        %swap3A_246 = arith.index_cast %scan3A_192 : i32 to index
        %swap3A_247 = arith.constant 144 : index
        %swap3A_248 = tpu.vector_load %arg11[%swap3A_246, %swap3A_247] {strides = array<i32>} : memref<16x1024xf32, #tpu.memory_space<vmem>>, vector<16xf32>,
        tpu.vector_store %arg11[%swap3A_246, %swap3A_247], %unpack3A_242 {add = true, strides = array<i32>} : memref<16x1024xf32, #tpu.memory_space<vmem>>, vector<16xf32>,
        %get3A_249 = arith.index_cast %scan3A_192 : i32 to index
        %get3A_250 = arith.constant 80 : index
        %get3A_251 = tpu.vector_load %arg14[%get3A_249, %get3A_250] {strides = array<i32>} : memref<16x512xi32, #tpu.memory_space<vmem>>, vector<16xi32>,
        %bitcast3A_252 = vector.bitcast %get3A_251 : vector<16xi32> to vector<32xbf16>
        %unpack3A_253 = tpu.unpack_subelements %bitcast3A_252, 0 {pack_format = #tpu.pack_format<interleaved>} : vector<32xbf16> -> vector<16xf32>
        %unpack3A_254 = tpu.unpack_subelements %bitcast3A_252, 1 {pack_format = #tpu.pack_format<interleaved>} : vector<32xbf16> -> vector<16xf32>
        %swap3A_255 = arith.index_cast %scan3A_192 : i32 to index
        %swap3A_256 = arith.constant 160 : index
        %swap3A_257 = tpu.vector_load %arg11[%swap3A_255, %swap3A_256] {strides = array<i32>} : memref<16x1024xf32, #tpu.memory_space<vmem>>, vector<16xf32>,
        tpu.vector_store %arg11[%swap3A_255, %swap3A_256], %unpack3A_253 {add = true, strides = array<i32>} : memref<16x1024xf32, #tpu.memory_space<vmem>>, vector<16xf32>,
        %swap3A_258 = arith.index_cast %scan3A_192 : i32 to index
        %swap3A_259 = arith.constant 176 : index
        %swap3A_260 = tpu.vector_load %arg11[%swap3A_258, %swap3A_259] {strides = array<i32>} : memref<16x1024xf32, #tpu.memory_space<vmem>>, vector<16xf32>,
        tpu.vector_store %arg11[%swap3A_258, %swap3A_259], %unpack3A_254 {add = true, strides = array<i32>} : memref<16x1024xf32, #tpu.memory_space<vmem>>, vector<16xf32>,
        %get3A_261 = arith.index_cast %scan3A_192 : i32 to index
        %get3A_262 = arith.constant 96 : index
        %get3A_263 = tpu.vector_load %arg14[%get3A_261, %get3A_262] {strides = array<i32>} : memref<16x512xi32, #tpu.memory_space<vmem>>, vector<16xi32>,
        %bitcast3A_264 = vector.bitcast %get3A_263 : vector<16xi32> to vector<32xbf16>
        %unpack3A_265 = tpu.unpack_subelements %bitcast3A_264, 0 {pack_format = #tpu.pack_format<interleaved>} : vector<32xbf16> -> vector<16xf32>
        %unpack3A_266 = tpu.unpack_subelements %bitcast3A_264, 1 {pack_format = #tpu.pack_format<interleaved>} : vector<32xbf16> -> vector<16xf32>
        %swap3A_267 = arith.index_cast %scan3A_192 : i32 to index
        %swap3A_268 = arith.constant 192 : index
        %swap3A_269 = tpu.vector_load %arg11[%swap3A_267, %swap3A_268] {strides = array<i32>} : memref<16x1024xf32, #tpu.memory_space<vmem>>, vector<16xf32>,
        tpu.vector_store %arg11[%swap3A_267, %swap3A_268], %unpack3A_265 {add = true, strides = array<i32>} : memref<16x1024xf32, #tpu.memory_space<vmem>>, vector<16xf32>,
        %swap3A_270 = arith.index_cast %scan3A_192 : i32 to index
        %swap3A_271 = arith.constant 208 : index
        %swap3A_272 = tpu.vector_load %arg11[%swap3A_270, %swap3A_271] {strides = array<i32>} : memref<16x1024xf32, #tpu.memory_space<vmem>>, vector<16xf32>,
        tpu.vector_store %arg11[%swap3A_270, %swap3A_271], %unpack3A_266 {add = true, strides = array<i32>} : memref<16x1024xf32, #tpu.memory_space<vmem>>, vector<16xf32>,
        %get3A_273 = arith.index_cast %scan3A_192 : i32 to index
        %get3A_274 = arith.constant 112 : index
        %get3A_275 = tpu.vector_load %arg14[%get3A_273, %get3A_274] {strides = array<i32>} : memref<16x512xi32, #tpu.memory_space<vmem>>, vector<16xi32>,
        %bitcast3A_276 = vector.bitcast %get3A_275 : vector<16xi32> to vector<32xbf16>
        %unpack3A_277 = tpu.unpack_subelements %bitcast3A_276, 0 {pack_format = #tpu.pack_format<interleaved>} : vector<32xbf16> -> vector<16xf32>
        %unpack3A_278 = tpu.unpack_subelements %bitcast3A_276, 1 {pack_format = #tpu.pack_format<interleaved>} : vector<32xbf16> -> vector<16xf32>
        %swap3A_279 = arith.index_cast %scan3A_192 : i32 to index
        %swap3A_280 = arith.constant 224 : index
        %swap3A_281 = tpu.vector_load %arg11[%swap3A_279, %swap3A_280] {strides = array<i32>} : memref<16x1024xf32, #tpu.memory_space<vmem>>, vector<16xf32>,
        tpu.vector_store %arg11[%swap3A_279, %swap3A_280], %unpack3A_277 {add = true, strides = array<i32>} : memref<16x1024xf32, #tpu.memory_space<vmem>>, vector<16xf32>,
        %swap3A_282 = arith.index_cast %scan3A_192 : i32 to index
        %swap3A_283 = arith.constant 240 : index
        %swap3A_284 = tpu.vector_load %arg11[%swap3A_282, %swap3A_283] {strides = array<i32>} : memref<16x1024xf32, #tpu.memory_space<vmem>>, vector<16xf32>,
        tpu.vector_store %arg11[%swap3A_282, %swap3A_283], %unpack3A_278 {add = true, strides = array<i32>} : memref<16x1024xf32, #tpu.memory_space<vmem>>, vector<16xf32>,
        %get3A_285 = arith.index_cast %scan3A_192 : i32 to index
        %get3A_286 = arith.constant 128 : index
        %get3A_287 = tpu.vector_load %arg14[%get3A_285, %get3A_286] {strides = array<i32>} : memref<16x512xi32, #tpu.memory_space<vmem>>, vector<16xi32>,
        %bitcast3A_288 = vector.bitcast %get3A_287 : vector<16xi32> to vector<32xbf16>
        %unpack3A_289 = tpu.unpack_subelements %bitcast3A_288, 0 {pack_format = #tpu.pack_format<interleaved>} : vector<32xbf16> -> vector<16xf32>
        %unpack3A_290 = tpu.unpack_subelements %bitcast3A_288, 1 {pack_format = #tpu.pack_format<interleaved>} : vector<32xbf16> -> vector<16xf32>
        %swap3A_291 = arith.index_cast %scan3A_192 : i32 to index
        %swap3A_292 = arith.constant 256 : index
        %swap3A_293 = tpu.vector_load %arg11[%swap3A_291, %swap3A_292] {strides = array<i32>} : memref<16x1024xf32, #tpu.memory_space<vmem>>, vector<16xf32>,
        tpu.vector_store %arg11[%swap3A_291, %swap3A_292], %unpack3A_289 {add = true, strides = array<i32>} : memref<16x1024xf32, #tpu.memory_space<vmem>>, vector<16xf32>,
        %swap3A_294 = arith.index_cast %scan3A_192 : i32 to index
        %swap3A_295 = arith.constant 272 : index
        %swap3A_296 = tpu.vector_load %arg11[%swap3A_294, %swap3A_295] {strides = array<i32>} : memref<16x1024xf32, #tpu.memory_space<vmem>>, vector<16xf32>,
        tpu.vector_store %arg11[%swap3A_294, %swap3A_295], %unpack3A_290 {add = true, strides = array<i32>} : memref<16x1024xf32, #tpu.memory_space<vmem>>, vector<16xf32>,
        %get3A_297 = arith.index_cast %scan3A_192 : i32 to index
        %get3A_298 = arith.constant 144 : index
        %get3A_299 = tpu.vector_load %arg14[%get3A_297, %get3A_298] {strides = array<i32>} : memref<16x512xi32, #tpu.memory_space<vmem>>, vector<16xi32>,
        %bitcast3A_300 = vector.bitcast %get3A_299 : vector<16xi32> to vector<32xbf16>
        %unpack3A_301 = tpu.unpack_subelements %bitcast3A_300, 0 {pack_format = #tpu.pack_format<interleaved>} : vector<32xbf16> -> vector<16xf32>
        %unpack3A_302 = tpu.unpack_subelements %bitcast3A_300, 1 {pack_format = #tpu.pack_format<interleaved>} : vector<32xbf16> -> vector<16xf32>
        %swap3A_303 = arith.index_cast %scan3A_192 : i32 to index
        %swap3A_304 = arith.constant 288 : index
        %swap3A_305 = tpu.vector_load %arg11[%swap3A_303, %swap3A_304] {strides = array<i32>} : memref<16x1024xf32, #tpu.memory_space<vmem>>, vector<16xf32>,
        tpu.vector_store %arg11[%swap3A_303, %swap3A_304], %unpack3A_301 {add = true, strides = array<i32>} : memref<16x1024xf32, #tpu.memory_space<vmem>>, vector<16xf32>,
        %swap3A_306 = arith.index_cast %scan3A_192 : i32 to index
        %swap3A_307 = arith.constant 304 : index
        %swap3A_308 = tpu.vector_load %arg11[%swap3A_306, %swap3A_307] {strides = array<i32>} : memref<16x1024xf32, #tpu.memory_space<vmem>>, vector<16xf32>,
        tpu.vector_store %arg11[%swap3A_306, %swap3A_307], %unpack3A_302 {add = true, strides = array<i32>} : memref<16x1024xf32, #tpu.memory_space<vmem>>, vector<16xf32>,
        %get3A_309 = arith.index_cast %scan3A_192 : i32 to index
        %get3A_310 = arith.constant 160 : index
        %get3A_311 = tpu.vector_load %arg14[%get3A_309, %get3A_310] {strides = array<i32>} : memref<16x512xi32, #tpu.memory_space<vmem>>, vector<16xi32>,
        %bitcast3A_312 = vector.bitcast %get3A_311 : vector<16xi32> to vector<32xbf16>
        %unpack3A_313 = tpu.unpack_subelements %bitcast3A_312, 0 {pack_format = #tpu.pack_format<interleaved>} : vector<32xbf16> -> vector<16xf32>
        %unpack3A_314 = tpu.unpack_subelements %bitcast3A_312, 1 {pack_format = #tpu.pack_format<interleaved>} : vector<32xbf16> -> vector<16xf32>
        %swap3A_315 = arith.index_cast %scan3A_192 : i32 to index
        %swap3A_316 = arith.constant 320 : index
        %swap3A_317 = tpu.vector_load %arg11[%swap3A_315, %swap3A_316] {strides = array<i32>} : memref<16x1024xf32, #tpu.memory_space<vmem>>, vector<16xf32>,
        tpu.vector_store %arg11[%swap3A_315, %swap3A_316], %unpack3A_313 {add = true, strides = array<i32>} : memref<16x1024xf32, #tpu.memory_space<vmem>>, vector<16xf32>,
        %swap3A_318 = arith.index_cast %scan3A_192 : i32 to index
        %swap3A_319 = arith.constant 336 : index
        %swap3A_320 = tpu.vector_load %arg11[%swap3A_318, %swap3A_319] {strides = array<i32>} : memref<16x1024xf32, #tpu.memory_space<vmem>>, vector<16xf32>,
        tpu.vector_store %arg11[%swap3A_318, %swap3A_319], %unpack3A_314 {add = true, strides = array<i32>} : memref<16x1024xf32, #tpu.memory_space<vmem>>, vector<16xf32>,
        %get3A_321 = arith.index_cast %scan3A_192 : i32 to index
        %get3A_322 = arith.constant 176 : index
        %get3A_323 = tpu.vector_load %arg14[%get3A_321, %get3A_322] {strides = array<i32>} : memref<16x512xi32, #tpu.memory_space<vmem>>, vector<16xi32>,
        %bitcast3A_324 = vector.bitcast %get3A_323 : vector<16xi32> to vector<32xbf16>
        %unpack3A_325 = tpu.unpack_subelements %bitcast3A_324, 0 {pack_format = #tpu.pack_format<interleaved>} : vector<32xbf16> -> vector<16xf32>
        %unpack3A_326 = tpu.unpack_subelements %bitcast3A_324, 1 {pack_format = #tpu.pack_format<interleaved>} : vector<32xbf16> -> vector<16xf32>
        %swap3A_327 = arith.index_cast %scan3A_192 : i32 to index
        %swap3A_328 = arith.constant 352 : index
        %swap3A_329 = tpu.vector_load %arg11[%swap3A_327, %swap3A_328] {strides = array<i32>} : memref<16x1024xf32, #tpu.memory_space<vmem>>, vector<16xf32>,
        tpu.vector_store %arg11[%swap3A_327, %swap3A_328], %unpack3A_325 {add = true, strides = array<i32>} : memref<16x1024xf32, #tpu.memory_space<vmem>>, vector<16xf32>,
        %swap3A_330 = arith.index_cast %scan3A_192 : i32 to index
        %swap3A_331 = arith.constant 368 : index
        %swap3A_332 = tpu.vector_load %arg11[%swap3A_330, %swap3A_331] {strides = array<i32>} : memref<16x1024xf32, #tpu.memory_space<vmem>>, vector<16xf32>,
        tpu.vector_store %arg11[%swap3A_330, %swap3A_331], %unpack3A_326 {add = true, strides = array<i32>} : memref<16x1024xf32, #tpu.memory_space<vmem>>, vector<16xf32>,
        %get3A_333 = arith.index_cast %scan3A_192 : i32 to index
        %get3A_334 = arith.constant 192 : index
        %get3A_335 = tpu.vector_load %arg14[%get3A_333, %get3A_334] {strides = array<i32>} : memref<16x512xi32, #tpu.memory_space<vmem>>, vector<16xi32>,
        %bitcast3A_336 = vector.bitcast %get3A_335 : vector<16xi32> to vector<32xbf16>
        %unpack3A_337 = tpu.unpack_subelements %bitcast3A_336, 0 {pack_format = #tpu.pack_format<interleaved>} : vector<32xbf16> -> vector<16xf32>
        %unpack3A_338 = tpu.unpack_subelements %bitcast3A_336, 1 {pack_format = #tpu.pack_format<interleaved>} : vector<32xbf16> -> vector<16xf32>
        %swap3A_339 = arith.index_cast %scan3A_192 : i32 to index
        %swap3A_340 = arith.constant 384 : index
        %swap3A_341 = tpu.vector_load %arg11[%swap3A_339, %swap3A_340] {strides = array<i32>} : memref<16x1024xf32, #tpu.memory_space<vmem>>, vector<16xf32>,
        tpu.vector_store %arg11[%swap3A_339, %swap3A_340], %unpack3A_337 {add = true, strides = array<i32>} : memref<16x1024xf32, #tpu.memory_space<vmem>>, vector<16xf32>,
        %swap3A_342 = arith.index_cast %scan3A_192 : i32 to index
        %swap3A_343 = arith.constant 400 : index
        %swap3A_344 = tpu.vector_load %arg11[%swap3A_342, %swap3A_343] {strides = array<i32>} : memref<16x1024xf32, #tpu.memory_space<vmem>>, vector<16xf32>,
        tpu.vector_store %arg11[%swap3A_342, %swap3A_343], %unpack3A_338 {add = true, strides = array<i32>} : memref<16x1024xf32, #tpu.memory_space<vmem>>, vector<16xf32>,
        %get3A_345 = arith.index_cast %scan3A_192 : i32 to index
        %get3A_346 = arith.constant 208 : index
        %get3A_347 = tpu.vector_load %arg14[%get3A_345, %get3A_346] {strides = array<i32>} : memref<16x512xi32, #tpu.memory_space<vmem>>, vector<16xi32>,
        %bitcast3A_348 = vector.bitcast %get3A_347 : vector<16xi32> to vector<32xbf16>
        %unpack3A_349 = tpu.unpack_subelements %bitcast3A_348, 0 {pack_format = #tpu.pack_format<interleaved>} : vector<32xbf16> -> vector<16xf32>
        %unpack3A_350 = tpu.unpack_subelements %bitcast3A_348, 1 {pack_format = #tpu.pack_format<interleaved>} : vector<32xbf16> -> vector<16xf32>
        %swap3A_351 = arith.index_cast %scan3A_192 : i32 to index
        %swap3A_352 = arith.constant 416 : index
        %swap3A_353 = tpu.vector_load %arg11[%swap3A_351, %swap3A_352] {strides = array<i32>} : memref<16x1024xf32, #tpu.memory_space<vmem>>, vector<16xf32>,
        tpu.vector_store %arg11[%swap3A_351, %swap3A_352], %unpack3A_349 {add = true, strides = array<i32>} : memref<16x1024xf32, #tpu.memory_space<vmem>>, vector<16xf32>,
        %swap3A_354 = arith.index_cast %scan3A_192 : i32 to index
        %swap3A_355 = arith.constant 432 : index
        %swap3A_356 = tpu.vector_load %arg11[%swap3A_354, %swap3A_355] {strides = array<i32>} : memref<16x1024xf32, #tpu.memory_space<vmem>>, vector<16xf32>,
        tpu.vector_store %arg11[%swap3A_354, %swap3A_355], %unpack3A_350 {add = true, strides = array<i32>} : memref<16x1024xf32, #tpu.memory_space<vmem>>, vector<16xf32>,
        %get3A_357 = arith.index_cast %scan3A_192 : i32 to index
        %get3A_358 = arith.constant 224 : index
        %get3A_359 = tpu.vector_load %arg14[%get3A_357, %get3A_358] {strides = array<i32>} : memref<16x512xi32, #tpu.memory_space<vmem>>, vector<16xi32>,
        %bitcast3A_360 = vector.bitcast %get3A_359 : vector<16xi32> to vector<32xbf16>
        %unpack3A_361 = tpu.unpack_subelements %bitcast3A_360, 0 {pack_format = #tpu.pack_format<interleaved>} : vector<32xbf16> -> vector<16xf32>
        %unpack3A_362 = tpu.unpack_subelements %bitcast3A_360, 1 {pack_format = #tpu.pack_format<interleaved>} : vector<32xbf16> -> vector<16xf32>
        %swap3A_363 = arith.index_cast %scan3A_192 : i32 to index
        %swap3A_364 = arith.constant 448 : index
        %swap3A_365 = tpu.vector_load %arg11[%swap3A_363, %swap3A_364] {strides = array<i32>} : memref<16x1024xf32, #tpu.memory_space<vmem>>, vector<16xf32>,
        tpu.vector_store %arg11[%swap3A_363, %swap3A_364], %unpack3A_361 {add = true, strides = array<i32>} : memref<16x1024xf32, #tpu.memory_space<vmem>>, vector<16xf32>,
        %swap3A_366 = arith.index_cast %scan3A_192 : i32 to index
        %swap3A_367 = arith.constant 464 : index
        %swap3A_368 = tpu.vector_load %arg11[%swap3A_366, %swap3A_367] {strides = array<i32>} : memref<16x1024xf32, #tpu.memory_space<vmem>>, vector<16xf32>,
        tpu.vector_store %arg11[%swap3A_366, %swap3A_367], %unpack3A_362 {add = true, strides = array<i32>} : memref<16x1024xf32, #tpu.memory_space<vmem>>, vector<16xf32>,
        %get3A_369 = arith.index_cast %scan3A_192 : i32 to index
        %get3A_370 = arith.constant 240 : index
        %get3A_371 = tpu.vector_load %arg14[%get3A_369, %get3A_370] {strides = array<i32>} : memref<16x512xi32, #tpu.memory_space<vmem>>, vector<16xi32>,
        %bitcast3A_372 = vector.bitcast %get3A_371 : vector<16xi32> to vector<32xbf16>
        %unpack3A_373 = tpu.unpack_subelements %bitcast3A_372, 0 {pack_format = #tpu.pack_format<interleaved>} : vector<32xbf16> -> vector<16xf32>
        %unpack3A_374 = tpu.unpack_subelements %bitcast3A_372, 1 {pack_format = #tpu.pack_format<interleaved>} : vector<32xbf16> -> vector<16xf32>
        %swap3A_375 = arith.index_cast %scan3A_192 : i32 to index
        %swap3A_376 = arith.constant 480 : index
        %swap3A_377 = tpu.vector_load %arg11[%swap3A_375, %swap3A_376] {strides = array<i32>} : memref<16x1024xf32, #tpu.memory_space<vmem>>, vector<16xf32>,
        tpu.vector_store %arg11[%swap3A_375, %swap3A_376], %unpack3A_373 {add = true, strides = array<i32>} : memref<16x1024xf32, #tpu.memory_space<vmem>>, vector<16xf32>,
        %swap3A_378 = arith.index_cast %scan3A_192 : i32 to index
        %swap3A_379 = arith.constant 496 : index
        %swap3A_380 = tpu.vector_load %arg11[%swap3A_378, %swap3A_379] {strides = array<i32>} : memref<16x1024xf32, #tpu.memory_space<vmem>>, vector<16xf32>,
        tpu.vector_store %arg11[%swap3A_378, %swap3A_379], %unpack3A_374 {add = true, strides = array<i32>} : memref<16x1024xf32, #tpu.memory_space<vmem>>, vector<16xf32>,
        %get3A_381 = arith.index_cast %scan3A_192 : i32 to index
        %get3A_382 = arith.constant 256 : index
        %get3A_383 = tpu.vector_load %arg14[%get3A_381, %get3A_382] {strides = array<i32>} : memref<16x512xi32, #tpu.memory_space<vmem>>, vector<16xi32>,
        %bitcast3A_384 = vector.bitcast %get3A_383 : vector<16xi32> to vector<32xbf16>
        %unpack3A_385 = tpu.unpack_subelements %bitcast3A_384, 0 {pack_format = #tpu.pack_format<interleaved>} : vector<32xbf16> -> vector<16xf32>
        %unpack3A_386 = tpu.unpack_subelements %bitcast3A_384, 1 {pack_format = #tpu.pack_format<interleaved>} : vector<32xbf16> -> vector<16xf32>
        %swap3A_387 = arith.index_cast %scan3A_192 : i32 to index
        %swap3A_388 = arith.constant 512 : index
        %swap3A_389 = tpu.vector_load %arg11[%swap3A_387, %swap3A_388] {strides = array<i32>} : memref<16x1024xf32, #tpu.memory_space<vmem>>, vector<16xf32>,
        tpu.vector_store %arg11[%swap3A_387, %swap3A_388], %unpack3A_385 {add = true, strides = array<i32>} : memref<16x1024xf32, #tpu.memory_space<vmem>>, vector<16xf32>,
        %swap3A_390 = arith.index_cast %scan3A_192 : i32 to index
        %swap3A_391 = arith.constant 528 : index
        %swap3A_392 = tpu.vector_load %arg11[%swap3A_390, %swap3A_391] {strides = array<i32>} : memref<16x1024xf32, #tpu.memory_space<vmem>>, vector<16xf32>,
        tpu.vector_store %arg11[%swap3A_390, %swap3A_391], %unpack3A_386 {add = true, strides = array<i32>} : memref<16x1024xf32, #tpu.memory_space<vmem>>, vector<16xf32>,
        %get3A_393 = arith.index_cast %scan3A_192 : i32 to index
        %get3A_394 = arith.constant 272 : index
        %get3A_395 = tpu.vector_load %arg14[%get3A_393, %get3A_394] {strides = array<i32>} : memref<16x512xi32, #tpu.memory_space<vmem>>, vector<16xi32>,
        %bitcast3A_396 = vector.bitcast %get3A_395 : vector<16xi32> to vector<32xbf16>
        %unpack3A_397 = tpu.unpack_subelements %bitcast3A_396, 0 {pack_format = #tpu.pack_format<interleaved>} : vector<32xbf16> -> vector<16xf32>
        %unpack3A_398 = tpu.unpack_subelements %bitcast3A_396, 1 {pack_format = #tpu.pack_format<interleaved>} : vector<32xbf16> -> vector<16xf32>
        %swap3A_399 = arith.index_cast %scan3A_192 : i32 to index
        %swap3A_400 = arith.constant 544 : index
        %swap3A_401 = tpu.vector_load %arg11[%swap3A_399, %swap3A_400] {strides = array<i32>} : memref<16x1024xf32, #tpu.memory_space<vmem>>, vector<16xf32>,
        tpu.vector_store %arg11[%swap3A_399, %swap3A_400], %unpack3A_397 {add = true, strides = array<i32>} : memref<16x1024xf32, #tpu.memory_space<vmem>>, vector<16xf32>,
        %swap3A_402 = arith.index_cast %scan3A_192 : i32 to index
        %swap3A_403 = arith.constant 560 : index
        %swap3A_404 = tpu.vector_load %arg11[%swap3A_402, %swap3A_403] {strides = array<i32>} : memref<16x1024xf32, #tpu.memory_space<vmem>>, vector<16xf32>,
        tpu.vector_store %arg11[%swap3A_402, %swap3A_403], %unpack3A_398 {add = true, strides = array<i32>} : memref<16x1024xf32, #tpu.memory_space<vmem>>, vector<16xf32>,
        %get3A_405 = arith.index_cast %scan3A_192 : i32 to index
        %get3A_406 = arith.constant 288 : index
        %get3A_407 = tpu.vector_load %arg14[%get3A_405, %get3A_406] {strides = array<i32>} : memref<16x512xi32, #tpu.memory_space<vmem>>, vector<16xi32>,
        %bitcast3A_408 = vector.bitcast %get3A_407 : vector<16xi32> to vector<32xbf16>
        %unpack3A_409 = tpu.unpack_subelements %bitcast3A_408, 0 {pack_format = #tpu.pack_format<interleaved>} : vector<32xbf16> -> vector<16xf32>
        %unpack3A_410 = tpu.unpack_subelements %bitcast3A_408, 1 {pack_format = #tpu.pack_format<interleaved>} : vector<32xbf16> -> vector<16xf32>
        %swap3A_411 = arith.index_cast %scan3A_192 : i32 to index
        %swap3A_412 = arith.constant 576 : index
        %swap3A_413 = tpu.vector_load %arg11[%swap3A_411, %swap3A_412] {strides = array<i32>} : memref<16x1024xf32, #tpu.memory_space<vmem>>, vector<16xf32>,
        tpu.vector_store %arg11[%swap3A_411, %swap3A_412], %unpack3A_409 {add = true, strides = array<i32>} : memref<16x1024xf32, #tpu.memory_space<vmem>>, vector<16xf32>,
        %swap3A_414 = arith.index_cast %scan3A_192 : i32 to index
        %swap3A_415 = arith.constant 592 : index
        %swap3A_416 = tpu.vector_load %arg11[%swap3A_414, %swap3A_415] {strides = array<i32>} : memref<16x1024xf32, #tpu.memory_space<vmem>>, vector<16xf32>,
        tpu.vector_store %arg11[%swap3A_414, %swap3A_415], %unpack3A_410 {add = true, strides = array<i32>} : memref<16x1024xf32, #tpu.memory_space<vmem>>, vector<16xf32>,
        %get3A_417 = arith.index_cast %scan3A_192 : i32 to index
        %get3A_418 = arith.constant 304 : index
        %get3A_419 = tpu.vector_load %arg14[%get3A_417, %get3A_418] {strides = array<i32>} : memref<16x512xi32, #tpu.memory_space<vmem>>, vector<16xi32>,
        %bitcast3A_420 = vector.bitcast %get3A_419 : vector<16xi32> to vector<32xbf16>
        %unpack3A_421 = tpu.unpack_subelements %bitcast3A_420, 0 {pack_format = #tpu.pack_format<interleaved>} : vector<32xbf16> -> vector<16xf32>
        %unpack3A_422 = tpu.unpack_subelements %bitcast3A_420, 1 {pack_format = #tpu.pack_format<interleaved>} : vector<32xbf16> -> vector<16xf32>
        %swap3A_423 = arith.index_cast %scan3A_192 : i32 to index
        %swap3A_424 = arith.constant 608 : index
        %swap3A_425 = tpu.vector_load %arg11[%swap3A_423, %swap3A_424] {strides = array<i32>} : memref<16x1024xf32, #tpu.memory_space<vmem>>, vector<16xf32>,
        tpu.vector_store %arg11[%swap3A_423, %swap3A_424], %unpack3A_421 {add = true, strides = array<i32>} : memref<16x1024xf32, #tpu.memory_space<vmem>>, vector<16xf32>,
        %swap3A_426 = arith.index_cast %scan3A_192 : i32 to index
        %swap3A_427 = arith.constant 624 : index
        %swap3A_428 = tpu.vector_load %arg11[%swap3A_426, %swap3A_427] {strides = array<i32>} : memref<16x1024xf32, #tpu.memory_space<vmem>>, vector<16xf32>,
        tpu.vector_store %arg11[%swap3A_426, %swap3A_427], %unpack3A_422 {add = true, strides = array<i32>} : memref<16x1024xf32, #tpu.memory_space<vmem>>, vector<16xf32>,
        %get3A_429 = arith.index_cast %scan3A_192 : i32 to index
        %get3A_430 = arith.constant 320 : index
        %get3A_431 = tpu.vector_load %arg14[%get3A_429, %get3A_430] {strides = array<i32>} : memref<16x512xi32, #tpu.memory_space<vmem>>, vector<16xi32>,
        %bitcast3A_432 = vector.bitcast %get3A_431 : vector<16xi32> to vector<32xbf16>
        %unpack3A_433 = tpu.unpack_subelements %bitcast3A_432, 0 {pack_format = #tpu.pack_format<interleaved>} : vector<32xbf16> -> vector<16xf32>
        %unpack3A_434 = tpu.unpack_subelements %bitcast3A_432, 1 {pack_format = #tpu.pack_format<interleaved>} : vector<32xbf16> -> vector<16xf32>
        %swap3A_435 = arith.index_cast %scan3A_192 : i32 to index
        %swap3A_436 = arith.constant 640 : index
        %swap3A_437 = tpu.vector_load %arg11[%swap3A_435, %swap3A_436] {strides = array<i32>} : memref<16x1024xf32, #tpu.memory_space<vmem>>, vector<16xf32>,
        tpu.vector_store %arg11[%swap3A_435, %swap3A_436], %unpack3A_433 {add = true, strides = array<i32>} : memref<16x1024xf32, #tpu.memory_space<vmem>>, vector<16xf32>,
        %swap3A_438 = arith.index_cast %scan3A_192 : i32 to index
        %swap3A_439 = arith.constant 656 : index
        %swap3A_440 = tpu.vector_load %arg11[%swap3A_438, %swap3A_439] {strides = array<i32>} : memref<16x1024xf32, #tpu.memory_space<vmem>>, vector<16xf32>,
        tpu.vector_store %arg11[%swap3A_438, %swap3A_439], %unpack3A_434 {add = true, strides = array<i32>} : memref<16x1024xf32, #tpu.memory_space<vmem>>, vector<16xf32>,
        %get3A_441 = arith.index_cast %scan3A_192 : i32 to index
        %get3A_442 = arith.constant 336 : index
        %get3A_443 = tpu.vector_load %arg14[%get3A_441, %get3A_442] {strides = array<i32>} : memref<16x512xi32, #tpu.memory_space<vmem>>, vector<16xi32>,
        %bitcast3A_444 = vector.bitcast %get3A_443 : vector<16xi32> to vector<32xbf16>
        %unpack3A_445 = tpu.unpack_subelements %bitcast3A_444, 0 {pack_format = #tpu.pack_format<interleaved>} : vector<32xbf16> -> vector<16xf32>
        %unpack3A_446 = tpu.unpack_subelements %bitcast3A_444, 1 {pack_format = #tpu.pack_format<interleaved>} : vector<32xbf16> -> vector<16xf32>
        %swap3A_447 = arith.index_cast %scan3A_192 : i32 to index
        %swap3A_448 = arith.constant 672 : index
        %swap3A_449 = tpu.vector_load %arg11[%swap3A_447, %swap3A_448] {strides = array<i32>} : memref<16x1024xf32, #tpu.memory_space<vmem>>, vector<16xf32>,
        tpu.vector_store %arg11[%swap3A_447, %swap3A_448], %unpack3A_445 {add = true, strides = array<i32>} : memref<16x1024xf32, #tpu.memory_space<vmem>>, vector<16xf32>,
        %swap3A_450 = arith.index_cast %scan3A_192 : i32 to index
        %swap3A_451 = arith.constant 688 : index
        %swap3A_452 = tpu.vector_load %arg11[%swap3A_450, %swap3A_451] {strides = array<i32>} : memref<16x1024xf32, #tpu.memory_space<vmem>>, vector<16xf32>,
        tpu.vector_store %arg11[%swap3A_450, %swap3A_451], %unpack3A_446 {add = true, strides = array<i32>} : memref<16x1024xf32, #tpu.memory_space<vmem>>, vector<16xf32>,
        %get3A_453 = arith.index_cast %scan3A_192 : i32 to index
        %get3A_454 = arith.constant 352 : index
        %get3A_455 = tpu.vector_load %arg14[%get3A_453, %get3A_454] {strides = array<i32>} : memref<16x512xi32, #tpu.memory_space<vmem>>, vector<16xi32>,
        %bitcast3A_456 = vector.bitcast %get3A_455 : vector<16xi32> to vector<32xbf16>
        %unpack3A_457 = tpu.unpack_subelements %bitcast3A_456, 0 {pack_format = #tpu.pack_format<interleaved>} : vector<32xbf16> -> vector<16xf32>
        %unpack3A_458 = tpu.unpack_subelements %bitcast3A_456, 1 {pack_format = #tpu.pack_format<interleaved>} : vector<32xbf16> -> vector<16xf32>
        %swap3A_459 = arith.index_cast %scan3A_192 : i32 to index
        %swap3A_460 = arith.constant 704 : index
        %swap3A_461 = tpu.vector_load %arg11[%swap3A_459, %swap3A_460] {strides = array<i32>} : memref<16x1024xf32, #tpu.memory_space<vmem>>, vector<16xf32>,
        tpu.vector_store %arg11[%swap3A_459, %swap3A_460], %unpack3A_457 {add = true, strides = array<i32>} : memref<16x1024xf32, #tpu.memory_space<vmem>>, vector<16xf32>,
        %swap3A_462 = arith.index_cast %scan3A_192 : i32 to index
        %swap3A_463 = arith.constant 720 : index
        %swap3A_464 = tpu.vector_load %arg11[%swap3A_462, %swap3A_463] {strides = array<i32>} : memref<16x1024xf32, #tpu.memory_space<vmem>>, vector<16xf32>,
        tpu.vector_store %arg11[%swap3A_462, %swap3A_463], %unpack3A_458 {add = true, strides = array<i32>} : memref<16x1024xf32, #tpu.memory_space<vmem>>, vector<16xf32>,
        %get3A_465 = arith.index_cast %scan3A_192 : i32 to index
        %get3A_466 = arith.constant 368 : index
        %get3A_467 = tpu.vector_load %arg14[%get3A_465, %get3A_466] {strides = array<i32>} : memref<16x512xi32, #tpu.memory_space<vmem>>, vector<16xi32>,
        %bitcast3A_468 = vector.bitcast %get3A_467 : vector<16xi32> to vector<32xbf16>
        %unpack3A_469 = tpu.unpack_subelements %bitcast3A_468, 0 {pack_format = #tpu.pack_format<interleaved>} : vector<32xbf16> -> vector<16xf32>
        %unpack3A_470 = tpu.unpack_subelements %bitcast3A_468, 1 {pack_format = #tpu.pack_format<interleaved>} : vector<32xbf16> -> vector<16xf32>
        %swap3A_471 = arith.index_cast %scan3A_192 : i32 to index
        %swap3A_472 = arith.constant 736 : index
        %swap3A_473 = tpu.vector_load %arg11[%swap3A_471, %swap3A_472] {strides = array<i32>} : memref<16x1024xf32, #tpu.memory_space<vmem>>, vector<16xf32>,
        tpu.vector_store %arg11[%swap3A_471, %swap3A_472], %unpack3A_469 {add = true, strides = array<i32>} : memref<16x1024xf32, #tpu.memory_space<vmem>>, vector<16xf32>,
        %swap3A_474 = arith.index_cast %scan3A_192 : i32 to index
        %swap3A_475 = arith.constant 752 : index
        %swap3A_476 = tpu.vector_load %arg11[%swap3A_474, %swap3A_475] {strides = array<i32>} : memref<16x1024xf32, #tpu.memory_space<vmem>>, vector<16xf32>,
        tpu.vector_store %arg11[%swap3A_474, %swap3A_475], %unpack3A_470 {add = true, strides = array<i32>} : memref<16x1024xf32, #tpu.memory_space<vmem>>, vector<16xf32>,
        %get3A_477 = arith.index_cast %scan3A_192 : i32 to index
        %get3A_478 = arith.constant 384 : index
        %get3A_479 = tpu.vector_load %arg14[%get3A_477, %get3A_478] {strides = array<i32>} : memref<16x512xi32, #tpu.memory_space<vmem>>, vector<16xi32>,
        %bitcast3A_480 = vector.bitcast %get3A_479 : vector<16xi32> to vector<32xbf16>
        %unpack3A_481 = tpu.unpack_subelements %bitcast3A_480, 0 {pack_format = #tpu.pack_format<interleaved>} : vector<32xbf16> -> vector<16xf32>
        %unpack3A_482 = tpu.unpack_subelements %bitcast3A_480, 1 {pack_format = #tpu.pack_format<interleaved>} : vector<32xbf16> -> vector<16xf32>
        %swap3A_483 = arith.index_cast %scan3A_192 : i32 to index
        %swap3A_484 = arith.constant 768 : index
        %swap3A_485 = tpu.vector_load %arg11[%swap3A_483, %swap3A_484] {strides = array<i32>} : memref<16x1024xf32, #tpu.memory_space<vmem>>, vector<16xf32>,
        tpu.vector_store %arg11[%swap3A_483, %swap3A_484], %unpack3A_481 {add = true, strides = array<i32>} : memref<16x1024xf32, #tpu.memory_space<vmem>>, vector<16xf32>,
        %swap3A_486 = arith.index_cast %scan3A_192 : i32 to index
        %swap3A_487 = arith.constant 784 : index
        %swap3A_488 = tpu.vector_load %arg11[%swap3A_486, %swap3A_487] {strides = array<i32>} : memref<16x1024xf32, #tpu.memory_space<vmem>>, vector<16xf32>,
        tpu.vector_store %arg11[%swap3A_486, %swap3A_487], %unpack3A_482 {add = true, strides = array<i32>} : memref<16x1024xf32, #tpu.memory_space<vmem>>, vector<16xf32>,
        %get3A_489 = arith.index_cast %scan3A_192 : i32 to index
        %get3A_490 = arith.constant 400 : index
        %get3A_491 = tpu.vector_load %arg14[%get3A_489, %get3A_490] {strides = array<i32>} : memref<16x512xi32, #tpu.memory_space<vmem>>, vector<16xi32>,
        %bitcast3A_492 = vector.bitcast %get3A_491 : vector<16xi32> to vector<32xbf16>
        %unpack3A_493 = tpu.unpack_subelements %bitcast3A_492, 0 {pack_format = #tpu.pack_format<interleaved>} : vector<32xbf16> -> vector<16xf32>
        %unpack3A_494 = tpu.unpack_subelements %bitcast3A_492, 1 {pack_format = #tpu.pack_format<interleaved>} : vector<32xbf16> -> vector<16xf32>
        %swap3A_495 = arith.index_cast %scan3A_192 : i32 to index
        %swap3A_496 = arith.constant 800 : index
        %swap3A_497 = tpu.vector_load %arg11[%swap3A_495, %swap3A_496] {strides = array<i32>} : memref<16x1024xf32, #tpu.memory_space<vmem>>, vector<16xf32>,
        tpu.vector_store %arg11[%swap3A_495, %swap3A_496], %unpack3A_493 {add = true, strides = array<i32>} : memref<16x1024xf32, #tpu.memory_space<vmem>>, vector<16xf32>,
        %swap3A_498 = arith.index_cast %scan3A_192 : i32 to index
        %swap3A_499 = arith.constant 816 : index
        %swap3A_500 = tpu.vector_load %arg11[%swap3A_498, %swap3A_499] {strides = array<i32>} : memref<16x1024xf32, #tpu.memory_space<vmem>>, vector<16xf32>,
        tpu.vector_store %arg11[%swap3A_498, %swap3A_499], %unpack3A_494 {add = true, strides = array<i32>} : memref<16x1024xf32, #tpu.memory_space<vmem>>, vector<16xf32>,
        %get3A_501 = arith.index_cast %scan3A_192 : i32 to index
        %get3A_502 = arith.constant 416 : index
        %get3A_503 = tpu.vector_load %arg14[%get3A_501, %get3A_502] {strides = array<i32>} : memref<16x512xi32, #tpu.memory_space<vmem>>, vector<16xi32>,
        %bitcast3A_504 = vector.bitcast %get3A_503 : vector<16xi32> to vector<32xbf16>
        %unpack3A_505 = tpu.unpack_subelements %bitcast3A_504, 0 {pack_format = #tpu.pack_format<interleaved>} : vector<32xbf16> -> vector<16xf32>
        %unpack3A_506 = tpu.unpack_subelements %bitcast3A_504, 1 {pack_format = #tpu.pack_format<interleaved>} : vector<32xbf16> -> vector<16xf32>
        %swap3A_507 = arith.index_cast %scan3A_192 : i32 to index
        %swap3A_508 = arith.constant 832 : index
        %swap3A_509 = tpu.vector_load %arg11[%swap3A_507, %swap3A_508] {strides = array<i32>} : memref<16x1024xf32, #tpu.memory_space<vmem>>, vector<16xf32>,
        tpu.vector_store %arg11[%swap3A_507, %swap3A_508], %unpack3A_505 {add = true, strides = array<i32>} : memref<16x1024xf32, #tpu.memory_space<vmem>>, vector<16xf32>,
        %swap3A_510 = arith.index_cast %scan3A_192 : i32 to index
        %swap3A_511 = arith.constant 848 : index
        %swap3A_512 = tpu.vector_load %arg11[%swap3A_510, %swap3A_511] {strides = array<i32>} : memref<16x1024xf32, #tpu.memory_space<vmem>>, vector<16xf32>,
        tpu.vector_store %arg11[%swap3A_510, %swap3A_511], %unpack3A_506 {add = true, strides = array<i32>} : memref<16x1024xf32, #tpu.memory_space<vmem>>, vector<16xf32>,
        %get3A_513 = arith.index_cast %scan3A_192 : i32 to index
        %get3A_514 = arith.constant 432 : index
        %get3A_515 = tpu.vector_load %arg14[%get3A_513, %get3A_514] {strides = array<i32>} : memref<16x512xi32, #tpu.memory_space<vmem>>, vector<16xi32>,
        %bitcast3A_516 = vector.bitcast %get3A_515 : vector<16xi32> to vector<32xbf16>
        %unpack3A_517 = tpu.unpack_subelements %bitcast3A_516, 0 {pack_format = #tpu.pack_format<interleaved>} : vector<32xbf16> -> vector<16xf32>
        %unpack3A_518 = tpu.unpack_subelements %bitcast3A_516, 1 {pack_format = #tpu.pack_format<interleaved>} : vector<32xbf16> -> vector<16xf32>
        %swap3A_519 = arith.index_cast %scan3A_192 : i32 to index
        %swap3A_520 = arith.constant 864 : index
        %swap3A_521 = tpu.vector_load %arg11[%swap3A_519, %swap3A_520] {strides = array<i32>} : memref<16x1024xf32, #tpu.memory_space<vmem>>, vector<16xf32>,
        tpu.vector_store %arg11[%swap3A_519, %swap3A_520], %unpack3A_517 {add = true, strides = array<i32>} : memref<16x1024xf32, #tpu.memory_space<vmem>>, vector<16xf32>,
        %swap3A_522 = arith.index_cast %scan3A_192 : i32 to index
        %swap3A_523 = arith.constant 880 : index
        %swap3A_524 = tpu.vector_load %arg11[%swap3A_522, %swap3A_523] {strides = array<i32>} : memref<16x1024xf32, #tpu.memory_space<vmem>>, vector<16xf32>,
        tpu.vector_store %arg11[%swap3A_522, %swap3A_523], %unpack3A_518 {add = true, strides = array<i32>} : memref<16x1024xf32, #tpu.memory_space<vmem>>, vector<16xf32>,
        %get3A_525 = arith.index_cast %scan3A_192 : i32 to index
        %get3A_526 = arith.constant 448 : index
        %get3A_527 = tpu.vector_load %arg14[%get3A_525, %get3A_526] {strides = array<i32>} : memref<16x512xi32, #tpu.memory_space<vmem>>, vector<16xi32>,
        %bitcast3A_528 = vector.bitcast %get3A_527 : vector<16xi32> to vector<32xbf16>
        %unpack3A_529 = tpu.unpack_subelements %bitcast3A_528, 0 {pack_format = #tpu.pack_format<interleaved>} : vector<32xbf16> -> vector<16xf32>
        %unpack3A_530 = tpu.unpack_subelements %bitcast3A_528, 1 {pack_format = #tpu.pack_format<interleaved>} : vector<32xbf16> -> vector<16xf32>
        %swap3A_531 = arith.index_cast %scan3A_192 : i32 to index
        %swap3A_532 = arith.constant 896 : index
        %swap3A_533 = tpu.vector_load %arg11[%swap3A_531, %swap3A_532] {strides = array<i32>} : memref<16x1024xf32, #tpu.memory_space<vmem>>, vector<16xf32>,
        tpu.vector_store %arg11[%swap3A_531, %swap3A_532], %unpack3A_529 {add = true, strides = array<i32>} : memref<16x1024xf32, #tpu.memory_space<vmem>>, vector<16xf32>,
        %swap3A_534 = arith.index_cast %scan3A_192 : i32 to index
        %swap3A_535 = arith.constant 912 : index
        %swap3A_536 = tpu.vector_load %arg11[%swap3A_534, %swap3A_535] {strides = array<i32>} : memref<16x1024xf32, #tpu.memory_space<vmem>>, vector<16xf32>,
        tpu.vector_store %arg11[%swap3A_534, %swap3A_535], %unpack3A_530 {add = true, strides = array<i32>} : memref<16x1024xf32, #tpu.memory_space<vmem>>, vector<16xf32>,
        %get3A_537 = arith.index_cast %scan3A_192 : i32 to index
        %get3A_538 = arith.constant 464 : index
        %get3A_539 = tpu.vector_load %arg14[%get3A_537, %get3A_538] {strides = array<i32>} : memref<16x512xi32, #tpu.memory_space<vmem>>, vector<16xi32>,
        %bitcast3A_540 = vector.bitcast %get3A_539 : vector<16xi32> to vector<32xbf16>
        %unpack3A_541 = tpu.unpack_subelements %bitcast3A_540, 0 {pack_format = #tpu.pack_format<interleaved>} : vector<32xbf16> -> vector<16xf32>
        %unpack3A_542 = tpu.unpack_subelements %bitcast3A_540, 1 {pack_format = #tpu.pack_format<interleaved>} : vector<32xbf16> -> vector<16xf32>
        %swap3A_543 = arith.index_cast %scan3A_192 : i32 to index
        %swap3A_544 = arith.constant 928 : index
        %swap3A_545 = tpu.vector_load %arg11[%swap3A_543, %swap3A_544] {strides = array<i32>} : memref<16x1024xf32, #tpu.memory_space<vmem>>, vector<16xf32>,
        tpu.vector_store %arg11[%swap3A_543, %swap3A_544], %unpack3A_541 {add = true, strides = array<i32>} : memref<16x1024xf32, #tpu.memory_space<vmem>>, vector<16xf32>,
        %swap3A_546 = arith.index_cast %scan3A_192 : i32 to index
        %swap3A_547 = arith.constant 944 : index
        %swap3A_548 = tpu.vector_load %arg11[%swap3A_546, %swap3A_547] {strides = array<i32>} : memref<16x1024xf32, #tpu.memory_space<vmem>>, vector<16xf32>,
        tpu.vector_store %arg11[%swap3A_546, %swap3A_547], %unpack3A_542 {add = true, strides = array<i32>} : memref<16x1024xf32, #tpu.memory_space<vmem>>, vector<16xf32>,
        %get3A_549 = arith.index_cast %scan3A_192 : i32 to index
        %get3A_550 = arith.constant 480 : index
        %get3A_551 = tpu.vector_load %arg14[%get3A_549, %get3A_550] {strides = array<i32>} : memref<16x512xi32, #tpu.memory_space<vmem>>, vector<16xi32>,
        %bitcast3A_552 = vector.bitcast %get3A_551 : vector<16xi32> to vector<32xbf16>
        %unpack3A_553 = tpu.unpack_subelements %bitcast3A_552, 0 {pack_format = #tpu.pack_format<interleaved>} : vector<32xbf16> -> vector<16xf32>
        %unpack3A_554 = tpu.unpack_subelements %bitcast3A_552, 1 {pack_format = #tpu.pack_format<interleaved>} : vector<32xbf16> -> vector<16xf32>
        %swap3A_555 = arith.index_cast %scan3A_192 : i32 to index
        %swap3A_556 = arith.constant 960 : index
        %swap3A_557 = tpu.vector_load %arg11[%swap3A_555, %swap3A_556] {strides = array<i32>} : memref<16x1024xf32, #tpu.memory_space<vmem>>, vector<16xf32>,
        tpu.vector_store %arg11[%swap3A_555, %swap3A_556], %unpack3A_553 {add = true, strides = array<i32>} : memref<16x1024xf32, #tpu.memory_space<vmem>>, vector<16xf32>,
        %swap3A_558 = arith.index_cast %scan3A_192 : i32 to index
        %swap3A_559 = arith.constant 976 : index
        %swap3A_560 = tpu.vector_load %arg11[%swap3A_558, %swap3A_559] {strides = array<i32>} : memref<16x1024xf32, #tpu.memory_space<vmem>>, vector<16xf32>,
        tpu.vector_store %arg11[%swap3A_558, %swap3A_559], %unpack3A_554 {add = true, strides = array<i32>} : memref<16x1024xf32, #tpu.memory_space<vmem>>, vector<16xf32>,
        %get3A_561 = arith.index_cast %scan3A_192 : i32 to index
        %get3A_562 = arith.constant 496 : index
        %get3A_563 = tpu.vector_load %arg14[%get3A_561, %get3A_562] {strides = array<i32>} : memref<16x512xi32, #tpu.memory_space<vmem>>, vector<16xi32>,
        %bitcast3A_564 = vector.bitcast %get3A_563 : vector<16xi32> to vector<32xbf16>
        %unpack3A_565 = tpu.unpack_subelements %bitcast3A_564, 0 {pack_format = #tpu.pack_format<interleaved>} : vector<32xbf16> -> vector<16xf32>
        %unpack3A_566 = tpu.unpack_subelements %bitcast3A_564, 1 {pack_format = #tpu.pack_format<interleaved>} : vector<32xbf16> -> vector<16xf32>
        %swap3A_567 = arith.index_cast %scan3A_192 : i32 to index
        %swap3A_568 = arith.constant 992 : index
        %swap3A_569 = tpu.vector_load %arg11[%swap3A_567, %swap3A_568] {strides = array<i32>} : memref<16x1024xf32, #tpu.memory_space<vmem>>, vector<16xf32>,
        tpu.vector_store %arg11[%swap3A_567, %swap3A_568], %unpack3A_565 {add = true, strides = array<i32>} : memref<16x1024xf32, #tpu.memory_space<vmem>>, vector<16xf32>,
        %swap3A_570 = arith.index_cast %scan3A_192 : i32 to index
        %swap3A_571 = arith.constant 1008 : index
        %swap3A_572 = tpu.vector_load %arg11[%swap3A_570, %swap3A_571] {strides = array<i32>} : memref<16x1024xf32, #tpu.memory_space<vmem>>, vector<16xf32>,
        tpu.vector_store %arg11[%swap3A_570, %swap3A_571], %unpack3A_566 {add = true, strides = array<i32>} : memref<16x1024xf32, #tpu.memory_space<vmem>>, vector<16xf32>,
      }
      %scan3A_130 = arith.constant 16 : i32
      %mul3A_131 = arith.constant 16 : i32
      %mul3A_132 = arith.muli %add3A_111, %mul3A_131 : i32
      %add3A_133 = arith.addi %mul3A_2, %mul3A_132 : i32
      %dma_start3A_134 = arith.constant 0 : i32
      %dma_start3A_135 = tpu.memref_slice %arg6[%add3A_133, %dma_start3A_134] : memref<32768x1024xf32, #tpu.memory_space<hbm>> -> memref<16x1024xf32, #tpu.memory_space<hbm>>
      %dma_start3A_136 = arith.constant 0 : i32
      %dma_start3A_137 = tpu.memref_slice %arg6[%add3A_133, %dma_start3A_136] : memref<32768x1024xf32, #tpu.memory_space<hbm>> -> memref<16x1024xf32, #tpu.memory_space<hbm>>
      tpu.enqueue_dma source(%arg11 : memref<16x1024xf32, #tpu.memory_space<vmem>>) target(%dma_start3A_137 : memref<16x1024xf32, #tpu.memory_space<hbm>>) target_semaphore(%arg23 : memref<!tpu.dma_semaphore, #tpu.memory_space<semaphore_mem>>)
      %ge3A_138 = arith.constant 1 : i32
      %ge3A_139 = arith.cmpi sge, %add3A_111, %ge3A_138 : i32
      %convert_element_type3A_140 = arith.extui %ge3A_139 : i1 to i32
      %cond3A_141 = arith.constant 0 : i32
      %cond3A_142 = arith.cmpi ne, %convert_element_type3A_140, %cond3A_141 : i32
      scf.if %cond3A_142 {
        %sub3A = arith.constant 1 : i32
        %sub3A_192 = arith.subi %add3A_111, %sub3A : i32
        %mul3A_193 = arith.constant 16 : i32
        %mul3A_194 = arith.muli %sub3A_192, %mul3A_193 : i32
        %add3A_195 = arith.addi %mul3A_2, %mul3A_194 : i32
        %dma_wait3A_196 = arith.constant 0 : i32
        %dma_wait3A_197 = tpu.memref_slice %arg6[%add3A_195, %dma_wait3A_196] : memref<32768x1024xf32, #tpu.memory_space<hbm>> -> memref<16x1024xf32, #tpu.memory_space<hbm>>
        %dma_wait3A_198 = arith.constant 0 : i32
        %dma_wait3A_199 = tpu.memref_slice %arg6[%add3A_195, %dma_wait3A_198] : memref<32768x1024xf32, #tpu.memory_space<hbm>> -> memref<16x1024xf32, #tpu.memory_space<hbm>>
        tpu.wait_dma2 semaphore(%arg22 : memref<!tpu.dma_semaphore, #tpu.memory_space<semaphore_mem>>) src(%arg10 : memref<16x1024xf32, #tpu.memory_space<vmem>>) dst(%dma_wait3A_199 : memref<16x1024xf32, #tpu.memory_space<hbm>>)
      } else {
      }
      %add3A_143 = arith.constant 2 : i32
      %add3A_144 = arith.addi %add3A_111, %add3A_143 : i32
      %lt3A_145 = arith.constant 64 : i32
      %lt3A_146 = arith.cmpi slt, %add3A_144, %lt3A_145 : i32
      %convert_element_type3A_147 = arith.extui %lt3A_146 : i1 to i32
      %cond3A_148 = arith.constant 0 : i32
      %cond3A_149 = arith.cmpi ne, %convert_element_type3A_147, %cond3A_148 : i32
      scf.if %cond3A_149 {
        %add3A_192 = arith.constant 2 : i32
        %add3A_193 = arith.addi %add3A_111, %add3A_192 : i32
        %mul3A_194 = arith.constant 16 : i32
        %mul3A_195 = arith.muli %add3A_193, %mul3A_194 : i32
        %add3A_196 = arith.addi %mul3A_2, %mul3A_195 : i32
        %mul3A_197 = arith.constant 16 : i32
        %mul3A_198 = arith.muli %add3A_193, %mul3A_197 : i32
        %dma_start3A_199 = arith.constant 0 : i32
        %dma_start3A_200 = tpu.memref_slice %arg2[%add3A_196, %dma_start3A_199] : memref<32768x1024xf32, #tpu.memory_space<hbm>> -> memref<16x1024xf32, #tpu.memory_space<hbm>>
        %dma_start3A_201 = arith.constant 0 : i32
        %dma_start3A_202 = tpu.memref_slice %arg2[%add3A_196, %dma_start3A_201] : memref<32768x1024xf32, #tpu.memory_space<hbm>> -> memref<16x1024xf32, #tpu.memory_space<hbm>>
        tpu.enqueue_dma source(%dma_start3A_202 : memref<16x1024xf32, #tpu.memory_space<hbm>>) target(%arg10 : memref<16x1024xf32, #tpu.memory_space<vmem>>) target_semaphore(%arg16 : memref<!tpu.dma_semaphore, #tpu.memory_space<semaphore_mem>>)
        %dma_start3A_203 = tpu.memref_slice %arg9[%mul3A_198] : memref<1024xi32, #tpu.memory_space<vmem>> -> memref<16xi32, #tpu.memory_space<vmem>>
        %dma_start3A_204 = arith.constant 0 : i32
        %dma_start3A_205 = arith.constant 0 : i32
        %dma_start3A_206 = tpu.memref_slice %arg5[%dma_start3A_204, %dma_start3A_205] : memref<372x512xi32, #tpu.memory_space<hbm>> -> memref<372x512xi32, #tpu.memory_space<hbm>>
        tpu.enqueue_indirect_dma source(%dma_start3A_206 : memref<372x512xi32, #tpu.memory_space<hbm>>) target(%arg13 : memref<16x512xi32, #tpu.memory_space<vmem>>) offsets(%dma_start3A_203 : memref<16xi32, #tpu.memory_space<vmem>>) semaphore(%arg19 : memref<!tpu.dma_semaphore, #tpu.memory_space<semaphore_mem>>)
      } else {
      }
      %mul3A_150 = arith.constant 3 : i32
      %mul3A_151 = arith.muli %scan3A_69, %mul3A_150 : i32
      %add3A_152 = arith.constant 2 : i32
      %add3A_153 = arith.addi %mul3A_151, %add3A_152 : i32
      %mul3A_154 = arith.constant 16 : i32
      %mul3A_155 = arith.muli %add3A_153, %mul3A_154 : i32
      %add3A_156 = arith.addi %mul3A_2, %mul3A_155 : i32
      %mul3A_157 = arith.constant 16 : i32
      %mul3A_158 = arith.muli %add3A_153, %mul3A_157 : i32
      %dma_wait3A_159 = arith.constant 0 : i32
      %dma_wait3A_160 = tpu.memref_slice %arg2[%add3A_156, %dma_wait3A_159] : memref<32768x1024xf32, #tpu.memory_space<hbm>> -> memref<16x1024xf32, #tpu.memory_space<hbm>>
      %dma_wait3A_161 = arith.constant 0 : i32
      %dma_wait3A_162 = tpu.memref_slice %arg2[%add3A_156, %dma_wait3A_161] : memref<32768x1024xf32, #tpu.memory_space<hbm>> -> memref<16x1024xf32, #tpu.memory_space<hbm>>
      tpu.wait_dma2 semaphore(%arg18 : memref<!tpu.dma_semaphore, #tpu.memory_space<semaphore_mem>>) src(%dma_wait3A_162 : memref<16x1024xf32, #tpu.memory_space<hbm>>) dst(%arg12 : memref<16x1024xf32, #tpu.memory_space<vmem>>)
      %dma_wait3A_163 = tpu.memref_slice %arg9[%mul3A_158] : memref<1024xi32, #tpu.memory_space<vmem>> -> memref<16xi32, #tpu.memory_space<vmem>>
      %dma_wait3A_164 = arith.constant 0 : i32
      %dma_wait3A_165 = arith.constant 0 : i32
      %dma_wait3A_166 = tpu.memref_slice %arg5[%dma_wait3A_164, %dma_wait3A_165] : memref<372x512xi32, #tpu.memory_space<hbm>> -> memref<372x512xi32, #tpu.memory_space<hbm>>
      tpu.wait_indirect_dma semaphore(%arg21 : memref<!tpu.dma_semaphore, #tpu.memory_space<semaphore_mem>>) src(%dma_wait3A_166 : memref<372x512xi32, #tpu.memory_space<hbm>>) dst(%arg15 : memref<16x512xi32, #tpu.memory_space<vmem>>)
      %scan3A_167 = arith.constant 0 : i32
      %scan3A_168 = arith.constant 0 : i32
      %scan3A_169 = arith.constant 16 : i32
      %scan3A_170 = arith.addi %scan3A_168, %scan3A_169 : i32
      %scan3A_171 = arith.constant 1 : i32
      scf.for %scan3A_192 = %scan3A_168 to %scan3A_170 step %scan3A_171  : i32 {
        %get3A = arith.index_cast %scan3A_192 : i32 to index
        %get3A_193 = arith.constant 0 : index
        %get3A_194 = tpu.vector_load %arg15[%get3A, %get3A_193] {strides = array<i32>} : memref<16x512xi32, #tpu.memory_space<vmem>>, vector<16xi32>,
        %bitcast3A = vector.bitcast %get3A_194 : vector<16xi32> to vector<32xbf16>
        %unpack3A = tpu.unpack_subelements %bitcast3A, 0 {pack_format = #tpu.pack_format<interleaved>} : vector<32xbf16> -> vector<16xf32>
        %unpack3A_195 = tpu.unpack_subelements %bitcast3A, 1 {pack_format = #tpu.pack_format<interleaved>} : vector<32xbf16> -> vector<16xf32>
        %swap3A = arith.index_cast %scan3A_192 : i32 to index
        %swap3A_196 = arith.constant 0 : index
        %swap3A_197 = tpu.vector_load %arg12[%swap3A, %swap3A_196] {strides = array<i32>} : memref<16x1024xf32, #tpu.memory_space<vmem>>, vector<16xf32>,
        tpu.vector_store %arg12[%swap3A, %swap3A_196], %unpack3A {add = true, strides = array<i32>} : memref<16x1024xf32, #tpu.memory_space<vmem>>, vector<16xf32>,
        %swap3A_198 = arith.index_cast %scan3A_192 : i32 to index
        %swap3A_199 = arith.constant 16 : index
        %swap3A_200 = tpu.vector_load %arg12[%swap3A_198, %swap3A_199] {strides = array<i32>} : memref<16x1024xf32, #tpu.memory_space<vmem>>, vector<16xf32>,
        tpu.vector_store %arg12[%swap3A_198, %swap3A_199], %unpack3A_195 {add = true, strides = array<i32>} : memref<16x1024xf32, #tpu.memory_space<vmem>>, vector<16xf32>,
        %get3A_201 = arith.index_cast %scan3A_192 : i32 to index
        %get3A_202 = arith.constant 16 : index
        %get3A_203 = tpu.vector_load %arg15[%get3A_201, %get3A_202] {strides = array<i32>} : memref<16x512xi32, #tpu.memory_space<vmem>>, vector<16xi32>,
        %bitcast3A_204 = vector.bitcast %get3A_203 : vector<16xi32> to vector<32xbf16>
        %unpack3A_205 = tpu.unpack_subelements %bitcast3A_204, 0 {pack_format = #tpu.pack_format<interleaved>} : vector<32xbf16> -> vector<16xf32>
        %unpack3A_206 = tpu.unpack_subelements %bitcast3A_204, 1 {pack_format = #tpu.pack_format<interleaved>} : vector<32xbf16> -> vector<16xf32>
        %swap3A_207 = arith.index_cast %scan3A_192 : i32 to index
        %swap3A_208 = arith.constant 32 : index
        %swap3A_209 = tpu.vector_load %arg12[%swap3A_207, %swap3A_208] {strides = array<i32>} : memref<16x1024xf32, #tpu.memory_space<vmem>>, vector<16xf32>,
        tpu.vector_store %arg12[%swap3A_207, %swap3A_208], %unpack3A_205 {add = true, strides = array<i32>} : memref<16x1024xf32, #tpu.memory_space<vmem>>, vector<16xf32>,
        %swap3A_210 = arith.index_cast %scan3A_192 : i32 to index
        %swap3A_211 = arith.constant 48 : index
        %swap3A_212 = tpu.vector_load %arg12[%swap3A_210, %swap3A_211] {strides = array<i32>} : memref<16x1024xf32, #tpu.memory_space<vmem>>, vector<16xf32>,
        tpu.vector_store %arg12[%swap3A_210, %swap3A_211], %unpack3A_206 {add = true, strides = array<i32>} : memref<16x1024xf32, #tpu.memory_space<vmem>>, vector<16xf32>,
        %get3A_213 = arith.index_cast %scan3A_192 : i32 to index
        %get3A_214 = arith.constant 32 : index
        %get3A_215 = tpu.vector_load %arg15[%get3A_213, %get3A_214] {strides = array<i32>} : memref<16x512xi32, #tpu.memory_space<vmem>>, vector<16xi32>,
        %bitcast3A_216 = vector.bitcast %get3A_215 : vector<16xi32> to vector<32xbf16>
        %unpack3A_217 = tpu.unpack_subelements %bitcast3A_216, 0 {pack_format = #tpu.pack_format<interleaved>} : vector<32xbf16> -> vector<16xf32>
        %unpack3A_218 = tpu.unpack_subelements %bitcast3A_216, 1 {pack_format = #tpu.pack_format<interleaved>} : vector<32xbf16> -> vector<16xf32>
        %swap3A_219 = arith.index_cast %scan3A_192 : i32 to index
        %swap3A_220 = arith.constant 64 : index
        %swap3A_221 = tpu.vector_load %arg12[%swap3A_219, %swap3A_220] {strides = array<i32>} : memref<16x1024xf32, #tpu.memory_space<vmem>>, vector<16xf32>,
        tpu.vector_store %arg12[%swap3A_219, %swap3A_220], %unpack3A_217 {add = true, strides = array<i32>} : memref<16x1024xf32, #tpu.memory_space<vmem>>, vector<16xf32>,
        %swap3A_222 = arith.index_cast %scan3A_192 : i32 to index
        %swap3A_223 = arith.constant 80 : index
        %swap3A_224 = tpu.vector_load %arg12[%swap3A_222, %swap3A_223] {strides = array<i32>} : memref<16x1024xf32, #tpu.memory_space<vmem>>, vector<16xf32>,
        tpu.vector_store %arg12[%swap3A_222, %swap3A_223], %unpack3A_218 {add = true, strides = array<i32>} : memref<16x1024xf32, #tpu.memory_space<vmem>>, vector<16xf32>,
        %get3A_225 = arith.index_cast %scan3A_192 : i32 to index
        %get3A_226 = arith.constant 48 : index
        %get3A_227 = tpu.vector_load %arg15[%get3A_225, %get3A_226] {strides = array<i32>} : memref<16x512xi32, #tpu.memory_space<vmem>>, vector<16xi32>,
        %bitcast3A_228 = vector.bitcast %get3A_227 : vector<16xi32> to vector<32xbf16>
        %unpack3A_229 = tpu.unpack_subelements %bitcast3A_228, 0 {pack_format = #tpu.pack_format<interleaved>} : vector<32xbf16> -> vector<16xf32>
        %unpack3A_230 = tpu.unpack_subelements %bitcast3A_228, 1 {pack_format = #tpu.pack_format<interleaved>} : vector<32xbf16> -> vector<16xf32>
        %swap3A_231 = arith.index_cast %scan3A_192 : i32 to index
        %swap3A_232 = arith.constant 96 : index
        %swap3A_233 = tpu.vector_load %arg12[%swap3A_231, %swap3A_232] {strides = array<i32>} : memref<16x1024xf32, #tpu.memory_space<vmem>>, vector<16xf32>,
        tpu.vector_store %arg12[%swap3A_231, %swap3A_232], %unpack3A_229 {add = true, strides = array<i32>} : memref<16x1024xf32, #tpu.memory_space<vmem>>, vector<16xf32>,
        %swap3A_234 = arith.index_cast %scan3A_192 : i32 to index
        %swap3A_235 = arith.constant 112 : index
        %swap3A_236 = tpu.vector_load %arg12[%swap3A_234, %swap3A_235] {strides = array<i32>} : memref<16x1024xf32, #tpu.memory_space<vmem>>, vector<16xf32>,
        tpu.vector_store %arg12[%swap3A_234, %swap3A_235], %unpack3A_230 {add = true, strides = array<i32>} : memref<16x1024xf32, #tpu.memory_space<vmem>>, vector<16xf32>,
        %get3A_237 = arith.index_cast %scan3A_192 : i32 to index
        %get3A_238 = arith.constant 64 : index
        %get3A_239 = tpu.vector_load %arg15[%get3A_237, %get3A_238] {strides = array<i32>} : memref<16x512xi32, #tpu.memory_space<vmem>>, vector<16xi32>,
        %bitcast3A_240 = vector.bitcast %get3A_239 : vector<16xi32> to vector<32xbf16>
        %unpack3A_241 = tpu.unpack_subelements %bitcast3A_240, 0 {pack_format = #tpu.pack_format<interleaved>} : vector<32xbf16> -> vector<16xf32>
        %unpack3A_242 = tpu.unpack_subelements %bitcast3A_240, 1 {pack_format = #tpu.pack_format<interleaved>} : vector<32xbf16> -> vector<16xf32>
        %swap3A_243 = arith.index_cast %scan3A_192 : i32 to index
        %swap3A_244 = arith.constant 128 : index
        %swap3A_245 = tpu.vector_load %arg12[%swap3A_243, %swap3A_244] {strides = array<i32>} : memref<16x1024xf32, #tpu.memory_space<vmem>>, vector<16xf32>,
        tpu.vector_store %arg12[%swap3A_243, %swap3A_244], %unpack3A_241 {add = true, strides = array<i32>} : memref<16x1024xf32, #tpu.memory_space<vmem>>, vector<16xf32>,
        %swap3A_246 = arith.index_cast %scan3A_192 : i32 to index
        %swap3A_247 = arith.constant 144 : index
        %swap3A_248 = tpu.vector_load %arg12[%swap3A_246, %swap3A_247] {strides = array<i32>} : memref<16x1024xf32, #tpu.memory_space<vmem>>, vector<16xf32>,
        tpu.vector_store %arg12[%swap3A_246, %swap3A_247], %unpack3A_242 {add = true, strides = array<i32>} : memref<16x1024xf32, #tpu.memory_space<vmem>>, vector<16xf32>,
        %get3A_249 = arith.index_cast %scan3A_192 : i32 to index
        %get3A_250 = arith.constant 80 : index
        %get3A_251 = tpu.vector_load %arg15[%get3A_249, %get3A_250] {strides = array<i32>} : memref<16x512xi32, #tpu.memory_space<vmem>>, vector<16xi32>,
        %bitcast3A_252 = vector.bitcast %get3A_251 : vector<16xi32> to vector<32xbf16>
        %unpack3A_253 = tpu.unpack_subelements %bitcast3A_252, 0 {pack_format = #tpu.pack_format<interleaved>} : vector<32xbf16> -> vector<16xf32>
        %unpack3A_254 = tpu.unpack_subelements %bitcast3A_252, 1 {pack_format = #tpu.pack_format<interleaved>} : vector<32xbf16> -> vector<16xf32>
        %swap3A_255 = arith.index_cast %scan3A_192 : i32 to index
        %swap3A_256 = arith.constant 160 : index
        %swap3A_257 = tpu.vector_load %arg12[%swap3A_255, %swap3A_256] {strides = array<i32>} : memref<16x1024xf32, #tpu.memory_space<vmem>>, vector<16xf32>,
        tpu.vector_store %arg12[%swap3A_255, %swap3A_256], %unpack3A_253 {add = true, strides = array<i32>} : memref<16x1024xf32, #tpu.memory_space<vmem>>, vector<16xf32>,
        %swap3A_258 = arith.index_cast %scan3A_192 : i32 to index
        %swap3A_259 = arith.constant 176 : index
        %swap3A_260 = tpu.vector_load %arg12[%swap3A_258, %swap3A_259] {strides = array<i32>} : memref<16x1024xf32, #tpu.memory_space<vmem>>, vector<16xf32>,
        tpu.vector_store %arg12[%swap3A_258, %swap3A_259], %unpack3A_254 {add = true, strides = array<i32>} : memref<16x1024xf32, #tpu.memory_space<vmem>>, vector<16xf32>,
        %get3A_261 = arith.index_cast %scan3A_192 : i32 to index
        %get3A_262 = arith.constant 96 : index
        %get3A_263 = tpu.vector_load %arg15[%get3A_261, %get3A_262] {strides = array<i32>} : memref<16x512xi32, #tpu.memory_space<vmem>>, vector<16xi32>,
        %bitcast3A_264 = vector.bitcast %get3A_263 : vector<16xi32> to vector<32xbf16>
        %unpack3A_265 = tpu.unpack_subelements %bitcast3A_264, 0 {pack_format = #tpu.pack_format<interleaved>} : vector<32xbf16> -> vector<16xf32>
        %unpack3A_266 = tpu.unpack_subelements %bitcast3A_264, 1 {pack_format = #tpu.pack_format<interleaved>} : vector<32xbf16> -> vector<16xf32>
        %swap3A_267 = arith.index_cast %scan3A_192 : i32 to index
        %swap3A_268 = arith.constant 192 : index
        %swap3A_269 = tpu.vector_load %arg12[%swap3A_267, %swap3A_268] {strides = array<i32>} : memref<16x1024xf32, #tpu.memory_space<vmem>>, vector<16xf32>,
        tpu.vector_store %arg12[%swap3A_267, %swap3A_268], %unpack3A_265 {add = true, strides = array<i32>} : memref<16x1024xf32, #tpu.memory_space<vmem>>, vector<16xf32>,
        %swap3A_270 = arith.index_cast %scan3A_192 : i32 to index
        %swap3A_271 = arith.constant 208 : index
        %swap3A_272 = tpu.vector_load %arg12[%swap3A_270, %swap3A_271] {strides = array<i32>} : memref<16x1024xf32, #tpu.memory_space<vmem>>, vector<16xf32>,
        tpu.vector_store %arg12[%swap3A_270, %swap3A_271], %unpack3A_266 {add = true, strides = array<i32>} : memref<16x1024xf32, #tpu.memory_space<vmem>>, vector<16xf32>,
        %get3A_273 = arith.index_cast %scan3A_192 : i32 to index
        %get3A_274 = arith.constant 112 : index
        %get3A_275 = tpu.vector_load %arg15[%get3A_273, %get3A_274] {strides = array<i32>} : memref<16x512xi32, #tpu.memory_space<vmem>>, vector<16xi32>,
        %bitcast3A_276 = vector.bitcast %get3A_275 : vector<16xi32> to vector<32xbf16>
        %unpack3A_277 = tpu.unpack_subelements %bitcast3A_276, 0 {pack_format = #tpu.pack_format<interleaved>} : vector<32xbf16> -> vector<16xf32>
        %unpack3A_278 = tpu.unpack_subelements %bitcast3A_276, 1 {pack_format = #tpu.pack_format<interleaved>} : vector<32xbf16> -> vector<16xf32>
        %swap3A_279 = arith.index_cast %scan3A_192 : i32 to index
        %swap3A_280 = arith.constant 224 : index
        %swap3A_281 = tpu.vector_load %arg12[%swap3A_279, %swap3A_280] {strides = array<i32>} : memref<16x1024xf32, #tpu.memory_space<vmem>>, vector<16xf32>,
        tpu.vector_store %arg12[%swap3A_279, %swap3A_280], %unpack3A_277 {add = true, strides = array<i32>} : memref<16x1024xf32, #tpu.memory_space<vmem>>, vector<16xf32>,
        %swap3A_282 = arith.index_cast %scan3A_192 : i32 to index
        %swap3A_283 = arith.constant 240 : index
        %swap3A_284 = tpu.vector_load %arg12[%swap3A_282, %swap3A_283] {strides = array<i32>} : memref<16x1024xf32, #tpu.memory_space<vmem>>, vector<16xf32>,
        tpu.vector_store %arg12[%swap3A_282, %swap3A_283], %unpack3A_278 {add = true, strides = array<i32>} : memref<16x1024xf32, #tpu.memory_space<vmem>>, vector<16xf32>,
        %get3A_285 = arith.index_cast %scan3A_192 : i32 to index
        %get3A_286 = arith.constant 128 : index
        %get3A_287 = tpu.vector_load %arg15[%get3A_285, %get3A_286] {strides = array<i32>} : memref<16x512xi32, #tpu.memory_space<vmem>>, vector<16xi32>,
        %bitcast3A_288 = vector.bitcast %get3A_287 : vector<16xi32> to vector<32xbf16>
        %unpack3A_289 = tpu.unpack_subelements %bitcast3A_288, 0 {pack_format = #tpu.pack_format<interleaved>} : vector<32xbf16> -> vector<16xf32>
        %unpack3A_290 = tpu.unpack_subelements %bitcast3A_288, 1 {pack_format = #tpu.pack_format<interleaved>} : vector<32xbf16> -> vector<16xf32>
        %swap3A_291 = arith.index_cast %scan3A_192 : i32 to index
        %swap3A_292 = arith.constant 256 : index
        %swap3A_293 = tpu.vector_load %arg12[%swap3A_291, %swap3A_292] {strides = array<i32>} : memref<16x1024xf32, #tpu.memory_space<vmem>>, vector<16xf32>,
        tpu.vector_store %arg12[%swap3A_291, %swap3A_292], %unpack3A_289 {add = true, strides = array<i32>} : memref<16x1024xf32, #tpu.memory_space<vmem>>, vector<16xf32>,
        %swap3A_294 = arith.index_cast %scan3A_192 : i32 to index
        %swap3A_295 = arith.constant 272 : index
        %swap3A_296 = tpu.vector_load %arg12[%swap3A_294, %swap3A_295] {strides = array<i32>} : memref<16x1024xf32, #tpu.memory_space<vmem>>, vector<16xf32>,
        tpu.vector_store %arg12[%swap3A_294, %swap3A_295], %unpack3A_290 {add = true, strides = array<i32>} : memref<16x1024xf32, #tpu.memory_space<vmem>>, vector<16xf32>,
        %get3A_297 = arith.index_cast %scan3A_192 : i32 to index
        %get3A_298 = arith.constant 144 : index
        %get3A_299 = tpu.vector_load %arg15[%get3A_297, %get3A_298] {strides = array<i32>} : memref<16x512xi32, #tpu.memory_space<vmem>>, vector<16xi32>,
        %bitcast3A_300 = vector.bitcast %get3A_299 : vector<16xi32> to vector<32xbf16>
        %unpack3A_301 = tpu.unpack_subelements %bitcast3A_300, 0 {pack_format = #tpu.pack_format<interleaved>} : vector<32xbf16> -> vector<16xf32>
        %unpack3A_302 = tpu.unpack_subelements %bitcast3A_300, 1 {pack_format = #tpu.pack_format<interleaved>} : vector<32xbf16> -> vector<16xf32>
        %swap3A_303 = arith.index_cast %scan3A_192 : i32 to index
        %swap3A_304 = arith.constant 288 : index
        %swap3A_305 = tpu.vector_load %arg12[%swap3A_303, %swap3A_304] {strides = array<i32>} : memref<16x1024xf32, #tpu.memory_space<vmem>>, vector<16xf32>,
        tpu.vector_store %arg12[%swap3A_303, %swap3A_304], %unpack3A_301 {add = true, strides = array<i32>} : memref<16x1024xf32, #tpu.memory_space<vmem>>, vector<16xf32>,
        %swap3A_306 = arith.index_cast %scan3A_192 : i32 to index
        %swap3A_307 = arith.constant 304 : index
        %swap3A_308 = tpu.vector_load %arg12[%swap3A_306, %swap3A_307] {strides = array<i32>} : memref<16x1024xf32, #tpu.memory_space<vmem>>, vector<16xf32>,
        tpu.vector_store %arg12[%swap3A_306, %swap3A_307], %unpack3A_302 {add = true, strides = array<i32>} : memref<16x1024xf32, #tpu.memory_space<vmem>>, vector<16xf32>,
        %get3A_309 = arith.index_cast %scan3A_192 : i32 to index
        %get3A_310 = arith.constant 160 : index
        %get3A_311 = tpu.vector_load %arg15[%get3A_309, %get3A_310] {strides = array<i32>} : memref<16x512xi32, #tpu.memory_space<vmem>>, vector<16xi32>,
        %bitcast3A_312 = vector.bitcast %get3A_311 : vector<16xi32> to vector<32xbf16>
        %unpack3A_313 = tpu.unpack_subelements %bitcast3A_312, 0 {pack_format = #tpu.pack_format<interleaved>} : vector<32xbf16> -> vector<16xf32>
        %unpack3A_314 = tpu.unpack_subelements %bitcast3A_312, 1 {pack_format = #tpu.pack_format<interleaved>} : vector<32xbf16> -> vector<16xf32>
        %swap3A_315 = arith.index_cast %scan3A_192 : i32 to index
        %swap3A_316 = arith.constant 320 : index
        %swap3A_317 = tpu.vector_load %arg12[%swap3A_315, %swap3A_316] {strides = array<i32>} : memref<16x1024xf32, #tpu.memory_space<vmem>>, vector<16xf32>,
        tpu.vector_store %arg12[%swap3A_315, %swap3A_316], %unpack3A_313 {add = true, strides = array<i32>} : memref<16x1024xf32, #tpu.memory_space<vmem>>, vector<16xf32>,
        %swap3A_318 = arith.index_cast %scan3A_192 : i32 to index
        %swap3A_319 = arith.constant 336 : index
        %swap3A_320 = tpu.vector_load %arg12[%swap3A_318, %swap3A_319] {strides = array<i32>} : memref<16x1024xf32, #tpu.memory_space<vmem>>, vector<16xf32>,
        tpu.vector_store %arg12[%swap3A_318, %swap3A_319], %unpack3A_314 {add = true, strides = array<i32>} : memref<16x1024xf32, #tpu.memory_space<vmem>>, vector<16xf32>,
        %get3A_321 = arith.index_cast %scan3A_192 : i32 to index
        %get3A_322 = arith.constant 176 : index
        %get3A_323 = tpu.vector_load %arg15[%get3A_321, %get3A_322] {strides = array<i32>} : memref<16x512xi32, #tpu.memory_space<vmem>>, vector<16xi32>,
        %bitcast3A_324 = vector.bitcast %get3A_323 : vector<16xi32> to vector<32xbf16>
        %unpack3A_325 = tpu.unpack_subelements %bitcast3A_324, 0 {pack_format = #tpu.pack_format<interleaved>} : vector<32xbf16> -> vector<16xf32>
        %unpack3A_326 = tpu.unpack_subelements %bitcast3A_324, 1 {pack_format = #tpu.pack_format<interleaved>} : vector<32xbf16> -> vector<16xf32>
        %swap3A_327 = arith.index_cast %scan3A_192 : i32 to index
        %swap3A_328 = arith.constant 352 : index
        %swap3A_329 = tpu.vector_load %arg12[%swap3A_327, %swap3A_328] {strides = array<i32>} : memref<16x1024xf32, #tpu.memory_space<vmem>>, vector<16xf32>,
        tpu.vector_store %arg12[%swap3A_327, %swap3A_328], %unpack3A_325 {add = true, strides = array<i32>} : memref<16x1024xf32, #tpu.memory_space<vmem>>, vector<16xf32>,
        %swap3A_330 = arith.index_cast %scan3A_192 : i32 to index
        %swap3A_331 = arith.constant 368 : index
        %swap3A_332 = tpu.vector_load %arg12[%swap3A_330, %swap3A_331] {strides = array<i32>} : memref<16x1024xf32, #tpu.memory_space<vmem>>, vector<16xf32>,
        tpu.vector_store %arg12[%swap3A_330, %swap3A_331], %unpack3A_326 {add = true, strides = array<i32>} : memref<16x1024xf32, #tpu.memory_space<vmem>>, vector<16xf32>,
        %get3A_333 = arith.index_cast %scan3A_192 : i32 to index
        %get3A_334 = arith.constant 192 : index
        %get3A_335 = tpu.vector_load %arg15[%get3A_333, %get3A_334] {strides = array<i32>} : memref<16x512xi32, #tpu.memory_space<vmem>>, vector<16xi32>,
        %bitcast3A_336 = vector.bitcast %get3A_335 : vector<16xi32> to vector<32xbf16>
        %unpack3A_337 = tpu.unpack_subelements %bitcast3A_336, 0 {pack_format = #tpu.pack_format<interleaved>} : vector<32xbf16> -> vector<16xf32>
        %unpack3A_338 = tpu.unpack_subelements %bitcast3A_336, 1 {pack_format = #tpu.pack_format<interleaved>} : vector<32xbf16> -> vector<16xf32>
        %swap3A_339 = arith.index_cast %scan3A_192 : i32 to index
        %swap3A_340 = arith.constant 384 : index
        %swap3A_341 = tpu.vector_load %arg12[%swap3A_339, %swap3A_340] {strides = array<i32>} : memref<16x1024xf32, #tpu.memory_space<vmem>>, vector<16xf32>,
        tpu.vector_store %arg12[%swap3A_339, %swap3A_340], %unpack3A_337 {add = true, strides = array<i32>} : memref<16x1024xf32, #tpu.memory_space<vmem>>, vector<16xf32>,
        %swap3A_342 = arith.index_cast %scan3A_192 : i32 to index
        %swap3A_343 = arith.constant 400 : index
        %swap3A_344 = tpu.vector_load %arg12[%swap3A_342, %swap3A_343] {strides = array<i32>} : memref<16x1024xf32, #tpu.memory_space<vmem>>, vector<16xf32>,
        tpu.vector_store %arg12[%swap3A_342, %swap3A_343], %unpack3A_338 {add = true, strides = array<i32>} : memref<16x1024xf32, #tpu.memory_space<vmem>>, vector<16xf32>,
        %get3A_345 = arith.index_cast %scan3A_192 : i32 to index
        %get3A_346 = arith.constant 208 : index
        %get3A_347 = tpu.vector_load %arg15[%get3A_345, %get3A_346] {strides = array<i32>} : memref<16x512xi32, #tpu.memory_space<vmem>>, vector<16xi32>,
        %bitcast3A_348 = vector.bitcast %get3A_347 : vector<16xi32> to vector<32xbf16>
        %unpack3A_349 = tpu.unpack_subelements %bitcast3A_348, 0 {pack_format = #tpu.pack_format<interleaved>} : vector<32xbf16> -> vector<16xf32>
        %unpack3A_350 = tpu.unpack_subelements %bitcast3A_348, 1 {pack_format = #tpu.pack_format<interleaved>} : vector<32xbf16> -> vector<16xf32>
        %swap3A_351 = arith.index_cast %scan3A_192 : i32 to index
        %swap3A_352 = arith.constant 416 : index
        %swap3A_353 = tpu.vector_load %arg12[%swap3A_351, %swap3A_352] {strides = array<i32>} : memref<16x1024xf32, #tpu.memory_space<vmem>>, vector<16xf32>,
        tpu.vector_store %arg12[%swap3A_351, %swap3A_352], %unpack3A_349 {add = true, strides = array<i32>} : memref<16x1024xf32, #tpu.memory_space<vmem>>, vector<16xf32>,
        %swap3A_354 = arith.index_cast %scan3A_192 : i32 to index
        %swap3A_355 = arith.constant 432 : index
        %swap3A_356 = tpu.vector_load %arg12[%swap3A_354, %swap3A_355] {strides = array<i32>} : memref<16x1024xf32, #tpu.memory_space<vmem>>, vector<16xf32>,
        tpu.vector_store %arg12[%swap3A_354, %swap3A_355], %unpack3A_350 {add = true, strides = array<i32>} : memref<16x1024xf32, #tpu.memory_space<vmem>>, vector<16xf32>,
        %get3A_357 = arith.index_cast %scan3A_192 : i32 to index
        %get3A_358 = arith.constant 224 : index
        %get3A_359 = tpu.vector_load %arg15[%get3A_357, %get3A_358] {strides = array<i32>} : memref<16x512xi32, #tpu.memory_space<vmem>>, vector<16xi32>,
        %bitcast3A_360 = vector.bitcast %get3A_359 : vector<16xi32> to vector<32xbf16>
        %unpack3A_361 = tpu.unpack_subelements %bitcast3A_360, 0 {pack_format = #tpu.pack_format<interleaved>} : vector<32xbf16> -> vector<16xf32>
        %unpack3A_362 = tpu.unpack_subelements %bitcast3A_360, 1 {pack_format = #tpu.pack_format<interleaved>} : vector<32xbf16> -> vector<16xf32>
        %swap3A_363 = arith.index_cast %scan3A_192 : i32 to index
        %swap3A_364 = arith.constant 448 : index
        %swap3A_365 = tpu.vector_load %arg12[%swap3A_363, %swap3A_364] {strides = array<i32>} : memref<16x1024xf32, #tpu.memory_space<vmem>>, vector<16xf32>,
        tpu.vector_store %arg12[%swap3A_363, %swap3A_364], %unpack3A_361 {add = true, strides = array<i32>} : memref<16x1024xf32, #tpu.memory_space<vmem>>, vector<16xf32>,
        %swap3A_366 = arith.index_cast %scan3A_192 : i32 to index
        %swap3A_367 = arith.constant 464 : index
        %swap3A_368 = tpu.vector_load %arg12[%swap3A_366, %swap3A_367] {strides = array<i32>} : memref<16x1024xf32, #tpu.memory_space<vmem>>, vector<16xf32>,
        tpu.vector_store %arg12[%swap3A_366, %swap3A_367], %unpack3A_362 {add = true, strides = array<i32>} : memref<16x1024xf32, #tpu.memory_space<vmem>>, vector<16xf32>,
        %get3A_369 = arith.index_cast %scan3A_192 : i32 to index
        %get3A_370 = arith.constant 240 : index
        %get3A_371 = tpu.vector_load %arg15[%get3A_369, %get3A_370] {strides = array<i32>} : memref<16x512xi32, #tpu.memory_space<vmem>>, vector<16xi32>,
        %bitcast3A_372 = vector.bitcast %get3A_371 : vector<16xi32> to vector<32xbf16>
        %unpack3A_373 = tpu.unpack_subelements %bitcast3A_372, 0 {pack_format = #tpu.pack_format<interleaved>} : vector<32xbf16> -> vector<16xf32>
        %unpack3A_374 = tpu.unpack_subelements %bitcast3A_372, 1 {pack_format = #tpu.pack_format<interleaved>} : vector<32xbf16> -> vector<16xf32>
        %swap3A_375 = arith.index_cast %scan3A_192 : i32 to index
        %swap3A_376 = arith.constant 480 : index
        %swap3A_377 = tpu.vector_load %arg12[%swap3A_375, %swap3A_376] {strides = array<i32>} : memref<16x1024xf32, #tpu.memory_space<vmem>>, vector<16xf32>,
        tpu.vector_store %arg12[%swap3A_375, %swap3A_376], %unpack3A_373 {add = true, strides = array<i32>} : memref<16x1024xf32, #tpu.memory_space<vmem>>, vector<16xf32>,
        %swap3A_378 = arith.index_cast %scan3A_192 : i32 to index
        %swap3A_379 = arith.constant 496 : index
        %swap3A_380 = tpu.vector_load %arg12[%swap3A_378, %swap3A_379] {strides = array<i32>} : memref<16x1024xf32, #tpu.memory_space<vmem>>, vector<16xf32>,
        tpu.vector_store %arg12[%swap3A_378, %swap3A_379], %unpack3A_374 {add = true, strides = array<i32>} : memref<16x1024xf32, #tpu.memory_space<vmem>>, vector<16xf32>,
        %get3A_381 = arith.index_cast %scan3A_192 : i32 to index
        %get3A_382 = arith.constant 256 : index
        %get3A_383 = tpu.vector_load %arg15[%get3A_381, %get3A_382] {strides = array<i32>} : memref<16x512xi32, #tpu.memory_space<vmem>>, vector<16xi32>,
        %bitcast3A_384 = vector.bitcast %get3A_383 : vector<16xi32> to vector<32xbf16>
        %unpack3A_385 = tpu.unpack_subelements %bitcast3A_384, 0 {pack_format = #tpu.pack_format<interleaved>} : vector<32xbf16> -> vector<16xf32>
        %unpack3A_386 = tpu.unpack_subelements %bitcast3A_384, 1 {pack_format = #tpu.pack_format<interleaved>} : vector<32xbf16> -> vector<16xf32>
        %swap3A_387 = arith.index_cast %scan3A_192 : i32 to index
        %swap3A_388 = arith.constant 512 : index
        %swap3A_389 = tpu.vector_load %arg12[%swap3A_387, %swap3A_388] {strides = array<i32>} : memref<16x1024xf32, #tpu.memory_space<vmem>>, vector<16xf32>,
        tpu.vector_store %arg12[%swap3A_387, %swap3A_388], %unpack3A_385 {add = true, strides = array<i32>} : memref<16x1024xf32, #tpu.memory_space<vmem>>, vector<16xf32>,
        %swap3A_390 = arith.index_cast %scan3A_192 : i32 to index
        %swap3A_391 = arith.constant 528 : index
        %swap3A_392 = tpu.vector_load %arg12[%swap3A_390, %swap3A_391] {strides = array<i32>} : memref<16x1024xf32, #tpu.memory_space<vmem>>, vector<16xf32>,
        tpu.vector_store %arg12[%swap3A_390, %swap3A_391], %unpack3A_386 {add = true, strides = array<i32>} : memref<16x1024xf32, #tpu.memory_space<vmem>>, vector<16xf32>,
        %get3A_393 = arith.index_cast %scan3A_192 : i32 to index
        %get3A_394 = arith.constant 272 : index
        %get3A_395 = tpu.vector_load %arg15[%get3A_393, %get3A_394] {strides = array<i32>} : memref<16x512xi32, #tpu.memory_space<vmem>>, vector<16xi32>,
        %bitcast3A_396 = vector.bitcast %get3A_395 : vector<16xi32> to vector<32xbf16>
        %unpack3A_397 = tpu.unpack_subelements %bitcast3A_396, 0 {pack_format = #tpu.pack_format<interleaved>} : vector<32xbf16> -> vector<16xf32>
        %unpack3A_398 = tpu.unpack_subelements %bitcast3A_396, 1 {pack_format = #tpu.pack_format<interleaved>} : vector<32xbf16> -> vector<16xf32>
        %swap3A_399 = arith.index_cast %scan3A_192 : i32 to index
        %swap3A_400 = arith.constant 544 : index
        %swap3A_401 = tpu.vector_load %arg12[%swap3A_399, %swap3A_400] {strides = array<i32>} : memref<16x1024xf32, #tpu.memory_space<vmem>>, vector<16xf32>,
        tpu.vector_store %arg12[%swap3A_399, %swap3A_400], %unpack3A_397 {add = true, strides = array<i32>} : memref<16x1024xf32, #tpu.memory_space<vmem>>, vector<16xf32>,
        %swap3A_402 = arith.index_cast %scan3A_192 : i32 to index
        %swap3A_403 = arith.constant 560 : index
        %swap3A_404 = tpu.vector_load %arg12[%swap3A_402, %swap3A_403] {strides = array<i32>} : memref<16x1024xf32, #tpu.memory_space<vmem>>, vector<16xf32>,
        tpu.vector_store %arg12[%swap3A_402, %swap3A_403], %unpack3A_398 {add = true, strides = array<i32>} : memref<16x1024xf32, #tpu.memory_space<vmem>>, vector<16xf32>,
        %get3A_405 = arith.index_cast %scan3A_192 : i32 to index
        %get3A_406 = arith.constant 288 : index
        %get3A_407 = tpu.vector_load %arg15[%get3A_405, %get3A_406] {strides = array<i32>} : memref<16x512xi32, #tpu.memory_space<vmem>>, vector<16xi32>,
        %bitcast3A_408 = vector.bitcast %get3A_407 : vector<16xi32> to vector<32xbf16>
        %unpack3A_409 = tpu.unpack_subelements %bitcast3A_408, 0 {pack_format = #tpu.pack_format<interleaved>} : vector<32xbf16> -> vector<16xf32>
        %unpack3A_410 = tpu.unpack_subelements %bitcast3A_408, 1 {pack_format = #tpu.pack_format<interleaved>} : vector<32xbf16> -> vector<16xf32>
        %swap3A_411 = arith.index_cast %scan3A_192 : i32 to index
        %swap3A_412 = arith.constant 576 : index
        %swap3A_413 = tpu.vector_load %arg12[%swap3A_411, %swap3A_412] {strides = array<i32>} : memref<16x1024xf32, #tpu.memory_space<vmem>>, vector<16xf32>,
        tpu.vector_store %arg12[%swap3A_411, %swap3A_412], %unpack3A_409 {add = true, strides = array<i32>} : memref<16x1024xf32, #tpu.memory_space<vmem>>, vector<16xf32>,
        %swap3A_414 = arith.index_cast %scan3A_192 : i32 to index
        %swap3A_415 = arith.constant 592 : index
        %swap3A_416 = tpu.vector_load %arg12[%swap3A_414, %swap3A_415] {strides = array<i32>} : memref<16x1024xf32, #tpu.memory_space<vmem>>, vector<16xf32>,
        tpu.vector_store %arg12[%swap3A_414, %swap3A_415], %unpack3A_410 {add = true, strides = array<i32>} : memref<16x1024xf32, #tpu.memory_space<vmem>>, vector<16xf32>,
        %get3A_417 = arith.index_cast %scan3A_192 : i32 to index
        %get3A_418 = arith.constant 304 : index
        %get3A_419 = tpu.vector_load %arg15[%get3A_417, %get3A_418] {strides = array<i32>} : memref<16x512xi32, #tpu.memory_space<vmem>>, vector<16xi32>,
        %bitcast3A_420 = vector.bitcast %get3A_419 : vector<16xi32> to vector<32xbf16>
        %unpack3A_421 = tpu.unpack_subelements %bitcast3A_420, 0 {pack_format = #tpu.pack_format<interleaved>} : vector<32xbf16> -> vector<16xf32>
        %unpack3A_422 = tpu.unpack_subelements %bitcast3A_420, 1 {pack_format = #tpu.pack_format<interleaved>} : vector<32xbf16> -> vector<16xf32>
        %swap3A_423 = arith.index_cast %scan3A_192 : i32 to index
        %swap3A_424 = arith.constant 608 : index
        %swap3A_425 = tpu.vector_load %arg12[%swap3A_423, %swap3A_424] {strides = array<i32>} : memref<16x1024xf32, #tpu.memory_space<vmem>>, vector<16xf32>,
        tpu.vector_store %arg12[%swap3A_423, %swap3A_424], %unpack3A_421 {add = true, strides = array<i32>} : memref<16x1024xf32, #tpu.memory_space<vmem>>, vector<16xf32>,
        %swap3A_426 = arith.index_cast %scan3A_192 : i32 to index
        %swap3A_427 = arith.constant 624 : index
        %swap3A_428 = tpu.vector_load %arg12[%swap3A_426, %swap3A_427] {strides = array<i32>} : memref<16x1024xf32, #tpu.memory_space<vmem>>, vector<16xf32>,
        tpu.vector_store %arg12[%swap3A_426, %swap3A_427], %unpack3A_422 {add = true, strides = array<i32>} : memref<16x1024xf32, #tpu.memory_space<vmem>>, vector<16xf32>,
        %get3A_429 = arith.index_cast %scan3A_192 : i32 to index
        %get3A_430 = arith.constant 320 : index
        %get3A_431 = tpu.vector_load %arg15[%get3A_429, %get3A_430] {strides = array<i32>} : memref<16x512xi32, #tpu.memory_space<vmem>>, vector<16xi32>,
        %bitcast3A_432 = vector.bitcast %get3A_431 : vector<16xi32> to vector<32xbf16>
        %unpack3A_433 = tpu.unpack_subelements %bitcast3A_432, 0 {pack_format = #tpu.pack_format<interleaved>} : vector<32xbf16> -> vector<16xf32>
        %unpack3A_434 = tpu.unpack_subelements %bitcast3A_432, 1 {pack_format = #tpu.pack_format<interleaved>} : vector<32xbf16> -> vector<16xf32>
        %swap3A_435 = arith.index_cast %scan3A_192 : i32 to index
        %swap3A_436 = arith.constant 640 : index
        %swap3A_437 = tpu.vector_load %arg12[%swap3A_435, %swap3A_436] {strides = array<i32>} : memref<16x1024xf32, #tpu.memory_space<vmem>>, vector<16xf32>,
        tpu.vector_store %arg12[%swap3A_435, %swap3A_436], %unpack3A_433 {add = true, strides = array<i32>} : memref<16x1024xf32, #tpu.memory_space<vmem>>, vector<16xf32>,
        %swap3A_438 = arith.index_cast %scan3A_192 : i32 to index
        %swap3A_439 = arith.constant 656 : index
        %swap3A_440 = tpu.vector_load %arg12[%swap3A_438, %swap3A_439] {strides = array<i32>} : memref<16x1024xf32, #tpu.memory_space<vmem>>, vector<16xf32>,
        tpu.vector_store %arg12[%swap3A_438, %swap3A_439], %unpack3A_434 {add = true, strides = array<i32>} : memref<16x1024xf32, #tpu.memory_space<vmem>>, vector<16xf32>,
        %get3A_441 = arith.index_cast %scan3A_192 : i32 to index
        %get3A_442 = arith.constant 336 : index
        %get3A_443 = tpu.vector_load %arg15[%get3A_441, %get3A_442] {strides = array<i32>} : memref<16x512xi32, #tpu.memory_space<vmem>>, vector<16xi32>,
        %bitcast3A_444 = vector.bitcast %get3A_443 : vector<16xi32> to vector<32xbf16>
        %unpack3A_445 = tpu.unpack_subelements %bitcast3A_444, 0 {pack_format = #tpu.pack_format<interleaved>} : vector<32xbf16> -> vector<16xf32>
        %unpack3A_446 = tpu.unpack_subelements %bitcast3A_444, 1 {pack_format = #tpu.pack_format<interleaved>} : vector<32xbf16> -> vector<16xf32>
        %swap3A_447 = arith.index_cast %scan3A_192 : i32 to index
        %swap3A_448 = arith.constant 672 : index
        %swap3A_449 = tpu.vector_load %arg12[%swap3A_447, %swap3A_448] {strides = array<i32>} : memref<16x1024xf32, #tpu.memory_space<vmem>>, vector<16xf32>,
        tpu.vector_store %arg12[%swap3A_447, %swap3A_448], %unpack3A_445 {add = true, strides = array<i32>} : memref<16x1024xf32, #tpu.memory_space<vmem>>, vector<16xf32>,
        %swap3A_450 = arith.index_cast %scan3A_192 : i32 to index
        %swap3A_451 = arith.constant 688 : index
        %swap3A_452 = tpu.vector_load %arg12[%swap3A_450, %swap3A_451] {strides = array<i32>} : memref<16x1024xf32, #tpu.memory_space<vmem>>, vector<16xf32>,
        tpu.vector_store %arg12[%swap3A_450, %swap3A_451], %unpack3A_446 {add = true, strides = array<i32>} : memref<16x1024xf32, #tpu.memory_space<vmem>>, vector<16xf32>,
        %get3A_453 = arith.index_cast %scan3A_192 : i32 to index
        %get3A_454 = arith.constant 352 : index
        %get3A_455 = tpu.vector_load %arg15[%get3A_453, %get3A_454] {strides = array<i32>} : memref<16x512xi32, #tpu.memory_space<vmem>>, vector<16xi32>,
        %bitcast3A_456 = vector.bitcast %get3A_455 : vector<16xi32> to vector<32xbf16>
        %unpack3A_457 = tpu.unpack_subelements %bitcast3A_456, 0 {pack_format = #tpu.pack_format<interleaved>} : vector<32xbf16> -> vector<16xf32>
        %unpack3A_458 = tpu.unpack_subelements %bitcast3A_456, 1 {pack_format = #tpu.pack_format<interleaved>} : vector<32xbf16> -> vector<16xf32>
        %swap3A_459 = arith.index_cast %scan3A_192 : i32 to index
        %swap3A_460 = arith.constant 704 : index
        %swap3A_461 = tpu.vector_load %arg12[%swap3A_459, %swap3A_460] {strides = array<i32>} : memref<16x1024xf32, #tpu.memory_space<vmem>>, vector<16xf32>,
        tpu.vector_store %arg12[%swap3A_459, %swap3A_460], %unpack3A_457 {add = true, strides = array<i32>} : memref<16x1024xf32, #tpu.memory_space<vmem>>, vector<16xf32>,
        %swap3A_462 = arith.index_cast %scan3A_192 : i32 to index
        %swap3A_463 = arith.constant 720 : index
        %swap3A_464 = tpu.vector_load %arg12[%swap3A_462, %swap3A_463] {strides = array<i32>} : memref<16x1024xf32, #tpu.memory_space<vmem>>, vector<16xf32>,
        tpu.vector_store %arg12[%swap3A_462, %swap3A_463], %unpack3A_458 {add = true, strides = array<i32>} : memref<16x1024xf32, #tpu.memory_space<vmem>>, vector<16xf32>,
        %get3A_465 = arith.index_cast %scan3A_192 : i32 to index
        %get3A_466 = arith.constant 368 : index
        %get3A_467 = tpu.vector_load %arg15[%get3A_465, %get3A_466] {strides = array<i32>} : memref<16x512xi32, #tpu.memory_space<vmem>>, vector<16xi32>,
        %bitcast3A_468 = vector.bitcast %get3A_467 : vector<16xi32> to vector<32xbf16>
        %unpack3A_469 = tpu.unpack_subelements %bitcast3A_468, 0 {pack_format = #tpu.pack_format<interleaved>} : vector<32xbf16> -> vector<16xf32>
        %unpack3A_470 = tpu.unpack_subelements %bitcast3A_468, 1 {pack_format = #tpu.pack_format<interleaved>} : vector<32xbf16> -> vector<16xf32>
        %swap3A_471 = arith.index_cast %scan3A_192 : i32 to index
        %swap3A_472 = arith.constant 736 : index
        %swap3A_473 = tpu.vector_load %arg12[%swap3A_471, %swap3A_472] {strides = array<i32>} : memref<16x1024xf32, #tpu.memory_space<vmem>>, vector<16xf32>,
        tpu.vector_store %arg12[%swap3A_471, %swap3A_472], %unpack3A_469 {add = true, strides = array<i32>} : memref<16x1024xf32, #tpu.memory_space<vmem>>, vector<16xf32>,
        %swap3A_474 = arith.index_cast %scan3A_192 : i32 to index
        %swap3A_475 = arith.constant 752 : index
        %swap3A_476 = tpu.vector_load %arg12[%swap3A_474, %swap3A_475] {strides = array<i32>} : memref<16x1024xf32, #tpu.memory_space<vmem>>, vector<16xf32>,
        tpu.vector_store %arg12[%swap3A_474, %swap3A_475], %unpack3A_470 {add = true, strides = array<i32>} : memref<16x1024xf32, #tpu.memory_space<vmem>>, vector<16xf32>,
        %get3A_477 = arith.index_cast %scan3A_192 : i32 to index
        %get3A_478 = arith.constant 384 : index
        %get3A_479 = tpu.vector_load %arg15[%get3A_477, %get3A_478] {strides = array<i32>} : memref<16x512xi32, #tpu.memory_space<vmem>>, vector<16xi32>,
        %bitcast3A_480 = vector.bitcast %get3A_479 : vector<16xi32> to vector<32xbf16>
        %unpack3A_481 = tpu.unpack_subelements %bitcast3A_480, 0 {pack_format = #tpu.pack_format<interleaved>} : vector<32xbf16> -> vector<16xf32>
        %unpack3A_482 = tpu.unpack_subelements %bitcast3A_480, 1 {pack_format = #tpu.pack_format<interleaved>} : vector<32xbf16> -> vector<16xf32>
        %swap3A_483 = arith.index_cast %scan3A_192 : i32 to index
        %swap3A_484 = arith.constant 768 : index
        %swap3A_485 = tpu.vector_load %arg12[%swap3A_483, %swap3A_484] {strides = array<i32>} : memref<16x1024xf32, #tpu.memory_space<vmem>>, vector<16xf32>,
        tpu.vector_store %arg12[%swap3A_483, %swap3A_484], %unpack3A_481 {add = true, strides = array<i32>} : memref<16x1024xf32, #tpu.memory_space<vmem>>, vector<16xf32>,
        %swap3A_486 = arith.index_cast %scan3A_192 : i32 to index
        %swap3A_487 = arith.constant 784 : index
        %swap3A_488 = tpu.vector_load %arg12[%swap3A_486, %swap3A_487] {strides = array<i32>} : memref<16x1024xf32, #tpu.memory_space<vmem>>, vector<16xf32>,
        tpu.vector_store %arg12[%swap3A_486, %swap3A_487], %unpack3A_482 {add = true, strides = array<i32>} : memref<16x1024xf32, #tpu.memory_space<vmem>>, vector<16xf32>,
        %get3A_489 = arith.index_cast %scan3A_192 : i32 to index
        %get3A_490 = arith.constant 400 : index
        %get3A_491 = tpu.vector_load %arg15[%get3A_489, %get3A_490] {strides = array<i32>} : memref<16x512xi32, #tpu.memory_space<vmem>>, vector<16xi32>,
        %bitcast3A_492 = vector.bitcast %get3A_491 : vector<16xi32> to vector<32xbf16>
        %unpack3A_493 = tpu.unpack_subelements %bitcast3A_492, 0 {pack_format = #tpu.pack_format<interleaved>} : vector<32xbf16> -> vector<16xf32>
        %unpack3A_494 = tpu.unpack_subelements %bitcast3A_492, 1 {pack_format = #tpu.pack_format<interleaved>} : vector<32xbf16> -> vector<16xf32>
        %swap3A_495 = arith.index_cast %scan3A_192 : i32 to index
        %swap3A_496 = arith.constant 800 : index
        %swap3A_497 = tpu.vector_load %arg12[%swap3A_495, %swap3A_496] {strides = array<i32>} : memref<16x1024xf32, #tpu.memory_space<vmem>>, vector<16xf32>,
        tpu.vector_store %arg12[%swap3A_495, %swap3A_496], %unpack3A_493 {add = true, strides = array<i32>} : memref<16x1024xf32, #tpu.memory_space<vmem>>, vector<16xf32>,
        %swap3A_498 = arith.index_cast %scan3A_192 : i32 to index
        %swap3A_499 = arith.constant 816 : index
        %swap3A_500 = tpu.vector_load %arg12[%swap3A_498, %swap3A_499] {strides = array<i32>} : memref<16x1024xf32, #tpu.memory_space<vmem>>, vector<16xf32>,
        tpu.vector_store %arg12[%swap3A_498, %swap3A_499], %unpack3A_494 {add = true, strides = array<i32>} : memref<16x1024xf32, #tpu.memory_space<vmem>>, vector<16xf32>,
        %get3A_501 = arith.index_cast %scan3A_192 : i32 to index
        %get3A_502 = arith.constant 416 : index
        %get3A_503 = tpu.vector_load %arg15[%get3A_501, %get3A_502] {strides = array<i32>} : memref<16x512xi32, #tpu.memory_space<vmem>>, vector<16xi32>,
        %bitcast3A_504 = vector.bitcast %get3A_503 : vector<16xi32> to vector<32xbf16>
        %unpack3A_505 = tpu.unpack_subelements %bitcast3A_504, 0 {pack_format = #tpu.pack_format<interleaved>} : vector<32xbf16> -> vector<16xf32>
        %unpack3A_506 = tpu.unpack_subelements %bitcast3A_504, 1 {pack_format = #tpu.pack_format<interleaved>} : vector<32xbf16> -> vector<16xf32>
        %swap3A_507 = arith.index_cast %scan3A_192 : i32 to index
        %swap3A_508 = arith.constant 832 : index
        %swap3A_509 = tpu.vector_load %arg12[%swap3A_507, %swap3A_508] {strides = array<i32>} : memref<16x1024xf32, #tpu.memory_space<vmem>>, vector<16xf32>,
        tpu.vector_store %arg12[%swap3A_507, %swap3A_508], %unpack3A_505 {add = true, strides = array<i32>} : memref<16x1024xf32, #tpu.memory_space<vmem>>, vector<16xf32>,
        %swap3A_510 = arith.index_cast %scan3A_192 : i32 to index
        %swap3A_511 = arith.constant 848 : index
        %swap3A_512 = tpu.vector_load %arg12[%swap3A_510, %swap3A_511] {strides = array<i32>} : memref<16x1024xf32, #tpu.memory_space<vmem>>, vector<16xf32>,
        tpu.vector_store %arg12[%swap3A_510, %swap3A_511], %unpack3A_506 {add = true, strides = array<i32>} : memref<16x1024xf32, #tpu.memory_space<vmem>>, vector<16xf32>,
        %get3A_513 = arith.index_cast %scan3A_192 : i32 to index
        %get3A_514 = arith.constant 432 : index
        %get3A_515 = tpu.vector_load %arg15[%get3A_513, %get3A_514] {strides = array<i32>} : memref<16x512xi32, #tpu.memory_space<vmem>>, vector<16xi32>,
        %bitcast3A_516 = vector.bitcast %get3A_515 : vector<16xi32> to vector<32xbf16>
        %unpack3A_517 = tpu.unpack_subelements %bitcast3A_516, 0 {pack_format = #tpu.pack_format<interleaved>} : vector<32xbf16> -> vector<16xf32>
        %unpack3A_518 = tpu.unpack_subelements %bitcast3A_516, 1 {pack_format = #tpu.pack_format<interleaved>} : vector<32xbf16> -> vector<16xf32>
        %swap3A_519 = arith.index_cast %scan3A_192 : i32 to index
        %swap3A_520 = arith.constant 864 : index
        %swap3A_521 = tpu.vector_load %arg12[%swap3A_519, %swap3A_520] {strides = array<i32>} : memref<16x1024xf32, #tpu.memory_space<vmem>>, vector<16xf32>,
        tpu.vector_store %arg12[%swap3A_519, %swap3A_520], %unpack3A_517 {add = true, strides = array<i32>} : memref<16x1024xf32, #tpu.memory_space<vmem>>, vector<16xf32>,
        %swap3A_522 = arith.index_cast %scan3A_192 : i32 to index
        %swap3A_523 = arith.constant 880 : index
        %swap3A_524 = tpu.vector_load %arg12[%swap3A_522, %swap3A_523] {strides = array<i32>} : memref<16x1024xf32, #tpu.memory_space<vmem>>, vector<16xf32>,
        tpu.vector_store %arg12[%swap3A_522, %swap3A_523], %unpack3A_518 {add = true, strides = array<i32>} : memref<16x1024xf32, #tpu.memory_space<vmem>>, vector<16xf32>,
        %get3A_525 = arith.index_cast %scan3A_192 : i32 to index
        %get3A_526 = arith.constant 448 : index
        %get3A_527 = tpu.vector_load %arg15[%get3A_525, %get3A_526] {strides = array<i32>} : memref<16x512xi32, #tpu.memory_space<vmem>>, vector<16xi32>,
        %bitcast3A_528 = vector.bitcast %get3A_527 : vector<16xi32> to vector<32xbf16>
        %unpack3A_529 = tpu.unpack_subelements %bitcast3A_528, 0 {pack_format = #tpu.pack_format<interleaved>} : vector<32xbf16> -> vector<16xf32>
        %unpack3A_530 = tpu.unpack_subelements %bitcast3A_528, 1 {pack_format = #tpu.pack_format<interleaved>} : vector<32xbf16> -> vector<16xf32>
        %swap3A_531 = arith.index_cast %scan3A_192 : i32 to index
        %swap3A_532 = arith.constant 896 : index
        %swap3A_533 = tpu.vector_load %arg12[%swap3A_531, %swap3A_532] {strides = array<i32>} : memref<16x1024xf32, #tpu.memory_space<vmem>>, vector<16xf32>,
        tpu.vector_store %arg12[%swap3A_531, %swap3A_532], %unpack3A_529 {add = true, strides = array<i32>} : memref<16x1024xf32, #tpu.memory_space<vmem>>, vector<16xf32>,
        %swap3A_534 = arith.index_cast %scan3A_192 : i32 to index
        %swap3A_535 = arith.constant 912 : index
        %swap3A_536 = tpu.vector_load %arg12[%swap3A_534, %swap3A_535] {strides = array<i32>} : memref<16x1024xf32, #tpu.memory_space<vmem>>, vector<16xf32>,
        tpu.vector_store %arg12[%swap3A_534, %swap3A_535], %unpack3A_530 {add = true, strides = array<i32>} : memref<16x1024xf32, #tpu.memory_space<vmem>>, vector<16xf32>,
        %get3A_537 = arith.index_cast %scan3A_192 : i32 to index
        %get3A_538 = arith.constant 464 : index
        %get3A_539 = tpu.vector_load %arg15[%get3A_537, %get3A_538] {strides = array<i32>} : memref<16x512xi32, #tpu.memory_space<vmem>>, vector<16xi32>,
        %bitcast3A_540 = vector.bitcast %get3A_539 : vector<16xi32> to vector<32xbf16>
        %unpack3A_541 = tpu.unpack_subelements %bitcast3A_540, 0 {pack_format = #tpu.pack_format<interleaved>} : vector<32xbf16> -> vector<16xf32>
        %unpack3A_542 = tpu.unpack_subelements %bitcast3A_540, 1 {pack_format = #tpu.pack_format<interleaved>} : vector<32xbf16> -> vector<16xf32>
        %swap3A_543 = arith.index_cast %scan3A_192 : i32 to index
        %swap3A_544 = arith.constant 928 : index
        %swap3A_545 = tpu.vector_load %arg12[%swap3A_543, %swap3A_544] {strides = array<i32>} : memref<16x1024xf32, #tpu.memory_space<vmem>>, vector<16xf32>,
        tpu.vector_store %arg12[%swap3A_543, %swap3A_544], %unpack3A_541 {add = true, strides = array<i32>} : memref<16x1024xf32, #tpu.memory_space<vmem>>, vector<16xf32>,
        %swap3A_546 = arith.index_cast %scan3A_192 : i32 to index
        %swap3A_547 = arith.constant 944 : index
        %swap3A_548 = tpu.vector_load %arg12[%swap3A_546, %swap3A_547] {strides = array<i32>} : memref<16x1024xf32, #tpu.memory_space<vmem>>, vector<16xf32>,
        tpu.vector_store %arg12[%swap3A_546, %swap3A_547], %unpack3A_542 {add = true, strides = array<i32>} : memref<16x1024xf32, #tpu.memory_space<vmem>>, vector<16xf32>,
        %get3A_549 = arith.index_cast %scan3A_192 : i32 to index
        %get3A_550 = arith.constant 480 : index
        %get3A_551 = tpu.vector_load %arg15[%get3A_549, %get3A_550] {strides = array<i32>} : memref<16x512xi32, #tpu.memory_space<vmem>>, vector<16xi32>,
        %bitcast3A_552 = vector.bitcast %get3A_551 : vector<16xi32> to vector<32xbf16>
        %unpack3A_553 = tpu.unpack_subelements %bitcast3A_552, 0 {pack_format = #tpu.pack_format<interleaved>} : vector<32xbf16> -> vector<16xf32>
        %unpack3A_554 = tpu.unpack_subelements %bitcast3A_552, 1 {pack_format = #tpu.pack_format<interleaved>} : vector<32xbf16> -> vector<16xf32>
        %swap3A_555 = arith.index_cast %scan3A_192 : i32 to index
        %swap3A_556 = arith.constant 960 : index
        %swap3A_557 = tpu.vector_load %arg12[%swap3A_555, %swap3A_556] {strides = array<i32>} : memref<16x1024xf32, #tpu.memory_space<vmem>>, vector<16xf32>,
        tpu.vector_store %arg12[%swap3A_555, %swap3A_556], %unpack3A_553 {add = true, strides = array<i32>} : memref<16x1024xf32, #tpu.memory_space<vmem>>, vector<16xf32>,
        %swap3A_558 = arith.index_cast %scan3A_192 : i32 to index
        %swap3A_559 = arith.constant 976 : index
        %swap3A_560 = tpu.vector_load %arg12[%swap3A_558, %swap3A_559] {strides = array<i32>} : memref<16x1024xf32, #tpu.memory_space<vmem>>, vector<16xf32>,
        tpu.vector_store %arg12[%swap3A_558, %swap3A_559], %unpack3A_554 {add = true, strides = array<i32>} : memref<16x1024xf32, #tpu.memory_space<vmem>>, vector<16xf32>,
        %get3A_561 = arith.index_cast %scan3A_192 : i32 to index
        %get3A_562 = arith.constant 496 : index
        %get3A_563 = tpu.vector_load %arg15[%get3A_561, %get3A_562] {strides = array<i32>} : memref<16x512xi32, #tpu.memory_space<vmem>>, vector<16xi32>,
        %bitcast3A_564 = vector.bitcast %get3A_563 : vector<16xi32> to vector<32xbf16>
        %unpack3A_565 = tpu.unpack_subelements %bitcast3A_564, 0 {pack_format = #tpu.pack_format<interleaved>} : vector<32xbf16> -> vector<16xf32>
        %unpack3A_566 = tpu.unpack_subelements %bitcast3A_564, 1 {pack_format = #tpu.pack_format<interleaved>} : vector<32xbf16> -> vector<16xf32>
        %swap3A_567 = arith.index_cast %scan3A_192 : i32 to index
        %swap3A_568 = arith.constant 992 : index
        %swap3A_569 = tpu.vector_load %arg12[%swap3A_567, %swap3A_568] {strides = array<i32>} : memref<16x1024xf32, #tpu.memory_space<vmem>>, vector<16xf32>,
        tpu.vector_store %arg12[%swap3A_567, %swap3A_568], %unpack3A_565 {add = true, strides = array<i32>} : memref<16x1024xf32, #tpu.memory_space<vmem>>, vector<16xf32>,
        %swap3A_570 = arith.index_cast %scan3A_192 : i32 to index
        %swap3A_571 = arith.constant 1008 : index
        %swap3A_572 = tpu.vector_load %arg12[%swap3A_570, %swap3A_571] {strides = array<i32>} : memref<16x1024xf32, #tpu.memory_space<vmem>>, vector<16xf32>,
        tpu.vector_store %arg12[%swap3A_570, %swap3A_571], %unpack3A_566 {add = true, strides = array<i32>} : memref<16x1024xf32, #tpu.memory_space<vmem>>, vector<16xf32>,
      }
      %scan3A_172 = arith.constant 16 : i32
      %mul3A_173 = arith.constant 16 : i32
      %mul3A_174 = arith.muli %add3A_153, %mul3A_173 : i32
      %add3A_175 = arith.addi %mul3A_2, %mul3A_174 : i32
      %dma_start3A_176 = arith.constant 0 : i32
      %dma_start3A_177 = tpu.memref_slice %arg6[%add3A_175, %dma_start3A_176] : memref<32768x1024xf32, #tpu.memory_space<hbm>> -> memref<16x1024xf32, #tpu.memory_space<hbm>>
      %dma_start3A_178 = arith.constant 0 : i32
      %dma_start3A_179 = tpu.memref_slice %arg6[%add3A_175, %dma_start3A_178] : memref<32768x1024xf32, #tpu.memory_space<hbm>> -> memref<16x1024xf32, #tpu.memory_space<hbm>>
      tpu.enqueue_dma source(%arg12 : memref<16x1024xf32, #tpu.memory_space<vmem>>) target(%dma_start3A_179 : memref<16x1024xf32, #tpu.memory_space<hbm>>) target_semaphore(%arg24 : memref<!tpu.dma_semaphore, #tpu.memory_space<semaphore_mem>>)
      %ge3A_180 = arith.constant 1 : i32
      %ge3A_181 = arith.cmpi sge, %add3A_153, %ge3A_180 : i32
      %convert_element_type3A_182 = arith.extui %ge3A_181 : i1 to i32
      %cond3A_183 = arith.constant 0 : i32
      %cond3A_184 = arith.cmpi ne, %convert_element_type3A_182, %cond3A_183 : i32
      scf.if %cond3A_184 {
        %sub3A = arith.constant 1 : i32
        %sub3A_192 = arith.subi %add3A_153, %sub3A : i32
        %mul3A_193 = arith.constant 16 : i32
        %mul3A_194 = arith.muli %sub3A_192, %mul3A_193 : i32
        %add3A_195 = arith.addi %mul3A_2, %mul3A_194 : i32
        %dma_wait3A_196 = arith.constant 0 : i32
        %dma_wait3A_197 = tpu.memref_slice %arg6[%add3A_195, %dma_wait3A_196] : memref<32768x1024xf32, #tpu.memory_space<hbm>> -> memref<16x1024xf32, #tpu.memory_space<hbm>>
        %dma_wait3A_198 = arith.constant 0 : i32
        %dma_wait3A_199 = tpu.memref_slice %arg6[%add3A_195, %dma_wait3A_198] : memref<32768x1024xf32, #tpu.memory_space<hbm>> -> memref<16x1024xf32, #tpu.memory_space<hbm>>
        tpu.wait_dma2 semaphore(%arg23 : memref<!tpu.dma_semaphore, #tpu.memory_space<semaphore_mem>>) src(%arg11 : memref<16x1024xf32, #tpu.memory_space<vmem>>) dst(%dma_wait3A_199 : memref<16x1024xf32, #tpu.memory_space<hbm>>)
      } else {
      }
      %add3A_185 = arith.constant 2 : i32
      %add3A_186 = arith.addi %add3A_153, %add3A_185 : i32
      %lt3A_187 = arith.constant 64 : i32
      %lt3A_188 = arith.cmpi slt, %add3A_186, %lt3A_187 : i32
      %convert_element_type3A_189 = arith.extui %lt3A_188 : i1 to i32
      %cond3A_190 = arith.constant 0 : i32
      %cond3A_191 = arith.cmpi ne, %convert_element_type3A_189, %cond3A_190 : i32
      scf.if %cond3A_191 {
        %add3A_192 = arith.constant 2 : i32
        %add3A_193 = arith.addi %add3A_153, %add3A_192 : i32
        %mul3A_194 = arith.constant 16 : i32
        %mul3A_195 = arith.muli %add3A_193, %mul3A_194 : i32
        %add3A_196 = arith.addi %mul3A_2, %mul3A_195 : i32
        %mul3A_197 = arith.constant 16 : i32
        %mul3A_198 = arith.muli %add3A_193, %mul3A_197 : i32
        %dma_start3A_199 = arith.constant 0 : i32
        %dma_start3A_200 = tpu.memref_slice %arg2[%add3A_196, %dma_start3A_199] : memref<32768x1024xf32, #tpu.memory_space<hbm>> -> memref<16x1024xf32, #tpu.memory_space<hbm>>
        %dma_start3A_201 = arith.constant 0 : i32
        %dma_start3A_202 = tpu.memref_slice %arg2[%add3A_196, %dma_start3A_201] : memref<32768x1024xf32, #tpu.memory_space<hbm>> -> memref<16x1024xf32, #tpu.memory_space<hbm>>
        tpu.enqueue_dma source(%dma_start3A_202 : memref<16x1024xf32, #tpu.memory_space<hbm>>) target(%arg11 : memref<16x1024xf32, #tpu.memory_space<vmem>>) target_semaphore(%arg17 : memref<!tpu.dma_semaphore, #tpu.memory_space<semaphore_mem>>)
        %dma_start3A_203 = tpu.memref_slice %arg9[%mul3A_198] : memref<1024xi32, #tpu.memory_space<vmem>> -> memref<16xi32, #tpu.memory_space<vmem>>
        %dma_start3A_204 = arith.constant 0 : i32
        %dma_start3A_205 = arith.constant 0 : i32
        %dma_start3A_206 = tpu.memref_slice %arg5[%dma_start3A_204, %dma_start3A_205] : memref<372x512xi32, #tpu.memory_space<hbm>> -> memref<372x512xi32, #tpu.memory_space<hbm>>
        tpu.enqueue_indirect_dma source(%dma_start3A_206 : memref<372x512xi32, #tpu.memory_space<hbm>>) target(%arg14 : memref<16x512xi32, #tpu.memory_space<vmem>>) offsets(%dma_start3A_203 : memref<16xi32, #tpu.memory_space<vmem>>) semaphore(%arg20 : memref<!tpu.dma_semaphore, #tpu.memory_space<semaphore_mem>>)
      } else {
      }
    }
    %scan3A_34 = arith.constant 21 : i32
    %add3A_35 = arith.constant 1008 : i32
    %add3A_36 = arith.addi %mul3A_2, %add3A_35 : i32
    %dma_wait3A = arith.constant 0 : i32
    %dma_wait3A_37 = tpu.memref_slice %arg2[%add3A_36, %dma_wait3A] : memref<32768x1024xf32, #tpu.memory_space<hbm>> -> memref<16x1024xf32, #tpu.memory_space<hbm>>
    %dma_wait3A_38 = arith.constant 0 : i32
    %dma_wait3A_39 = tpu.memref_slice %arg2[%add3A_36, %dma_wait3A_38] : memref<32768x1024xf32, #tpu.memory_space<hbm>> -> memref<16x1024xf32, #tpu.memory_space<hbm>>
    tpu.wait_dma2 semaphore(%arg16 : memref<!tpu.dma_semaphore, #tpu.memory_space<semaphore_mem>>) src(%dma_wait3A_39 : memref<16x1024xf32, #tpu.memory_space<hbm>>) dst(%arg10 : memref<16x1024xf32, #tpu.memory_space<vmem>>)
    %dma_wait3A_40 = arith.constant 1008 : i32
    %dma_wait3A_41 = tpu.memref_slice %arg9[%dma_wait3A_40] : memref<1024xi32, #tpu.memory_space<vmem>> -> memref<16xi32, #tpu.memory_space<vmem>>
    %dma_wait3A_42 = arith.constant 0 : i32
    %dma_wait3A_43 = arith.constant 0 : i32
    %dma_wait3A_44 = tpu.memref_slice %arg5[%dma_wait3A_42, %dma_wait3A_43] : memref<372x512xi32, #tpu.memory_space<hbm>> -> memref<372x512xi32, #tpu.memory_space<hbm>>
    tpu.wait_indirect_dma semaphore(%arg19 : memref<!tpu.dma_semaphore, #tpu.memory_space<semaphore_mem>>) src(%dma_wait3A_44 : memref<372x512xi32, #tpu.memory_space<hbm>>) dst(%arg13 : memref<16x512xi32, #tpu.memory_space<vmem>>)
    %scan3A_45 = arith.constant 0 : i32
    %scan3A_46 = arith.constant 0 : i32
    %scan3A_47 = arith.constant 16 : i32
    %scan3A_48 = arith.addi %scan3A_46, %scan3A_47 : i32
    %scan3A_49 = arith.constant 1 : i32
    scf.for %scan3A_69 = %scan3A_46 to %scan3A_48 step %scan3A_49  : i32 {
      %get3A = arith.index_cast %scan3A_69 : i32 to index
      %get3A_70 = arith.constant 0 : index
      %get3A_71 = tpu.vector_load %arg13[%get3A, %get3A_70] {strides = array<i32>} : memref<16x512xi32, #tpu.memory_space<vmem>>, vector<16xi32>,
      %bitcast3A = vector.bitcast %get3A_71 : vector<16xi32> to vector<32xbf16>
      %unpack3A = tpu.unpack_subelements %bitcast3A, 0 {pack_format = #tpu.pack_format<interleaved>} : vector<32xbf16> -> vector<16xf32>
      %unpack3A_72 = tpu.unpack_subelements %bitcast3A, 1 {pack_format = #tpu.pack_format<interleaved>} : vector<32xbf16> -> vector<16xf32>
      %swap3A = arith.index_cast %scan3A_69 : i32 to index
      %swap3A_73 = arith.constant 0 : index
      %swap3A_74 = tpu.vector_load %arg10[%swap3A, %swap3A_73] {strides = array<i32>} : memref<16x1024xf32, #tpu.memory_space<vmem>>, vector<16xf32>,
      tpu.vector_store %arg10[%swap3A, %swap3A_73], %unpack3A {add = true, strides = array<i32>} : memref<16x1024xf32, #tpu.memory_space<vmem>>, vector<16xf32>,
      %swap3A_75 = arith.index_cast %scan3A_69 : i32 to index
      %swap3A_76 = arith.constant 16 : index
      %swap3A_77 = tpu.vector_load %arg10[%swap3A_75, %swap3A_76] {strides = array<i32>} : memref<16x1024xf32, #tpu.memory_space<vmem>>, vector<16xf32>,
      tpu.vector_store %arg10[%swap3A_75, %swap3A_76], %unpack3A_72 {add = true, strides = array<i32>} : memref<16x1024xf32, #tpu.memory_space<vmem>>, vector<16xf32>,
      %get3A_78 = arith.index_cast %scan3A_69 : i32 to index
      %get3A_79 = arith.constant 16 : index
      %get3A_80 = tpu.vector_load %arg13[%get3A_78, %get3A_79] {strides = array<i32>} : memref<16x512xi32, #tpu.memory_space<vmem>>, vector<16xi32>,
      %bitcast3A_81 = vector.bitcast %get3A_80 : vector<16xi32> to vector<32xbf16>
      %unpack3A_82 = tpu.unpack_subelements %bitcast3A_81, 0 {pack_format = #tpu.pack_format<interleaved>} : vector<32xbf16> -> vector<16xf32>
      %unpack3A_83 = tpu.unpack_subelements %bitcast3A_81, 1 {pack_format = #tpu.pack_format<interleaved>} : vector<32xbf16> -> vector<16xf32>
      %swap3A_84 = arith.index_cast %scan3A_69 : i32 to index
      %swap3A_85 = arith.constant 32 : index
      %swap3A_86 = tpu.vector_load %arg10[%swap3A_84, %swap3A_85] {strides = array<i32>} : memref<16x1024xf32, #tpu.memory_space<vmem>>, vector<16xf32>,
      tpu.vector_store %arg10[%swap3A_84, %swap3A_85], %unpack3A_82 {add = true, strides = array<i32>} : memref<16x1024xf32, #tpu.memory_space<vmem>>, vector<16xf32>,
      %swap3A_87 = arith.index_cast %scan3A_69 : i32 to index
      %swap3A_88 = arith.constant 48 : index
      %swap3A_89 = tpu.vector_load %arg10[%swap3A_87, %swap3A_88] {strides = array<i32>} : memref<16x1024xf32, #tpu.memory_space<vmem>>, vector<16xf32>,
      tpu.vector_store %arg10[%swap3A_87, %swap3A_88], %unpack3A_83 {add = true, strides = array<i32>} : memref<16x1024xf32, #tpu.memory_space<vmem>>, vector<16xf32>,
      %get3A_90 = arith.index_cast %scan3A_69 : i32 to index
      %get3A_91 = arith.constant 32 : index
      %get3A_92 = tpu.vector_load %arg13[%get3A_90, %get3A_91] {strides = array<i32>} : memref<16x512xi32, #tpu.memory_space<vmem>>, vector<16xi32>,
      %bitcast3A_93 = vector.bitcast %get3A_92 : vector<16xi32> to vector<32xbf16>
      %unpack3A_94 = tpu.unpack_subelements %bitcast3A_93, 0 {pack_format = #tpu.pack_format<interleaved>} : vector<32xbf16> -> vector<16xf32>
      %unpack3A_95 = tpu.unpack_subelements %bitcast3A_93, 1 {pack_format = #tpu.pack_format<interleaved>} : vector<32xbf16> -> vector<16xf32>
      %swap3A_96 = arith.index_cast %scan3A_69 : i32 to index
      %swap3A_97 = arith.constant 64 : index
      %swap3A_98 = tpu.vector_load %arg10[%swap3A_96, %swap3A_97] {strides = array<i32>} : memref<16x1024xf32, #tpu.memory_space<vmem>>, vector<16xf32>,
      tpu.vector_store %arg10[%swap3A_96, %swap3A_97], %unpack3A_94 {add = true, strides = array<i32>} : memref<16x1024xf32, #tpu.memory_space<vmem>>, vector<16xf32>,
      %swap3A_99 = arith.index_cast %scan3A_69 : i32 to index
      %swap3A_100 = arith.constant 80 : index
      %swap3A_101 = tpu.vector_load %arg10[%swap3A_99, %swap3A_100] {strides = array<i32>} : memref<16x1024xf32, #tpu.memory_space<vmem>>, vector<16xf32>,
      tpu.vector_store %arg10[%swap3A_99, %swap3A_100], %unpack3A_95 {add = true, strides = array<i32>} : memref<16x1024xf32, #tpu.memory_space<vmem>>, vector<16xf32>,
      %get3A_102 = arith.index_cast %scan3A_69 : i32 to index
      %get3A_103 = arith.constant 48 : index
      %get3A_104 = tpu.vector_load %arg13[%get3A_102, %get3A_103] {strides = array<i32>} : memref<16x512xi32, #tpu.memory_space<vmem>>, vector<16xi32>,
      %bitcast3A_105 = vector.bitcast %get3A_104 : vector<16xi32> to vector<32xbf16>
      %unpack3A_106 = tpu.unpack_subelements %bitcast3A_105, 0 {pack_format = #tpu.pack_format<interleaved>} : vector<32xbf16> -> vector<16xf32>
      %unpack3A_107 = tpu.unpack_subelements %bitcast3A_105, 1 {pack_format = #tpu.pack_format<interleaved>} : vector<32xbf16> -> vector<16xf32>
      %swap3A_108 = arith.index_cast %scan3A_69 : i32 to index
      %swap3A_109 = arith.constant 96 : index
      %swap3A_110 = tpu.vector_load %arg10[%swap3A_108, %swap3A_109] {strides = array<i32>} : memref<16x1024xf32, #tpu.memory_space<vmem>>, vector<16xf32>,
      tpu.vector_store %arg10[%swap3A_108, %swap3A_109], %unpack3A_106 {add = true, strides = array<i32>} : memref<16x1024xf32, #tpu.memory_space<vmem>>, vector<16xf32>,
      %swap3A_111 = arith.index_cast %scan3A_69 : i32 to index
      %swap3A_112 = arith.constant 112 : index
      %swap3A_113 = tpu.vector_load %arg10[%swap3A_111, %swap3A_112] {strides = array<i32>} : memref<16x1024xf32, #tpu.memory_space<vmem>>, vector<16xf32>,
      tpu.vector_store %arg10[%swap3A_111, %swap3A_112], %unpack3A_107 {add = true, strides = array<i32>} : memref<16x1024xf32, #tpu.memory_space<vmem>>, vector<16xf32>,
      %get3A_114 = arith.index_cast %scan3A_69 : i32 to index
      %get3A_115 = arith.constant 64 : index
      %get3A_116 = tpu.vector_load %arg13[%get3A_114, %get3A_115] {strides = array<i32>} : memref<16x512xi32, #tpu.memory_space<vmem>>, vector<16xi32>,
      %bitcast3A_117 = vector.bitcast %get3A_116 : vector<16xi32> to vector<32xbf16>
      %unpack3A_118 = tpu.unpack_subelements %bitcast3A_117, 0 {pack_format = #tpu.pack_format<interleaved>} : vector<32xbf16> -> vector<16xf32>
      %unpack3A_119 = tpu.unpack_subelements %bitcast3A_117, 1 {pack_format = #tpu.pack_format<interleaved>} : vector<32xbf16> -> vector<16xf32>
      %swap3A_120 = arith.index_cast %scan3A_69 : i32 to index
      %swap3A_121 = arith.constant 128 : index
      %swap3A_122 = tpu.vector_load %arg10[%swap3A_120, %swap3A_121] {strides = array<i32>} : memref<16x1024xf32, #tpu.memory_space<vmem>>, vector<16xf32>,
      tpu.vector_store %arg10[%swap3A_120, %swap3A_121], %unpack3A_118 {add = true, strides = array<i32>} : memref<16x1024xf32, #tpu.memory_space<vmem>>, vector<16xf32>,
      %swap3A_123 = arith.index_cast %scan3A_69 : i32 to index
      %swap3A_124 = arith.constant 144 : index
      %swap3A_125 = tpu.vector_load %arg10[%swap3A_123, %swap3A_124] {strides = array<i32>} : memref<16x1024xf32, #tpu.memory_space<vmem>>, vector<16xf32>,
      tpu.vector_store %arg10[%swap3A_123, %swap3A_124], %unpack3A_119 {add = true, strides = array<i32>} : memref<16x1024xf32, #tpu.memory_space<vmem>>, vector<16xf32>,
      %get3A_126 = arith.index_cast %scan3A_69 : i32 to index
      %get3A_127 = arith.constant 80 : index
      %get3A_128 = tpu.vector_load %arg13[%get3A_126, %get3A_127] {strides = array<i32>} : memref<16x512xi32, #tpu.memory_space<vmem>>, vector<16xi32>,
      %bitcast3A_129 = vector.bitcast %get3A_128 : vector<16xi32> to vector<32xbf16>
      %unpack3A_130 = tpu.unpack_subelements %bitcast3A_129, 0 {pack_format = #tpu.pack_format<interleaved>} : vector<32xbf16> -> vector<16xf32>
      %unpack3A_131 = tpu.unpack_subelements %bitcast3A_129, 1 {pack_format = #tpu.pack_format<interleaved>} : vector<32xbf16> -> vector<16xf32>
      %swap3A_132 = arith.index_cast %scan3A_69 : i32 to index
      %swap3A_133 = arith.constant 160 : index
      %swap3A_134 = tpu.vector_load %arg10[%swap3A_132, %swap3A_133] {strides = array<i32>} : memref<16x1024xf32, #tpu.memory_space<vmem>>, vector<16xf32>,
      tpu.vector_store %arg10[%swap3A_132, %swap3A_133], %unpack3A_130 {add = true, strides = array<i32>} : memref<16x1024xf32, #tpu.memory_space<vmem>>, vector<16xf32>,
      %swap3A_135 = arith.index_cast %scan3A_69 : i32 to index
      %swap3A_136 = arith.constant 176 : index
      %swap3A_137 = tpu.vector_load %arg10[%swap3A_135, %swap3A_136] {strides = array<i32>} : memref<16x1024xf32, #tpu.memory_space<vmem>>, vector<16xf32>,
      tpu.vector_store %arg10[%swap3A_135, %swap3A_136], %unpack3A_131 {add = true, strides = array<i32>} : memref<16x1024xf32, #tpu.memory_space<vmem>>, vector<16xf32>,
      %get3A_138 = arith.index_cast %scan3A_69 : i32 to index
      %get3A_139 = arith.constant 96 : index
      %get3A_140 = tpu.vector_load %arg13[%get3A_138, %get3A_139] {strides = array<i32>} : memref<16x512xi32, #tpu.memory_space<vmem>>, vector<16xi32>,
      %bitcast3A_141 = vector.bitcast %get3A_140 : vector<16xi32> to vector<32xbf16>
      %unpack3A_142 = tpu.unpack_subelements %bitcast3A_141, 0 {pack_format = #tpu.pack_format<interleaved>} : vector<32xbf16> -> vector<16xf32>
      %unpack3A_143 = tpu.unpack_subelements %bitcast3A_141, 1 {pack_format = #tpu.pack_format<interleaved>} : vector<32xbf16> -> vector<16xf32>
      %swap3A_144 = arith.index_cast %scan3A_69 : i32 to index
      %swap3A_145 = arith.constant 192 : index
      %swap3A_146 = tpu.vector_load %arg10[%swap3A_144, %swap3A_145] {strides = array<i32>} : memref<16x1024xf32, #tpu.memory_space<vmem>>, vector<16xf32>,
      tpu.vector_store %arg10[%swap3A_144, %swap3A_145], %unpack3A_142 {add = true, strides = array<i32>} : memref<16x1024xf32, #tpu.memory_space<vmem>>, vector<16xf32>,
      %swap3A_147 = arith.index_cast %scan3A_69 : i32 to index
      %swap3A_148 = arith.constant 208 : index
      %swap3A_149 = tpu.vector_load %arg10[%swap3A_147, %swap3A_148] {strides = array<i32>} : memref<16x1024xf32, #tpu.memory_space<vmem>>, vector<16xf32>,
      tpu.vector_store %arg10[%swap3A_147, %swap3A_148], %unpack3A_143 {add = true, strides = array<i32>} : memref<16x1024xf32, #tpu.memory_space<vmem>>, vector<16xf32>,
      %get3A_150 = arith.index_cast %scan3A_69 : i32 to index
      %get3A_151 = arith.constant 112 : index
      %get3A_152 = tpu.vector_load %arg13[%get3A_150, %get3A_151] {strides = array<i32>} : memref<16x512xi32, #tpu.memory_space<vmem>>, vector<16xi32>,
      %bitcast3A_153 = vector.bitcast %get3A_152 : vector<16xi32> to vector<32xbf16>
      %unpack3A_154 = tpu.unpack_subelements %bitcast3A_153, 0 {pack_format = #tpu.pack_format<interleaved>} : vector<32xbf16> -> vector<16xf32>
      %unpack3A_155 = tpu.unpack_subelements %bitcast3A_153, 1 {pack_format = #tpu.pack_format<interleaved>} : vector<32xbf16> -> vector<16xf32>
      %swap3A_156 = arith.index_cast %scan3A_69 : i32 to index
      %swap3A_157 = arith.constant 224 : index
      %swap3A_158 = tpu.vector_load %arg10[%swap3A_156, %swap3A_157] {strides = array<i32>} : memref<16x1024xf32, #tpu.memory_space<vmem>>, vector<16xf32>,
      tpu.vector_store %arg10[%swap3A_156, %swap3A_157], %unpack3A_154 {add = true, strides = array<i32>} : memref<16x1024xf32, #tpu.memory_space<vmem>>, vector<16xf32>,
      %swap3A_159 = arith.index_cast %scan3A_69 : i32 to index
      %swap3A_160 = arith.constant 240 : index
      %swap3A_161 = tpu.vector_load %arg10[%swap3A_159, %swap3A_160] {strides = array<i32>} : memref<16x1024xf32, #tpu.memory_space<vmem>>, vector<16xf32>,
      tpu.vector_store %arg10[%swap3A_159, %swap3A_160], %unpack3A_155 {add = true, strides = array<i32>} : memref<16x1024xf32, #tpu.memory_space<vmem>>, vector<16xf32>,
      %get3A_162 = arith.index_cast %scan3A_69 : i32 to index
      %get3A_163 = arith.constant 128 : index
      %get3A_164 = tpu.vector_load %arg13[%get3A_162, %get3A_163] {strides = array<i32>} : memref<16x512xi32, #tpu.memory_space<vmem>>, vector<16xi32>,
      %bitcast3A_165 = vector.bitcast %get3A_164 : vector<16xi32> to vector<32xbf16>
      %unpack3A_166 = tpu.unpack_subelements %bitcast3A_165, 0 {pack_format = #tpu.pack_format<interleaved>} : vector<32xbf16> -> vector<16xf32>
      %unpack3A_167 = tpu.unpack_subelements %bitcast3A_165, 1 {pack_format = #tpu.pack_format<interleaved>} : vector<32xbf16> -> vector<16xf32>
      %swap3A_168 = arith.index_cast %scan3A_69 : i32 to index
      %swap3A_169 = arith.constant 256 : index
      %swap3A_170 = tpu.vector_load %arg10[%swap3A_168, %swap3A_169] {strides = array<i32>} : memref<16x1024xf32, #tpu.memory_space<vmem>>, vector<16xf32>,
      tpu.vector_store %arg10[%swap3A_168, %swap3A_169], %unpack3A_166 {add = true, strides = array<i32>} : memref<16x1024xf32, #tpu.memory_space<vmem>>, vector<16xf32>,
      %swap3A_171 = arith.index_cast %scan3A_69 : i32 to index
      %swap3A_172 = arith.constant 272 : index
      %swap3A_173 = tpu.vector_load %arg10[%swap3A_171, %swap3A_172] {strides = array<i32>} : memref<16x1024xf32, #tpu.memory_space<vmem>>, vector<16xf32>,
      tpu.vector_store %arg10[%swap3A_171, %swap3A_172], %unpack3A_167 {add = true, strides = array<i32>} : memref<16x1024xf32, #tpu.memory_space<vmem>>, vector<16xf32>,
      %get3A_174 = arith.index_cast %scan3A_69 : i32 to index
      %get3A_175 = arith.constant 144 : index
      %get3A_176 = tpu.vector_load %arg13[%get3A_174, %get3A_175] {strides = array<i32>} : memref<16x512xi32, #tpu.memory_space<vmem>>, vector<16xi32>,
      %bitcast3A_177 = vector.bitcast %get3A_176 : vector<16xi32> to vector<32xbf16>
      %unpack3A_178 = tpu.unpack_subelements %bitcast3A_177, 0 {pack_format = #tpu.pack_format<interleaved>} : vector<32xbf16> -> vector<16xf32>
      %unpack3A_179 = tpu.unpack_subelements %bitcast3A_177, 1 {pack_format = #tpu.pack_format<interleaved>} : vector<32xbf16> -> vector<16xf32>
      %swap3A_180 = arith.index_cast %scan3A_69 : i32 to index
      %swap3A_181 = arith.constant 288 : index
      %swap3A_182 = tpu.vector_load %arg10[%swap3A_180, %swap3A_181] {strides = array<i32>} : memref<16x1024xf32, #tpu.memory_space<vmem>>, vector<16xf32>,
      tpu.vector_store %arg10[%swap3A_180, %swap3A_181], %unpack3A_178 {add = true, strides = array<i32>} : memref<16x1024xf32, #tpu.memory_space<vmem>>, vector<16xf32>,
      %swap3A_183 = arith.index_cast %scan3A_69 : i32 to index
      %swap3A_184 = arith.constant 304 : index
      %swap3A_185 = tpu.vector_load %arg10[%swap3A_183, %swap3A_184] {strides = array<i32>} : memref<16x1024xf32, #tpu.memory_space<vmem>>, vector<16xf32>,
      tpu.vector_store %arg10[%swap3A_183, %swap3A_184], %unpack3A_179 {add = true, strides = array<i32>} : memref<16x1024xf32, #tpu.memory_space<vmem>>, vector<16xf32>,
      %get3A_186 = arith.index_cast %scan3A_69 : i32 to index
      %get3A_187 = arith.constant 160 : index
      %get3A_188 = tpu.vector_load %arg13[%get3A_186, %get3A_187] {strides = array<i32>} : memref<16x512xi32, #tpu.memory_space<vmem>>, vector<16xi32>,
      %bitcast3A_189 = vector.bitcast %get3A_188 : vector<16xi32> to vector<32xbf16>
      %unpack3A_190 = tpu.unpack_subelements %bitcast3A_189, 0 {pack_format = #tpu.pack_format<interleaved>} : vector<32xbf16> -> vector<16xf32>
      %unpack3A_191 = tpu.unpack_subelements %bitcast3A_189, 1 {pack_format = #tpu.pack_format<interleaved>} : vector<32xbf16> -> vector<16xf32>
      %swap3A_192 = arith.index_cast %scan3A_69 : i32 to index
      %swap3A_193 = arith.constant 320 : index
      %swap3A_194 = tpu.vector_load %arg10[%swap3A_192, %swap3A_193] {strides = array<i32>} : memref<16x1024xf32, #tpu.memory_space<vmem>>, vector<16xf32>,
      tpu.vector_store %arg10[%swap3A_192, %swap3A_193], %unpack3A_190 {add = true, strides = array<i32>} : memref<16x1024xf32, #tpu.memory_space<vmem>>, vector<16xf32>,
      %swap3A_195 = arith.index_cast %scan3A_69 : i32 to index
      %swap3A_196 = arith.constant 336 : index
      %swap3A_197 = tpu.vector_load %arg10[%swap3A_195, %swap3A_196] {strides = array<i32>} : memref<16x1024xf32, #tpu.memory_space<vmem>>, vector<16xf32>,
      tpu.vector_store %arg10[%swap3A_195, %swap3A_196], %unpack3A_191 {add = true, strides = array<i32>} : memref<16x1024xf32, #tpu.memory_space<vmem>>, vector<16xf32>,
      %get3A_198 = arith.index_cast %scan3A_69 : i32 to index
      %get3A_199 = arith.constant 176 : index
      %get3A_200 = tpu.vector_load %arg13[%get3A_198, %get3A_199] {strides = array<i32>} : memref<16x512xi32, #tpu.memory_space<vmem>>, vector<16xi32>,
      %bitcast3A_201 = vector.bitcast %get3A_200 : vector<16xi32> to vector<32xbf16>
      %unpack3A_202 = tpu.unpack_subelements %bitcast3A_201, 0 {pack_format = #tpu.pack_format<interleaved>} : vector<32xbf16> -> vector<16xf32>
      %unpack3A_203 = tpu.unpack_subelements %bitcast3A_201, 1 {pack_format = #tpu.pack_format<interleaved>} : vector<32xbf16> -> vector<16xf32>
      %swap3A_204 = arith.index_cast %scan3A_69 : i32 to index
      %swap3A_205 = arith.constant 352 : index
      %swap3A_206 = tpu.vector_load %arg10[%swap3A_204, %swap3A_205] {strides = array<i32>} : memref<16x1024xf32, #tpu.memory_space<vmem>>, vector<16xf32>,
      tpu.vector_store %arg10[%swap3A_204, %swap3A_205], %unpack3A_202 {add = true, strides = array<i32>} : memref<16x1024xf32, #tpu.memory_space<vmem>>, vector<16xf32>,
      %swap3A_207 = arith.index_cast %scan3A_69 : i32 to index
      %swap3A_208 = arith.constant 368 : index
      %swap3A_209 = tpu.vector_load %arg10[%swap3A_207, %swap3A_208] {strides = array<i32>} : memref<16x1024xf32, #tpu.memory_space<vmem>>, vector<16xf32>,
      tpu.vector_store %arg10[%swap3A_207, %swap3A_208], %unpack3A_203 {add = true, strides = array<i32>} : memref<16x1024xf32, #tpu.memory_space<vmem>>, vector<16xf32>,
      %get3A_210 = arith.index_cast %scan3A_69 : i32 to index
      %get3A_211 = arith.constant 192 : index
      %get3A_212 = tpu.vector_load %arg13[%get3A_210, %get3A_211] {strides = array<i32>} : memref<16x512xi32, #tpu.memory_space<vmem>>, vector<16xi32>,
      %bitcast3A_213 = vector.bitcast %get3A_212 : vector<16xi32> to vector<32xbf16>
      %unpack3A_214 = tpu.unpack_subelements %bitcast3A_213, 0 {pack_format = #tpu.pack_format<interleaved>} : vector<32xbf16> -> vector<16xf32>
      %unpack3A_215 = tpu.unpack_subelements %bitcast3A_213, 1 {pack_format = #tpu.pack_format<interleaved>} : vector<32xbf16> -> vector<16xf32>
      %swap3A_216 = arith.index_cast %scan3A_69 : i32 to index
      %swap3A_217 = arith.constant 384 : index
      %swap3A_218 = tpu.vector_load %arg10[%swap3A_216, %swap3A_217] {strides = array<i32>} : memref<16x1024xf32, #tpu.memory_space<vmem>>, vector<16xf32>,
      tpu.vector_store %arg10[%swap3A_216, %swap3A_217], %unpack3A_214 {add = true, strides = array<i32>} : memref<16x1024xf32, #tpu.memory_space<vmem>>, vector<16xf32>,
      %swap3A_219 = arith.index_cast %scan3A_69 : i32 to index
      %swap3A_220 = arith.constant 400 : index
      %swap3A_221 = tpu.vector_load %arg10[%swap3A_219, %swap3A_220] {strides = array<i32>} : memref<16x1024xf32, #tpu.memory_space<vmem>>, vector<16xf32>,
      tpu.vector_store %arg10[%swap3A_219, %swap3A_220], %unpack3A_215 {add = true, strides = array<i32>} : memref<16x1024xf32, #tpu.memory_space<vmem>>, vector<16xf32>,
      %get3A_222 = arith.index_cast %scan3A_69 : i32 to index
      %get3A_223 = arith.constant 208 : index
      %get3A_224 = tpu.vector_load %arg13[%get3A_222, %get3A_223] {strides = array<i32>} : memref<16x512xi32, #tpu.memory_space<vmem>>, vector<16xi32>,
      %bitcast3A_225 = vector.bitcast %get3A_224 : vector<16xi32> to vector<32xbf16>
      %unpack3A_226 = tpu.unpack_subelements %bitcast3A_225, 0 {pack_format = #tpu.pack_format<interleaved>} : vector<32xbf16> -> vector<16xf32>
      %unpack3A_227 = tpu.unpack_subelements %bitcast3A_225, 1 {pack_format = #tpu.pack_format<interleaved>} : vector<32xbf16> -> vector<16xf32>
      %swap3A_228 = arith.index_cast %scan3A_69 : i32 to index
      %swap3A_229 = arith.constant 416 : index
      %swap3A_230 = tpu.vector_load %arg10[%swap3A_228, %swap3A_229] {strides = array<i32>} : memref<16x1024xf32, #tpu.memory_space<vmem>>, vector<16xf32>,
      tpu.vector_store %arg10[%swap3A_228, %swap3A_229], %unpack3A_226 {add = true, strides = array<i32>} : memref<16x1024xf32, #tpu.memory_space<vmem>>, vector<16xf32>,
      %swap3A_231 = arith.index_cast %scan3A_69 : i32 to index
      %swap3A_232 = arith.constant 432 : index
      %swap3A_233 = tpu.vector_load %arg10[%swap3A_231, %swap3A_232] {strides = array<i32>} : memref<16x1024xf32, #tpu.memory_space<vmem>>, vector<16xf32>,
      tpu.vector_store %arg10[%swap3A_231, %swap3A_232], %unpack3A_227 {add = true, strides = array<i32>} : memref<16x1024xf32, #tpu.memory_space<vmem>>, vector<16xf32>,
      %get3A_234 = arith.index_cast %scan3A_69 : i32 to index
      %get3A_235 = arith.constant 224 : index
      %get3A_236 = tpu.vector_load %arg13[%get3A_234, %get3A_235] {strides = array<i32>} : memref<16x512xi32, #tpu.memory_space<vmem>>, vector<16xi32>,
      %bitcast3A_237 = vector.bitcast %get3A_236 : vector<16xi32> to vector<32xbf16>
      %unpack3A_238 = tpu.unpack_subelements %bitcast3A_237, 0 {pack_format = #tpu.pack_format<interleaved>} : vector<32xbf16> -> vector<16xf32>
      %unpack3A_239 = tpu.unpack_subelements %bitcast3A_237, 1 {pack_format = #tpu.pack_format<interleaved>} : vector<32xbf16> -> vector<16xf32>
      %swap3A_240 = arith.index_cast %scan3A_69 : i32 to index
      %swap3A_241 = arith.constant 448 : index
      %swap3A_242 = tpu.vector_load %arg10[%swap3A_240, %swap3A_241] {strides = array<i32>} : memref<16x1024xf32, #tpu.memory_space<vmem>>, vector<16xf32>,
      tpu.vector_store %arg10[%swap3A_240, %swap3A_241], %unpack3A_238 {add = true, strides = array<i32>} : memref<16x1024xf32, #tpu.memory_space<vmem>>, vector<16xf32>,
      %swap3A_243 = arith.index_cast %scan3A_69 : i32 to index
      %swap3A_244 = arith.constant 464 : index
      %swap3A_245 = tpu.vector_load %arg10[%swap3A_243, %swap3A_244] {strides = array<i32>} : memref<16x1024xf32, #tpu.memory_space<vmem>>, vector<16xf32>,
      tpu.vector_store %arg10[%swap3A_243, %swap3A_244], %unpack3A_239 {add = true, strides = array<i32>} : memref<16x1024xf32, #tpu.memory_space<vmem>>, vector<16xf32>,
      %get3A_246 = arith.index_cast %scan3A_69 : i32 to index
      %get3A_247 = arith.constant 240 : index
      %get3A_248 = tpu.vector_load %arg13[%get3A_246, %get3A_247] {strides = array<i32>} : memref<16x512xi32, #tpu.memory_space<vmem>>, vector<16xi32>,
      %bitcast3A_249 = vector.bitcast %get3A_248 : vector<16xi32> to vector<32xbf16>
      %unpack3A_250 = tpu.unpack_subelements %bitcast3A_249, 0 {pack_format = #tpu.pack_format<interleaved>} : vector<32xbf16> -> vector<16xf32>
      %unpack3A_251 = tpu.unpack_subelements %bitcast3A_249, 1 {pack_format = #tpu.pack_format<interleaved>} : vector<32xbf16> -> vector<16xf32>
      %swap3A_252 = arith.index_cast %scan3A_69 : i32 to index
      %swap3A_253 = arith.constant 480 : index
      %swap3A_254 = tpu.vector_load %arg10[%swap3A_252, %swap3A_253] {strides = array<i32>} : memref<16x1024xf32, #tpu.memory_space<vmem>>, vector<16xf32>,
      tpu.vector_store %arg10[%swap3A_252, %swap3A_253], %unpack3A_250 {add = true, strides = array<i32>} : memref<16x1024xf32, #tpu.memory_space<vmem>>, vector<16xf32>,
      %swap3A_255 = arith.index_cast %scan3A_69 : i32 to index
      %swap3A_256 = arith.constant 496 : index
      %swap3A_257 = tpu.vector_load %arg10[%swap3A_255, %swap3A_256] {strides = array<i32>} : memref<16x1024xf32, #tpu.memory_space<vmem>>, vector<16xf32>,
      tpu.vector_store %arg10[%swap3A_255, %swap3A_256], %unpack3A_251 {add = true, strides = array<i32>} : memref<16x1024xf32, #tpu.memory_space<vmem>>, vector<16xf32>,
      %get3A_258 = arith.index_cast %scan3A_69 : i32 to index
      %get3A_259 = arith.constant 256 : index
      %get3A_260 = tpu.vector_load %arg13[%get3A_258, %get3A_259] {strides = array<i32>} : memref<16x512xi32, #tpu.memory_space<vmem>>, vector<16xi32>,
      %bitcast3A_261 = vector.bitcast %get3A_260 : vector<16xi32> to vector<32xbf16>
      %unpack3A_262 = tpu.unpack_subelements %bitcast3A_261, 0 {pack_format = #tpu.pack_format<interleaved>} : vector<32xbf16> -> vector<16xf32>
      %unpack3A_263 = tpu.unpack_subelements %bitcast3A_261, 1 {pack_format = #tpu.pack_format<interleaved>} : vector<32xbf16> -> vector<16xf32>
      %swap3A_264 = arith.index_cast %scan3A_69 : i32 to index
      %swap3A_265 = arith.constant 512 : index
      %swap3A_266 = tpu.vector_load %arg10[%swap3A_264, %swap3A_265] {strides = array<i32>} : memref<16x1024xf32, #tpu.memory_space<vmem>>, vector<16xf32>,
      tpu.vector_store %arg10[%swap3A_264, %swap3A_265], %unpack3A_262 {add = true, strides = array<i32>} : memref<16x1024xf32, #tpu.memory_space<vmem>>, vector<16xf32>,
      %swap3A_267 = arith.index_cast %scan3A_69 : i32 to index
      %swap3A_268 = arith.constant 528 : index
      %swap3A_269 = tpu.vector_load %arg10[%swap3A_267, %swap3A_268] {strides = array<i32>} : memref<16x1024xf32, #tpu.memory_space<vmem>>, vector<16xf32>,
      tpu.vector_store %arg10[%swap3A_267, %swap3A_268], %unpack3A_263 {add = true, strides = array<i32>} : memref<16x1024xf32, #tpu.memory_space<vmem>>, vector<16xf32>,
      %get3A_270 = arith.index_cast %scan3A_69 : i32 to index
      %get3A_271 = arith.constant 272 : index
      %get3A_272 = tpu.vector_load %arg13[%get3A_270, %get3A_271] {strides = array<i32>} : memref<16x512xi32, #tpu.memory_space<vmem>>, vector<16xi32>,
      %bitcast3A_273 = vector.bitcast %get3A_272 : vector<16xi32> to vector<32xbf16>
      %unpack3A_274 = tpu.unpack_subelements %bitcast3A_273, 0 {pack_format = #tpu.pack_format<interleaved>} : vector<32xbf16> -> vector<16xf32>
      %unpack3A_275 = tpu.unpack_subelements %bitcast3A_273, 1 {pack_format = #tpu.pack_format<interleaved>} : vector<32xbf16> -> vector<16xf32>
      %swap3A_276 = arith.index_cast %scan3A_69 : i32 to index
      %swap3A_277 = arith.constant 544 : index
      %swap3A_278 = tpu.vector_load %arg10[%swap3A_276, %swap3A_277] {strides = array<i32>} : memref<16x1024xf32, #tpu.memory_space<vmem>>, vector<16xf32>,
      tpu.vector_store %arg10[%swap3A_276, %swap3A_277], %unpack3A_274 {add = true, strides = array<i32>} : memref<16x1024xf32, #tpu.memory_space<vmem>>, vector<16xf32>,
      %swap3A_279 = arith.index_cast %scan3A_69 : i32 to index
      %swap3A_280 = arith.constant 560 : index
      %swap3A_281 = tpu.vector_load %arg10[%swap3A_279, %swap3A_280] {strides = array<i32>} : memref<16x1024xf32, #tpu.memory_space<vmem>>, vector<16xf32>,
      tpu.vector_store %arg10[%swap3A_279, %swap3A_280], %unpack3A_275 {add = true, strides = array<i32>} : memref<16x1024xf32, #tpu.memory_space<vmem>>, vector<16xf32>,
      %get3A_282 = arith.index_cast %scan3A_69 : i32 to index
      %get3A_283 = arith.constant 288 : index
      %get3A_284 = tpu.vector_load %arg13[%get3A_282, %get3A_283] {strides = array<i32>} : memref<16x512xi32, #tpu.memory_space<vmem>>, vector<16xi32>,
      %bitcast3A_285 = vector.bitcast %get3A_284 : vector<16xi32> to vector<32xbf16>
      %unpack3A_286 = tpu.unpack_subelements %bitcast3A_285, 0 {pack_format = #tpu.pack_format<interleaved>} : vector<32xbf16> -> vector<16xf32>
      %unpack3A_287 = tpu.unpack_subelements %bitcast3A_285, 1 {pack_format = #tpu.pack_format<interleaved>} : vector<32xbf16> -> vector<16xf32>
      %swap3A_288 = arith.index_cast %scan3A_69 : i32 to index
      %swap3A_289 = arith.constant 576 : index
      %swap3A_290 = tpu.vector_load %arg10[%swap3A_288, %swap3A_289] {strides = array<i32>} : memref<16x1024xf32, #tpu.memory_space<vmem>>, vector<16xf32>,
      tpu.vector_store %arg10[%swap3A_288, %swap3A_289], %unpack3A_286 {add = true, strides = array<i32>} : memref<16x1024xf32, #tpu.memory_space<vmem>>, vector<16xf32>,
      %swap3A_291 = arith.index_cast %scan3A_69 : i32 to index
      %swap3A_292 = arith.constant 592 : index
      %swap3A_293 = tpu.vector_load %arg10[%swap3A_291, %swap3A_292] {strides = array<i32>} : memref<16x1024xf32, #tpu.memory_space<vmem>>, vector<16xf32>,
      tpu.vector_store %arg10[%swap3A_291, %swap3A_292], %unpack3A_287 {add = true, strides = array<i32>} : memref<16x1024xf32, #tpu.memory_space<vmem>>, vector<16xf32>,
      %get3A_294 = arith.index_cast %scan3A_69 : i32 to index
      %get3A_295 = arith.constant 304 : index
      %get3A_296 = tpu.vector_load %arg13[%get3A_294, %get3A_295] {strides = array<i32>} : memref<16x512xi32, #tpu.memory_space<vmem>>, vector<16xi32>,
      %bitcast3A_297 = vector.bitcast %get3A_296 : vector<16xi32> to vector<32xbf16>
      %unpack3A_298 = tpu.unpack_subelements %bitcast3A_297, 0 {pack_format = #tpu.pack_format<interleaved>} : vector<32xbf16> -> vector<16xf32>
      %unpack3A_299 = tpu.unpack_subelements %bitcast3A_297, 1 {pack_format = #tpu.pack_format<interleaved>} : vector<32xbf16> -> vector<16xf32>
      %swap3A_300 = arith.index_cast %scan3A_69 : i32 to index
      %swap3A_301 = arith.constant 608 : index
      %swap3A_302 = tpu.vector_load %arg10[%swap3A_300, %swap3A_301] {strides = array<i32>} : memref<16x1024xf32, #tpu.memory_space<vmem>>, vector<16xf32>,
      tpu.vector_store %arg10[%swap3A_300, %swap3A_301], %unpack3A_298 {add = true, strides = array<i32>} : memref<16x1024xf32, #tpu.memory_space<vmem>>, vector<16xf32>,
      %swap3A_303 = arith.index_cast %scan3A_69 : i32 to index
      %swap3A_304 = arith.constant 624 : index
      %swap3A_305 = tpu.vector_load %arg10[%swap3A_303, %swap3A_304] {strides = array<i32>} : memref<16x1024xf32, #tpu.memory_space<vmem>>, vector<16xf32>,
      tpu.vector_store %arg10[%swap3A_303, %swap3A_304], %unpack3A_299 {add = true, strides = array<i32>} : memref<16x1024xf32, #tpu.memory_space<vmem>>, vector<16xf32>,
      %get3A_306 = arith.index_cast %scan3A_69 : i32 to index
      %get3A_307 = arith.constant 320 : index
      %get3A_308 = tpu.vector_load %arg13[%get3A_306, %get3A_307] {strides = array<i32>} : memref<16x512xi32, #tpu.memory_space<vmem>>, vector<16xi32>,
      %bitcast3A_309 = vector.bitcast %get3A_308 : vector<16xi32> to vector<32xbf16>
      %unpack3A_310 = tpu.unpack_subelements %bitcast3A_309, 0 {pack_format = #tpu.pack_format<interleaved>} : vector<32xbf16> -> vector<16xf32>
      %unpack3A_311 = tpu.unpack_subelements %bitcast3A_309, 1 {pack_format = #tpu.pack_format<interleaved>} : vector<32xbf16> -> vector<16xf32>
      %swap3A_312 = arith.index_cast %scan3A_69 : i32 to index
      %swap3A_313 = arith.constant 640 : index
      %swap3A_314 = tpu.vector_load %arg10[%swap3A_312, %swap3A_313] {strides = array<i32>} : memref<16x1024xf32, #tpu.memory_space<vmem>>, vector<16xf32>,
      tpu.vector_store %arg10[%swap3A_312, %swap3A_313], %unpack3A_310 {add = true, strides = array<i32>} : memref<16x1024xf32, #tpu.memory_space<vmem>>, vector<16xf32>,
      %swap3A_315 = arith.index_cast %scan3A_69 : i32 to index
      %swap3A_316 = arith.constant 656 : index
      %swap3A_317 = tpu.vector_load %arg10[%swap3A_315, %swap3A_316] {strides = array<i32>} : memref<16x1024xf32, #tpu.memory_space<vmem>>, vector<16xf32>,
      tpu.vector_store %arg10[%swap3A_315, %swap3A_316], %unpack3A_311 {add = true, strides = array<i32>} : memref<16x1024xf32, #tpu.memory_space<vmem>>, vector<16xf32>,
      %get3A_318 = arith.index_cast %scan3A_69 : i32 to index
      %get3A_319 = arith.constant 336 : index
      %get3A_320 = tpu.vector_load %arg13[%get3A_318, %get3A_319] {strides = array<i32>} : memref<16x512xi32, #tpu.memory_space<vmem>>, vector<16xi32>,
      %bitcast3A_321 = vector.bitcast %get3A_320 : vector<16xi32> to vector<32xbf16>
      %unpack3A_322 = tpu.unpack_subelements %bitcast3A_321, 0 {pack_format = #tpu.pack_format<interleaved>} : vector<32xbf16> -> vector<16xf32>
      %unpack3A_323 = tpu.unpack_subelements %bitcast3A_321, 1 {pack_format = #tpu.pack_format<interleaved>} : vector<32xbf16> -> vector<16xf32>
      %swap3A_324 = arith.index_cast %scan3A_69 : i32 to index
      %swap3A_325 = arith.constant 672 : index
      %swap3A_326 = tpu.vector_load %arg10[%swap3A_324, %swap3A_325] {strides = array<i32>} : memref<16x1024xf32, #tpu.memory_space<vmem>>, vector<16xf32>,
      tpu.vector_store %arg10[%swap3A_324, %swap3A_325], %unpack3A_322 {add = true, strides = array<i32>} : memref<16x1024xf32, #tpu.memory_space<vmem>>, vector<16xf32>,
      %swap3A_327 = arith.index_cast %scan3A_69 : i32 to index
      %swap3A_328 = arith.constant 688 : index
      %swap3A_329 = tpu.vector_load %arg10[%swap3A_327, %swap3A_328] {strides = array<i32>} : memref<16x1024xf32, #tpu.memory_space<vmem>>, vector<16xf32>,
      tpu.vector_store %arg10[%swap3A_327, %swap3A_328], %unpack3A_323 {add = true, strides = array<i32>} : memref<16x1024xf32, #tpu.memory_space<vmem>>, vector<16xf32>,
      %get3A_330 = arith.index_cast %scan3A_69 : i32 to index
      %get3A_331 = arith.constant 352 : index
      %get3A_332 = tpu.vector_load %arg13[%get3A_330, %get3A_331] {strides = array<i32>} : memref<16x512xi32, #tpu.memory_space<vmem>>, vector<16xi32>,
      %bitcast3A_333 = vector.bitcast %get3A_332 : vector<16xi32> to vector<32xbf16>
      %unpack3A_334 = tpu.unpack_subelements %bitcast3A_333, 0 {pack_format = #tpu.pack_format<interleaved>} : vector<32xbf16> -> vector<16xf32>
      %unpack3A_335 = tpu.unpack_subelements %bitcast3A_333, 1 {pack_format = #tpu.pack_format<interleaved>} : vector<32xbf16> -> vector<16xf32>
      %swap3A_336 = arith.index_cast %scan3A_69 : i32 to index
      %swap3A_337 = arith.constant 704 : index
      %swap3A_338 = tpu.vector_load %arg10[%swap3A_336, %swap3A_337] {strides = array<i32>} : memref<16x1024xf32, #tpu.memory_space<vmem>>, vector<16xf32>,
      tpu.vector_store %arg10[%swap3A_336, %swap3A_337], %unpack3A_334 {add = true, strides = array<i32>} : memref<16x1024xf32, #tpu.memory_space<vmem>>, vector<16xf32>,
      %swap3A_339 = arith.index_cast %scan3A_69 : i32 to index
      %swap3A_340 = arith.constant 720 : index
      %swap3A_341 = tpu.vector_load %arg10[%swap3A_339, %swap3A_340] {strides = array<i32>} : memref<16x1024xf32, #tpu.memory_space<vmem>>, vector<16xf32>,
      tpu.vector_store %arg10[%swap3A_339, %swap3A_340], %unpack3A_335 {add = true, strides = array<i32>} : memref<16x1024xf32, #tpu.memory_space<vmem>>, vector<16xf32>,
      %get3A_342 = arith.index_cast %scan3A_69 : i32 to index
      %get3A_343 = arith.constant 368 : index
      %get3A_344 = tpu.vector_load %arg13[%get3A_342, %get3A_343] {strides = array<i32>} : memref<16x512xi32, #tpu.memory_space<vmem>>, vector<16xi32>,
      %bitcast3A_345 = vector.bitcast %get3A_344 : vector<16xi32> to vector<32xbf16>
      %unpack3A_346 = tpu.unpack_subelements %bitcast3A_345, 0 {pack_format = #tpu.pack_format<interleaved>} : vector<32xbf16> -> vector<16xf32>
      %unpack3A_347 = tpu.unpack_subelements %bitcast3A_345, 1 {pack_format = #tpu.pack_format<interleaved>} : vector<32xbf16> -> vector<16xf32>
      %swap3A_348 = arith.index_cast %scan3A_69 : i32 to index
      %swap3A_349 = arith.constant 736 : index
      %swap3A_350 = tpu.vector_load %arg10[%swap3A_348, %swap3A_349] {strides = array<i32>} : memref<16x1024xf32, #tpu.memory_space<vmem>>, vector<16xf32>,
      tpu.vector_store %arg10[%swap3A_348, %swap3A_349], %unpack3A_346 {add = true, strides = array<i32>} : memref<16x1024xf32, #tpu.memory_space<vmem>>, vector<16xf32>,
      %swap3A_351 = arith.index_cast %scan3A_69 : i32 to index
      %swap3A_352 = arith.constant 752 : index
      %swap3A_353 = tpu.vector_load %arg10[%swap3A_351, %swap3A_352] {strides = array<i32>} : memref<16x1024xf32, #tpu.memory_space<vmem>>, vector<16xf32>,
      tpu.vector_store %arg10[%swap3A_351, %swap3A_352], %unpack3A_347 {add = true, strides = array<i32>} : memref<16x1024xf32, #tpu.memory_space<vmem>>, vector<16xf32>,
      %get3A_354 = arith.index_cast %scan3A_69 : i32 to index
      %get3A_355 = arith.constant 384 : index
      %get3A_356 = tpu.vector_load %arg13[%get3A_354, %get3A_355] {strides = array<i32>} : memref<16x512xi32, #tpu.memory_space<vmem>>, vector<16xi32>,
      %bitcast3A_357 = vector.bitcast %get3A_356 : vector<16xi32> to vector<32xbf16>
      %unpack3A_358 = tpu.unpack_subelements %bitcast3A_357, 0 {pack_format = #tpu.pack_format<interleaved>} : vector<32xbf16> -> vector<16xf32>
      %unpack3A_359 = tpu.unpack_subelements %bitcast3A_357, 1 {pack_format = #tpu.pack_format<interleaved>} : vector<32xbf16> -> vector<16xf32>
      %swap3A_360 = arith.index_cast %scan3A_69 : i32 to index
      %swap3A_361 = arith.constant 768 : index
      %swap3A_362 = tpu.vector_load %arg10[%swap3A_360, %swap3A_361] {strides = array<i32>} : memref<16x1024xf32, #tpu.memory_space<vmem>>, vector<16xf32>,
      tpu.vector_store %arg10[%swap3A_360, %swap3A_361], %unpack3A_358 {add = true, strides = array<i32>} : memref<16x1024xf32, #tpu.memory_space<vmem>>, vector<16xf32>,
      %swap3A_363 = arith.index_cast %scan3A_69 : i32 to index
      %swap3A_364 = arith.constant 784 : index
      %swap3A_365 = tpu.vector_load %arg10[%swap3A_363, %swap3A_364] {strides = array<i32>} : memref<16x1024xf32, #tpu.memory_space<vmem>>, vector<16xf32>,
      tpu.vector_store %arg10[%swap3A_363, %swap3A_364], %unpack3A_359 {add = true, strides = array<i32>} : memref<16x1024xf32, #tpu.memory_space<vmem>>, vector<16xf32>,
      %get3A_366 = arith.index_cast %scan3A_69 : i32 to index
      %get3A_367 = arith.constant 400 : index
      %get3A_368 = tpu.vector_load %arg13[%get3A_366, %get3A_367] {strides = array<i32>} : memref<16x512xi32, #tpu.memory_space<vmem>>, vector<16xi32>,
      %bitcast3A_369 = vector.bitcast %get3A_368 : vector<16xi32> to vector<32xbf16>
      %unpack3A_370 = tpu.unpack_subelements %bitcast3A_369, 0 {pack_format = #tpu.pack_format<interleaved>} : vector<32xbf16> -> vector<16xf32>
      %unpack3A_371 = tpu.unpack_subelements %bitcast3A_369, 1 {pack_format = #tpu.pack_format<interleaved>} : vector<32xbf16> -> vector<16xf32>
      %swap3A_372 = arith.index_cast %scan3A_69 : i32 to index
      %swap3A_373 = arith.constant 800 : index
      %swap3A_374 = tpu.vector_load %arg10[%swap3A_372, %swap3A_373] {strides = array<i32>} : memref<16x1024xf32, #tpu.memory_space<vmem>>, vector<16xf32>,
      tpu.vector_store %arg10[%swap3A_372, %swap3A_373], %unpack3A_370 {add = true, strides = array<i32>} : memref<16x1024xf32, #tpu.memory_space<vmem>>, vector<16xf32>,
      %swap3A_375 = arith.index_cast %scan3A_69 : i32 to index
      %swap3A_376 = arith.constant 816 : index
      %swap3A_377 = tpu.vector_load %arg10[%swap3A_375, %swap3A_376] {strides = array<i32>} : memref<16x1024xf32, #tpu.memory_space<vmem>>, vector<16xf32>,
      tpu.vector_store %arg10[%swap3A_375, %swap3A_376], %unpack3A_371 {add = true, strides = array<i32>} : memref<16x1024xf32, #tpu.memory_space<vmem>>, vector<16xf32>,
      %get3A_378 = arith.index_cast %scan3A_69 : i32 to index
      %get3A_379 = arith.constant 416 : index
      %get3A_380 = tpu.vector_load %arg13[%get3A_378, %get3A_379] {strides = array<i32>} : memref<16x512xi32, #tpu.memory_space<vmem>>, vector<16xi32>,
      %bitcast3A_381 = vector.bitcast %get3A_380 : vector<16xi32> to vector<32xbf16>
      %unpack3A_382 = tpu.unpack_subelements %bitcast3A_381, 0 {pack_format = #tpu.pack_format<interleaved>} : vector<32xbf16> -> vector<16xf32>
      %unpack3A_383 = tpu.unpack_subelements %bitcast3A_381, 1 {pack_format = #tpu.pack_format<interleaved>} : vector<32xbf16> -> vector<16xf32>
      %swap3A_384 = arith.index_cast %scan3A_69 : i32 to index
      %swap3A_385 = arith.constant 832 : index
      %swap3A_386 = tpu.vector_load %arg10[%swap3A_384, %swap3A_385] {strides = array<i32>} : memref<16x1024xf32, #tpu.memory_space<vmem>>, vector<16xf32>,
      tpu.vector_store %arg10[%swap3A_384, %swap3A_385], %unpack3A_382 {add = true, strides = array<i32>} : memref<16x1024xf32, #tpu.memory_space<vmem>>, vector<16xf32>,
      %swap3A_387 = arith.index_cast %scan3A_69 : i32 to index
      %swap3A_388 = arith.constant 848 : index
      %swap3A_389 = tpu.vector_load %arg10[%swap3A_387, %swap3A_388] {strides = array<i32>} : memref<16x1024xf32, #tpu.memory_space<vmem>>, vector<16xf32>,
      tpu.vector_store %arg10[%swap3A_387, %swap3A_388], %unpack3A_383 {add = true, strides = array<i32>} : memref<16x1024xf32, #tpu.memory_space<vmem>>, vector<16xf32>,
      %get3A_390 = arith.index_cast %scan3A_69 : i32 to index
      %get3A_391 = arith.constant 432 : index
      %get3A_392 = tpu.vector_load %arg13[%get3A_390, %get3A_391] {strides = array<i32>} : memref<16x512xi32, #tpu.memory_space<vmem>>, vector<16xi32>,
      %bitcast3A_393 = vector.bitcast %get3A_392 : vector<16xi32> to vector<32xbf16>
      %unpack3A_394 = tpu.unpack_subelements %bitcast3A_393, 0 {pack_format = #tpu.pack_format<interleaved>} : vector<32xbf16> -> vector<16xf32>
      %unpack3A_395 = tpu.unpack_subelements %bitcast3A_393, 1 {pack_format = #tpu.pack_format<interleaved>} : vector<32xbf16> -> vector<16xf32>
      %swap3A_396 = arith.index_cast %scan3A_69 : i32 to index
      %swap3A_397 = arith.constant 864 : index
      %swap3A_398 = tpu.vector_load %arg10[%swap3A_396, %swap3A_397] {strides = array<i32>} : memref<16x1024xf32, #tpu.memory_space<vmem>>, vector<16xf32>,
      tpu.vector_store %arg10[%swap3A_396, %swap3A_397], %unpack3A_394 {add = true, strides = array<i32>} : memref<16x1024xf32, #tpu.memory_space<vmem>>, vector<16xf32>,
      %swap3A_399 = arith.index_cast %scan3A_69 : i32 to index
      %swap3A_400 = arith.constant 880 : index
      %swap3A_401 = tpu.vector_load %arg10[%swap3A_399, %swap3A_400] {strides = array<i32>} : memref<16x1024xf32, #tpu.memory_space<vmem>>, vector<16xf32>,
      tpu.vector_store %arg10[%swap3A_399, %swap3A_400], %unpack3A_395 {add = true, strides = array<i32>} : memref<16x1024xf32, #tpu.memory_space<vmem>>, vector<16xf32>,
      %get3A_402 = arith.index_cast %scan3A_69 : i32 to index
      %get3A_403 = arith.constant 448 : index
      %get3A_404 = tpu.vector_load %arg13[%get3A_402, %get3A_403] {strides = array<i32>} : memref<16x512xi32, #tpu.memory_space<vmem>>, vector<16xi32>,
      %bitcast3A_405 = vector.bitcast %get3A_404 : vector<16xi32> to vector<32xbf16>
      %unpack3A_406 = tpu.unpack_subelements %bitcast3A_405, 0 {pack_format = #tpu.pack_format<interleaved>} : vector<32xbf16> -> vector<16xf32>
      %unpack3A_407 = tpu.unpack_subelements %bitcast3A_405, 1 {pack_format = #tpu.pack_format<interleaved>} : vector<32xbf16> -> vector<16xf32>
      %swap3A_408 = arith.index_cast %scan3A_69 : i32 to index
      %swap3A_409 = arith.constant 896 : index
      %swap3A_410 = tpu.vector_load %arg10[%swap3A_408, %swap3A_409] {strides = array<i32>} : memref<16x1024xf32, #tpu.memory_space<vmem>>, vector<16xf32>,
      tpu.vector_store %arg10[%swap3A_408, %swap3A_409], %unpack3A_406 {add = true, strides = array<i32>} : memref<16x1024xf32, #tpu.memory_space<vmem>>, vector<16xf32>,
      %swap3A_411 = arith.index_cast %scan3A_69 : i32 to index
      %swap3A_412 = arith.constant 912 : index
      %swap3A_413 = tpu.vector_load %arg10[%swap3A_411, %swap3A_412] {strides = array<i32>} : memref<16x1024xf32, #tpu.memory_space<vmem>>, vector<16xf32>,
      tpu.vector_store %arg10[%swap3A_411, %swap3A_412], %unpack3A_407 {add = true, strides = array<i32>} : memref<16x1024xf32, #tpu.memory_space<vmem>>, vector<16xf32>,
      %get3A_414 = arith.index_cast %scan3A_69 : i32 to index
      %get3A_415 = arith.constant 464 : index
      %get3A_416 = tpu.vector_load %arg13[%get3A_414, %get3A_415] {strides = array<i32>} : memref<16x512xi32, #tpu.memory_space<vmem>>, vector<16xi32>,
      %bitcast3A_417 = vector.bitcast %get3A_416 : vector<16xi32> to vector<32xbf16>
      %unpack3A_418 = tpu.unpack_subelements %bitcast3A_417, 0 {pack_format = #tpu.pack_format<interleaved>} : vector<32xbf16> -> vector<16xf32>
      %unpack3A_419 = tpu.unpack_subelements %bitcast3A_417, 1 {pack_format = #tpu.pack_format<interleaved>} : vector<32xbf16> -> vector<16xf32>
      %swap3A_420 = arith.index_cast %scan3A_69 : i32 to index
      %swap3A_421 = arith.constant 928 : index
      %swap3A_422 = tpu.vector_load %arg10[%swap3A_420, %swap3A_421] {strides = array<i32>} : memref<16x1024xf32, #tpu.memory_space<vmem>>, vector<16xf32>,
      tpu.vector_store %arg10[%swap3A_420, %swap3A_421], %unpack3A_418 {add = true, strides = array<i32>} : memref<16x1024xf32, #tpu.memory_space<vmem>>, vector<16xf32>,
      %swap3A_423 = arith.index_cast %scan3A_69 : i32 to index
      %swap3A_424 = arith.constant 944 : index
      %swap3A_425 = tpu.vector_load %arg10[%swap3A_423, %swap3A_424] {strides = array<i32>} : memref<16x1024xf32, #tpu.memory_space<vmem>>, vector<16xf32>,
      tpu.vector_store %arg10[%swap3A_423, %swap3A_424], %unpack3A_419 {add = true, strides = array<i32>} : memref<16x1024xf32, #tpu.memory_space<vmem>>, vector<16xf32>,
      %get3A_426 = arith.index_cast %scan3A_69 : i32 to index
      %get3A_427 = arith.constant 480 : index
      %get3A_428 = tpu.vector_load %arg13[%get3A_426, %get3A_427] {strides = array<i32>} : memref<16x512xi32, #tpu.memory_space<vmem>>, vector<16xi32>,
      %bitcast3A_429 = vector.bitcast %get3A_428 : vector<16xi32> to vector<32xbf16>
      %unpack3A_430 = tpu.unpack_subelements %bitcast3A_429, 0 {pack_format = #tpu.pack_format<interleaved>} : vector<32xbf16> -> vector<16xf32>
      %unpack3A_431 = tpu.unpack_subelements %bitcast3A_429, 1 {pack_format = #tpu.pack_format<interleaved>} : vector<32xbf16> -> vector<16xf32>
      %swap3A_432 = arith.index_cast %scan3A_69 : i32 to index
      %swap3A_433 = arith.constant 960 : index
      %swap3A_434 = tpu.vector_load %arg10[%swap3A_432, %swap3A_433] {strides = array<i32>} : memref<16x1024xf32, #tpu.memory_space<vmem>>, vector<16xf32>,
      tpu.vector_store %arg10[%swap3A_432, %swap3A_433], %unpack3A_430 {add = true, strides = array<i32>} : memref<16x1024xf32, #tpu.memory_space<vmem>>, vector<16xf32>,
      %swap3A_435 = arith.index_cast %scan3A_69 : i32 to index
      %swap3A_436 = arith.constant 976 : index
      %swap3A_437 = tpu.vector_load %arg10[%swap3A_435, %swap3A_436] {strides = array<i32>} : memref<16x1024xf32, #tpu.memory_space<vmem>>, vector<16xf32>,
      tpu.vector_store %arg10[%swap3A_435, %swap3A_436], %unpack3A_431 {add = true, strides = array<i32>} : memref<16x1024xf32, #tpu.memory_space<vmem>>, vector<16xf32>,
      %get3A_438 = arith.index_cast %scan3A_69 : i32 to index
      %get3A_439 = arith.constant 496 : index
      %get3A_440 = tpu.vector_load %arg13[%get3A_438, %get3A_439] {strides = array<i32>} : memref<16x512xi32, #tpu.memory_space<vmem>>, vector<16xi32>,
      %bitcast3A_441 = vector.bitcast %get3A_440 : vector<16xi32> to vector<32xbf16>
      %unpack3A_442 = tpu.unpack_subelements %bitcast3A_441, 0 {pack_format = #tpu.pack_format<interleaved>} : vector<32xbf16> -> vector<16xf32>
      %unpack3A_443 = tpu.unpack_subelements %bitcast3A_441, 1 {pack_format = #tpu.pack_format<interleaved>} : vector<32xbf16> -> vector<16xf32>
      %swap3A_444 = arith.index_cast %scan3A_69 : i32 to index
      %swap3A_445 = arith.constant 992 : index
      %swap3A_446 = tpu.vector_load %arg10[%swap3A_444, %swap3A_445] {strides = array<i32>} : memref<16x1024xf32, #tpu.memory_space<vmem>>, vector<16xf32>,
      tpu.vector_store %arg10[%swap3A_444, %swap3A_445], %unpack3A_442 {add = true, strides = array<i32>} : memref<16x1024xf32, #tpu.memory_space<vmem>>, vector<16xf32>,
      %swap3A_447 = arith.index_cast %scan3A_69 : i32 to index
      %swap3A_448 = arith.constant 1008 : index
      %swap3A_449 = tpu.vector_load %arg10[%swap3A_447, %swap3A_448] {strides = array<i32>} : memref<16x1024xf32, #tpu.memory_space<vmem>>, vector<16xf32>,
      tpu.vector_store %arg10[%swap3A_447, %swap3A_448], %unpack3A_443 {add = true, strides = array<i32>} : memref<16x1024xf32, #tpu.memory_space<vmem>>, vector<16xf32>,
    }
    %scan3A_50 = arith.constant 16 : i32
    %add3A_51 = arith.constant 1008 : i32
    %add3A_52 = arith.addi %mul3A_2, %add3A_51 : i32
    %dma_start3A_53 = arith.constant 0 : i32
    %dma_start3A_54 = tpu.memref_slice %arg6[%add3A_52, %dma_start3A_53] : memref<32768x1024xf32, #tpu.memory_space<hbm>> -> memref<16x1024xf32, #tpu.memory_space<hbm>>
    %dma_start3A_55 = arith.constant 0 : i32
    %dma_start3A_56 = tpu.memref_slice %arg6[%add3A_52, %dma_start3A_55] : memref<32768x1024xf32, #tpu.memory_space<hbm>> -> memref<16x1024xf32, #tpu.memory_space<hbm>>
    tpu.enqueue_dma source(%arg10 : memref<16x1024xf32, #tpu.memory_space<vmem>>) target(%dma_start3A_56 : memref<16x1024xf32, #tpu.memory_space<hbm>>) target_semaphore(%arg22 : memref<!tpu.dma_semaphore, #tpu.memory_space<semaphore_mem>>)
    %add3A_57 = arith.constant 992 : i32
    %add3A_58 = arith.addi %mul3A_2, %add3A_57 : i32
    %dma_wait3A_59 = arith.constant 0 : i32
    %dma_wait3A_60 = tpu.memref_slice %arg6[%add3A_58, %dma_wait3A_59] : memref<32768x1024xf32, #tpu.memory_space<hbm>> -> memref<16x1024xf32, #tpu.memory_space<hbm>>
    %dma_wait3A_61 = arith.constant 0 : i32
    %dma_wait3A_62 = tpu.memref_slice %arg6[%add3A_58, %dma_wait3A_61] : memref<32768x1024xf32, #tpu.memory_space<hbm>> -> memref<16x1024xf32, #tpu.memory_space<hbm>>
    tpu.wait_dma2 semaphore(%arg24 : memref<!tpu.dma_semaphore, #tpu.memory_space<semaphore_mem>>) src(%arg12 : memref<16x1024xf32, #tpu.memory_space<vmem>>) dst(%dma_wait3A_62 : memref<16x1024xf32, #tpu.memory_space<hbm>>)
    %add3A_63 = arith.constant 1008 : i32
    %add3A_64 = arith.addi %mul3A_2, %add3A_63 : i32
    %dma_wait3A_65 = arith.constant 0 : i32
    %dma_wait3A_66 = tpu.memref_slice %arg6[%add3A_64, %dma_wait3A_65] : memref<32768x1024xf32, #tpu.memory_space<hbm>> -> memref<16x1024xf32, #tpu.memory_space<hbm>>
    %dma_wait3A_67 = arith.constant 0 : i32
    %dma_wait3A_68 = tpu.memref_slice %arg6[%add3A_64, %dma_wait3A_67] : memref<32768x1024xf32, #tpu.memory_space<hbm>> -> memref<16x1024xf32, #tpu.memory_space<hbm>>
    tpu.wait_dma2 semaphore(%arg22 : memref<!tpu.dma_semaphore, #tpu.memory_space<semaphore_mem>>) src(%arg10 : memref<16x1024xf32, #tpu.memory_space<vmem>>) dst(%dma_wait3A_68 : memref<16x1024xf32, #tpu.memory_space<hbm>>)
    return
  }
}

</mosaic_0001>

<sc_bundles>
// kernel: kernel.3.cloned.1.call-start
scs
__scs_entry_jumppad:
0x0: {  	(pc) =	sbr.rel $0x88, $3  }
0x1: {  	(tag) =	ssettag $0x0;
	lr =	simm.s32 $0x1  }
0x2: {  	[smem:$0x3F9E] =	sst lr;
	_ =	strace $0xD0000000  }
0x3: {  	_ = 	snop  }
0x4: {  	_ = 	snop  }
0x5: {  	_ = 	snop  }
0x6: {  	_ = 	snop  }
0x7: {  	_ = 	snop  }
__scs_overlays_trampoline_lowered:
0x8: {  	[smem:$0x3FAD] =	sst s0  }
0x9: {  	[smem:$0x3FAE] =	sst s1  }
0xa: {  	[smem:$0x3FAF] =	sst s2  }
0xb: {  	[smem:$0x3FB0] =	sst s3  }
0xc: {  	[smem:$0x3FB1] =	sst s4  }
0xd: {  	[smem:$0x3FB2] =	sst s5  }
0xe: {  	[smem:$0x3FB3] =	sst s6  }
0xf: {  	[smem:$0x3FB4] =	sst s7  }
0x10: {  	[smem:$0x3FB5] =	sst s8  }
0x11: {  	[smem:$0x3FB6] =	sst s9;
	s0 =	simm.s32 @!p0 $0x0  }
0x12: {  	s1 =	sld [smem:$0x3F9C];
	s0 =	simm.s32 @p0 $0x1  }
0x13: {  	[smem:$0x3FB7] =	sst s0;
	s0 =	simm.s32 @!p1 $0x0  }
0x14: {  	s2 =	sld [smem:$0x3F9B];
	s0 =	simm.s32 @p1 $0x1  }
0x15: {  	[smem:$0x3FB8] =	sst s0;
	s0 =	simm.s32 @!p2 $0x0  }
0x16: {  	s3 =	sld [smem:$0x3FDB];
	s0 =	simm.s32 @p2 $0x1  }
0x17: {  	s4 =	simm.s32 $0x1BF5;
	[smem:$0x3FBA] =	sst s0  }
0x18: {  	s0 =	sld [smem:$0x3F9D];
	_ =	swait.ge [sflag:s4], $0x0  }
0x19: {  	s7 =	sld [smem:$0x3F9E]  }
0x1a: {  	s8 =	sadd.s32 $0xFFFFE003, lr  }
0x1b: {  	s9 =	sadd.s32 $0xFFFFFEF7, lr;
	s5 =	simm.s32 $0xFFFFFFFF;
	p2 =	slt.u32 s8, $0xFFFFF086  }
0x1c: {  	p1 =	slt.u32 s9, $0xF7A;
	s5 =	simm.s32 @!p2 $0x0  }
0x1d: {  	s5 =	simm.s32 @p1 $0x1;
	p0 =	seq.s32 s7, s2  }
0x1e: {  	s7 =	smul.u32 @!p0 $0xF7A, s2;
	p2 =	seq.s32 @!p0 s5, $0x0  }
0x1f: {  	s9 =	smul.u32 $0xF7A, s1;
	s8 =	simm.s32 @!p0 $0x1BF5;
	p2 =	por !p2, p0  }
0x20: {  	[sflag:s8] =	ssyncset.s32 @!p0 $0xFFFFF086;
	s6 =	sadd.s32 @!p0 s3, s7;
	s7 =	simm.s32 @!p0 $0x108  }
0x21: {  	s3 =	sadd.s32 s3, s9;
	s6 =	sadd.s32 @!p0 $0x88, s6;
	s7 =	simm.s32 @p2 $0x1082  }
0x22: {  	[simem:s7], [sflag:s8] =	dma.local @!p0 [hbm:s6], $0xF7A  }
0x23: {  	s9 =	sor.u32 $0xD0000000, s2;
	s6 =	simm.s32 $0x108;
	_ =	swait.ge @!p0 [sflag:s8], $0x0  }
0x24: {  	s3 =	sadd.s32 $0x88, s3;
	s6 =	simm.s32 @!p1 $0x1082;
	[sflag:s4] =	ssyncset.s32 $0xFFFFF086  }
0x25: {  	[simem:s6], [sflag:s4] =	dma.local [hbm:s3], $0xF7A  }
0x26: {  	[smem:$0x3F9E] =	sst s1;
	(tag) =	ssettag s2;
	_ =	strace s9  }
0x27: {  	s1 =	sld [smem:$0x3FAE]  }
0x28: {  	s2 =	sld [smem:$0x3FAF]  }
0x29: {  	s4 =	sld [smem:$0x3FB1]  }
0x2a: {  	p0 =	seq.s32 s5, $0x0;
	s5 =	sld [smem:$0x3FB2]  }
0x2b: {  	s6 =	sld [smem:$0x3FB3]  }
0x2c: {  	s7 =	sld [smem:$0x3FB4]  }
0x2d: {  	s3 =	simm.s32 $0x108;
	s8 =	sld [smem:$0x3FB5]  }
0x2e: {  	s3 =	simm.s32 @!p0 $0x1082;
	s9 =	sld [smem:$0x3FB6]  }
0x2f: {  	lr =	sadd.s32 s0, s3;
	s0 =	sld [smem:$0x3FAD]  }
0x30: {  	s3 =	sld [smem:$0x3FB0]  }
0x31: {  	[smem:$0x3FB9] =	sst s10  }
0x32: {  	s10 =	sld [smem:$0x3FB7];
	_ =	sdelay $0x3  }
0x33: {  	p0 =	seq.s32 s10, $0x1;
	s10 =	sld [smem:$0x3FB9];
	_ =	sdelay $0x3  }
0x34: {  	[smem:$0x3FB9] =	sst s10  }
0x35: {  	s10 =	sld [smem:$0x3FB8];
	_ =	sdelay $0x3  }
0x36: {  	p1 =	seq.s32 s10, $0x1;
	s10 =	sld [smem:$0x3FB9];
	_ =	sdelay $0x3  }
0x37: {  	[smem:$0x3FB9] =	sst s10  }
0x38: {  	s10 =	sld [smem:$0x3FBA]  }
0x39: {  	_ = 	snop;
	(pc) =	sbr.ind lr, $3  }
0x3a: {  	_ = 	snop  }
0x3b: {  	_ = 	snop  }
0x3c: {  	p2 =	seq.s32 s10, $0x1;
	s10 =	sld [smem:$0x3FB9]  }
0x3d: {  	_ =	shalt  }
0x3e: {  	_ =	shalt  }
0x3f: {  	_ =	shalt  }
0x40: {  	_ =	shalt  }
0x41: {  	_ =	shalt  }
0x42: {  	_ =	shalt  }
0x43: {  	_ =	shalt  }
0x44: {  	_ =	shalt  }
0x45: {  	_ =	shalt  }
0x46: {  	_ =	shalt  }
0x47: {  	_ =	shalt  }
0x48: {  	_ =	shalt  }
0x49: {  	_ =	shalt  }
0x4a: {  	_ =	shalt  }
0x4b: {  	_ =	shalt  }
0x4c: {  	_ =	shalt  }
0x4d: {  	_ =	shalt  }
0x4e: {  	_ =	shalt  }
0x4f: {  	_ =	shalt  }
0x50: {  	_ =	shalt  }
0x51: {  	_ =	shalt  }
0x52: {  	_ =	shalt  }
0x53: {  	_ =	shalt  }
0x54: {  	_ =	shalt  }
0x55: {  	_ =	shalt  }
0x56: {  	_ =	shalt  }
0x57: {  	_ =	shalt  }
0x58: {  	_ =	shalt  }
0x59: {  	_ =	shalt  }
0x5a: {  	_ =	shalt  }
0x5b: {  	_ =	shalt  }
0x5c: {  	_ =	shalt  }
0x5d: {  	_ =	shalt  }
0x5e: {  	_ =	shalt  }
0x5f: {  	_ =	shalt  }
0x60: {  	_ =	shalt  }
0x61: {  	_ =	shalt  }
0x62: {  	_ =	shalt  }
0x63: {  	_ =	shalt  }
0x64: {  	_ =	shalt  }
0x65: {  	_ =	shalt  }
0x66: {  	_ =	shalt  }
0x67: {  	_ =	shalt  }
0x68: {  	_ =	shalt  }
0x69: {  	_ =	shalt  }
0x6a: {  	_ =	shalt  }
0x6b: {  	_ =	shalt  }
0x6c: {  	_ =	shalt  }
0x6d: {  	_ =	shalt  }
0x6e: {  	_ =	shalt  }
0x6f: {  	_ =	shalt  }
0x70: {  	_ =	shalt  }
0x71: {  	_ =	shalt  }
0x72: {  	_ =	shalt  }
0x73: {  	_ =	shalt  }
0x74: {  	_ =	shalt  }
0x75: {  	_ =	shalt  }
0x76: {  	_ =	shalt  }
0x77: {  	_ =	shalt  }
0x78: {  	_ =	shalt  }
0x79: {  	_ =	shalt  }
0x7a: {  	_ =	shalt  }
0x7b: {  	_ =	shalt  }
0x7c: {  	_ =	shalt  }
0x7d: {  	_ =	shalt  }
0x7e: {  	_ =	shalt  }
0x7f: {  	_ =	shalt  }
0x80: {  	_ =	shalt  }
0x81: {  	_ =	shalt  }
0x82: {  	_ =	shalt  }
0x83: {  	_ =	shalt  }
0x84: {  	_ =	shalt  }
0x85: {  	_ =	shalt  }
0x86: {  	_ =	shalt  }
0x87: {  	_ =	shalt  }
.Lfunc_end0:
.L_simem_size_0:
called_computation_lowered:
.L_overlay_start_0:
0x88: {  	s2 =	sld [smem:$0x3FD9]  }
0x89: {  	s3 =	sld [smem:$0x3FFE];
	_ =	sdelay $0x1  }
0x8a: {  	s1 =	srdreg.scid  }
0x8b: {  	s0 =	sand.u32 $0x1, s1  }
0x8c: {  	s17 =	sshll.u32 s0, $0xA;
	s2 =	sadd.s32 s3, s2  }
0x8d: {  	s2 =	sadd.s32 s2, s17  }
0x8e: {  	[smem:$0x3FC5] =	sst s2  }
0x8f: {  	_ = 	snop  }
0x90: {  	s2 =	sld [smem:$0x3FC9]  }
0x91: {  	s18 =	sld [smem:$0x3FD0];
	(tm) =	ssettm $0x1  }
0x92: {  	s4 =	sld [smem:$0x3FFB];
	_ =	sdelay $0x3  }
0x93: {  	_ =	strace s4  }
0x94: {  	s4 =	sld [smem:$0x3FFC];
	_ =	sdelay $0x3  }
0x95: {  	_ =	strace s4  }
0x96: {  	s4 =	sld [smem:$0x3FFD];
	_ =	sdelay $0x3  }
0x97: {  	_ =	strace s4  }
0x98: {  	_ =	strace $0x8FFFFFFF  }
0x99: {  	s19 =	sld [smem:$0x3FDB];
	_ =	sdelay $0x1  }
0x9a: {  	s5 =	simm.s32 $_scs_section_size  }
0x9b: {  	s6 =	simm.s32 $_size__tile_overlayer_lowered;
	s7 =	simm.s32 $_tile_overlayer_lowered  }
0x9c: {  	s22 =	simm.s32 $0x1BFF;
	s21 =	sshll.u32 s7, $0x1;
	s4 =	sadd.s32 s5, s19  }
0x9d: {  	s8 =	simm.s32 $0x0;
	s20 =	sshll.u32 s6, $0x1;
	s6 =	sadd.s32 s21, s4  }
0x9e: {  	[timem:s8], [sflag:s22] =	dma.local [hbm:s6], s20  }
0x9f: {  	_ =	swait.ge [sflag:s22], s20  }
0xa0: {  	s5 =	ssub.s32 $0x0, s20;
	[sflag:s22] =	ssyncset.done $0x0  }
0xa1: {  	[sflag:s22] =	ssyncadd.s32 s5;
	_ =	sdelay $0x1  }
0xa2: {  	s23 =	simm.s32 $0x1B8B  }
0xa3: {  	_ =	swait.ge [sflag:s23], $0x1  }
0xa4: {  	[sflag:s23] =	ssyncset.done $0x0  }
0xa5: {  	s25 =	simm.s32 $0x1B8E;
	s24 =	sld [smem:$0x3FFE];
	[sflag:s23] =	ssyncadd.s32 $0xFFFFFFFF  }
0xa6: {  	s26 =	simm.s32 $execute0_lowered;
	[smem:$0x3FD2] =	sst s25  }
0xa7: {  	s6 =	sshll.u32 s26, $0x1;
	_ =	strace $0x80000046;
	[dreg:$0x1] =	wrdreg $0xFFFFFFFF  }
0xa8: {  	s28 =	simm.s32 $_size_execute0_lowered;
	s4 =	sadd.s32 s4, s6;
	[dreg:$0x0] =	wrdreg $0x0  }
0xa9: {  	s6 =	sshll.u32 s28, $0x1;
	[dreg:$0x2] =	wrdreg s4  }
0xaa: {  	[dreg:$0x3] =	wrdreg s6  }
0xab: {  	[dreg:$0x4] =	wrdreg $0xC0  }
0xac: {  	_ =	task [dreg:s8], $0x5FFFF  }
0xad: {  	[dreg:$0x1] =	wrdreg $0xFFFFFFFF  }
0xae: {  	[dreg:$0x0] =	wrdreg $0x60  }
0xaf: {  	[dreg:$0x2] =	wrdreg s2  }
0xb0: {  	[dreg:$0x3] =	wrdreg s24  }
0xb1: {  	[dreg:$0x4] =	wrdreg s18  }
0xb2: {  	[dreg:$0x5] =	wrdreg $0x9  }
0xb3: {  	_ =	task.clear_ibuf [dreg:s8], $0x6FFFF;
	_ =	strace $0x90000046  }
0xb4: {  	s29 =	simm.s32 $0x9;
	_ =	strace $0x80000048  }
0xb5: {  	_ =	swait.ge [sflag:s29], $0x1  }
0xb6: {  	[sflag:s29] =	ssyncadd.s32 $0xFFFFFFFF  }
0xb7: {  	_ =	strace $0x90000048  }
0xb8: {  	_ =	sfence  }
0xb9: {  	s30 =	sld [smem:$0x0];
	_ =	sdelay $0x2  }
0xba: {  	s31 =	sshll.u32 s1, $0xD;
	s1 =	sshrl.u32 s1, $0x2  }
0xbb: {  	s3 =	sand.u32 $0x4000, s31;
	s1 =	sadd.s32 s1, s30  }
0xbc: {  	s0 =	sor.u32 s3, s0;
	s1 =	sshll.u32 s1, $0x11  }
0xbd: {  	s0 =	sor.u32 s1, s0  }
0xbe: {  	s0 =	sadd.s32 $0x8F2B, s0  }
0xbf: {  	[sflag:s0] =	ssyncadd.remote.s32 $0x1  }
0xc0: {  	_ =	sfence.sel $0xFFFF  }
0xc1: {  	[dreg:$0x0] =	wrdreg $0xFFFFFFFF;
	(pc) =	sbr.abs _section_cstart, $3  }
0xc2: {  	[dreg:$0x1] =	wrdreg $0xFFFFFFFF  }
0xc3: {  	_ =	task.clear_ibuf [dreg:s8], $0x2FFFF;
	_ =	strace $0x9FFFFFFF  }
0xc4: {  	(tm) =	ssettm $0x7FFFFFFF  }
0xc5: {  	_ =	shalt  }
tec
execute0_lowered:
.L_overlay_start_1:
0x0: {  	(tag) =	ssettag $0x1  }
0x1: {  	s1 =	rddreg [dreg:$0x0]  }
0x2: {  	s0 =	rddreg [dreg:$0x1]  }
0x3: {  	s3 =	rddreg [dreg:$0x2]  }
0x4: {  	s2 =	srdreg.scid;
	s5 =	stileid.u32;
	s4 =	simm.s32 $0x0  }
0x5: {  	s18 =	simm.s32 $0xC00;
	s29 =	simm.s32 $0x1;
	s30 =	simm.s32 $0x4  }
0x6: {  	s31 =	simm.s32 $0x8C00;
	s11 =	simm.s32 $0x5;
	s14 =	simm.s32 $0x7  }
0x7: {  	s15 =	simm.s32 $0x3;
	s9 =	simm.s32 $0x6;
	s16 =	simm.s32 $0x8  }
0x8: {  	s2 =	sand.u32 $0x1, s2;
	s5 =	sshll.u32 s5, $0xB;
	[smem:$0x7FF] =	sst s4  }
0x9: {  	s10 =	sadd.s32 $0x2300, s0;
	s6 =	sshll.u32 s2, $0xA;
	s2 =	ssub.s32 $0x2, s2  }
0xa: {  	_ =	strace $0x80000047;
	s5 =	sor.u32 s6, s5;
	s8 =	sshrl.u32 s2, $0x1  }
0xb: {  	s6 =	sshrl.u32 s5, $0x3;
	s2 =	ssub.s32 s2, s8;
	s22 =	sshll.u32 s5, $0x7  }
0xc: {  	s25 =	sshll.u32 s5, $0xA;
	s8 =	simm.s32 $0x2;
	s23 =	sadd.s32 s1, s22  }
0xd: {  	s7 =	sadd.s32 s6, s0;
	s28 =	smax.u32 s2, $0x1;
	[dreg:$0x6] =	wrdreg s23  }
0xe: {  	s6 =	sadd.s32 $0x2200, s0;
	s21 =	sadd.s32 $0x1200, s7;
	[dreg:$0x9] =	wrdreg s28  }
0xf: {  	s12 =	sadd.s32 s3, s22;
	s7 =	sadd.s32 $0x200, s7;
	[dreg:$0x4] =	wrdreg s21  }
0x10: {  	v2 =	vlaneseq.u32;
	s13 =	sor.u32 $0x4000, s25;
	s24 =	sadd.s32 $0x800, s23;
	[dreg:$0x5] =	wrdreg s7  }
0x11: {  	vm0 =	vmmov $0xffff;
	v1 =	vshrl.u32 v2, $0x3;
	s22 =	simm.s32 $0xE400;
	s26 =	sadd.s32 $0x1F800, s12;
	[dreg:$0x7] =	wrdreg s24  }
0x12: {  	v0 =	vand.u32 $0x7, v2;
	v2 =	vor.u32 $0x8, v2;
	v1 =	vmul.u32 $0x8, v1;
	s2 =	simm.s32 $0x0;
	s23 =	simm.s32 $0x4C00;
	[dreg:$0x8] =	wrdreg s26  }
.LBB2_1:
0x13: {  	[dreg:$0xa] =	wrdreg s2  }
0x14: {  	s0 =	rddreg [dreg:$0x4];
	s26 =	simm.s32 $0xA  }
0x15: {  	[tilespmem:s4], [sflag:$0xA] =	stream.linear.gather [hbm4b:s0+s4], $0x400, $0x38;
	[tilespmem:$0x12C00] =	vst v63  }
0x16: {  	_ =	swait.ge [sflag:s26], $0x400  }
0x17: {  	[sflag:s26] =	ssyncset.done $0x0  }
0x18: {  	s7 =	simm.s32 $0x400;
	s28 =	rddreg [dreg:$0x5];
	[sflag:s26] =	ssyncadd.s32 $0xFFFFFC00  }
0x19: {  	[tilespmem:s7], [sflag:$0xA] =	stream.linear.gather [hbm4b:s28+s4], $0x400, $0x38;
	[tilespmem:$0x12C00] =	vst v63  }
0x1a: {  	_ =	swait.ge [sflag:s26], $0x400  }
0x1b: {  	[sflag:s26] =	ssyncset.done $0x0  }
0x1c: {  	s0 =	simm.s32 $0x0;
	[sflag:s26] =	ssyncadd.s32 $0xFFFFFC00  }
0x1d: {  	v3 =	vld [tilespmem:s0+$0x0];
	_ =	sdelay $0x1  }
0x1e: {  	v4 =	vld [tilespmem:s0+$0x400];
	_ =	sdelay $0x2  }
0x1f: {  	v5 =	vadd.s32 $0xFFFFFFFF, v3  }
0x20: {  	s2 =	simm.s32 $0x10;
	v3 =	vadd.s32 $0xB, v3;
	vm1 =	vlt.s32 v5, $0x0  }
0x21: {  	v6 =	vadd.s32 $0x1E, v4;
	v3 =	vsel vm1, v3, v5;
	v5 =	vadd.s32 $0xFFFFFFFF, v4;
	v4 =	vld [tilespmem:s2+$0x0];
	_ =	sdelay $0x1  }
0x22: {  	vm1 =	vlt.s32 v5, $0x0;
	v7 =	vmul.u32 $0x1F, v3;
	v3 =	vld [tilespmem:s2+$0x400]  }
0x23: {  	v5 =	vsel vm1, v6, v5  }
0x24: {  	s7 =	simm.s32 $0x80;
	v5 =	vadd.s32 v5, v7  }
.LBB2_2:
0x25: {  	s17 =	sshra.s32 s7, $0x2;
	p0 =	sne.s32 s7, $0xFC0;
	s7 =	sadd.s32 $0x40, s7;
	v6 =	vadd.s32 $0xFFFFFFFF, v4;
	[tilespmem:s0+$0x800] =	vst v5  }
.Ltmp0:
0x26: {  	v5 =	vadd.s32 $0xB, v4;
	s0 =	smov.u32 s2;
	vm1 =	vlt.s32 v6, $0x0;
	v4 =	vld [tilespmem:s17+$0x0];
	s2 =	smov.u32 s17;
	(pc) =	sbr.rel @p0 .LBB2_2-.Ltmp0, $4  }
0x27: {  	v5 =	vsel vm1, v5, v6;
	v6 =	vadd.s32 $0xFFFFFFFF, v3  }
0x28: {  	v7 =	vadd.s32 $0x1E, v3;
	vm1 =	vlt.s32 v6, $0x0;
	v3 =	vld [tilespmem:s2+$0x400];
	v5 =	vmul.u32 $0x1F, v5  }
0x29: {  	v6 =	vsel vm1, v7, v6  }
0x2a: {  	v5 =	vadd.s32 v6, v5  }
0x2b: {  	v6 =	vadd.s32 $0xFFFFFFFF, v4  }
0x2c: {  	v60 =	vadd.s32 $0xB, v4;
	vm1 =	vlt.s32 v6, $0x0  }
0x2d: {  	v4 =	vsel vm1, v60, v6;
	v61 =	vadd.s32 $0xFFFFFFFF, v3  }
0x2e: {  	v3 =	vadd.s32 $0x1E, v3;
	vm1 =	vlt.s32 v61, $0x0;
	v4 =	vmul.u32 $0x1F, v4  }
0x2f: {  	v3 =	vsel vm1, v3, v61  }
0x30: {  	[tilespmem:s0+$0x800] =	vst v5;
	v3 =	vadd.s32 v3, v4  }
0x31: {  	s24 =	simm.s32 $0x0;
	[tilespmem:s2+$0x800] =	vst v3;
	s2 =	rddreg [dreg:$0x6]  }
0x32: {  	[tilespmem:s18], [sflag:$0x1] =	stream.linear.gather [hbm4b:s2+s24], $0x4000, $0x38;
	[tilespmem:$0x12C00] =	vst v63  }
0x33: {  	v3 =	vld [tilespmem:$0x800];
	_ =	sdelay $0x4  }
0x34: {  	v62 =	vshll.u32 v3, $0x2  }
0x35: {  	v3 =	vand.u32 $0x7, v3;
	v4 =	vand.u32 $0xFFFFFFE0, v62  }
0x36: {  	v3 =	vor.u32 v3, v4  }
0x37: {  	v4 =	vperm.xlane v3, v0;
	_ =	sdelay $0x1  }
0x38: {  	v4 =	vadd.s32 v1, v4;
	_ =	sdelay $0x1  }
0x39: {  	v3 =	vperm.xlane v3, v2;
	_ =	sdelay $0x1  }
0x3a: {  	s7 =	simm.s32 $0xCC00;
	v3 =	vadd.s32 v1, v3  }
0x3b: {  	[tilespmem:s7], [sflag:$0x4] =	stream.indirect_vreg.gather [hbm4b:s6+s24], $0x80, v4, vm0, $0xb8;
	[tilespmem:$0x12C00] =	vst v63  }
0x3c: {  	s17 =	simm.s32 $0xD400  }
0x3d: {  	[tilespmem:s17], [sflag:$0x4] =	stream.indirect_vreg.gather [hbm4b:s10+s24], $0x80, v4, vm0, $0xb8;
	[tilespmem:$0x12C00] =	vst v63  }
0x3e: {  	s19 =	simm.s32 $0xDC00  }
0x3f: {  	[tilespmem:s19], [sflag:$0x4] =	stream.indirect_vreg.gather [hbm4b:s6+s24], $0x80, v3, vm0, $0xb8;
	[tilespmem:$0x12C00] =	vst v63  }
0x40: {  	_ = 	snop  }
0x41: {  	[tilespmem:s22], [sflag:$0x4] =	stream.indirect_vreg.gather [hbm4b:s10+s24], $0x80, v3, vm0, $0xb8;
	[tilespmem:$0x12C00] =	vst v63  }
0x42: {  	s20 =	rddreg [dreg:$0x7]  }
0x43: {  	[tilespmem:s23], [sflag:$0x2] =	stream.linear.gather [hbm4b:s20+s24], $0x4000, $0x38;
	[tilespmem:$0x12C00] =	vst v63  }
0x44: {  	v3 =	vld [tilespmem:$0x810];
	_ =	sdelay $0x4  }
0x45: {  	v63 =	vshll.u32 v3, $0x2  }
0x46: {  	v3 =	vand.u32 $0x7, v3;
	v4 =	vand.u32 $0xFFFFFFE0, v63  }
0x47: {  	v3 =	vor.u32 v3, v4  }
0x48: {  	v4 =	vperm.xlane v3, v0;
	_ =	sdelay $0x1  }
0x49: {  	v4 =	vadd.s32 v1, v4;
	_ =	sdelay $0x1  }
0x4a: {  	v3 =	vperm.xlane v3, v2;
	_ =	sdelay $0x1  }
0x4b: {  	s21 =	simm.s32 $0xEC00;
	v3 =	vadd.s32 v1, v3  }
0x4c: {  	[tilespmem:s21], [sflag:$0x5] =	stream.indirect_vreg.gather [hbm4b:s6+s24], $0x80, v4, vm0, $0xb8;
	[tilespmem:$0x12C00] =	vst v63  }
0x4d: {  	s25 =	simm.s32 $0xF400  }
0x4e: {  	[tilespmem:s25], [sflag:$0x5] =	stream.indirect_vreg.gather [hbm4b:s10+s24], $0x80, v4, vm0, $0xb8;
	[tilespmem:$0x12C00] =	vst v63  }
0x4f: {  	s26 =	simm.s32 $0xFC00  }
0x50: {  	[tilespmem:s26], [sflag:$0x5] =	stream.indirect_vreg.gather [hbm4b:s6+s24], $0x80, v3, vm0, $0xb8;
	[tilespmem:$0x12C00] =	vst v63  }
0x51: {  	s28 =	simm.s32 $0x10400;
	s25 =	simm.s32 $0x0  }
0x52: {  	[tilespmem:s28], [sflag:$0x5] =	stream.indirect_vreg.gather [hbm4b:s10+s24], $0x80, v3, vm0, $0xb8;
	[tilespmem:$0x12C00] =	vst v63  }
.LBB2_4:
0x53: {  	_ =	swait.ge [sflag:s29], $0x4000  }
0x54: {  	[sflag:s29] =	ssyncset.done $0x0  }
0x55: {  	[sflag:s29] =	ssyncadd.s32 $0xFFFFC000  }
0x56: {  	s0 =	simm.s32 $0x0;
	_ =	swait.ge [sflag:s30], $0x2000  }
0x57: {  	s2 =	sand.u32 $0x380, s24;
	s0 =	sand.u32 $0x3FFFF000, s0;
	[sflag:s30] =	ssyncset.done $0x0  }
0x58: {  	s26 =	sor.u32 s2, s0;
	[sflag:s30] =	ssyncadd.s32 $0xFFFFE000  }
0x59: {  	v3 =	vld [tilespmem:s26+$0xCC00];
	_ =	sdelay $0x1  }
0x5a: {  	s17 =	simm.s32 $0x0  }
0x5b: {  	s0 =	sand.u32 $0x3FFFE000, s17  }
0x5c: {  	s28 =	sor.u32 s2, s0  }
0x5d: {  	s0 =	sor.u32 $0xC00, s28;
	v4 =	vunpack.i.l.bf16.f32 v3  }
0x5e: {  	s19 =	sor.u32 $0xC10, s28;
	v3 =	vunpack.i.u.bf16.f32 v3;
	[tilespmem:s0+$0x0] =	vst.add.f32.msk $0xffff, v4  }
0x5f: {  	[tilespmem:s19+$0x0] =	vst.add.f32.msk $0xffff, v3  }
0x60: {  	v3 =	vld [tilespmem:s26+$0xCC10];
	_ =	sdelay $0x4  }
0x61: {  	s20 =	sor.u32 $0xC20, s28;
	v4 =	vunpack.i.l.bf16.f32 v3  }
0x62: {  	s21 =	sor.u32 $0xC30, s28;
	v3 =	vunpack.i.u.bf16.f32 v3;
	[tilespmem:s20+$0x0] =	vst.add.f32.msk $0xffff, v4  }
0x63: {  	[tilespmem:s21+$0x0] =	vst.add.f32.msk $0xffff, v3  }
0x64: {  	v3 =	vld [tilespmem:s26+$0xCC20];
	_ =	sdelay $0x4  }
0x65: {  	s2 =	sor.u32 $0xC40, s28;
	v4 =	vunpack.i.l.bf16.f32 v3  }
0x66: {  	s7 =	sor.u32 $0xC50, s28;
	v3 =	vunpack.i.u.bf16.f32 v3;
	[tilespmem:s2+$0x0] =	vst.add.f32.msk $0xffff, v4  }
0x67: {  	[tilespmem:s7+$0x0] =	vst.add.f32.msk $0xffff, v3  }
0x68: {  	v3 =	vld [tilespmem:s26+$0xCC30];
	_ =	sdelay $0x4  }
0x69: {  	s17 =	sor.u32 $0xC60, s28;
	v4 =	vunpack.i.l.bf16.f32 v3  }
0x6a: {  	s19 =	sor.u32 $0xC70, s28;
	v3 =	vunpack.i.u.bf16.f32 v3;
	[tilespmem:s17+$0x0] =	vst.add.f32.msk $0xffff, v4  }
0x6b: {  	[tilespmem:s19+$0x0] =	vst.add.f32.msk $0xffff, v3  }
0x6c: {  	v3 =	vld [tilespmem:s26+$0xCC40];
	_ =	sdelay $0x4  }
0x6d: {  	s20 =	sor.u32 $0x1000, s28;
	v4 =	vunpack.i.l.bf16.f32 v3  }
0x6e: {  	s21 =	sor.u32 $0x1010, s28;
	v3 =	vunpack.i.u.bf16.f32 v3;
	[tilespmem:s20+$0x0] =	vst.add.f32.msk $0xffff, v4  }
0x6f: {  	[tilespmem:s21+$0x0] =	vst.add.f32.msk $0xffff, v3  }
0x70: {  	v3 =	vld [tilespmem:s26+$0xCC50];
	_ =	sdelay $0x4  }
0x71: {  	s2 =	sor.u32 $0x1020, s28;
	v4 =	vunpack.i.l.bf16.f32 v3  }
0x72: {  	s7 =	sor.u32 $0x1030, s28;
	v3 =	vunpack.i.u.bf16.f32 v3;
	[tilespmem:s2+$0x0] =	vst.add.f32.msk $0xffff, v4  }
0x73: {  	[tilespmem:s7+$0x0] =	vst.add.f32.msk $0xffff, v3  }
0x74: {  	v3 =	vld [tilespmem:s26+$0xCC60];
	_ =	sdelay $0x4  }
0x75: {  	s17 =	sor.u32 $0x1040, s28;
	v4 =	vunpack.i.l.bf16.f32 v3  }
0x76: {  	s19 =	sor.u32 $0x1050, s28;
	v3 =	vunpack.i.u.bf16.f32 v3;
	[tilespmem:s17+$0x0] =	vst.add.f32.msk $0xffff, v4  }
0x77: {  	[tilespmem:s19+$0x0] =	vst.add.f32.msk $0xffff, v3  }
0x78: {  	v3 =	vld [tilespmem:s26+$0xCC70];
	_ =	sdelay $0x4  }
0x79: {  	s20 =	sor.u32 $0x1060, s28;
	v4 =	vunpack.i.l.bf16.f32 v3  }
0x7a: {  	s21 =	sor.u32 $0x1070, s28;
	v3 =	vunpack.i.u.bf16.f32 v3;
	[tilespmem:s20+$0x0] =	vst.add.f32.msk $0xffff, v4  }
0x7b: {  	[tilespmem:s21+$0x0] =	vst.add.f32.msk $0xffff, v3  }
0x7c: {  	v3 =	vld [tilespmem:s26+$0xD000];
	_ =	sdelay $0x4  }
0x7d: {  	s2 =	sor.u32 $0x1400, s28;
	v4 =	vunpack.i.l.bf16.f32 v3  }
0x7e: {  	s7 =	sor.u32 $0x1410, s28;
	v3 =	vunpack.i.u.bf16.f32 v3;
	[tilespmem:s2+$0x0] =	vst.add.f32.msk $0xffff, v4  }
0x7f: {  	[tilespmem:s7+$0x0] =	vst.add.f32.msk $0xffff, v3  }
0x80: {  	v3 =	vld [tilespmem:s26+$0xD010];
	_ =	sdelay $0x4  }
0x81: {  	s17 =	sor.u32 $0x1420, s28;
	v4 =	vunpack.i.l.bf16.f32 v3  }
0x82: {  	s19 =	sor.u32 $0x1430, s28;
	v3 =	vunpack.i.u.bf16.f32 v3;
	[tilespmem:s17+$0x0] =	vst.add.f32.msk $0xffff, v4  }
0x83: {  	[tilespmem:s19+$0x0] =	vst.add.f32.msk $0xffff, v3  }
0x84: {  	v3 =	vld [tilespmem:s26+$0xD020];
	_ =	sdelay $0x4  }
0x85: {  	s20 =	sor.u32 $0x1440, s28;
	v4 =	vunpack.i.l.bf16.f32 v3  }
0x86: {  	s21 =	sor.u32 $0x1450, s28;
	v3 =	vunpack.i.u.bf16.f32 v3;
	[tilespmem:s20+$0x0] =	vst.add.f32.msk $0xffff, v4  }
0x87: {  	[tilespmem:s21+$0x0] =	vst.add.f32.msk $0xffff, v3  }
0x88: {  	v3 =	vld [tilespmem:s26+$0xD030];
	_ =	sdelay $0x4  }
0x89: {  	s2 =	sor.u32 $0x1460, s28;
	v4 =	vunpack.i.l.bf16.f32 v3  }
0x8a: {  	s7 =	sor.u32 $0x1470, s28;
	v3 =	vunpack.i.u.bf16.f32 v3;
	[tilespmem:s2+$0x0] =	vst.add.f32.msk $0xffff, v4  }
0x8b: {  	[tilespmem:s7+$0x0] =	vst.add.f32.msk $0xffff, v3  }
0x8c: {  	v3 =	vld [tilespmem:s26+$0xD040];
	_ =	sdelay $0x4  }
0x8d: {  	s17 =	sor.u32 $0x1800, s28;
	v4 =	vunpack.i.l.bf16.f32 v3  }
0x8e: {  	s19 =	sor.u32 $0x1810, s28;
	v3 =	vunpack.i.u.bf16.f32 v3;
	[tilespmem:s17+$0x0] =	vst.add.f32.msk $0xffff, v4  }
0x8f: {  	[tilespmem:s19+$0x0] =	vst.add.f32.msk $0xffff, v3  }
0x90: {  	v3 =	vld [tilespmem:s26+$0xD050];
	_ =	sdelay $0x4  }
0x91: {  	s20 =	sor.u32 $0x1820, s28;
	v4 =	vunpack.i.l.bf16.f32 v3  }
0x92: {  	s21 =	sor.u32 $0x1830, s28;
	v3 =	vunpack.i.u.bf16.f32 v3;
	[tilespmem:s20+$0x0] =	vst.add.f32.msk $0xffff, v4  }
0x93: {  	[tilespmem:s21+$0x0] =	vst.add.f32.msk $0xffff, v3  }
0x94: {  	v3 =	vld [tilespmem:s26+$0xD060];
	_ =	sdelay $0x4  }
0x95: {  	s2 =	sor.u32 $0x1840, s28;
	v4 =	vunpack.i.l.bf16.f32 v3  }
0x96: {  	s7 =	sor.u32 $0x1850, s28;
	v3 =	vunpack.i.u.bf16.f32 v3;
	[tilespmem:s2+$0x0] =	vst.add.f32.msk $0xffff, v4  }
0x97: {  	[tilespmem:s7+$0x0] =	vst.add.f32.msk $0xffff, v3  }
0x98: {  	v3 =	vld [tilespmem:s26+$0xD070];
	_ =	sdelay $0x4  }
0x99: {  	s17 =	sor.u32 $0x1860, s28;
	v4 =	vunpack.i.l.bf16.f32 v3  }
0x9a: {  	s19 =	sor.u32 $0x1870, s28;
	v3 =	vunpack.i.u.bf16.f32 v3;
	[tilespmem:s17+$0x0] =	vst.add.f32.msk $0xffff, v4  }
0x9b: {  	[tilespmem:s19+$0x0] =	vst.add.f32.msk $0xffff, v3  }
0x9c: {  	v3 =	vld [tilespmem:s26+$0xD400];
	_ =	sdelay $0x4  }
0x9d: {  	s20 =	sor.u32 $0x1C00, s28;
	v4 =	vunpack.i.l.bf16.f32 v3  }
0x9e: {  	s21 =	sor.u32 $0x1C10, s28;
	v3 =	vunpack.i.u.bf16.f32 v3;
	[tilespmem:s20+$0x0] =	vst.add.f32.msk $0xffff, v4  }
0x9f: {  	[tilespmem:s21+$0x0] =	vst.add.f32.msk $0xffff, v3  }
0xa0: {  	v3 =	vld [tilespmem:s26+$0xD410];
	_ =	sdelay $0x4  }
0xa1: {  	s2 =	sor.u32 $0x1C20, s28;
	v4 =	vunpack.i.l.bf16.f32 v3  }
0xa2: {  	s7 =	sor.u32 $0x1C30, s28;
	v3 =	vunpack.i.u.bf16.f32 v3;
	[tilespmem:s2+$0x0] =	vst.add.f32.msk $0xffff, v4  }
0xa3: {  	[tilespmem:s7+$0x0] =	vst.add.f32.msk $0xffff, v3  }
0xa4: {  	v3 =	vld [tilespmem:s26+$0xD420];
	_ =	sdelay $0x4  }
0xa5: {  	s17 =	sor.u32 $0x1C40, s28;
	v4 =	vunpack.i.l.bf16.f32 v3  }
0xa6: {  	s19 =	sor.u32 $0x1C50, s28;
	v3 =	vunpack.i.u.bf16.f32 v3;
	[tilespmem:s17+$0x0] =	vst.add.f32.msk $0xffff, v4  }
0xa7: {  	[tilespmem:s19+$0x0] =	vst.add.f32.msk $0xffff, v3  }
0xa8: {  	v3 =	vld [tilespmem:s26+$0xD430];
	_ =	sdelay $0x4  }
0xa9: {  	s20 =	sor.u32 $0x1C60, s28;
	v4 =	vunpack.i.l.bf16.f32 v3  }
0xaa: {  	s21 =	sor.u32 $0x1C70, s28;
	v3 =	vunpack.i.u.bf16.f32 v3;
	[tilespmem:s20+$0x0] =	vst.add.f32.msk $0xffff, v4  }
0xab: {  	[tilespmem:s21+$0x0] =	vst.add.f32.msk $0xffff, v3  }
0xac: {  	v3 =	vld [tilespmem:s26+$0xD440];
	_ =	sdelay $0x4  }
0xad: {  	v4 =	vunpack.i.l.bf16.f32 v3  }
0xae: {  	v3 =	vunpack.i.u.bf16.f32 v3;
	[tilespmem:s28+$0x2000] =	vst.add.f32.msk $0xffff, v4  }
0xaf: {  	[tilespmem:s28+$0x2010] =	vst.add.f32.msk $0xffff, v3  }
0xb0: {  	v3 =	vld [tilespmem:s26+$0xD450];
	_ =	sdelay $0x4  }
0xb1: {  	v4 =	vunpack.i.l.bf16.f32 v3  }
0xb2: {  	v3 =	vunpack.i.u.bf16.f32 v3;
	[tilespmem:s28+$0x2020] =	vst.add.f32.msk $0xffff, v4  }
0xb3: {  	[tilespmem:s28+$0x2030] =	vst.add.f32.msk $0xffff, v3  }
0xb4: {  	v3 =	vld [tilespmem:s26+$0xD460];
	_ =	sdelay $0x4  }
0xb5: {  	v4 =	vunpack.i.l.bf16.f32 v3  }
0xb6: {  	v3 =	vunpack.i.u.bf16.f32 v3;
	[tilespmem:s28+$0x2040] =	vst.add.f32.msk $0xffff, v4  }
0xb7: {  	[tilespmem:s28+$0x2050] =	vst.add.f32.msk $0xffff, v3  }
0xb8: {  	v3 =	vld [tilespmem:s26+$0xD470];
	_ =	sdelay $0x4  }
0xb9: {  	v4 =	vunpack.i.l.bf16.f32 v3  }
0xba: {  	v3 =	vunpack.i.u.bf16.f32 v3;
	[tilespmem:s28+$0x2060] =	vst.add.f32.msk $0xffff, v4  }
0xbb: {  	[tilespmem:s28+$0x2070] =	vst.add.f32.msk $0xffff, v3  }
0xbc: {  	v3 =	vld [tilespmem:s26+$0xD800];
	_ =	sdelay $0x4  }
0xbd: {  	v4 =	vunpack.i.l.bf16.f32 v3  }
0xbe: {  	v3 =	vunpack.i.u.bf16.f32 v3;
	[tilespmem:s28+$0x2400] =	vst.add.f32.msk $0xffff, v4  }
0xbf: {  	[tilespmem:s28+$0x2410] =	vst.add.f32.msk $0xffff, v3  }
0xc0: {  	v3 =	vld [tilespmem:s26+$0xD810];
	_ =	sdelay $0x4  }
0xc1: {  	v4 =	vunpack.i.l.bf16.f32 v3  }
0xc2: {  	v3 =	vunpack.i.u.bf16.f32 v3;
	[tilespmem:s28+$0x2420] =	vst.add.f32.msk $0xffff, v4  }
0xc3: {  	[tilespmem:s28+$0x2430] =	vst.add.f32.msk $0xffff, v3  }
0xc4: {  	v3 =	vld [tilespmem:s26+$0xD820];
	_ =	sdelay $0x4  }
0xc5: {  	v4 =	vunpack.i.l.bf16.f32 v3  }
0xc6: {  	v3 =	vunpack.i.u.bf16.f32 v3;
	[tilespmem:s28+$0x2440] =	vst.add.f32.msk $0xffff, v4  }
0xc7: {  	[tilespmem:s28+$0x2450] =	vst.add.f32.msk $0xffff, v3  }
0xc8: {  	v3 =	vld [tilespmem:s26+$0xD830];
	_ =	sdelay $0x4  }
0xc9: {  	v4 =	vunpack.i.l.bf16.f32 v3  }
0xca: {  	v3 =	vunpack.i.u.bf16.f32 v3;
	[tilespmem:s28+$0x2460] =	vst.add.f32.msk $0xffff, v4  }
0xcb: {  	[tilespmem:s28+$0x2470] =	vst.add.f32.msk $0xffff, v3  }
0xcc: {  	v3 =	vld [tilespmem:s26+$0xD840];
	_ =	sdelay $0x4  }
0xcd: {  	v4 =	vunpack.i.l.bf16.f32 v3  }
0xce: {  	v3 =	vunpack.i.u.bf16.f32 v3;
	[tilespmem:s28+$0x2800] =	vst.add.f32.msk $0xffff, v4  }
0xcf: {  	[tilespmem:s28+$0x2810] =	vst.add.f32.msk $0xffff, v3  }
0xd0: {  	v3 =	vld [tilespmem:s26+$0xD850];
	_ =	sdelay $0x4  }
0xd1: {  	v4 =	vunpack.i.l.bf16.f32 v3  }
0xd2: {  	v3 =	vunpack.i.u.bf16.f32 v3;
	[tilespmem:s28+$0x2820] =	vst.add.f32.msk $0xffff, v4  }
0xd3: {  	[tilespmem:s28+$0x2830] =	vst.add.f32.msk $0xffff, v3  }
0xd4: {  	s0 =	simm.s32 $0x1;
	s2 =	simm.s32 $0x0;
	v3 =	vld [tilespmem:s26+$0xD860]  }
.LBB2_5:
0xd5: {  	_ = 	snop  }
0xd6: {  	p0 =	sne.s32 s0, $0xF  }
0xd7: {  	s2 =	sadd.s32 $0x80, s2;
	s7 =	smov.u32 s0;
	s0 =	sadd.s32 $0x1, s0  }
0xd8: {  	_ = 	snop  }
0xd9: {  	v4 =	vunpack.i.u.bf16.f32 v3;
	v3 =	vunpack.i.l.bf16.f32 v3  }
0xda: {  	[tilespmem:s28+$0x2840] =	vst.add.f32.msk $0xffff, v3  }
0xdb: {  	[tilespmem:s28+$0x2850] =	vst.add.f32.msk $0xffff, v4  }
0xdc: {  	v3 =	vld [tilespmem:s26+$0xD870];
	_ =	sdelay $0x4  }
0xdd: {  	s17 =	sshll.u32 s7, $0x9;
	v4 =	vunpack.i.u.bf16.f32 v3;
	v3 =	vunpack.i.l.bf16.f32 v3  }
0xde: {  	s19 =	sand.u32 $0x380, s2;
	s17 =	sand.u32 $0x3FFFF000, s17;
	[tilespmem:s28+$0x2860] =	vst.add.f32.msk $0xffff, v3  }
0xdf: {  	s26 =	sor.u32 s19, s17;
	[tilespmem:s28+$0x2870] =	vst.add.f32.msk $0xffff, v4  }
0xe0: {  	v3 =	vld [tilespmem:s26+$0xCC00];
	_ =	sdelay $0x1  }
0xe1: {  	s7 =	sshll.u32 s7, $0xA  }
0xe2: {  	s7 =	sand.u32 $0x3FFFE000, s7  }
0xe3: {  	s28 =	sor.u32 s19, s7  }
0xe4: {  	s7 =	sor.u32 $0xC00, s28;
	v4 =	vunpack.i.l.bf16.f32 v3  }
0xe5: {  	v3 =	vunpack.i.u.bf16.f32 v3;
	[tilespmem:s7+$0x0] =	vst.add.f32.msk $0xffff, v4;
	s7 =	sor.u32 $0xC10, s28  }
0xe6: {  	[tilespmem:s7+$0x0] =	vst.add.f32.msk $0xffff, v3  }
0xe7: {  	v3 =	vld [tilespmem:s26+$0xCC10];
	_ =	sdelay $0x4  }
0xe8: {  	s7 =	sor.u32 $0xC20, s28;
	v4 =	vunpack.i.l.bf16.f32 v3  }
0xe9: {  	v3 =	vunpack.i.u.bf16.f32 v3;
	[tilespmem:s7+$0x0] =	vst.add.f32.msk $0xffff, v4;
	s7 =	sor.u32 $0xC30, s28  }
0xea: {  	[tilespmem:s7+$0x0] =	vst.add.f32.msk $0xffff, v3  }
0xeb: {  	v3 =	vld [tilespmem:s26+$0xCC20];
	_ =	sdelay $0x4  }
0xec: {  	s7 =	sor.u32 $0xC40, s28;
	v4 =	vunpack.i.l.bf16.f32 v3  }
0xed: {  	v3 =	vunpack.i.u.bf16.f32 v3;
	[tilespmem:s7+$0x0] =	vst.add.f32.msk $0xffff, v4;
	s7 =	sor.u32 $0xC50, s28  }
0xee: {  	[tilespmem:s7+$0x0] =	vst.add.f32.msk $0xffff, v3  }
0xef: {  	v3 =	vld [tilespmem:s26+$0xCC30];
	_ =	sdelay $0x4  }
0xf0: {  	s7 =	sor.u32 $0xC60, s28;
	v4 =	vunpack.i.l.bf16.f32 v3  }
0xf1: {  	v3 =	vunpack.i.u.bf16.f32 v3;
	[tilespmem:s7+$0x0] =	vst.add.f32.msk $0xffff, v4;
	s7 =	sor.u32 $0xC70, s28  }
0xf2: {  	[tilespmem:s7+$0x0] =	vst.add.f32.msk $0xffff, v3  }
0xf3: {  	v3 =	vld [tilespmem:s26+$0xCC40];
	_ =	sdelay $0x4  }
0xf4: {  	s7 =	sor.u32 $0x1000, s28;
	v4 =	vunpack.i.l.bf16.f32 v3  }
0xf5: {  	v3 =	vunpack.i.u.bf16.f32 v3;
	[tilespmem:s7+$0x0] =	vst.add.f32.msk $0xffff, v4;
	s7 =	sor.u32 $0x1010, s28  }
0xf6: {  	[tilespmem:s7+$0x0] =	vst.add.f32.msk $0xffff, v3  }
0xf7: {  	v3 =	vld [tilespmem:s26+$0xCC50];
	_ =	sdelay $0x4  }
0xf8: {  	s7 =	sor.u32 $0x1020, s28;
	v4 =	vunpack.i.l.bf16.f32 v3  }
0xf9: {  	v3 =	vunpack.i.u.bf16.f32 v3;
	[tilespmem:s7+$0x0] =	vst.add.f32.msk $0xffff, v4;
	s7 =	sor.u32 $0x1030, s28  }
0xfa: {  	[tilespmem:s7+$0x0] =	vst.add.f32.msk $0xffff, v3  }
0xfb: {  	v3 =	vld [tilespmem:s26+$0xCC60];
	_ =	sdelay $0x4  }
0xfc: {  	s7 =	sor.u32 $0x1040, s28;
	v4 =	vunpack.i.l.bf16.f32 v3  }
0xfd: {  	v3 =	vunpack.i.u.bf16.f32 v3;
	[tilespmem:s7+$0x0] =	vst.add.f32.msk $0xffff, v4;
	s7 =	sor.u32 $0x1050, s28  }
0xfe: {  	[tilespmem:s7+$0x0] =	vst.add.f32.msk $0xffff, v3  }
0xff: {  	v3 =	vld [tilespmem:s26+$0xCC70];
	_ =	sdelay $0x4  }
0x100: {  	s7 =	sor.u32 $0x1060, s28;
	v4 =	vunpack.i.l.bf16.f32 v3  }
0x101: {  	v3 =	vunpack.i.u.bf16.f32 v3;
	[tilespmem:s7+$0x0] =	vst.add.f32.msk $0xffff, v4;
	s7 =	sor.u32 $0x1070, s28  }
0x102: {  	[tilespmem:s7+$0x0] =	vst.add.f32.msk $0xffff, v3  }
0x103: {  	v3 =	vld [tilespmem:s26+$0xD000];
	_ =	sdelay $0x4  }
0x104: {  	s7 =	sor.u32 $0x1400, s28;
	v4 =	vunpack.i.l.bf16.f32 v3  }
0x105: {  	v3 =	vunpack.i.u.bf16.f32 v3;
	[tilespmem:s7+$0x0] =	vst.add.f32.msk $0xffff, v4;
	s7 =	sor.u32 $0x1410, s28  }
0x106: {  	[tilespmem:s7+$0x0] =	vst.add.f32.msk $0xffff, v3  }
0x107: {  	v3 =	vld [tilespmem:s26+$0xD010];
	_ =	sdelay $0x4  }
0x108: {  	s7 =	sor.u32 $0x1420, s28;
	v4 =	vunpack.i.l.bf16.f32 v3  }
0x109: {  	v3 =	vunpack.i.u.bf16.f32 v3;
	[tilespmem:s7+$0x0] =	vst.add.f32.msk $0xffff, v4;
	s7 =	sor.u32 $0x1430, s28  }
0x10a: {  	[tilespmem:s7+$0x0] =	vst.add.f32.msk $0xffff, v3  }
0x10b: {  	v3 =	vld [tilespmem:s26+$0xD020];
	_ =	sdelay $0x4  }
0x10c: {  	s7 =	sor.u32 $0x1440, s28;
	v4 =	vunpack.i.l.bf16.f32 v3  }
0x10d: {  	v3 =	vunpack.i.u.bf16.f32 v3;
	[tilespmem:s7+$0x0] =	vst.add.f32.msk $0xffff, v4;
	s7 =	sor.u32 $0x1450, s28  }
0x10e: {  	[tilespmem:s7+$0x0] =	vst.add.f32.msk $0xffff, v3  }
0x10f: {  	v3 =	vld [tilespmem:s26+$0xD030];
	_ =	sdelay $0x4  }
0x110: {  	s7 =	sor.u32 $0x1460, s28;
	v4 =	vunpack.i.l.bf16.f32 v3  }
0x111: {  	v3 =	vunpack.i.u.bf16.f32 v3;
	[tilespmem:s7+$0x0] =	vst.add.f32.msk $0xffff, v4;
	s7 =	sor.u32 $0x1470, s28  }
0x112: {  	[tilespmem:s7+$0x0] =	vst.add.f32.msk $0xffff, v3  }
0x113: {  	v3 =	vld [tilespmem:s26+$0xD040];
	_ =	sdelay $0x4  }
0x114: {  	s7 =	sor.u32 $0x1800, s28;
	v4 =	vunpack.i.l.bf16.f32 v3  }
0x115: {  	v3 =	vunpack.i.u.bf16.f32 v3;
	[tilespmem:s7+$0x0] =	vst.add.f32.msk $0xffff, v4;
	s7 =	sor.u32 $0x1810, s28  }
0x116: {  	[tilespmem:s7+$0x0] =	vst.add.f32.msk $0xffff, v3  }
0x117: {  	v3 =	vld [tilespmem:s26+$0xD050];
	_ =	sdelay $0x4  }
0x118: {  	s7 =	sor.u32 $0x1820, s28;
	v4 =	vunpack.i.l.bf16.f32 v3  }
0x119: {  	v3 =	vunpack.i.u.bf16.f32 v3;
	[tilespmem:s7+$0x0] =	vst.add.f32.msk $0xffff, v4;
	s7 =	sor.u32 $0x1830, s28  }
0x11a: {  	[tilespmem:s7+$0x0] =	vst.add.f32.msk $0xffff, v3  }
0x11b: {  	v3 =	vld [tilespmem:s26+$0xD060];
	_ =	sdelay $0x4  }
0x11c: {  	s7 =	sor.u32 $0x1840, s28;
	v4 =	vunpack.i.l.bf16.f32 v3  }
0x11d: {  	v3 =	vunpack.i.u.bf16.f32 v3;
	[tilespmem:s7+$0x0] =	vst.add.f32.msk $0xffff, v4;
	s7 =	sor.u32 $0x1850, s28  }
0x11e: {  	[tilespmem:s7+$0x0] =	vst.add.f32.msk $0xffff, v3  }
0x11f: {  	v3 =	vld [tilespmem:s26+$0xD070];
	_ =	sdelay $0x4  }
0x120: {  	s7 =	sor.u32 $0x1860, s28;
	v4 =	vunpack.i.l.bf16.f32 v3  }
0x121: {  	v3 =	vunpack.i.u.bf16.f32 v3;
	[tilespmem:s7+$0x0] =	vst.add.f32.msk $0xffff, v4;
	s7 =	sor.u32 $0x1870, s28  }
0x122: {  	[tilespmem:s7+$0x0] =	vst.add.f32.msk $0xffff, v3  }
0x123: {  	v3 =	vld [tilespmem:s26+$0xD400];
	_ =	sdelay $0x4  }
0x124: {  	s7 =	sor.u32 $0x1C00, s28;
	v4 =	vunpack.i.l.bf16.f32 v3  }
0x125: {  	v3 =	vunpack.i.u.bf16.f32 v3;
	[tilespmem:s7+$0x0] =	vst.add.f32.msk $0xffff, v4;
	s7 =	sor.u32 $0x1C10, s28  }
0x126: {  	[tilespmem:s7+$0x0] =	vst.add.f32.msk $0xffff, v3  }
0x127: {  	v3 =	vld [tilespmem:s26+$0xD410];
	_ =	sdelay $0x4  }
0x128: {  	s7 =	sor.u32 $0x1C20, s28;
	v4 =	vunpack.i.l.bf16.f32 v3  }
0x129: {  	v3 =	vunpack.i.u.bf16.f32 v3;
	[tilespmem:s7+$0x0] =	vst.add.f32.msk $0xffff, v4;
	s7 =	sor.u32 $0x1C30, s28  }
0x12a: {  	[tilespmem:s7+$0x0] =	vst.add.f32.msk $0xffff, v3  }
0x12b: {  	v3 =	vld [tilespmem:s26+$0xD420];
	_ =	sdelay $0x4  }
0x12c: {  	s7 =	sor.u32 $0x1C40, s28;
	v4 =	vunpack.i.l.bf16.f32 v3  }
0x12d: {  	v3 =	vunpack.i.u.bf16.f32 v3;
	[tilespmem:s7+$0x0] =	vst.add.f32.msk $0xffff, v4;
	s7 =	sor.u32 $0x1C50, s28  }
0x12e: {  	[tilespmem:s7+$0x0] =	vst.add.f32.msk $0xffff, v3  }
0x12f: {  	v3 =	vld [tilespmem:s26+$0xD430];
	_ =	sdelay $0x4  }
0x130: {  	s7 =	sor.u32 $0x1C60, s28;
	v4 =	vunpack.i.l.bf16.f32 v3  }
0x131: {  	v3 =	vunpack.i.u.bf16.f32 v3;
	[tilespmem:s7+$0x0] =	vst.add.f32.msk $0xffff, v4;
	s7 =	sor.u32 $0x1C70, s28  }
0x132: {  	[tilespmem:s7+$0x0] =	vst.add.f32.msk $0xffff, v3  }
0x133: {  	v3 =	vld [tilespmem:s26+$0xD440];
	_ =	sdelay $0x4  }
0x134: {  	v4 =	vunpack.i.u.bf16.f32 v3;
	v3 =	vunpack.i.l.bf16.f32 v3  }
0x135: {  	[tilespmem:s28+$0x2000] =	vst.add.f32.msk $0xffff, v3  }
0x136: {  	[tilespmem:s28+$0x2010] =	vst.add.f32.msk $0xffff, v4  }
0x137: {  	v3 =	vld [tilespmem:s26+$0xD450];
	_ =	sdelay $0x4  }
0x138: {  	v4 =	vunpack.i.u.bf16.f32 v3;
	v3 =	vunpack.i.l.bf16.f32 v3  }
0x139: {  	[tilespmem:s28+$0x2020] =	vst.add.f32.msk $0xffff, v3  }
0x13a: {  	[tilespmem:s28+$0x2030] =	vst.add.f32.msk $0xffff, v4  }
0x13b: {  	v3 =	vld [tilespmem:s26+$0xD460];
	_ =	sdelay $0x4  }
0x13c: {  	v4 =	vunpack.i.u.bf16.f32 v3;
	v3 =	vunpack.i.l.bf16.f32 v3  }
0x13d: {  	[tilespmem:s28+$0x2040] =	vst.add.f32.msk $0xffff, v3  }
0x13e: {  	[tilespmem:s28+$0x2050] =	vst.add.f32.msk $0xffff, v4  }
0x13f: {  	v3 =	vld [tilespmem:s26+$0xD470];
	_ =	sdelay $0x4  }
0x140: {  	v4 =	vunpack.i.u.bf16.f32 v3;
	v3 =	vunpack.i.l.bf16.f32 v3  }
0x141: {  	[tilespmem:s28+$0x2060] =	vst.add.f32.msk $0xffff, v3  }
0x142: {  	[tilespmem:s28+$0x2070] =	vst.add.f32.msk $0xffff, v4  }
0x143: {  	v3 =	vld [tilespmem:s26+$0xD800];
	_ =	sdelay $0x4  }
0x144: {  	v4 =	vunpack.i.u.bf16.f32 v3;
	v3 =	vunpack.i.l.bf16.f32 v3  }
0x145: {  	[tilespmem:s28+$0x2400] =	vst.add.f32.msk $0xffff, v3  }
0x146: {  	[tilespmem:s28+$0x2410] =	vst.add.f32.msk $0xffff, v4  }
0x147: {  	v3 =	vld [tilespmem:s26+$0xD810];
	_ =	sdelay $0x4  }
0x148: {  	v4 =	vunpack.i.u.bf16.f32 v3;
	v3 =	vunpack.i.l.bf16.f32 v3  }
0x149: {  	[tilespmem:s28+$0x2420] =	vst.add.f32.msk $0xffff, v3  }
0x14a: {  	[tilespmem:s28+$0x2430] =	vst.add.f32.msk $0xffff, v4  }
0x14b: {  	v3 =	vld [tilespmem:s26+$0xD820];
	_ =	sdelay $0x4  }
0x14c: {  	v4 =	vunpack.i.u.bf16.f32 v3;
	v3 =	vunpack.i.l.bf16.f32 v3  }
0x14d: {  	[tilespmem:s28+$0x2440] =	vst.add.f32.msk $0xffff, v3  }
0x14e: {  	[tilespmem:s28+$0x2450] =	vst.add.f32.msk $0xffff, v4  }
0x14f: {  	v3 =	vld [tilespmem:s26+$0xD830];
	_ =	sdelay $0x4  }
0x150: {  	v4 =	vunpack.i.u.bf16.f32 v3;
	v3 =	vunpack.i.l.bf16.f32 v3  }
0x151: {  	[tilespmem:s28+$0x2460] =	vst.add.f32.msk $0xffff, v3  }
0x152: {  	[tilespmem:s28+$0x2470] =	vst.add.f32.msk $0xffff, v4  }
0x153: {  	v3 =	vld [tilespmem:s26+$0xD840];
	_ =	sdelay $0x4  }
0x154: {  	v4 =	vunpack.i.u.bf16.f32 v3;
	v3 =	vunpack.i.l.bf16.f32 v3  }
0x155: {  	[tilespmem:s28+$0x2800] =	vst.add.f32.msk $0xffff, v3  }
0x156: {  	[tilespmem:s28+$0x2810] =	vst.add.f32.msk $0xffff, v4  }
0x157: {  	v3 =	vld [tilespmem:s26+$0xD850];
	_ =	sdelay $0x3  }
.Ltmp1:
0x158: {  	(pc) =	sbr.rel @p0 .LBB2_5-.Ltmp1, $4  }
0x159: {  	v4 =	vunpack.i.u.bf16.f32 v3;
	v3 =	vunpack.i.l.bf16.f32 v3  }
0x15a: {  	[tilespmem:s28+$0x2820] =	vst.add.f32.msk $0xffff, v3  }
0x15b: {  	[tilespmem:s28+$0x2830] =	vst.add.f32.msk $0xffff, v4  }
0x15c: {  	v3 =	vld [tilespmem:s26+$0xD860]  }
0x15d: {  	_ =	sdelay $0x3  }
0x15e: {  	v4 =	vunpack.i.l.bf16.f32 v3  }
0x15f: {  	v3 =	vunpack.i.u.bf16.f32 v3;
	[tilespmem:s28+$0x2840] =	vst.add.f32.msk $0xffff, v4  }
0x160: {  	[tilespmem:s28+$0x2850] =	vst.add.f32.msk $0xffff, v3  }
0x161: {  	v3 =	vld [tilespmem:s26+$0xD870];
	_ =	sdelay $0x2  }
0x162: {  	s26 =	smul.u32 $0x30, s25;
	_ =	sdelay $0x1  }
0x163: {  	s2 =	smul.u32 $0x3, s25;
	s0 =	sadd.s32 s5, s26;
	v4 =	vunpack.i.l.bf16.f32 v3  }
0x164: {  	s0 =	sshll.u32 s0, $0x7;
	v3 =	vunpack.i.u.bf16.f32 v3;
	[tilespmem:s28+$0x2860] =	vst.add.f32.msk $0xffff, v4  }
0x165: {  	p0 =	seq.s32 s25, $0x0;
	s7 =	sadd.s32 s3, s0;
	[tilespmem:s28+$0x2870] =	vst.add.f32.msk $0xffff, v3;
	s28 =	sadd.s32 $0x2, s2  }
0x166: {  	[hbm4b:s7+s4] =	stream.linear.scatter [tilespmem:s18], [sflag:$0x7], $0x4000, $0x38;
	[tilespmem:$0x12C00] =	vst v63  }
0x167: {  	s2 =	simm.s32 @!p0 $0x9;
	s19 =	sshll.u32 s28, $0x4  }
0x168: {  	_ =	swait.ge @!p0 [sflag:s2], $0x4000;
	s17 =	sadd.s32 s5, s19  }
0x169: {  	[sflag:s2] =	ssyncset.done @!p0 $0x0;
	s17 =	sshll.u32 s17, $0x7  }
0x16a: {  	[sflag:s2] =	ssyncadd.s32 @!p0 $0xFFFFC000;
	s17 =	sadd.s32 s1, s17;
	s2 =	simm.s32 $0x0  }
0x16b: {  	[tilespmem:s31], [sflag:$0x3] =	stream.linear.gather [hbm4b:s17+s2], $0x4000, $0x38;
	[tilespmem:$0x12C00] =	vst v63  }
0x16c: {  	v3 =	vld [tilespmem:s19+$0x800];
	_ =	sdelay $0x4  }
0x16d: {  	v4 =	vshll.u32 v3, $0x2  }
0x16e: {  	v3 =	vand.u32 $0x7, v3;
	v4 =	vand.u32 $0xFFFFFFE0, v4  }
0x16f: {  	v3 =	vor.u32 v3, v4  }
0x170: {  	v4 =	vperm.xlane v3, v0;
	_ =	sdelay $0x1  }
0x171: {  	v4 =	vadd.s32 v1, v4;
	_ =	sdelay $0x1  }
0x172: {  	v3 =	vperm.xlane v3, v2;
	_ =	sdelay $0x1  }
0x173: {  	s20 =	simm.s32 $0x10C00;
	v3 =	vadd.s32 v1, v3  }
0x174: {  	[tilespmem:s20], [sflag:$0x6] =	stream.indirect_vreg.gather [hbm4b:s6+s2], $0x80, v4, vm0, $0xb8;
	[tilespmem:$0x12C00] =	vst v63  }
0x175: {  	s21 =	simm.s32 $0x11400  }
0x176: {  	[tilespmem:s21], [sflag:$0x6] =	stream.indirect_vreg.gather [hbm4b:s10+s2], $0x80, v4, vm0, $0xb8;
	[tilespmem:$0x12C00] =	vst v63  }
0x177: {  	s17 =	simm.s32 $0x11C00  }
0x178: {  	[tilespmem:s17], [sflag:$0x6] =	stream.indirect_vreg.gather [hbm4b:s6+s2], $0x80, v3, vm0, $0xb8;
	[tilespmem:$0x12C00] =	vst v63  }
0x179: {  	s19 =	simm.s32 $0x12400  }
0x17a: {  	[tilespmem:s19], [sflag:$0x6] =	stream.indirect_vreg.gather [hbm4b:s10+s2], $0x80, v3, vm0, $0xb8;
	[tilespmem:$0x12C00] =	vst v63  }
0x17b: {  	_ =	swait.ge [sflag:s8], $0x4000  }
0x17c: {  	[sflag:s8] =	ssyncset.done $0x0  }
0x17d: {  	[sflag:s8] =	ssyncadd.s32 $0xFFFFC000  }
0x17e: {  	s20 =	simm.s32 $0x0;
	_ =	swait.ge [sflag:s11], $0x2000  }
0x17f: {  	s7 =	sand.u32 $0x3FFFF000, s20;
	s21 =	sand.u32 $0x380, s2;
	[sflag:s11] =	ssyncset.done $0x0  }
0x180: {  	s7 =	sor.u32 s21, s7;
	[sflag:s11] =	ssyncadd.s32 $0xFFFFE000  }
0x181: {  	v3 =	vld [tilespmem:s7+$0xEC00];
	_ =	sdelay $0x2  }
0x182: {  	s19 =	simm.s32 $0x0  }
0x183: {  	s19 =	sand.u32 $0x3FFFE000, s19  }
0x184: {  	s17 =	sor.u32 s21, s19;
	v4 =	vunpack.i.l.bf16.f32 v3  }
0x185: {  	v3 =	vunpack.i.u.bf16.f32 v3;
	[tilespmem:s17+$0x4C00] =	vst.add.f32.msk $0xffff, v4  }
0x186: {  	[tilespmem:s17+$0x4C10] =	vst.add.f32.msk $0xffff, v3  }
0x187: {  	v3 =	vld [tilespmem:s7+$0xEC10];
	_ =	sdelay $0x4  }
0x188: {  	v4 =	vunpack.i.l.bf16.f32 v3  }
0x189: {  	v3 =	vunpack.i.u.bf16.f32 v3;
	[tilespmem:s17+$0x4C20] =	vst.add.f32.msk $0xffff, v4  }
0x18a: {  	[tilespmem:s17+$0x4C30] =	vst.add.f32.msk $0xffff, v3  }
0x18b: {  	v3 =	vld [tilespmem:s7+$0xEC20];
	_ =	sdelay $0x4  }
0x18c: {  	v4 =	vunpack.i.l.bf16.f32 v3  }
0x18d: {  	v3 =	vunpack.i.u.bf16.f32 v3;
	[tilespmem:s17+$0x4C40] =	vst.add.f32.msk $0xffff, v4  }
0x18e: {  	[tilespmem:s17+$0x4C50] =	vst.add.f32.msk $0xffff, v3  }
0x18f: {  	v3 =	vld [tilespmem:s7+$0xEC30];
	_ =	sdelay $0x4  }
0x190: {  	v4 =	vunpack.i.l.bf16.f32 v3  }
0x191: {  	v3 =	vunpack.i.u.bf16.f32 v3;
	[tilespmem:s17+$0x4C60] =	vst.add.f32.msk $0xffff, v4  }
0x192: {  	[tilespmem:s17+$0x4C70] =	vst.add.f32.msk $0xffff, v3  }
0x193: {  	v3 =	vld [tilespmem:s7+$0xEC40];
	_ =	sdelay $0x4  }
0x194: {  	v4 =	vunpack.i.l.bf16.f32 v3  }
0x195: {  	v3 =	vunpack.i.u.bf16.f32 v3;
	[tilespmem:s17+$0x5000] =	vst.add.f32.msk $0xffff, v4  }
0x196: {  	[tilespmem:s17+$0x5010] =	vst.add.f32.msk $0xffff, v3  }
0x197: {  	v3 =	vld [tilespmem:s7+$0xEC50];
	_ =	sdelay $0x4  }
0x198: {  	v4 =	vunpack.i.l.bf16.f32 v3  }
0x199: {  	v3 =	vunpack.i.u.bf16.f32 v3;
	[tilespmem:s17+$0x5020] =	vst.add.f32.msk $0xffff, v4  }
0x19a: {  	[tilespmem:s17+$0x5030] =	vst.add.f32.msk $0xffff, v3  }
0x19b: {  	v3 =	vld [tilespmem:s7+$0xEC60];
	_ =	sdelay $0x4  }
0x19c: {  	v4 =	vunpack.i.l.bf16.f32 v3  }
0x19d: {  	v3 =	vunpack.i.u.bf16.f32 v3;
	[tilespmem:s17+$0x5040] =	vst.add.f32.msk $0xffff, v4  }
0x19e: {  	[tilespmem:s17+$0x5050] =	vst.add.f32.msk $0xffff, v3  }
0x19f: {  	v3 =	vld [tilespmem:s7+$0xEC70];
	_ =	sdelay $0x4  }
0x1a0: {  	v4 =	vunpack.i.l.bf16.f32 v3  }
0x1a1: {  	v3 =	vunpack.i.u.bf16.f32 v3;
	[tilespmem:s17+$0x5060] =	vst.add.f32.msk $0xffff, v4  }
0x1a2: {  	[tilespmem:s17+$0x5070] =	vst.add.f32.msk $0xffff, v3  }
0x1a3: {  	v3 =	vld [tilespmem:s7+$0xF000];
	_ =	sdelay $0x4  }
0x1a4: {  	v4 =	vunpack.i.l.bf16.f32 v3  }
0x1a5: {  	v3 =	vunpack.i.u.bf16.f32 v3;
	[tilespmem:s17+$0x5400] =	vst.add.f32.msk $0xffff, v4  }
0x1a6: {  	[tilespmem:s17+$0x5410] =	vst.add.f32.msk $0xffff, v3  }
0x1a7: {  	v3 =	vld [tilespmem:s7+$0xF010];
	_ =	sdelay $0x4  }
0x1a8: {  	v4 =	vunpack.i.l.bf16.f32 v3  }
0x1a9: {  	v3 =	vunpack.i.u.bf16.f32 v3;
	[tilespmem:s17+$0x5420] =	vst.add.f32.msk $0xffff, v4  }
0x1aa: {  	[tilespmem:s17+$0x5430] =	vst.add.f32.msk $0xffff, v3  }
0x1ab: {  	v3 =	vld [tilespmem:s7+$0xF020];
	_ =	sdelay $0x4  }
0x1ac: {  	v4 =	vunpack.i.l.bf16.f32 v3  }
0x1ad: {  	v3 =	vunpack.i.u.bf16.f32 v3;
	[tilespmem:s17+$0x5440] =	vst.add.f32.msk $0xffff, v4  }
0x1ae: {  	[tilespmem:s17+$0x5450] =	vst.add.f32.msk $0xffff, v3  }
0x1af: {  	v3 =	vld [tilespmem:s7+$0xF030];
	_ =	sdelay $0x4  }
0x1b0: {  	v4 =	vunpack.i.l.bf16.f32 v3  }
0x1b1: {  	v3 =	vunpack.i.u.bf16.f32 v3;
	[tilespmem:s17+$0x5460] =	vst.add.f32.msk $0xffff, v4  }
0x1b2: {  	[tilespmem:s17+$0x5470] =	vst.add.f32.msk $0xffff, v3  }
0x1b3: {  	v3 =	vld [tilespmem:s7+$0xF040];
	_ =	sdelay $0x4  }
0x1b4: {  	v4 =	vunpack.i.l.bf16.f32 v3  }
0x1b5: {  	v3 =	vunpack.i.u.bf16.f32 v3;
	[tilespmem:s17+$0x5800] =	vst.add.f32.msk $0xffff, v4  }
0x1b6: {  	[tilespmem:s17+$0x5810] =	vst.add.f32.msk $0xffff, v3  }
0x1b7: {  	v3 =	vld [tilespmem:s7+$0xF050];
	_ =	sdelay $0x4  }
0x1b8: {  	v4 =	vunpack.i.l.bf16.f32 v3  }
0x1b9: {  	v3 =	vunpack.i.u.bf16.f32 v3;
	[tilespmem:s17+$0x5820] =	vst.add.f32.msk $0xffff, v4  }
0x1ba: {  	[tilespmem:s17+$0x5830] =	vst.add.f32.msk $0xffff, v3  }
0x1bb: {  	v3 =	vld [tilespmem:s7+$0xF060];
	_ =	sdelay $0x4  }
0x1bc: {  	v4 =	vunpack.i.l.bf16.f32 v3  }
0x1bd: {  	v3 =	vunpack.i.u.bf16.f32 v3;
	[tilespmem:s17+$0x5840] =	vst.add.f32.msk $0xffff, v4  }
0x1be: {  	[tilespmem:s17+$0x5850] =	vst.add.f32.msk $0xffff, v3  }
0x1bf: {  	v3 =	vld [tilespmem:s7+$0xF070];
	_ =	sdelay $0x4  }
0x1c0: {  	v4 =	vunpack.i.l.bf16.f32 v3  }
0x1c1: {  	v3 =	vunpack.i.u.bf16.f32 v3;
	[tilespmem:s17+$0x5860] =	vst.add.f32.msk $0xffff, v4  }
0x1c2: {  	[tilespmem:s17+$0x5870] =	vst.add.f32.msk $0xffff, v3  }
0x1c3: {  	v3 =	vld [tilespmem:s7+$0xF400];
	_ =	sdelay $0x4  }
0x1c4: {  	v4 =	vunpack.i.l.bf16.f32 v3  }
0x1c5: {  	v3 =	vunpack.i.u.bf16.f32 v3;
	[tilespmem:s17+$0x5C00] =	vst.add.f32.msk $0xffff, v4  }
0x1c6: {  	[tilespmem:s17+$0x5C10] =	vst.add.f32.msk $0xffff, v3  }
0x1c7: {  	v3 =	vld [tilespmem:s7+$0xF410];
	_ =	sdelay $0x4  }
0x1c8: {  	v4 =	vunpack.i.l.bf16.f32 v3  }
0x1c9: {  	v3 =	vunpack.i.u.bf16.f32 v3;
	[tilespmem:s17+$0x5C20] =	vst.add.f32.msk $0xffff, v4  }
0x1ca: {  	[tilespmem:s17+$0x5C30] =	vst.add.f32.msk $0xffff, v3  }
0x1cb: {  	v3 =	vld [tilespmem:s7+$0xF420];
	_ =	sdelay $0x4  }
0x1cc: {  	v4 =	vunpack.i.l.bf16.f32 v3  }
0x1cd: {  	v3 =	vunpack.i.u.bf16.f32 v3;
	[tilespmem:s17+$0x5C40] =	vst.add.f32.msk $0xffff, v4  }
0x1ce: {  	[tilespmem:s17+$0x5C50] =	vst.add.f32.msk $0xffff, v3  }
0x1cf: {  	v3 =	vld [tilespmem:s7+$0xF430];
	_ =	sdelay $0x4  }
0x1d0: {  	v4 =	vunpack.i.l.bf16.f32 v3  }
0x1d1: {  	v3 =	vunpack.i.u.bf16.f32 v3;
	[tilespmem:s17+$0x5C60] =	vst.add.f32.msk $0xffff, v4  }
0x1d2: {  	[tilespmem:s17+$0x5C70] =	vst.add.f32.msk $0xffff, v3  }
0x1d3: {  	v3 =	vld [tilespmem:s7+$0xF440];
	_ =	sdelay $0x4  }
0x1d4: {  	v4 =	vunpack.i.l.bf16.f32 v3  }
0x1d5: {  	v3 =	vunpack.i.u.bf16.f32 v3;
	[tilespmem:s17+$0x6000] =	vst.add.f32.msk $0xffff, v4  }
0x1d6: {  	[tilespmem:s17+$0x6010] =	vst.add.f32.msk $0xffff, v3  }
0x1d7: {  	v3 =	vld [tilespmem:s7+$0xF450];
	_ =	sdelay $0x4  }
0x1d8: {  	v4 =	vunpack.i.l.bf16.f32 v3  }
0x1d9: {  	v3 =	vunpack.i.u.bf16.f32 v3;
	[tilespmem:s17+$0x6020] =	vst.add.f32.msk $0xffff, v4  }
0x1da: {  	[tilespmem:s17+$0x6030] =	vst.add.f32.msk $0xffff, v3  }
0x1db: {  	v3 =	vld [tilespmem:s7+$0xF460];
	_ =	sdelay $0x4  }
0x1dc: {  	v4 =	vunpack.i.l.bf16.f32 v3  }
0x1dd: {  	v3 =	vunpack.i.u.bf16.f32 v3;
	[tilespmem:s17+$0x6040] =	vst.add.f32.msk $0xffff, v4  }
0x1de: {  	[tilespmem:s17+$0x6050] =	vst.add.f32.msk $0xffff, v3  }
0x1df: {  	v3 =	vld [tilespmem:s7+$0xF470];
	_ =	sdelay $0x4  }
0x1e0: {  	v4 =	vunpack.i.l.bf16.f32 v3  }
0x1e1: {  	v3 =	vunpack.i.u.bf16.f32 v3;
	[tilespmem:s17+$0x6060] =	vst.add.f32.msk $0xffff, v4  }
0x1e2: {  	[tilespmem:s17+$0x6070] =	vst.add.f32.msk $0xffff, v3  }
0x1e3: {  	v3 =	vld [tilespmem:s7+$0xF800];
	_ =	sdelay $0x4  }
0x1e4: {  	v4 =	vunpack.i.l.bf16.f32 v3  }
0x1e5: {  	v3 =	vunpack.i.u.bf16.f32 v3;
	[tilespmem:s17+$0x6400] =	vst.add.f32.msk $0xffff, v4  }
0x1e6: {  	[tilespmem:s17+$0x6410] =	vst.add.f32.msk $0xffff, v3  }
0x1e7: {  	v3 =	vld [tilespmem:s7+$0xF810];
	_ =	sdelay $0x4  }
0x1e8: {  	v4 =	vunpack.i.l.bf16.f32 v3  }
0x1e9: {  	v3 =	vunpack.i.u.bf16.f32 v3;
	[tilespmem:s17+$0x6420] =	vst.add.f32.msk $0xffff, v4  }
0x1ea: {  	[tilespmem:s17+$0x6430] =	vst.add.f32.msk $0xffff, v3  }
0x1eb: {  	v3 =	vld [tilespmem:s7+$0xF820];
	_ =	sdelay $0x4  }
0x1ec: {  	v4 =	vunpack.i.l.bf16.f32 v3  }
0x1ed: {  	v3 =	vunpack.i.u.bf16.f32 v3;
	[tilespmem:s17+$0x6440] =	vst.add.f32.msk $0xffff, v4  }
0x1ee: {  	[tilespmem:s17+$0x6450] =	vst.add.f32.msk $0xffff, v3  }
0x1ef: {  	v3 =	vld [tilespmem:s7+$0xF830];
	_ =	sdelay $0x4  }
0x1f0: {  	v4 =	vunpack.i.l.bf16.f32 v3  }
0x1f1: {  	s19 =	simm.s32 $0x1;
	v3 =	vunpack.i.u.bf16.f32 v3;
	[tilespmem:s17+$0x6460] =	vst.add.f32.msk $0xffff, v4  }
.LBB2_7:
0x1f2: {  	p0 =	sne.s32 s19, $0xF  }
0x1f3: {  	[tilespmem:s17+$0x6470] =	vst.add.f32.msk $0xffff, v3;
	s2 =	sadd.s32 $0x80, s2;
	s20 =	smov.u32 s19;
	s19 =	sadd.s32 $0x1, s19  }
0x1f4: {  	v3 =	vld [tilespmem:s7+$0xF840];
	_ =	sdelay $0x4  }
0x1f5: {  	v4 =	vunpack.i.u.bf16.f32 v3;
	v3 =	vunpack.i.l.bf16.f32 v3  }
0x1f6: {  	[tilespmem:s17+$0x6800] =	vst.add.f32.msk $0xffff, v3  }
0x1f7: {  	[tilespmem:s17+$0x6810] =	vst.add.f32.msk $0xffff, v4  }
0x1f8: {  	v3 =	vld [tilespmem:s7+$0xF850];
	_ =	sdelay $0x4  }
0x1f9: {  	v4 =	vunpack.i.u.bf16.f32 v3;
	v3 =	vunpack.i.l.bf16.f32 v3  }
0x1fa: {  	[tilespmem:s17+$0x6820] =	vst.add.f32.msk $0xffff, v3  }
0x1fb: {  	[tilespmem:s17+$0x6830] =	vst.add.f32.msk $0xffff, v4  }
0x1fc: {  	v3 =	vld [tilespmem:s7+$0xF860];
	_ =	sdelay $0x4  }
0x1fd: {  	v4 =	vunpack.i.u.bf16.f32 v3;
	v3 =	vunpack.i.l.bf16.f32 v3  }
0x1fe: {  	[tilespmem:s17+$0x6840] =	vst.add.f32.msk $0xffff, v3  }
0x1ff: {  	[tilespmem:s17+$0x6850] =	vst.add.f32.msk $0xffff, v4  }
0x200: {  	v3 =	vld [tilespmem:s7+$0xF870];
	_ =	sdelay $0x4  }
0x201: {  	s7 =	sshll.u32 s20, $0x9;
	v4 =	vunpack.i.u.bf16.f32 v3;
	v3 =	vunpack.i.l.bf16.f32 v3  }
0x202: {  	s21 =	sand.u32 $0x380, s2;
	s7 =	sand.u32 $0x3FFFF000, s7;
	[tilespmem:s17+$0x6860] =	vst.add.f32.msk $0xffff, v3  }
0x203: {  	s7 =	sor.u32 s21, s7;
	[tilespmem:s17+$0x6870] =	vst.add.f32.msk $0xffff, v4  }
0x204: {  	v3 =	vld [tilespmem:s7+$0xEC00];
	_ =	sdelay $0x2  }
0x205: {  	s17 =	sshll.u32 s20, $0xA  }
0x206: {  	s17 =	sand.u32 $0x3FFFE000, s17  }
0x207: {  	s17 =	sor.u32 s21, s17;
	v4 =	vunpack.i.u.bf16.f32 v3;
	v3 =	vunpack.i.l.bf16.f32 v3  }
0x208: {  	[tilespmem:s17+$0x4C00] =	vst.add.f32.msk $0xffff, v3  }
0x209: {  	[tilespmem:s17+$0x4C10] =	vst.add.f32.msk $0xffff, v4  }
0x20a: {  	v3 =	vld [tilespmem:s7+$0xEC10];
	_ =	sdelay $0x4  }
0x20b: {  	v4 =	vunpack.i.u.bf16.f32 v3;
	v3 =	vunpack.i.l.bf16.f32 v3  }
0x20c: {  	[tilespmem:s17+$0x4C20] =	vst.add.f32.msk $0xffff, v3  }
0x20d: {  	[tilespmem:s17+$0x4C30] =	vst.add.f32.msk $0xffff, v4  }
0x20e: {  	v3 =	vld [tilespmem:s7+$0xEC20];
	_ =	sdelay $0x4  }
0x20f: {  	v4 =	vunpack.i.u.bf16.f32 v3;
	v3 =	vunpack.i.l.bf16.f32 v3  }
0x210: {  	[tilespmem:s17+$0x4C40] =	vst.add.f32.msk $0xffff, v3  }
0x211: {  	[tilespmem:s17+$0x4C50] =	vst.add.f32.msk $0xffff, v4  }
0x212: {  	v3 =	vld [tilespmem:s7+$0xEC30];
	_ =	sdelay $0x4  }
0x213: {  	v4 =	vunpack.i.u.bf16.f32 v3;
	v3 =	vunpack.i.l.bf16.f32 v3  }
0x214: {  	[tilespmem:s17+$0x4C60] =	vst.add.f32.msk $0xffff, v3  }
0x215: {  	[tilespmem:s17+$0x4C70] =	vst.add.f32.msk $0xffff, v4  }
0x216: {  	v3 =	vld [tilespmem:s7+$0xEC40];
	_ =	sdelay $0x4  }
0x217: {  	v4 =	vunpack.i.u.bf16.f32 v3;
	v3 =	vunpack.i.l.bf16.f32 v3  }
0x218: {  	[tilespmem:s17+$0x5000] =	vst.add.f32.msk $0xffff, v3  }
0x219: {  	[tilespmem:s17+$0x5010] =	vst.add.f32.msk $0xffff, v4  }
0x21a: {  	v3 =	vld [tilespmem:s7+$0xEC50];
	_ =	sdelay $0x4  }
0x21b: {  	v4 =	vunpack.i.u.bf16.f32 v3;
	v3 =	vunpack.i.l.bf16.f32 v3  }
0x21c: {  	[tilespmem:s17+$0x5020] =	vst.add.f32.msk $0xffff, v3  }
0x21d: {  	[tilespmem:s17+$0x5030] =	vst.add.f32.msk $0xffff, v4  }
0x21e: {  	v3 =	vld [tilespmem:s7+$0xEC60];
	_ =	sdelay $0x4  }
0x21f: {  	v4 =	vunpack.i.u.bf16.f32 v3;
	v3 =	vunpack.i.l.bf16.f32 v3  }
0x220: {  	[tilespmem:s17+$0x5040] =	vst.add.f32.msk $0xffff, v3  }
0x221: {  	[tilespmem:s17+$0x5050] =	vst.add.f32.msk $0xffff, v4  }
0x222: {  	v3 =	vld [tilespmem:s7+$0xEC70];
	_ =	sdelay $0x4  }
0x223: {  	v4 =	vunpack.i.u.bf16.f32 v3;
	v3 =	vunpack.i.l.bf16.f32 v3  }
0x224: {  	[tilespmem:s17+$0x5060] =	vst.add.f32.msk $0xffff, v3  }
0x225: {  	[tilespmem:s17+$0x5070] =	vst.add.f32.msk $0xffff, v4  }
0x226: {  	v3 =	vld [tilespmem:s7+$0xF000];
	_ =	sdelay $0x4  }
0x227: {  	v4 =	vunpack.i.u.bf16.f32 v3;
	v3 =	vunpack.i.l.bf16.f32 v3  }
0x228: {  	[tilespmem:s17+$0x5400] =	vst.add.f32.msk $0xffff, v3  }
0x229: {  	[tilespmem:s17+$0x5410] =	vst.add.f32.msk $0xffff, v4  }
0x22a: {  	v3 =	vld [tilespmem:s7+$0xF010];
	_ =	sdelay $0x4  }
0x22b: {  	v4 =	vunpack.i.u.bf16.f32 v3;
	v3 =	vunpack.i.l.bf16.f32 v3  }
0x22c: {  	[tilespmem:s17+$0x5420] =	vst.add.f32.msk $0xffff, v3  }
0x22d: {  	[tilespmem:s17+$0x5430] =	vst.add.f32.msk $0xffff, v4  }
0x22e: {  	v3 =	vld [tilespmem:s7+$0xF020];
	_ =	sdelay $0x4  }
0x22f: {  	v4 =	vunpack.i.u.bf16.f32 v3;
	v3 =	vunpack.i.l.bf16.f32 v3  }
0x230: {  	[tilespmem:s17+$0x5440] =	vst.add.f32.msk $0xffff, v3  }
0x231: {  	[tilespmem:s17+$0x5450] =	vst.add.f32.msk $0xffff, v4  }
0x232: {  	v3 =	vld [tilespmem:s7+$0xF030];
	_ =	sdelay $0x4  }
0x233: {  	v4 =	vunpack.i.u.bf16.f32 v3;
	v3 =	vunpack.i.l.bf16.f32 v3  }
0x234: {  	[tilespmem:s17+$0x5460] =	vst.add.f32.msk $0xffff, v3  }
0x235: {  	[tilespmem:s17+$0x5470] =	vst.add.f32.msk $0xffff, v4  }
0x236: {  	v3 =	vld [tilespmem:s7+$0xF040];
	_ =	sdelay $0x4  }
0x237: {  	v4 =	vunpack.i.u.bf16.f32 v3;
	v3 =	vunpack.i.l.bf16.f32 v3  }
0x238: {  	[tilespmem:s17+$0x5800] =	vst.add.f32.msk $0xffff, v3  }
0x239: {  	[tilespmem:s17+$0x5810] =	vst.add.f32.msk $0xffff, v4  }
0x23a: {  	v3 =	vld [tilespmem:s7+$0xF050];
	_ =	sdelay $0x4  }
0x23b: {  	v4 =	vunpack.i.u.bf16.f32 v3;
	v3 =	vunpack.i.l.bf16.f32 v3  }
0x23c: {  	[tilespmem:s17+$0x5820] =	vst.add.f32.msk $0xffff, v3  }
0x23d: {  	[tilespmem:s17+$0x5830] =	vst.add.f32.msk $0xffff, v4  }
0x23e: {  	v3 =	vld [tilespmem:s7+$0xF060];
	_ =	sdelay $0x4  }
0x23f: {  	v4 =	vunpack.i.u.bf16.f32 v3;
	v3 =	vunpack.i.l.bf16.f32 v3  }
0x240: {  	[tilespmem:s17+$0x5840] =	vst.add.f32.msk $0xffff, v3  }
0x241: {  	[tilespmem:s17+$0x5850] =	vst.add.f32.msk $0xffff, v4  }
0x242: {  	v3 =	vld [tilespmem:s7+$0xF070];
	_ =	sdelay $0x4  }
0x243: {  	v4 =	vunpack.i.u.bf16.f32 v3;
	v3 =	vunpack.i.l.bf16.f32 v3  }
0x244: {  	[tilespmem:s17+$0x5860] =	vst.add.f32.msk $0xffff, v3  }
0x245: {  	[tilespmem:s17+$0x5870] =	vst.add.f32.msk $0xffff, v4  }
0x246: {  	v3 =	vld [tilespmem:s7+$0xF400];
	_ =	sdelay $0x4  }
0x247: {  	v4 =	vunpack.i.u.bf16.f32 v3;
	v3 =	vunpack.i.l.bf16.f32 v3  }
0x248: {  	[tilespmem:s17+$0x5C00] =	vst.add.f32.msk $0xffff, v3  }
0x249: {  	[tilespmem:s17+$0x5C10] =	vst.add.f32.msk $0xffff, v4  }
0x24a: {  	v3 =	vld [tilespmem:s7+$0xF410];
	_ =	sdelay $0x4  }
0x24b: {  	v4 =	vunpack.i.u.bf16.f32 v3;
	v3 =	vunpack.i.l.bf16.f32 v3  }
0x24c: {  	[tilespmem:s17+$0x5C20] =	vst.add.f32.msk $0xffff, v3  }
0x24d: {  	[tilespmem:s17+$0x5C30] =	vst.add.f32.msk $0xffff, v4  }
0x24e: {  	v3 =	vld [tilespmem:s7+$0xF420];
	_ =	sdelay $0x4  }
0x24f: {  	v4 =	vunpack.i.u.bf16.f32 v3;
	v3 =	vunpack.i.l.bf16.f32 v3  }
0x250: {  	[tilespmem:s17+$0x5C40] =	vst.add.f32.msk $0xffff, v3  }
0x251: {  	[tilespmem:s17+$0x5C50] =	vst.add.f32.msk $0xffff, v4  }
0x252: {  	v3 =	vld [tilespmem:s7+$0xF430];
	_ =	sdelay $0x4  }
0x253: {  	v4 =	vunpack.i.u.bf16.f32 v3;
	v3 =	vunpack.i.l.bf16.f32 v3  }
0x254: {  	[tilespmem:s17+$0x5C60] =	vst.add.f32.msk $0xffff, v3  }
0x255: {  	[tilespmem:s17+$0x5C70] =	vst.add.f32.msk $0xffff, v4  }
0x256: {  	v3 =	vld [tilespmem:s7+$0xF440];
	_ =	sdelay $0x4  }
0x257: {  	v4 =	vunpack.i.u.bf16.f32 v3;
	v3 =	vunpack.i.l.bf16.f32 v3  }
0x258: {  	[tilespmem:s17+$0x6000] =	vst.add.f32.msk $0xffff, v3  }
0x259: {  	[tilespmem:s17+$0x6010] =	vst.add.f32.msk $0xffff, v4  }
0x25a: {  	v3 =	vld [tilespmem:s7+$0xF450];
	_ =	sdelay $0x4  }
0x25b: {  	v4 =	vunpack.i.u.bf16.f32 v3;
	v3 =	vunpack.i.l.bf16.f32 v3  }
0x25c: {  	[tilespmem:s17+$0x6020] =	vst.add.f32.msk $0xffff, v3  }
0x25d: {  	[tilespmem:s17+$0x6030] =	vst.add.f32.msk $0xffff, v4  }
0x25e: {  	v3 =	vld [tilespmem:s7+$0xF460];
	_ =	sdelay $0x4  }
0x25f: {  	v4 =	vunpack.i.u.bf16.f32 v3;
	v3 =	vunpack.i.l.bf16.f32 v3  }
0x260: {  	[tilespmem:s17+$0x6040] =	vst.add.f32.msk $0xffff, v3  }
0x261: {  	[tilespmem:s17+$0x6050] =	vst.add.f32.msk $0xffff, v4  }
0x262: {  	v3 =	vld [tilespmem:s7+$0xF470];
	_ =	sdelay $0x4  }
0x263: {  	v4 =	vunpack.i.u.bf16.f32 v3;
	v3 =	vunpack.i.l.bf16.f32 v3  }
0x264: {  	[tilespmem:s17+$0x6060] =	vst.add.f32.msk $0xffff, v3  }
0x265: {  	[tilespmem:s17+$0x6070] =	vst.add.f32.msk $0xffff, v4  }
0x266: {  	v3 =	vld [tilespmem:s7+$0xF800];
	_ =	sdelay $0x4  }
0x267: {  	v4 =	vunpack.i.u.bf16.f32 v3;
	v3 =	vunpack.i.l.bf16.f32 v3  }
0x268: {  	[tilespmem:s17+$0x6400] =	vst.add.f32.msk $0xffff, v3  }
0x269: {  	[tilespmem:s17+$0x6410] =	vst.add.f32.msk $0xffff, v4  }
0x26a: {  	v3 =	vld [tilespmem:s7+$0xF810];
	_ =	sdelay $0x4  }
0x26b: {  	v4 =	vunpack.i.u.bf16.f32 v3;
	v3 =	vunpack.i.l.bf16.f32 v3  }
0x26c: {  	[tilespmem:s17+$0x6420] =	vst.add.f32.msk $0xffff, v3  }
0x26d: {  	[tilespmem:s17+$0x6430] =	vst.add.f32.msk $0xffff, v4  }
0x26e: {  	v3 =	vld [tilespmem:s7+$0xF820];
	_ =	sdelay $0x4  }
0x26f: {  	v4 =	vunpack.i.u.bf16.f32 v3;
	v3 =	vunpack.i.l.bf16.f32 v3  }
0x270: {  	[tilespmem:s17+$0x6440] =	vst.add.f32.msk $0xffff, v3  }
0x271: {  	[tilespmem:s17+$0x6450] =	vst.add.f32.msk $0xffff, v4  }
0x272: {  	v4 =	vld [tilespmem:s7+$0xF830];
	_ =	sdelay $0x1  }
.Ltmp2:
0x273: {  	(pc) =	sbr.rel @p0 .LBB2_7-.Ltmp2, $3  }
0x274: {  	_ =	sdelay $0x1  }
0x275: {  	v3 =	vunpack.i.u.bf16.f32 v4;
	v4 =	vunpack.i.l.bf16.f32 v4  }
0x276: {  	[tilespmem:s17+$0x6460] =	vst.add.f32.msk $0xffff, v4  }
0x277: {  	[tilespmem:s17+$0x6470] =	vst.add.f32.msk $0xffff, v3  }
0x278: {  	v3 =	vld [tilespmem:s7+$0xF840];
	_ =	sdelay $0x4  }
0x279: {  	v4 =	vunpack.i.l.bf16.f32 v3  }
0x27a: {  	v3 =	vunpack.i.u.bf16.f32 v3;
	[tilespmem:s17+$0x6800] =	vst.add.f32.msk $0xffff, v4  }
0x27b: {  	[tilespmem:s17+$0x6810] =	vst.add.f32.msk $0xffff, v3  }
0x27c: {  	v3 =	vld [tilespmem:s7+$0xF850];
	_ =	sdelay $0x4  }
0x27d: {  	v4 =	vunpack.i.l.bf16.f32 v3  }
0x27e: {  	v3 =	vunpack.i.u.bf16.f32 v3;
	[tilespmem:s17+$0x6820] =	vst.add.f32.msk $0xffff, v4  }
0x27f: {  	[tilespmem:s17+$0x6830] =	vst.add.f32.msk $0xffff, v3  }
0x280: {  	v3 =	vld [tilespmem:s7+$0xF860];
	_ =	sdelay $0x4  }
0x281: {  	v4 =	vunpack.i.l.bf16.f32 v3  }
0x282: {  	v3 =	vunpack.i.u.bf16.f32 v3;
	[tilespmem:s17+$0x6840] =	vst.add.f32.msk $0xffff, v4  }
0x283: {  	[tilespmem:s17+$0x6850] =	vst.add.f32.msk $0xffff, v3  }
0x284: {  	v3 =	vld [tilespmem:s7+$0xF870];
	_ =	sdelay $0x2  }
0x285: {  	s2 =	smul.u32 $0xC000, s25;
	_ =	sdelay $0x1  }
0x286: {  	s2 =	sadd.s32 s2, s13;
	v4 =	vunpack.i.l.bf16.f32 v3  }
0x287: {  	s2 =	sshrl.u32 s2, $0x3;
	v3 =	vunpack.i.u.bf16.f32 v3;
	[tilespmem:s17+$0x6860] =	vst.add.f32.msk $0xffff, v4  }
0x288: {  	s19 =	sadd.s32 s3, s2;
	s2 =	simm.s32 $0x0;
	[tilespmem:s17+$0x6870] =	vst.add.f32.msk $0xffff, v3  }
0x289: {  	[hbm4b:s19+s2] =	stream.linear.scatter [tilespmem:s23], [sflag:$0x8], $0x4000, $0x38;
	[tilespmem:$0x12C00] =	vst v63  }
0x28a: {  	_ =	swait.ge [sflag:s14], $0x4000  }
0x28b: {  	s0 =	sadd.s32 s1, s0;
	[sflag:s14] =	ssyncset.done $0x0  }
0x28c: {  	s20 =	sadd.s32 $0x1800, s0;
	[sflag:s14] =	ssyncadd.s32 $0xFFFFC000  }
0x28d: {  	[tilespmem:s18], [sflag:$0x1] =	stream.linear.gather [hbm4b:s20+s2], $0x4000, $0x38;
	[tilespmem:$0x12C00] =	vst v63  }
0x28e: {  	v3 =	vld [tilespmem:s26+$0x830];
	_ =	sdelay $0x4  }
0x28f: {  	v4 =	vshll.u32 v3, $0x2  }
0x290: {  	v3 =	vand.u32 $0x7, v3;
	v4 =	vand.u32 $0xFFFFFFE0, v4  }
0x291: {  	v3 =	vor.u32 v3, v4  }
0x292: {  	v4 =	vperm.xlane v3, v0;
	_ =	sdelay $0x1  }
0x293: {  	v4 =	vadd.s32 v1, v4;
	_ =	sdelay $0x1  }
0x294: {  	v3 =	vperm.xlane v3, v2;
	_ =	sdelay $0x1  }
0x295: {  	s21 =	simm.s32 $0xCC00;
	v3 =	vadd.s32 v1, v3  }
0x296: {  	[tilespmem:s21], [sflag:$0x4] =	stream.indirect_vreg.gather [hbm4b:s6+s2], $0x80, v4, vm0, $0xb8;
	[tilespmem:$0x12C00] =	vst v63  }
0x297: {  	s17 =	simm.s32 $0xD400  }
0x298: {  	[tilespmem:s17], [sflag:$0x4] =	stream.indirect_vreg.gather [hbm4b:s10+s2], $0x80, v4, vm0, $0xb8;
	[tilespmem:$0x12C00] =	vst v63  }
0x299: {  	s19 =	simm.s32 $0xDC00  }
0x29a: {  	[tilespmem:s19], [sflag:$0x4] =	stream.indirect_vreg.gather [hbm4b:s6+s2], $0x80, v3, vm0, $0xb8;
	[tilespmem:$0x12C00] =	vst v63  }
0x29b: {  	_ = 	snop  }
0x29c: {  	[tilespmem:s22], [sflag:$0x4] =	stream.indirect_vreg.gather [hbm4b:s10+s2], $0x80, v3, vm0, $0xb8;
	[tilespmem:$0x12C00] =	vst v63  }
0x29d: {  	_ =	swait.ge [sflag:s15], $0x4000  }
0x29e: {  	[sflag:s15] =	ssyncset.done $0x0  }
0x29f: {  	[sflag:s15] =	ssyncadd.s32 $0xFFFFC000  }
0x2a0: {  	s20 =	simm.s32 $0x0;
	_ =	swait.ge [sflag:s9], $0x2000  }
0x2a1: {  	s7 =	sand.u32 $0x3FFFF000, s20;
	s21 =	sand.u32 $0x380, s2;
	[sflag:s9] =	ssyncset.done $0x0  }
0x2a2: {  	s7 =	sor.u32 s21, s7;
	[sflag:s9] =	ssyncadd.s32 $0xFFFFE000  }
0x2a3: {  	v3 =	vld [tilespmem:s7+$0x10C00];
	_ =	sdelay $0x2  }
0x2a4: {  	s19 =	simm.s32 $0x0  }
0x2a5: {  	s19 =	sand.u32 $0x3FFFE000, s19  }
0x2a6: {  	s17 =	sor.u32 s21, s19;
	v4 =	vunpack.i.l.bf16.f32 v3  }
0x2a7: {  	v3 =	vunpack.i.u.bf16.f32 v3;
	[tilespmem:s17+$0x8C00] =	vst.add.f32.msk $0xffff, v4  }
0x2a8: {  	s7 =	sadd.s32 $0x10C00, s7;
	[tilespmem:s17+$0x8C10] =	vst.add.f32.msk $0xffff, v3  }
0x2a9: {  	v3 =	vld [tilespmem:s7+$0x10];
	_ =	sdelay $0x4  }
0x2aa: {  	v4 =	vunpack.i.l.bf16.f32 v3  }
0x2ab: {  	v3 =	vunpack.i.u.bf16.f32 v3;
	[tilespmem:s17+$0x8C20] =	vst.add.f32.msk $0xffff, v4  }
0x2ac: {  	[tilespmem:s17+$0x8C30] =	vst.add.f32.msk $0xffff, v3  }
0x2ad: {  	v3 =	vld [tilespmem:s7+$0x20];
	_ =	sdelay $0x4  }
0x2ae: {  	v4 =	vunpack.i.l.bf16.f32 v3  }
0x2af: {  	v3 =	vunpack.i.u.bf16.f32 v3;
	[tilespmem:s17+$0x8C40] =	vst.add.f32.msk $0xffff, v4  }
0x2b0: {  	[tilespmem:s17+$0x8C50] =	vst.add.f32.msk $0xffff, v3  }
0x2b1: {  	v3 =	vld [tilespmem:s7+$0x30];
	_ =	sdelay $0x4  }
0x2b2: {  	v4 =	vunpack.i.l.bf16.f32 v3  }
0x2b3: {  	v3 =	vunpack.i.u.bf16.f32 v3;
	[tilespmem:s17+$0x8C60] =	vst.add.f32.msk $0xffff, v4  }
0x2b4: {  	[tilespmem:s17+$0x8C70] =	vst.add.f32.msk $0xffff, v3  }
0x2b5: {  	v3 =	vld [tilespmem:s7+$0x40];
	_ =	sdelay $0x4  }
0x2b6: {  	v4 =	vunpack.i.l.bf16.f32 v3  }
0x2b7: {  	v3 =	vunpack.i.u.bf16.f32 v3;
	[tilespmem:s17+$0x9000] =	vst.add.f32.msk $0xffff, v4  }
0x2b8: {  	[tilespmem:s17+$0x9010] =	vst.add.f32.msk $0xffff, v3  }
0x2b9: {  	v3 =	vld [tilespmem:s7+$0x50];
	_ =	sdelay $0x4  }
0x2ba: {  	v4 =	vunpack.i.l.bf16.f32 v3  }
0x2bb: {  	v3 =	vunpack.i.u.bf16.f32 v3;
	[tilespmem:s17+$0x9020] =	vst.add.f32.msk $0xffff, v4  }
0x2bc: {  	[tilespmem:s17+$0x9030] =	vst.add.f32.msk $0xffff, v3  }
0x2bd: {  	v3 =	vld [tilespmem:s7+$0x60];
	_ =	sdelay $0x4  }
0x2be: {  	v4 =	vunpack.i.l.bf16.f32 v3  }
0x2bf: {  	v3 =	vunpack.i.u.bf16.f32 v3;
	[tilespmem:s17+$0x9040] =	vst.add.f32.msk $0xffff, v4  }
0x2c0: {  	[tilespmem:s17+$0x9050] =	vst.add.f32.msk $0xffff, v3  }
0x2c1: {  	v3 =	vld [tilespmem:s7+$0x70];
	_ =	sdelay $0x4  }
0x2c2: {  	v4 =	vunpack.i.l.bf16.f32 v3  }
0x2c3: {  	v3 =	vunpack.i.u.bf16.f32 v3;
	[tilespmem:s17+$0x9060] =	vst.add.f32.msk $0xffff, v4  }
0x2c4: {  	[tilespmem:s17+$0x9070] =	vst.add.f32.msk $0xffff, v3  }
0x2c5: {  	v3 =	vld [tilespmem:s7+$0x400];
	_ =	sdelay $0x4  }
0x2c6: {  	v4 =	vunpack.i.l.bf16.f32 v3  }
0x2c7: {  	v3 =	vunpack.i.u.bf16.f32 v3;
	[tilespmem:s17+$0x9400] =	vst.add.f32.msk $0xffff, v4  }
0x2c8: {  	[tilespmem:s17+$0x9410] =	vst.add.f32.msk $0xffff, v3  }
0x2c9: {  	v3 =	vld [tilespmem:s7+$0x410];
	_ =	sdelay $0x4  }
0x2ca: {  	v4 =	vunpack.i.l.bf16.f32 v3  }
0x2cb: {  	v3 =	vunpack.i.u.bf16.f32 v3;
	[tilespmem:s17+$0x9420] =	vst.add.f32.msk $0xffff, v4  }
0x2cc: {  	[tilespmem:s17+$0x9430] =	vst.add.f32.msk $0xffff, v3  }
0x2cd: {  	v3 =	vld [tilespmem:s7+$0x420];
	_ =	sdelay $0x4  }
0x2ce: {  	v4 =	vunpack.i.l.bf16.f32 v3  }
0x2cf: {  	v3 =	vunpack.i.u.bf16.f32 v3;
	[tilespmem:s17+$0x9440] =	vst.add.f32.msk $0xffff, v4  }
0x2d0: {  	[tilespmem:s17+$0x9450] =	vst.add.f32.msk $0xffff, v3  }
0x2d1: {  	v3 =	vld [tilespmem:s7+$0x430];
	_ =	sdelay $0x4  }
0x2d2: {  	v4 =	vunpack.i.l.bf16.f32 v3  }
0x2d3: {  	v3 =	vunpack.i.u.bf16.f32 v3;
	[tilespmem:s17+$0x9460] =	vst.add.f32.msk $0xffff, v4  }
0x2d4: {  	[tilespmem:s17+$0x9470] =	vst.add.f32.msk $0xffff, v3  }
0x2d5: {  	v3 =	vld [tilespmem:s7+$0x440];
	_ =	sdelay $0x4  }
0x2d6: {  	v4 =	vunpack.i.l.bf16.f32 v3  }
0x2d7: {  	v3 =	vunpack.i.u.bf16.f32 v3;
	[tilespmem:s17+$0x9800] =	vst.add.f32.msk $0xffff, v4  }
0x2d8: {  	[tilespmem:s17+$0x9810] =	vst.add.f32.msk $0xffff, v3  }
0x2d9: {  	v3 =	vld [tilespmem:s7+$0x450];
	_ =	sdelay $0x4  }
0x2da: {  	v4 =	vunpack.i.l.bf16.f32 v3  }
0x2db: {  	v3 =	vunpack.i.u.bf16.f32 v3;
	[tilespmem:s17+$0x9820] =	vst.add.f32.msk $0xffff, v4  }
0x2dc: {  	[tilespmem:s17+$0x9830] =	vst.add.f32.msk $0xffff, v3  }
0x2dd: {  	v3 =	vld [tilespmem:s7+$0x460];
	_ =	sdelay $0x4  }
0x2de: {  	v4 =	vunpack.i.l.bf16.f32 v3  }
0x2df: {  	v3 =	vunpack.i.u.bf16.f32 v3;
	[tilespmem:s17+$0x9840] =	vst.add.f32.msk $0xffff, v4  }
0x2e0: {  	[tilespmem:s17+$0x9850] =	vst.add.f32.msk $0xffff, v3  }
0x2e1: {  	v3 =	vld [tilespmem:s7+$0x470];
	_ =	sdelay $0x4  }
0x2e2: {  	v4 =	vunpack.i.l.bf16.f32 v3  }
0x2e3: {  	v3 =	vunpack.i.u.bf16.f32 v3;
	[tilespmem:s17+$0x9860] =	vst.add.f32.msk $0xffff, v4  }
0x2e4: {  	[tilespmem:s17+$0x9870] =	vst.add.f32.msk $0xffff, v3  }
0x2e5: {  	v3 =	vld [tilespmem:s7+$0x800];
	_ =	sdelay $0x4  }
0x2e6: {  	v4 =	vunpack.i.l.bf16.f32 v3  }
0x2e7: {  	v3 =	vunpack.i.u.bf16.f32 v3;
	[tilespmem:s17+$0x9C00] =	vst.add.f32.msk $0xffff, v4  }
0x2e8: {  	[tilespmem:s17+$0x9C10] =	vst.add.f32.msk $0xffff, v3  }
0x2e9: {  	v3 =	vld [tilespmem:s7+$0x810];
	_ =	sdelay $0x4  }
0x2ea: {  	v4 =	vunpack.i.l.bf16.f32 v3  }
0x2eb: {  	v3 =	vunpack.i.u.bf16.f32 v3;
	[tilespmem:s17+$0x9C20] =	vst.add.f32.msk $0xffff, v4  }
0x2ec: {  	[tilespmem:s17+$0x9C30] =	vst.add.f32.msk $0xffff, v3  }
0x2ed: {  	v3 =	vld [tilespmem:s7+$0x820];
	_ =	sdelay $0x4  }
0x2ee: {  	v4 =	vunpack.i.l.bf16.f32 v3  }
0x2ef: {  	v3 =	vunpack.i.u.bf16.f32 v3;
	[tilespmem:s17+$0x9C40] =	vst.add.f32.msk $0xffff, v4  }
0x2f0: {  	[tilespmem:s17+$0x9C50] =	vst.add.f32.msk $0xffff, v3  }
0x2f1: {  	v3 =	vld [tilespmem:s7+$0x830];
	_ =	sdelay $0x4  }
0x2f2: {  	v4 =	vunpack.i.l.bf16.f32 v3  }
0x2f3: {  	v3 =	vunpack.i.u.bf16.f32 v3;
	[tilespmem:s17+$0x9C60] =	vst.add.f32.msk $0xffff, v4  }
0x2f4: {  	[tilespmem:s17+$0x9C70] =	vst.add.f32.msk $0xffff, v3  }
0x2f5: {  	v3 =	vld [tilespmem:s7+$0x840];
	_ =	sdelay $0x4  }
0x2f6: {  	v4 =	vunpack.i.l.bf16.f32 v3  }
0x2f7: {  	v3 =	vunpack.i.u.bf16.f32 v3;
	[tilespmem:s17+$0xA000] =	vst.add.f32.msk $0xffff, v4  }
0x2f8: {  	[tilespmem:s17+$0xA010] =	vst.add.f32.msk $0xffff, v3  }
0x2f9: {  	v3 =	vld [tilespmem:s7+$0x850];
	_ =	sdelay $0x4  }
0x2fa: {  	v4 =	vunpack.i.l.bf16.f32 v3  }
0x2fb: {  	v3 =	vunpack.i.u.bf16.f32 v3;
	[tilespmem:s17+$0xA020] =	vst.add.f32.msk $0xffff, v4  }
0x2fc: {  	[tilespmem:s17+$0xA030] =	vst.add.f32.msk $0xffff, v3  }
0x2fd: {  	v3 =	vld [tilespmem:s7+$0x860];
	_ =	sdelay $0x4  }
0x2fe: {  	v4 =	vunpack.i.l.bf16.f32 v3  }
0x2ff: {  	v3 =	vunpack.i.u.bf16.f32 v3;
	[tilespmem:s17+$0xA040] =	vst.add.f32.msk $0xffff, v4  }
0x300: {  	[tilespmem:s17+$0xA050] =	vst.add.f32.msk $0xffff, v3  }
0x301: {  	v3 =	vld [tilespmem:s7+$0x870];
	_ =	sdelay $0x4  }
0x302: {  	v4 =	vunpack.i.l.bf16.f32 v3  }
0x303: {  	v3 =	vunpack.i.u.bf16.f32 v3;
	[tilespmem:s17+$0xA060] =	vst.add.f32.msk $0xffff, v4  }
0x304: {  	[tilespmem:s17+$0xA070] =	vst.add.f32.msk $0xffff, v3  }
0x305: {  	v3 =	vld [tilespmem:s7+$0xC00];
	_ =	sdelay $0x4  }
0x306: {  	v4 =	vunpack.i.l.bf16.f32 v3  }
0x307: {  	v3 =	vunpack.i.u.bf16.f32 v3;
	[tilespmem:s17+$0xA400] =	vst.add.f32.msk $0xffff, v4  }
0x308: {  	[tilespmem:s17+$0xA410] =	vst.add.f32.msk $0xffff, v3  }
0x309: {  	v3 =	vld [tilespmem:s7+$0xC10];
	_ =	sdelay $0x4  }
0x30a: {  	v4 =	vunpack.i.l.bf16.f32 v3  }
0x30b: {  	v3 =	vunpack.i.u.bf16.f32 v3;
	[tilespmem:s17+$0xA420] =	vst.add.f32.msk $0xffff, v4  }
0x30c: {  	[tilespmem:s17+$0xA430] =	vst.add.f32.msk $0xffff, v3  }
0x30d: {  	v3 =	vld [tilespmem:s7+$0xC20];
	_ =	sdelay $0x4  }
0x30e: {  	v4 =	vunpack.i.l.bf16.f32 v3  }
0x30f: {  	v3 =	vunpack.i.u.bf16.f32 v3;
	[tilespmem:s17+$0xA440] =	vst.add.f32.msk $0xffff, v4  }
0x310: {  	[tilespmem:s17+$0xA450] =	vst.add.f32.msk $0xffff, v3  }
0x311: {  	v3 =	vld [tilespmem:s7+$0xC30];
	_ =	sdelay $0x4  }
0x312: {  	v4 =	vunpack.i.l.bf16.f32 v3  }
0x313: {  	s19 =	simm.s32 $0x1;
	v3 =	vunpack.i.u.bf16.f32 v3;
	[tilespmem:s17+$0xA460] =	vst.add.f32.msk $0xffff, v4  }
.LBB2_9:
0x314: {  	p0 =	sne.s32 s19, $0xF  }
0x315: {  	[tilespmem:s17+$0xA470] =	vst.add.f32.msk $0xffff, v3;
	s2 =	sadd.s32 $0x80, s2;
	s20 =	smov.u32 s19;
	s19 =	sadd.s32 $0x1, s19  }
0x316: {  	v3 =	vld [tilespmem:s7+$0xC40];
	_ =	sdelay $0x4  }
0x317: {  	v4 =	vunpack.i.u.bf16.f32 v3;
	v3 =	vunpack.i.l.bf16.f32 v3  }
0x318: {  	[tilespmem:s17+$0xA800] =	vst.add.f32.msk $0xffff, v3  }
0x319: {  	[tilespmem:s17+$0xA810] =	vst.add.f32.msk $0xffff, v4  }
0x31a: {  	v3 =	vld [tilespmem:s7+$0xC50];
	_ =	sdelay $0x4  }
0x31b: {  	v4 =	vunpack.i.u.bf16.f32 v3;
	v3 =	vunpack.i.l.bf16.f32 v3  }
0x31c: {  	[tilespmem:s17+$0xA820] =	vst.add.f32.msk $0xffff, v3  }
0x31d: {  	[tilespmem:s17+$0xA830] =	vst.add.f32.msk $0xffff, v4  }
0x31e: {  	v3 =	vld [tilespmem:s7+$0xC60];
	_ =	sdelay $0x4  }
0x31f: {  	v4 =	vunpack.i.u.bf16.f32 v3;
	v3 =	vunpack.i.l.bf16.f32 v3  }
0x320: {  	[tilespmem:s17+$0xA840] =	vst.add.f32.msk $0xffff, v3  }
0x321: {  	[tilespmem:s17+$0xA850] =	vst.add.f32.msk $0xffff, v4  }
0x322: {  	v3 =	vld [tilespmem:s7+$0xC70];
	_ =	sdelay $0x4  }
0x323: {  	s7 =	sshll.u32 s20, $0x9;
	v4 =	vunpack.i.u.bf16.f32 v3;
	v3 =	vunpack.i.l.bf16.f32 v3  }
0x324: {  	s21 =	sand.u32 $0x380, s2;
	s7 =	sand.u32 $0x3FFFF000, s7;
	[tilespmem:s17+$0xA860] =	vst.add.f32.msk $0xffff, v3  }
0x325: {  	s7 =	sor.u32 s21, s7;
	[tilespmem:s17+$0xA870] =	vst.add.f32.msk $0xffff, v4  }
0x326: {  	v3 =	vld [tilespmem:s7+$0x10C00];
	_ =	sdelay $0x2  }
0x327: {  	s17 =	sshll.u32 s20, $0xA  }
0x328: {  	s17 =	sand.u32 $0x3FFFE000, s17  }
0x329: {  	s17 =	sor.u32 s21, s17;
	v4 =	vunpack.i.u.bf16.f32 v3;
	v3 =	vunpack.i.l.bf16.f32 v3  }
0x32a: {  	s7 =	sadd.s32 $0x10C00, s7;
	[tilespmem:s17+$0x8C00] =	vst.add.f32.msk $0xffff, v3  }
0x32b: {  	[tilespmem:s17+$0x8C10] =	vst.add.f32.msk $0xffff, v4  }
0x32c: {  	v3 =	vld [tilespmem:s7+$0x10];
	_ =	sdelay $0x4  }
0x32d: {  	v4 =	vunpack.i.u.bf16.f32 v3;
	v3 =	vunpack.i.l.bf16.f32 v3  }
0x32e: {  	[tilespmem:s17+$0x8C20] =	vst.add.f32.msk $0xffff, v3  }
0x32f: {  	[tilespmem:s17+$0x8C30] =	vst.add.f32.msk $0xffff, v4  }
0x330: {  	v3 =	vld [tilespmem:s7+$0x20];
	_ =	sdelay $0x4  }
0x331: {  	v4 =	vunpack.i.u.bf16.f32 v3;
	v3 =	vunpack.i.l.bf16.f32 v3  }
0x332: {  	[tilespmem:s17+$0x8C40] =	vst.add.f32.msk $0xffff, v3  }
0x333: {  	[tilespmem:s17+$0x8C50] =	vst.add.f32.msk $0xffff, v4  }
0x334: {  	v3 =	vld [tilespmem:s7+$0x30];
	_ =	sdelay $0x4  }
0x335: {  	v4 =	vunpack.i.u.bf16.f32 v3;
	v3 =	vunpack.i.l.bf16.f32 v3  }
0x336: {  	[tilespmem:s17+$0x8C60] =	vst.add.f32.msk $0xffff, v3  }
0x337: {  	[tilespmem:s17+$0x8C70] =	vst.add.f32.msk $0xffff, v4  }
0x338: {  	v3 =	vld [tilespmem:s7+$0x40];
	_ =	sdelay $0x4  }
0x339: {  	v4 =	vunpack.i.u.bf16.f32 v3;
	v3 =	vunpack.i.l.bf16.f32 v3  }
0x33a: {  	[tilespmem:s17+$0x9000] =	vst.add.f32.msk $0xffff, v3  }
0x33b: {  	[tilespmem:s17+$0x9010] =	vst.add.f32.msk $0xffff, v4  }
0x33c: {  	v3 =	vld [tilespmem:s7+$0x50];
	_ =	sdelay $0x4  }
0x33d: {  	v4 =	vunpack.i.u.bf16.f32 v3;
	v3 =	vunpack.i.l.bf16.f32 v3  }
0x33e: {  	[tilespmem:s17+$0x9020] =	vst.add.f32.msk $0xffff, v3  }
0x33f: {  	[tilespmem:s17+$0x9030] =	vst.add.f32.msk $0xffff, v4  }
0x340: {  	v3 =	vld [tilespmem:s7+$0x60];
	_ =	sdelay $0x4  }
0x341: {  	v4 =	vunpack.i.u.bf16.f32 v3;
	v3 =	vunpack.i.l.bf16.f32 v3  }
0x342: {  	[tilespmem:s17+$0x9040] =	vst.add.f32.msk $0xffff, v3  }
0x343: {  	[tilespmem:s17+$0x9050] =	vst.add.f32.msk $0xffff, v4  }
0x344: {  	v3 =	vld [tilespmem:s7+$0x70];
	_ =	sdelay $0x4  }
0x345: {  	v4 =	vunpack.i.u.bf16.f32 v3;
	v3 =	vunpack.i.l.bf16.f32 v3  }
0x346: {  	[tilespmem:s17+$0x9060] =	vst.add.f32.msk $0xffff, v3  }
0x347: {  	[tilespmem:s17+$0x9070] =	vst.add.f32.msk $0xffff, v4  }
0x348: {  	v3 =	vld [tilespmem:s7+$0x400];
	_ =	sdelay $0x4  }
0x349: {  	v4 =	vunpack.i.u.bf16.f32 v3;
	v3 =	vunpack.i.l.bf16.f32 v3  }
0x34a: {  	[tilespmem:s17+$0x9400] =	vst.add.f32.msk $0xffff, v3  }
0x34b: {  	[tilespmem:s17+$0x9410] =	vst.add.f32.msk $0xffff, v4  }
0x34c: {  	v3 =	vld [tilespmem:s7+$0x410];
	_ =	sdelay $0x4  }
0x34d: {  	v4 =	vunpack.i.u.bf16.f32 v3;
	v3 =	vunpack.i.l.bf16.f32 v3  }
0x34e: {  	[tilespmem:s17+$0x9420] =	vst.add.f32.msk $0xffff, v3  }
0x34f: {  	[tilespmem:s17+$0x9430] =	vst.add.f32.msk $0xffff, v4  }
0x350: {  	v3 =	vld [tilespmem:s7+$0x420];
	_ =	sdelay $0x4  }
0x351: {  	v4 =	vunpack.i.u.bf16.f32 v3;
	v3 =	vunpack.i.l.bf16.f32 v3  }
0x352: {  	[tilespmem:s17+$0x9440] =	vst.add.f32.msk $0xffff, v3  }
0x353: {  	[tilespmem:s17+$0x9450] =	vst.add.f32.msk $0xffff, v4  }
0x354: {  	v3 =	vld [tilespmem:s7+$0x430];
	_ =	sdelay $0x4  }
0x355: {  	v4 =	vunpack.i.u.bf16.f32 v3;
	v3 =	vunpack.i.l.bf16.f32 v3  }
0x356: {  	[tilespmem:s17+$0x9460] =	vst.add.f32.msk $0xffff, v3  }
0x357: {  	[tilespmem:s17+$0x9470] =	vst.add.f32.msk $0xffff, v4  }
0x358: {  	v3 =	vld [tilespmem:s7+$0x440];
	_ =	sdelay $0x4  }
0x359: {  	v4 =	vunpack.i.u.bf16.f32 v3;
	v3 =	vunpack.i.l.bf16.f32 v3  }
0x35a: {  	[tilespmem:s17+$0x9800] =	vst.add.f32.msk $0xffff, v3  }
0x35b: {  	[tilespmem:s17+$0x9810] =	vst.add.f32.msk $0xffff, v4  }
0x35c: {  	v3 =	vld [tilespmem:s7+$0x450];
	_ =	sdelay $0x4  }
0x35d: {  	v4 =	vunpack.i.u.bf16.f32 v3;
	v3 =	vunpack.i.l.bf16.f32 v3  }
0x35e: {  	[tilespmem:s17+$0x9820] =	vst.add.f32.msk $0xffff, v3  }
0x35f: {  	[tilespmem:s17+$0x9830] =	vst.add.f32.msk $0xffff, v4  }
0x360: {  	v3 =	vld [tilespmem:s7+$0x460];
	_ =	sdelay $0x4  }
0x361: {  	v4 =	vunpack.i.u.bf16.f32 v3;
	v3 =	vunpack.i.l.bf16.f32 v3  }
0x362: {  	[tilespmem:s17+$0x9840] =	vst.add.f32.msk $0xffff, v3  }
0x363: {  	[tilespmem:s17+$0x9850] =	vst.add.f32.msk $0xffff, v4  }
0x364: {  	v3 =	vld [tilespmem:s7+$0x470];
	_ =	sdelay $0x4  }
0x365: {  	v4 =	vunpack.i.u.bf16.f32 v3;
	v3 =	vunpack.i.l.bf16.f32 v3  }
0x366: {  	[tilespmem:s17+$0x9860] =	vst.add.f32.msk $0xffff, v3  }
0x367: {  	[tilespmem:s17+$0x9870] =	vst.add.f32.msk $0xffff, v4  }
0x368: {  	v3 =	vld [tilespmem:s7+$0x800];
	_ =	sdelay $0x4  }
0x369: {  	v4 =	vunpack.i.u.bf16.f32 v3;
	v3 =	vunpack.i.l.bf16.f32 v3  }
0x36a: {  	[tilespmem:s17+$0x9C00] =	vst.add.f32.msk $0xffff, v3  }
0x36b: {  	[tilespmem:s17+$0x9C10] =	vst.add.f32.msk $0xffff, v4  }
0x36c: {  	v3 =	vld [tilespmem:s7+$0x810];
	_ =	sdelay $0x4  }
0x36d: {  	v4 =	vunpack.i.u.bf16.f32 v3;
	v3 =	vunpack.i.l.bf16.f32 v3  }
0x36e: {  	[tilespmem:s17+$0x9C20] =	vst.add.f32.msk $0xffff, v3  }
0x36f: {  	[tilespmem:s17+$0x9C30] =	vst.add.f32.msk $0xffff, v4  }
0x370: {  	v3 =	vld [tilespmem:s7+$0x820];
	_ =	sdelay $0x4  }
0x371: {  	v4 =	vunpack.i.u.bf16.f32 v3;
	v3 =	vunpack.i.l.bf16.f32 v3  }
0x372: {  	[tilespmem:s17+$0x9C40] =	vst.add.f32.msk $0xffff, v3  }
0x373: {  	[tilespmem:s17+$0x9C50] =	vst.add.f32.msk $0xffff, v4  }
0x374: {  	v3 =	vld [tilespmem:s7+$0x830];
	_ =	sdelay $0x4  }
0x375: {  	v4 =	vunpack.i.u.bf16.f32 v3;
	v3 =	vunpack.i.l.bf16.f32 v3  }
0x376: {  	[tilespmem:s17+$0x9C60] =	vst.add.f32.msk $0xffff, v3  }
0x377: {  	[tilespmem:s17+$0x9C70] =	vst.add.f32.msk $0xffff, v4  }
0x378: {  	v3 =	vld [tilespmem:s7+$0x840];
	_ =	sdelay $0x4  }
0x379: {  	v4 =	vunpack.i.u.bf16.f32 v3;
	v3 =	vunpack.i.l.bf16.f32 v3  }
0x37a: {  	[tilespmem:s17+$0xA000] =	vst.add.f32.msk $0xffff, v3  }
0x37b: {  	[tilespmem:s17+$0xA010] =	vst.add.f32.msk $0xffff, v4  }
0x37c: {  	v3 =	vld [tilespmem:s7+$0x850];
	_ =	sdelay $0x4  }
0x37d: {  	v4 =	vunpack.i.u.bf16.f32 v3;
	v3 =	vunpack.i.l.bf16.f32 v3  }
0x37e: {  	[tilespmem:s17+$0xA020] =	vst.add.f32.msk $0xffff, v3  }
0x37f: {  	[tilespmem:s17+$0xA030] =	vst.add.f32.msk $0xffff, v4  }
0x380: {  	v3 =	vld [tilespmem:s7+$0x860];
	_ =	sdelay $0x4  }
0x381: {  	v4 =	vunpack.i.u.bf16.f32 v3;
	v3 =	vunpack.i.l.bf16.f32 v3  }
0x382: {  	[tilespmem:s17+$0xA040] =	vst.add.f32.msk $0xffff, v3  }
0x383: {  	[tilespmem:s17+$0xA050] =	vst.add.f32.msk $0xffff, v4  }
0x384: {  	v3 =	vld [tilespmem:s7+$0x870];
	_ =	sdelay $0x4  }
0x385: {  	v4 =	vunpack.i.u.bf16.f32 v3;
	v3 =	vunpack.i.l.bf16.f32 v3  }
0x386: {  	[tilespmem:s17+$0xA060] =	vst.add.f32.msk $0xffff, v3  }
0x387: {  	[tilespmem:s17+$0xA070] =	vst.add.f32.msk $0xffff, v4  }
0x388: {  	v3 =	vld [tilespmem:s7+$0xC00];
	_ =	sdelay $0x4  }
0x389: {  	v4 =	vunpack.i.u.bf16.f32 v3;
	v3 =	vunpack.i.l.bf16.f32 v3  }
0x38a: {  	[tilespmem:s17+$0xA400] =	vst.add.f32.msk $0xffff, v3  }
0x38b: {  	[tilespmem:s17+$0xA410] =	vst.add.f32.msk $0xffff, v4  }
0x38c: {  	v3 =	vld [tilespmem:s7+$0xC10];
	_ =	sdelay $0x4  }
0x38d: {  	v4 =	vunpack.i.u.bf16.f32 v3;
	v3 =	vunpack.i.l.bf16.f32 v3  }
0x38e: {  	[tilespmem:s17+$0xA420] =	vst.add.f32.msk $0xffff, v3  }
0x38f: {  	[tilespmem:s17+$0xA430] =	vst.add.f32.msk $0xffff, v4  }
0x390: {  	v3 =	vld [tilespmem:s7+$0xC20];
	_ =	sdelay $0x4  }
0x391: {  	v4 =	vunpack.i.u.bf16.f32 v3;
	v3 =	vunpack.i.l.bf16.f32 v3  }
0x392: {  	[tilespmem:s17+$0xA440] =	vst.add.f32.msk $0xffff, v3  }
0x393: {  	[tilespmem:s17+$0xA450] =	vst.add.f32.msk $0xffff, v4  }
0x394: {  	v4 =	vld [tilespmem:s7+$0xC30];
	_ =	sdelay $0x1  }
.Ltmp3:
0x395: {  	(pc) =	sbr.rel @p0 .LBB2_9-.Ltmp3, $3  }
0x396: {  	_ =	sdelay $0x1  }
0x397: {  	v3 =	vunpack.i.u.bf16.f32 v4;
	v4 =	vunpack.i.l.bf16.f32 v4  }
0x398: {  	[tilespmem:s17+$0xA460] =	vst.add.f32.msk $0xffff, v4  }
0x399: {  	[tilespmem:s17+$0xA470] =	vst.add.f32.msk $0xffff, v3  }
0x39a: {  	v3 =	vld [tilespmem:s7+$0xC40];
	_ =	sdelay $0x4  }
0x39b: {  	v4 =	vunpack.i.l.bf16.f32 v3  }
0x39c: {  	v3 =	vunpack.i.u.bf16.f32 v3;
	[tilespmem:s17+$0xA800] =	vst.add.f32.msk $0xffff, v4  }
0x39d: {  	[tilespmem:s17+$0xA810] =	vst.add.f32.msk $0xffff, v3  }
0x39e: {  	v3 =	vld [tilespmem:s7+$0xC50];
	_ =	sdelay $0x4  }
0x39f: {  	v61 =	vunpack.i.l.bf16.f32 v3  }
0x3a0: {  	v3 =	vunpack.i.u.bf16.f32 v3;
	[tilespmem:s17+$0xA820] =	vst.add.f32.msk $0xffff, v61  }
0x3a1: {  	[tilespmem:s17+$0xA830] =	vst.add.f32.msk $0xffff, v3  }
0x3a2: {  	v3 =	vld [tilespmem:s7+$0xC60];
	_ =	sdelay $0x4  }
0x3a3: {  	v62 =	vunpack.i.l.bf16.f32 v3  }
0x3a4: {  	v3 =	vunpack.i.u.bf16.f32 v3;
	[tilespmem:s17+$0xA840] =	vst.add.f32.msk $0xffff, v62  }
0x3a5: {  	[tilespmem:s17+$0xA850] =	vst.add.f32.msk $0xffff, v3  }
0x3a6: {  	v3 =	vld [tilespmem:s7+$0xC70];
	_ =	sdelay $0x4  }
0x3a7: {  	v63 =	vunpack.i.l.bf16.f32 v3  }
0x3a8: {  	s2 =	sshll.u32 s28, $0xB;
	p0 =	seq.s32 s25, $0x14;
	v3 =	vunpack.i.u.bf16.f32 v3;
	[tilespmem:s17+$0xA860] =	vst.add.f32.msk $0xffff, v63  }
.Ltmp4:
0x3a9: {  	s2 =	sadd.s32 s2, s12;
	[tilespmem:s17+$0xA870] =	vst.add.f32.msk $0xffff, v3;
	(pc) =	sbr.rel @p0 .LBB2_12-.Ltmp4, $4  }
0x3aa: {  	[hbm4b:s2+s4] =	stream.linear.scatter [tilespmem:s31], [sflag:$0x9], $0x4000, $0x38;
	[tilespmem:$0x12C00] =	vst v63  }
0x3ab: {  	_ =	swait.ge [sflag:s16], $0x4000  }
0x3ac: {  	[sflag:s16] =	ssyncset.done $0x0  }
0x3ad: {  	[sflag:s16] =	ssyncadd.s32 $0xFFFFC000  }
0x3ae: {  	s0 =	sadd.s32 $0x2000, s0  }
0x3af: {  	[tilespmem:s23], [sflag:$0x2] =	stream.linear.gather [hbm4b:s0+s4], $0x4000, $0x38;
	[tilespmem:$0x12C00] =	vst v63  }
0x3b0: {  	v3 =	vld [tilespmem:s26+$0x840];
	_ =	sdelay $0x4  }
0x3b1: {  	v4 =	vshll.u32 v3, $0x2  }
0x3b2: {  	v3 =	vand.u32 $0x7, v3;
	v4 =	vand.u32 $0xFFFFFFE0, v4  }
0x3b3: {  	v3 =	vor.u32 v3, v4  }
0x3b4: {  	v4 =	vperm.xlane v3, v0;
	_ =	sdelay $0x1  }
0x3b5: {  	v4 =	vadd.s32 v1, v4;
	_ =	sdelay $0x2  }
0x3b6: {  	v3 =	vperm.xlane v3, v2  }
0x3b7: {  	s20 =	simm.s32 $0xEC00  }
0x3b8: {  	v3 =	vadd.s32 v1, v3;
	[tilespmem:s20], [sflag:$0x5] =	stream.indirect_vreg.gather [hbm4b:s6+s4], $0x80, v4, vm0, $0xb8;
	[tilespmem:$0x12C00] =	vst v63  }
0x3b9: {  	s21 =	simm.s32 $0xF400  }
0x3ba: {  	[tilespmem:s21], [sflag:$0x5] =	stream.indirect_vreg.gather [hbm4b:s10+s4], $0x80, v4, vm0, $0xb8;
	[tilespmem:$0x12C00] =	vst v63  }
.Ltmp5:
0x3bb: {  	_ = 	snop;
	(pc) =	sbr.rel .LBB2_4-.Ltmp5, $4  }
0x3bc: {  	s26 =	simm.s32 $0xFC00  }
0x3bd: {  	[tilespmem:s26], [sflag:$0x5] =	stream.indirect_vreg.gather [hbm4b:s6+s4], $0x80, v3, vm0, $0xb8;
	[tilespmem:$0x12C00] =	vst v63  }
0x3be: {  	s28 =	simm.s32 $0x10400;
	s25 =	sadd.s32 $0x1, s25  }
0x3bf: {  	[tilespmem:s28], [sflag:$0x5] =	stream.indirect_vreg.gather [hbm4b:s10+s4], $0x80, v3, vm0, $0xb8;
	[tilespmem:$0x12C00] =	vst v63  }
.LBB2_12:
0x3c0: {  	_ =	swait.ge [sflag:s29], $0x4000  }
0x3c1: {  	[sflag:s29] =	ssyncset.done $0x0  }
0x3c2: {  	[sflag:s29] =	ssyncadd.s32 $0xFFFFC000  }
0x3c3: {  	s24 =	simm.s32 $0x0;
	s0 =	simm.s32 $0x0;
	_ =	swait.ge [sflag:s30], $0x2000  }
0x3c4: {  	s2 =	sand.u32 $0x380, s24;
	s0 =	sand.u32 $0x3FFFF000, s0;
	[sflag:s30] =	ssyncset.done $0x0  }
0x3c5: {  	s26 =	sor.u32 s2, s0;
	[sflag:s30] =	ssyncadd.s32 $0xFFFFE000  }
0x3c6: {  	v3 =	vld [tilespmem:s26+$0xCC00];
	_ =	sdelay $0x1  }
0x3c7: {  	s17 =	simm.s32 $0x0  }
0x3c8: {  	s0 =	sand.u32 $0x3FFFE000, s17  }
0x3c9: {  	s25 =	sor.u32 s2, s0  }
0x3ca: {  	s0 =	sor.u32 $0xC00, s25;
	v4 =	vunpack.i.l.bf16.f32 v3  }
0x3cb: {  	s19 =	sor.u32 $0xC10, s25;
	v3 =	vunpack.i.u.bf16.f32 v3;
	[tilespmem:s0+$0x0] =	vst.add.f32.msk $0xffff, v4  }
0x3cc: {  	[tilespmem:s19+$0x0] =	vst.add.f32.msk $0xffff, v3  }
0x3cd: {  	v3 =	vld [tilespmem:s26+$0xCC10];
	_ =	sdelay $0x4  }
0x3ce: {  	s20 =	sor.u32 $0xC20, s25;
	v4 =	vunpack.i.l.bf16.f32 v3  }
0x3cf: {  	s21 =	sor.u32 $0xC30, s25;
	v3 =	vunpack.i.u.bf16.f32 v3;
	[tilespmem:s20+$0x0] =	vst.add.f32.msk $0xffff, v4  }
0x3d0: {  	[tilespmem:s21+$0x0] =	vst.add.f32.msk $0xffff, v3  }
0x3d1: {  	v3 =	vld [tilespmem:s26+$0xCC20];
	_ =	sdelay $0x4  }
0x3d2: {  	s28 =	sor.u32 $0xC40, s25;
	v4 =	vunpack.i.l.bf16.f32 v3  }
0x3d3: {  	s2 =	sor.u32 $0xC50, s25;
	v3 =	vunpack.i.u.bf16.f32 v3;
	[tilespmem:s28+$0x0] =	vst.add.f32.msk $0xffff, v4  }
0x3d4: {  	[tilespmem:s2+$0x0] =	vst.add.f32.msk $0xffff, v3  }
0x3d5: {  	v3 =	vld [tilespmem:s26+$0xCC30];
	_ =	sdelay $0x4  }
0x3d6: {  	s7 =	sor.u32 $0xC60, s25;
	v4 =	vunpack.i.l.bf16.f32 v3  }
0x3d7: {  	s17 =	sor.u32 $0xC70, s25;
	v3 =	vunpack.i.u.bf16.f32 v3;
	[tilespmem:s7+$0x0] =	vst.add.f32.msk $0xffff, v4  }
0x3d8: {  	[tilespmem:s17+$0x0] =	vst.add.f32.msk $0xffff, v3  }
0x3d9: {  	v3 =	vld [tilespmem:s26+$0xCC40];
	_ =	sdelay $0x4  }
0x3da: {  	s19 =	sor.u32 $0x1000, s25;
	v4 =	vunpack.i.l.bf16.f32 v3  }
0x3db: {  	s20 =	sor.u32 $0x1010, s25;
	v3 =	vunpack.i.u.bf16.f32 v3;
	[tilespmem:s19+$0x0] =	vst.add.f32.msk $0xffff, v4  }
0x3dc: {  	[tilespmem:s20+$0x0] =	vst.add.f32.msk $0xffff, v3  }
0x3dd: {  	v3 =	vld [tilespmem:s26+$0xCC50];
	_ =	sdelay $0x4  }
0x3de: {  	s21 =	sor.u32 $0x1020, s25;
	v4 =	vunpack.i.l.bf16.f32 v3  }
0x3df: {  	s28 =	sor.u32 $0x1030, s25;
	v3 =	vunpack.i.u.bf16.f32 v3;
	[tilespmem:s21+$0x0] =	vst.add.f32.msk $0xffff, v4  }
0x3e0: {  	[tilespmem:s28+$0x0] =	vst.add.f32.msk $0xffff, v3  }
0x3e1: {  	v3 =	vld [tilespmem:s26+$0xCC60];
	_ =	sdelay $0x4  }
0x3e2: {  	s2 =	sor.u32 $0x1040, s25;
	v4 =	vunpack.i.l.bf16.f32 v3  }
0x3e3: {  	s7 =	sor.u32 $0x1050, s25;
	v3 =	vunpack.i.u.bf16.f32 v3;
	[tilespmem:s2+$0x0] =	vst.add.f32.msk $0xffff, v4  }
0x3e4: {  	[tilespmem:s7+$0x0] =	vst.add.f32.msk $0xffff, v3  }
0x3e5: {  	v3 =	vld [tilespmem:s26+$0xCC70];
	_ =	sdelay $0x4  }
0x3e6: {  	s17 =	sor.u32 $0x1060, s25;
	v4 =	vunpack.i.l.bf16.f32 v3  }
0x3e7: {  	s19 =	sor.u32 $0x1070, s25;
	v3 =	vunpack.i.u.bf16.f32 v3;
	[tilespmem:s17+$0x0] =	vst.add.f32.msk $0xffff, v4  }
0x3e8: {  	[tilespmem:s19+$0x0] =	vst.add.f32.msk $0xffff, v3  }
0x3e9: {  	v3 =	vld [tilespmem:s26+$0xD000];
	_ =	sdelay $0x4  }
0x3ea: {  	s20 =	sor.u32 $0x1400, s25;
	v4 =	vunpack.i.l.bf16.f32 v3  }
0x3eb: {  	s21 =	sor.u32 $0x1410, s25;
	v3 =	vunpack.i.u.bf16.f32 v3;
	[tilespmem:s20+$0x0] =	vst.add.f32.msk $0xffff, v4  }
0x3ec: {  	[tilespmem:s21+$0x0] =	vst.add.f32.msk $0xffff, v3  }
0x3ed: {  	v3 =	vld [tilespmem:s26+$0xD010];
	_ =	sdelay $0x4  }
0x3ee: {  	s28 =	sor.u32 $0x1420, s25;
	v4 =	vunpack.i.l.bf16.f32 v3  }
0x3ef: {  	s2 =	sor.u32 $0x1430, s25;
	v3 =	vunpack.i.u.bf16.f32 v3;
	[tilespmem:s28+$0x0] =	vst.add.f32.msk $0xffff, v4  }
0x3f0: {  	[tilespmem:s2+$0x0] =	vst.add.f32.msk $0xffff, v3  }
0x3f1: {  	v3 =	vld [tilespmem:s26+$0xD020];
	_ =	sdelay $0x4  }
0x3f2: {  	s7 =	sor.u32 $0x1440, s25;
	v4 =	vunpack.i.l.bf16.f32 v3  }
0x3f3: {  	s17 =	sor.u32 $0x1450, s25;
	v3 =	vunpack.i.u.bf16.f32 v3;
	[tilespmem:s7+$0x0] =	vst.add.f32.msk $0xffff, v4  }
0x3f4: {  	[tilespmem:s17+$0x0] =	vst.add.f32.msk $0xffff, v3  }
0x3f5: {  	v3 =	vld [tilespmem:s26+$0xD030];
	_ =	sdelay $0x4  }
0x3f6: {  	s19 =	sor.u32 $0x1460, s25;
	v4 =	vunpack.i.l.bf16.f32 v3  }
0x3f7: {  	s20 =	sor.u32 $0x1470, s25;
	v3 =	vunpack.i.u.bf16.f32 v3;
	[tilespmem:s19+$0x0] =	vst.add.f32.msk $0xffff, v4  }
0x3f8: {  	[tilespmem:s20+$0x0] =	vst.add.f32.msk $0xffff, v3  }
0x3f9: {  	v3 =	vld [tilespmem:s26+$0xD040];
	_ =	sdelay $0x4  }
0x3fa: {  	s21 =	sor.u32 $0x1800, s25;
	v4 =	vunpack.i.l.bf16.f32 v3  }
0x3fb: {  	s28 =	sor.u32 $0x1810, s25;
	v3 =	vunpack.i.u.bf16.f32 v3;
	[tilespmem:s21+$0x0] =	vst.add.f32.msk $0xffff, v4  }
0x3fc: {  	[tilespmem:s28+$0x0] =	vst.add.f32.msk $0xffff, v3  }
0x3fd: {  	v3 =	vld [tilespmem:s26+$0xD050];
	_ =	sdelay $0x4  }
0x3fe: {  	s2 =	sor.u32 $0x1820, s25;
	v4 =	vunpack.i.l.bf16.f32 v3  }
0x3ff: {  	s7 =	sor.u32 $0x1830, s25;
	v3 =	vunpack.i.u.bf16.f32 v3;
	[tilespmem:s2+$0x0] =	vst.add.f32.msk $0xffff, v4  }
0x400: {  	[tilespmem:s7+$0x0] =	vst.add.f32.msk $0xffff, v3  }
0x401: {  	v3 =	vld [tilespmem:s26+$0xD060];
	_ =	sdelay $0x4  }
0x402: {  	s17 =	sor.u32 $0x1840, s25;
	v4 =	vunpack.i.l.bf16.f32 v3  }
0x403: {  	s19 =	sor.u32 $0x1850, s25;
	v3 =	vunpack.i.u.bf16.f32 v3;
	[tilespmem:s17+$0x0] =	vst.add.f32.msk $0xffff, v4  }
0x404: {  	[tilespmem:s19+$0x0] =	vst.add.f32.msk $0xffff, v3  }
0x405: {  	v3 =	vld [tilespmem:s26+$0xD070];
	_ =	sdelay $0x4  }
0x406: {  	s20 =	sor.u32 $0x1860, s25;
	v4 =	vunpack.i.l.bf16.f32 v3  }
0x407: {  	s21 =	sor.u32 $0x1870, s25;
	v3 =	vunpack.i.u.bf16.f32 v3;
	[tilespmem:s20+$0x0] =	vst.add.f32.msk $0xffff, v4  }
0x408: {  	[tilespmem:s21+$0x0] =	vst.add.f32.msk $0xffff, v3  }
0x409: {  	v3 =	vld [tilespmem:s26+$0xD400];
	_ =	sdelay $0x4  }
0x40a: {  	s28 =	sor.u32 $0x1C00, s25;
	v4 =	vunpack.i.l.bf16.f32 v3  }
0x40b: {  	s2 =	sor.u32 $0x1C10, s25;
	v3 =	vunpack.i.u.bf16.f32 v3;
	[tilespmem:s28+$0x0] =	vst.add.f32.msk $0xffff, v4  }
0x40c: {  	[tilespmem:s2+$0x0] =	vst.add.f32.msk $0xffff, v3  }
0x40d: {  	v3 =	vld [tilespmem:s26+$0xD410];
	_ =	sdelay $0x4  }
0x40e: {  	s7 =	sor.u32 $0x1C20, s25;
	v4 =	vunpack.i.l.bf16.f32 v3  }
0x40f: {  	s17 =	sor.u32 $0x1C30, s25;
	v3 =	vunpack.i.u.bf16.f32 v3;
	[tilespmem:s7+$0x0] =	vst.add.f32.msk $0xffff, v4  }
0x410: {  	[tilespmem:s17+$0x0] =	vst.add.f32.msk $0xffff, v3  }
0x411: {  	v3 =	vld [tilespmem:s26+$0xD420];
	_ =	sdelay $0x4  }
0x412: {  	s19 =	sor.u32 $0x1C40, s25;
	v4 =	vunpack.i.l.bf16.f32 v3  }
0x413: {  	s20 =	sor.u32 $0x1C50, s25;
	v3 =	vunpack.i.u.bf16.f32 v3;
	[tilespmem:s19+$0x0] =	vst.add.f32.msk $0xffff, v4  }
0x414: {  	[tilespmem:s20+$0x0] =	vst.add.f32.msk $0xffff, v3  }
0x415: {  	v3 =	vld [tilespmem:s26+$0xD430];
	_ =	sdelay $0x4  }
0x416: {  	s21 =	sor.u32 $0x1C60, s25;
	v4 =	vunpack.i.l.bf16.f32 v3  }
0x417: {  	s28 =	sor.u32 $0x1C70, s25;
	v3 =	vunpack.i.u.bf16.f32 v3;
	[tilespmem:s21+$0x0] =	vst.add.f32.msk $0xffff, v4  }
0x418: {  	[tilespmem:s28+$0x0] =	vst.add.f32.msk $0xffff, v3  }
0x419: {  	v3 =	vld [tilespmem:s26+$0xD440];
	_ =	sdelay $0x4  }
0x41a: {  	v4 =	vunpack.i.l.bf16.f32 v3  }
0x41b: {  	v3 =	vunpack.i.u.bf16.f32 v3;
	[tilespmem:s25+$0x2000] =	vst.add.f32.msk $0xffff, v4  }
0x41c: {  	[tilespmem:s25+$0x2010] =	vst.add.f32.msk $0xffff, v3  }
0x41d: {  	v3 =	vld [tilespmem:s26+$0xD450];
	_ =	sdelay $0x4  }
0x41e: {  	v4 =	vunpack.i.l.bf16.f32 v3  }
0x41f: {  	v3 =	vunpack.i.u.bf16.f32 v3;
	[tilespmem:s25+$0x2020] =	vst.add.f32.msk $0xffff, v4  }
0x420: {  	[tilespmem:s25+$0x2030] =	vst.add.f32.msk $0xffff, v3  }
0x421: {  	v3 =	vld [tilespmem:s26+$0xD460];
	_ =	sdelay $0x4  }
0x422: {  	v4 =	vunpack.i.l.bf16.f32 v3  }
0x423: {  	v3 =	vunpack.i.u.bf16.f32 v3;
	[tilespmem:s25+$0x2040] =	vst.add.f32.msk $0xffff, v4  }
0x424: {  	[tilespmem:s25+$0x2050] =	vst.add.f32.msk $0xffff, v3  }
0x425: {  	v3 =	vld [tilespmem:s26+$0xD470];
	_ =	sdelay $0x4  }
0x426: {  	v4 =	vunpack.i.l.bf16.f32 v3  }
0x427: {  	v3 =	vunpack.i.u.bf16.f32 v3;
	[tilespmem:s25+$0x2060] =	vst.add.f32.msk $0xffff, v4  }
0x428: {  	[tilespmem:s25+$0x2070] =	vst.add.f32.msk $0xffff, v3  }
0x429: {  	v3 =	vld [tilespmem:s26+$0xD800];
	_ =	sdelay $0x4  }
0x42a: {  	v4 =	vunpack.i.l.bf16.f32 v3  }
0x42b: {  	v3 =	vunpack.i.u.bf16.f32 v3;
	[tilespmem:s25+$0x2400] =	vst.add.f32.msk $0xffff, v4  }
0x42c: {  	[tilespmem:s25+$0x2410] =	vst.add.f32.msk $0xffff, v3  }
0x42d: {  	v3 =	vld [tilespmem:s26+$0xD810];
	_ =	sdelay $0x4  }
0x42e: {  	v4 =	vunpack.i.l.bf16.f32 v3  }
0x42f: {  	v3 =	vunpack.i.u.bf16.f32 v3;
	[tilespmem:s25+$0x2420] =	vst.add.f32.msk $0xffff, v4  }
0x430: {  	[tilespmem:s25+$0x2430] =	vst.add.f32.msk $0xffff, v3  }
0x431: {  	v3 =	vld [tilespmem:s26+$0xD820];
	_ =	sdelay $0x4  }
0x432: {  	v4 =	vunpack.i.l.bf16.f32 v3  }
0x433: {  	v3 =	vunpack.i.u.bf16.f32 v3;
	[tilespmem:s25+$0x2440] =	vst.add.f32.msk $0xffff, v4  }
0x434: {  	[tilespmem:s25+$0x2450] =	vst.add.f32.msk $0xffff, v3  }
0x435: {  	v3 =	vld [tilespmem:s26+$0xD830];
	_ =	sdelay $0x4  }
0x436: {  	v4 =	vunpack.i.l.bf16.f32 v3  }
0x437: {  	v3 =	vunpack.i.u.bf16.f32 v3;
	[tilespmem:s25+$0x2460] =	vst.add.f32.msk $0xffff, v4  }
0x438: {  	[tilespmem:s25+$0x2470] =	vst.add.f32.msk $0xffff, v3  }
0x439: {  	v3 =	vld [tilespmem:s26+$0xD840];
	_ =	sdelay $0x4  }
0x43a: {  	v4 =	vunpack.i.l.bf16.f32 v3  }
0x43b: {  	v3 =	vunpack.i.u.bf16.f32 v3;
	[tilespmem:s25+$0x2800] =	vst.add.f32.msk $0xffff, v4  }
0x43c: {  	[tilespmem:s25+$0x2810] =	vst.add.f32.msk $0xffff, v3  }
0x43d: {  	v3 =	vld [tilespmem:s26+$0xD850];
	_ =	sdelay $0x4  }
0x43e: {  	v4 =	vunpack.i.l.bf16.f32 v3  }
0x43f: {  	v3 =	vunpack.i.u.bf16.f32 v3;
	[tilespmem:s25+$0x2820] =	vst.add.f32.msk $0xffff, v4  }
0x440: {  	[tilespmem:s25+$0x2830] =	vst.add.f32.msk $0xffff, v3  }
0x441: {  	s0 =	simm.s32 $0x1;
	v3 =	vld [tilespmem:s26+$0xD860]  }
.LBB2_13:
0x442: {  	_ = 	snop  }
0x443: {  	p0 =	sne.s32 s0, $0xF  }
0x444: {  	s24 =	sadd.s32 $0x80, s24;
	s2 =	smov.u32 s0;
	s0 =	sadd.s32 $0x1, s0  }
0x445: {  	_ = 	snop  }
0x446: {  	v4 =	vunpack.i.u.bf16.f32 v3;
	v3 =	vunpack.i.l.bf16.f32 v3  }
0x447: {  	[tilespmem:s25+$0x2840] =	vst.add.f32.msk $0xffff, v3  }
0x448: {  	[tilespmem:s25+$0x2850] =	vst.add.f32.msk $0xffff, v4  }
0x449: {  	v3 =	vld [tilespmem:s26+$0xD870];
	_ =	sdelay $0x4  }
0x44a: {  	s7 =	sshll.u32 s2, $0x9;
	v4 =	vunpack.i.u.bf16.f32 v3;
	v3 =	vunpack.i.l.bf16.f32 v3  }
0x44b: {  	s17 =	sand.u32 $0x380, s24;
	s7 =	sand.u32 $0x3FFFF000, s7;
	[tilespmem:s25+$0x2860] =	vst.add.f32.msk $0xffff, v3  }
0x44c: {  	s26 =	sor.u32 s17, s7;
	[tilespmem:s25+$0x2870] =	vst.add.f32.msk $0xffff, v4  }
0x44d: {  	v3 =	vld [tilespmem:s26+$0xCC00];
	_ =	sdelay $0x1  }
0x44e: {  	s2 =	sshll.u32 s2, $0xA  }
0x44f: {  	s2 =	sand.u32 $0x3FFFE000, s2  }
0x450: {  	s25 =	sor.u32 s17, s2  }
0x451: {  	s2 =	sor.u32 $0xC00, s25;
	v4 =	vunpack.i.l.bf16.f32 v3  }
0x452: {  	v3 =	vunpack.i.u.bf16.f32 v3;
	[tilespmem:s2+$0x0] =	vst.add.f32.msk $0xffff, v4;
	s2 =	sor.u32 $0xC10, s25  }
0x453: {  	[tilespmem:s2+$0x0] =	vst.add.f32.msk $0xffff, v3  }
0x454: {  	v3 =	vld [tilespmem:s26+$0xCC10];
	_ =	sdelay $0x4  }
0x455: {  	s2 =	sor.u32 $0xC20, s25;
	v4 =	vunpack.i.l.bf16.f32 v3  }
0x456: {  	v3 =	vunpack.i.u.bf16.f32 v3;
	[tilespmem:s2+$0x0] =	vst.add.f32.msk $0xffff, v4;
	s2 =	sor.u32 $0xC30, s25  }
0x457: {  	[tilespmem:s2+$0x0] =	vst.add.f32.msk $0xffff, v3  }
0x458: {  	v3 =	vld [tilespmem:s26+$0xCC20];
	_ =	sdelay $0x4  }
0x459: {  	s2 =	sor.u32 $0xC40, s25;
	v4 =	vunpack.i.l.bf16.f32 v3  }
0x45a: {  	v3 =	vunpack.i.u.bf16.f32 v3;
	[tilespmem:s2+$0x0] =	vst.add.f32.msk $0xffff, v4;
	s2 =	sor.u32 $0xC50, s25  }
0x45b: {  	[tilespmem:s2+$0x0] =	vst.add.f32.msk $0xffff, v3  }
0x45c: {  	v3 =	vld [tilespmem:s26+$0xCC30];
	_ =	sdelay $0x4  }
0x45d: {  	s2 =	sor.u32 $0xC60, s25;
	v4 =	vunpack.i.l.bf16.f32 v3  }
0x45e: {  	v3 =	vunpack.i.u.bf16.f32 v3;
	[tilespmem:s2+$0x0] =	vst.add.f32.msk $0xffff, v4;
	s2 =	sor.u32 $0xC70, s25  }
0x45f: {  	[tilespmem:s2+$0x0] =	vst.add.f32.msk $0xffff, v3  }
0x460: {  	v3 =	vld [tilespmem:s26+$0xCC40];
	_ =	sdelay $0x4  }
0x461: {  	s2 =	sor.u32 $0x1000, s25;
	v4 =	vunpack.i.l.bf16.f32 v3  }
0x462: {  	v3 =	vunpack.i.u.bf16.f32 v3;
	[tilespmem:s2+$0x0] =	vst.add.f32.msk $0xffff, v4;
	s2 =	sor.u32 $0x1010, s25  }
0x463: {  	[tilespmem:s2+$0x0] =	vst.add.f32.msk $0xffff, v3  }
0x464: {  	v3 =	vld [tilespmem:s26+$0xCC50];
	_ =	sdelay $0x4  }
0x465: {  	s2 =	sor.u32 $0x1020, s25;
	v4 =	vunpack.i.l.bf16.f32 v3  }
0x466: {  	v3 =	vunpack.i.u.bf16.f32 v3;
	[tilespmem:s2+$0x0] =	vst.add.f32.msk $0xffff, v4;
	s2 =	sor.u32 $0x1030, s25  }
0x467: {  	[tilespmem:s2+$0x0] =	vst.add.f32.msk $0xffff, v3  }
0x468: {  	v3 =	vld [tilespmem:s26+$0xCC60];
	_ =	sdelay $0x4  }
0x469: {  	s2 =	sor.u32 $0x1040, s25;
	v4 =	vunpack.i.l.bf16.f32 v3  }
0x46a: {  	v3 =	vunpack.i.u.bf16.f32 v3;
	[tilespmem:s2+$0x0] =	vst.add.f32.msk $0xffff, v4;
	s2 =	sor.u32 $0x1050, s25  }
0x46b: {  	[tilespmem:s2+$0x0] =	vst.add.f32.msk $0xffff, v3  }
0x46c: {  	v3 =	vld [tilespmem:s26+$0xCC70];
	_ =	sdelay $0x4  }
0x46d: {  	s2 =	sor.u32 $0x1060, s25;
	v4 =	vunpack.i.l.bf16.f32 v3  }
0x46e: {  	v3 =	vunpack.i.u.bf16.f32 v3;
	[tilespmem:s2+$0x0] =	vst.add.f32.msk $0xffff, v4;
	s2 =	sor.u32 $0x1070, s25  }
0x46f: {  	[tilespmem:s2+$0x0] =	vst.add.f32.msk $0xffff, v3  }
0x470: {  	v3 =	vld [tilespmem:s26+$0xD000];
	_ =	sdelay $0x4  }
0x471: {  	s2 =	sor.u32 $0x1400, s25;
	v4 =	vunpack.i.l.bf16.f32 v3  }
0x472: {  	v3 =	vunpack.i.u.bf16.f32 v3;
	[tilespmem:s2+$0x0] =	vst.add.f32.msk $0xffff, v4;
	s2 =	sor.u32 $0x1410, s25  }
0x473: {  	[tilespmem:s2+$0x0] =	vst.add.f32.msk $0xffff, v3  }
0x474: {  	v3 =	vld [tilespmem:s26+$0xD010];
	_ =	sdelay $0x4  }
0x475: {  	s2 =	sor.u32 $0x1420, s25;
	v4 =	vunpack.i.l.bf16.f32 v3  }
0x476: {  	v3 =	vunpack.i.u.bf16.f32 v3;
	[tilespmem:s2+$0x0] =	vst.add.f32.msk $0xffff, v4;
	s2 =	sor.u32 $0x1430, s25  }
0x477: {  	[tilespmem:s2+$0x0] =	vst.add.f32.msk $0xffff, v3  }
0x478: {  	v3 =	vld [tilespmem:s26+$0xD020];
	_ =	sdelay $0x4  }
0x479: {  	s2 =	sor.u32 $0x1440, s25;
	v4 =	vunpack.i.l.bf16.f32 v3  }
0x47a: {  	v3 =	vunpack.i.u.bf16.f32 v3;
	[tilespmem:s2+$0x0] =	vst.add.f32.msk $0xffff, v4;
	s2 =	sor.u32 $0x1450, s25  }
0x47b: {  	[tilespmem:s2+$0x0] =	vst.add.f32.msk $0xffff, v3  }
0x47c: {  	v3 =	vld [tilespmem:s26+$0xD030];
	_ =	sdelay $0x4  }
0x47d: {  	s2 =	sor.u32 $0x1460, s25;
	v4 =	vunpack.i.l.bf16.f32 v3  }
0x47e: {  	v3 =	vunpack.i.u.bf16.f32 v3;
	[tilespmem:s2+$0x0] =	vst.add.f32.msk $0xffff, v4;
	s2 =	sor.u32 $0x1470, s25  }
0x47f: {  	[tilespmem:s2+$0x0] =	vst.add.f32.msk $0xffff, v3  }
0x480: {  	v3 =	vld [tilespmem:s26+$0xD040];
	_ =	sdelay $0x4  }
0x481: {  	s2 =	sor.u32 $0x1800, s25;
	v4 =	vunpack.i.l.bf16.f32 v3  }
0x482: {  	v3 =	vunpack.i.u.bf16.f32 v3;
	[tilespmem:s2+$0x0] =	vst.add.f32.msk $0xffff, v4;
	s2 =	sor.u32 $0x1810, s25  }
0x483: {  	[tilespmem:s2+$0x0] =	vst.add.f32.msk $0xffff, v3  }
0x484: {  	v3 =	vld [tilespmem:s26+$0xD050];
	_ =	sdelay $0x4  }
0x485: {  	s2 =	sor.u32 $0x1820, s25;
	v4 =	vunpack.i.l.bf16.f32 v3  }
0x486: {  	v3 =	vunpack.i.u.bf16.f32 v3;
	[tilespmem:s2+$0x0] =	vst.add.f32.msk $0xffff, v4;
	s2 =	sor.u32 $0x1830, s25  }
0x487: {  	[tilespmem:s2+$0x0] =	vst.add.f32.msk $0xffff, v3  }
0x488: {  	v3 =	vld [tilespmem:s26+$0xD060];
	_ =	sdelay $0x4  }
0x489: {  	s2 =	sor.u32 $0x1840, s25;
	v4 =	vunpack.i.l.bf16.f32 v3  }
0x48a: {  	v3 =	vunpack.i.u.bf16.f32 v3;
	[tilespmem:s2+$0x0] =	vst.add.f32.msk $0xffff, v4;
	s2 =	sor.u32 $0x1850, s25  }
0x48b: {  	[tilespmem:s2+$0x0] =	vst.add.f32.msk $0xffff, v3  }
0x48c: {  	v3 =	vld [tilespmem:s26+$0xD070];
	_ =	sdelay $0x4  }
0x48d: {  	s2 =	sor.u32 $0x1860, s25;
	v4 =	vunpack.i.l.bf16.f32 v3  }
0x48e: {  	v3 =	vunpack.i.u.bf16.f32 v3;
	[tilespmem:s2+$0x0] =	vst.add.f32.msk $0xffff, v4;
	s2 =	sor.u32 $0x1870, s25  }
0x48f: {  	[tilespmem:s2+$0x0] =	vst.add.f32.msk $0xffff, v3  }
0x490: {  	v3 =	vld [tilespmem:s26+$0xD400];
	_ =	sdelay $0x4  }
0x491: {  	s2 =	sor.u32 $0x1C00, s25;
	v4 =	vunpack.i.l.bf16.f32 v3  }
0x492: {  	v3 =	vunpack.i.u.bf16.f32 v3;
	[tilespmem:s2+$0x0] =	vst.add.f32.msk $0xffff, v4;
	s2 =	sor.u32 $0x1C10, s25  }
0x493: {  	[tilespmem:s2+$0x0] =	vst.add.f32.msk $0xffff, v3  }
0x494: {  	v3 =	vld [tilespmem:s26+$0xD410];
	_ =	sdelay $0x4  }
0x495: {  	s2 =	sor.u32 $0x1C20, s25;
	v4 =	vunpack.i.l.bf16.f32 v3  }
0x496: {  	v3 =	vunpack.i.u.bf16.f32 v3;
	[tilespmem:s2+$0x0] =	vst.add.f32.msk $0xffff, v4;
	s2 =	sor.u32 $0x1C30, s25  }
0x497: {  	[tilespmem:s2+$0x0] =	vst.add.f32.msk $0xffff, v3  }
0x498: {  	v3 =	vld [tilespmem:s26+$0xD420];
	_ =	sdelay $0x4  }
0x499: {  	s2 =	sor.u32 $0x1C40, s25;
	v4 =	vunpack.i.l.bf16.f32 v3  }
0x49a: {  	v3 =	vunpack.i.u.bf16.f32 v3;
	[tilespmem:s2+$0x0] =	vst.add.f32.msk $0xffff, v4;
	s2 =	sor.u32 $0x1C50, s25  }
0x49b: {  	[tilespmem:s2+$0x0] =	vst.add.f32.msk $0xffff, v3  }
0x49c: {  	v3 =	vld [tilespmem:s26+$0xD430];
	_ =	sdelay $0x4  }
0x49d: {  	s2 =	sor.u32 $0x1C60, s25;
	v4 =	vunpack.i.l.bf16.f32 v3  }
0x49e: {  	v3 =	vunpack.i.u.bf16.f32 v3;
	[tilespmem:s2+$0x0] =	vst.add.f32.msk $0xffff, v4;
	s2 =	sor.u32 $0x1C70, s25  }
0x49f: {  	[tilespmem:s2+$0x0] =	vst.add.f32.msk $0xffff, v3  }
0x4a0: {  	v3 =	vld [tilespmem:s26+$0xD440];
	_ =	sdelay $0x4  }
0x4a1: {  	v4 =	vunpack.i.u.bf16.f32 v3;
	v3 =	vunpack.i.l.bf16.f32 v3  }
0x4a2: {  	[tilespmem:s25+$0x2000] =	vst.add.f32.msk $0xffff, v3  }
0x4a3: {  	[tilespmem:s25+$0x2010] =	vst.add.f32.msk $0xffff, v4  }
0x4a4: {  	v3 =	vld [tilespmem:s26+$0xD450];
	_ =	sdelay $0x4  }
0x4a5: {  	v4 =	vunpack.i.u.bf16.f32 v3;
	v3 =	vunpack.i.l.bf16.f32 v3  }
0x4a6: {  	[tilespmem:s25+$0x2020] =	vst.add.f32.msk $0xffff, v3  }
0x4a7: {  	[tilespmem:s25+$0x2030] =	vst.add.f32.msk $0xffff, v4  }
0x4a8: {  	v3 =	vld [tilespmem:s26+$0xD460];
	_ =	sdelay $0x4  }
0x4a9: {  	v4 =	vunpack.i.u.bf16.f32 v3;
	v3 =	vunpack.i.l.bf16.f32 v3  }
0x4aa: {  	[tilespmem:s25+$0x2040] =	vst.add.f32.msk $0xffff, v3  }
0x4ab: {  	[tilespmem:s25+$0x2050] =	vst.add.f32.msk $0xffff, v4  }
0x4ac: {  	v3 =	vld [tilespmem:s26+$0xD470];
	_ =	sdelay $0x4  }
0x4ad: {  	v4 =	vunpack.i.u.bf16.f32 v3;
	v3 =	vunpack.i.l.bf16.f32 v3  }
0x4ae: {  	[tilespmem:s25+$0x2060] =	vst.add.f32.msk $0xffff, v3  }
0x4af: {  	[tilespmem:s25+$0x2070] =	vst.add.f32.msk $0xffff, v4  }
0x4b0: {  	v3 =	vld [tilespmem:s26+$0xD800];
	_ =	sdelay $0x4  }
0x4b1: {  	v4 =	vunpack.i.u.bf16.f32 v3;
	v3 =	vunpack.i.l.bf16.f32 v3  }
0x4b2: {  	[tilespmem:s25+$0x2400] =	vst.add.f32.msk $0xffff, v3  }
0x4b3: {  	[tilespmem:s25+$0x2410] =	vst.add.f32.msk $0xffff, v4  }
0x4b4: {  	v3 =	vld [tilespmem:s26+$0xD810];
	_ =	sdelay $0x4  }
0x4b5: {  	v4 =	vunpack.i.u.bf16.f32 v3;
	v3 =	vunpack.i.l.bf16.f32 v3  }
0x4b6: {  	[tilespmem:s25+$0x2420] =	vst.add.f32.msk $0xffff, v3  }
0x4b7: {  	[tilespmem:s25+$0x2430] =	vst.add.f32.msk $0xffff, v4  }
0x4b8: {  	v3 =	vld [tilespmem:s26+$0xD820];
	_ =	sdelay $0x4  }
0x4b9: {  	v4 =	vunpack.i.u.bf16.f32 v3;
	v3 =	vunpack.i.l.bf16.f32 v3  }
0x4ba: {  	[tilespmem:s25+$0x2440] =	vst.add.f32.msk $0xffff, v3  }
0x4bb: {  	[tilespmem:s25+$0x2450] =	vst.add.f32.msk $0xffff, v4  }
0x4bc: {  	v3 =	vld [tilespmem:s26+$0xD830];
	_ =	sdelay $0x4  }
0x4bd: {  	v4 =	vunpack.i.u.bf16.f32 v3;
	v3 =	vunpack.i.l.bf16.f32 v3  }
0x4be: {  	[tilespmem:s25+$0x2460] =	vst.add.f32.msk $0xffff, v3  }
0x4bf: {  	[tilespmem:s25+$0x2470] =	vst.add.f32.msk $0xffff, v4  }
0x4c0: {  	v3 =	vld [tilespmem:s26+$0xD840];
	_ =	sdelay $0x4  }
0x4c1: {  	v4 =	vunpack.i.u.bf16.f32 v3;
	v3 =	vunpack.i.l.bf16.f32 v3  }
0x4c2: {  	[tilespmem:s25+$0x2800] =	vst.add.f32.msk $0xffff, v3  }
0x4c3: {  	[tilespmem:s25+$0x2810] =	vst.add.f32.msk $0xffff, v4  }
0x4c4: {  	v3 =	vld [tilespmem:s26+$0xD850];
	_ =	sdelay $0x3  }
.Ltmp6:
0x4c5: {  	(pc) =	sbr.rel @p0 .LBB2_13-.Ltmp6, $4  }
0x4c6: {  	v4 =	vunpack.i.u.bf16.f32 v3;
	v3 =	vunpack.i.l.bf16.f32 v3  }
0x4c7: {  	[tilespmem:s25+$0x2820] =	vst.add.f32.msk $0xffff, v3  }
0x4c8: {  	[tilespmem:s25+$0x2830] =	vst.add.f32.msk $0xffff, v4  }
0x4c9: {  	v3 =	vld [tilespmem:s26+$0xD860]  }
0x4ca: {  	_ =	sdelay $0x3  }
0x4cb: {  	v4 =	vunpack.i.l.bf16.f32 v3  }
0x4cc: {  	v3 =	vunpack.i.u.bf16.f32 v3;
	[tilespmem:s25+$0x2840] =	vst.add.f32.msk $0xffff, v4  }
0x4cd: {  	[tilespmem:s25+$0x2850] =	vst.add.f32.msk $0xffff, v3  }
0x4ce: {  	v3 =	vld [tilespmem:s26+$0xD870];
	_ =	sdelay $0x4  }
0x4cf: {  	v63 =	vunpack.i.l.bf16.f32 v3  }
0x4d0: {  	v3 =	vunpack.i.u.bf16.f32 v3;
	[tilespmem:s25+$0x2860] =	vst.add.f32.msk $0xffff, v63  }
0x4d1: {  	s0 =	rddreg [dreg:$0x8];
	s26 =	simm.s32 $0x9;
	[tilespmem:s25+$0x2870] =	vst.add.f32.msk $0xffff, v3  }
0x4d2: {  	[hbm4b:s0+s4] =	stream.linear.scatter [tilespmem:s18], [sflag:$0x7], $0x4000, $0x38;
	[tilespmem:$0x12C00] =	vst v63  }
0x4d3: {  	_ =	swait.ge [sflag:s26], $0x4000  }
0x4d4: {  	[sflag:s26] =	ssyncset.done $0x0  }
0x4d5: {  	[sflag:s26] =	ssyncadd.s32 $0xFFFFC000  }
0x4d6: {  	_ =	swait.ge [sflag:s14], $0x4000  }
0x4d7: {  	s2 =	rddreg [dreg:$0xa]  }
0x4d8: {  	s28 =	rddreg [dreg:$0x9];
	s2 =	sadd.s32 $0x1, s2  }
0x4d9: {  	p0 =	sne.s32 s2, s28  }
.Ltmp7:
0x4da: {  	_ = 	snop;
	(pc) =	sbr.rel @p0 .LBB2_1-.Ltmp7, $3  }
0x4db: {  	_ =	sdelay $0x1  }
0x4dc: {  	[sflag:s14] =	ssyncset.done $0x0  }
0x4dd: {  	[sflag:s14] =	ssyncadd.s32 $0xFFFFC000  }
0x4de: {  	_ =	sfence.sel $0x180000  }
0x4df: {  	[bflag:$0x0] =	sbarrier.arrive $0xFFFF  }
0x4e0: {  	_ =	strace $0x90000047  }
0x4e1: {  	s0 =	stileid.u32;
	[bflag:$0x2] =	sbarrier.arrive $0xFFFF  }
0x4e2: {  	p0 =	sne.s32 s0, $0x0;
	s0 =	rddreg [dreg:$0x3]  }
0x4e3: {  	s0 =	sadd.s32 @!p0 $0x100000, s0  }
0x4e4: {  	[sflag:s0] =	ssyncadd.tile.s32 @!p0 $0x1;
	_ =	shalt  }
.Lfunc_end2:
_tile_overlayer_lowered:
.L_overlay_start_2:
0x4e5: {  	(tag) =	ssettag $0x2  }
0x4e6: {  	s0 =	rddreg [dreg:$0x0];
	s2 =	stileid.u32  }
0x4e7: {  	s1 =	rddreg [dreg:$0x1];
	p0 =	sne.s32 s2, $0x0  }
0x4e8: {  	s3 =	rddreg [dreg:$0x2];
	[bflag:$0x3] =	sbarrier.arrive $0xFFFF;
	s2 =	simm.s32 @!p0 $0x1C0A  }
0x4e9: {  	[timem:s3], [sflag:s2] =	dma.local @!p0 [hbm:s0], s1  }
0x4ea: {  	s0 =	simm.s32 @!p0 $0xA  }
0x4eb: {  	_ =	swait.ge @!p0 [sflag:s0], s1  }
0x4ec: {  	s1 =	ssub.s32 @!p0 $0x0, s1;
	[sflag:s0] =	ssyncset.done @!p0 $0x0  }
0x4ed: {  	[sflag:s0] =	ssyncadd.s32 @!p0 s1  }
0x4ee: {  	[bflag:$0x3] =	sbarrier.arrive $0xFFFF  }
0x4ef: {  	_ =	shalt  }

</sc_bundles>
